<compile_context>
chip_gen: v7x
topology: tpu7x:2x2x1
jax: 0.10.2.dev20260603
libtpu: 0.0.44.dev20260713+nightly
codegen_flags: <defaults>
</compile_context>

<pallas_src>
import dataclasses
import functools

import jax
import jax.numpy as jnp
from jax import lax
from jax.experimental import pallas as pl
from jax.experimental.pallas import tpu as pltpu
from jax.experimental.pallas import tpu_sc as plsc

N = 10000
E = 320000
F = 128
H = 128
C = 64

NC = 2
NS = 16
NW = NC * NS

N_PAD = 10240
RPT = N_PAD // NS

S_SPLIT = 5000
ACC_ROWS = 5120
RPT2 = ACC_ROWS // NS
PAD_ROW = 5056

CHUNK = 80
EPT = E // NW
NCH_E = EPT // CHUNK
CAP = 5440
NCH_B = CAP // CHUNK
NCH_HOP = 2 * NCH_B
NCHUNK_DEG = 2 * NCH_E

_MESH = plsc.VectorSubcoreMesh(
    core_axis_name="c", subcore_axis_name="s", num_cores=NC, num_subcores=NS
)

_SC_PARAMS = pltpu.CompilerParams()
if "needs_layout_passes" in pltpu.CompilerParams.__dataclass_fields__:
    _SC_PARAMS = dataclasses.replace(_SC_PARAMS, needs_layout_passes=False)
if "use_tc_tiling_on_sc" in pltpu.CompilerParams.__dataclass_fields__:
    _SC_PARAMS = dataclasses.replace(_SC_PARAMS, use_tc_tiling_on_sc=False)


def _rsqrt_newton(x):
    i = plsc.bitcast(x, jnp.int32)
    i = jnp.int32(0x5F3759DF) - lax.shift_right_logical(i, 1)
    y = plsc.bitcast(i, jnp.float32)
    for _ in range(3):
        y = y * (1.5 - 0.5 * x * y * y)
    return y


_i32b = jax.ShapeDtypeStruct((NW, 2, NCH_B, CHUNK), jnp.int32)


@functools.partial(
    pl.kernel,
    out_type=(jax.ShapeDtypeStruct((N_PAD,), jnp.float32), _i32b, _i32b),
    mesh=_MESH,
    scratch_types=[
        pltpu.VMEM((NCHUNK_DEG, CHUNK), jnp.int32),
        pltpu.VMEM((CHUNK,), jnp.float32),
        pltpu.VMEM((RPT,), jnp.float32),
        pltpu.VMEM((NCH_E, CHUNK), jnp.int32),
        pltpu.VMEM((NCH_E, CHUNK), jnp.int32),
        pltpu.VMEM((NCH_B, CHUNK), jnp.int32),
        pltpu.VMEM((NCH_B, CHUNK), jnp.int32),
        pltpu.VMEM((NCH_B, CHUNK), jnp.int32),
        pltpu.VMEM((NCH_B, CHUNK), jnp.int32),
        pltpu.SMEM((2,), jnp.int32),
        pltpu.VMEM_SHARED((N_PAD,), jnp.float32),
        pltpu.SemaphoreType.DMA,
    ],
    compiler_params=_SC_PARAMS,
)
def _deg_bucket_kernel(esrc_hbm, edst_hbm, zeros_hbm, ones_hbm,
                       dummy0_hbm, dummyp_hbm,
                       norm_hbm, bsrc_hbm, bdst_hbm,
                       dstdeg_v, ones_v, slice_v, esrc_v, edst_v,
                       bsl_v, bdl_v, bsh_v, bdh_v, off_sm, acc_sh, sem):
    c = lax.axis_index("c")
    s = lax.axis_index("s")
    w = c * NS + s

    pltpu.sync_copy(esrc_hbm.at[w], esrc_v)
    pltpu.sync_copy(edst_hbm.at[w], edst_v)
    pltpu.sync_copy(dummy0_hbm, bsl_v)
    pltpu.sync_copy(dummy0_hbm, bsh_v)
    pltpu.sync_copy(dummyp_hbm, bdl_v)
    pltpu.sync_copy(dummyp_hbm, bdh_v)
    off_sm[0] = 0
    off_sm[1] = 0

    @pl.loop(0, EPT, step=16)
    def _(i):
        r = i // CHUNK
        o = i % CHUNK
        es = esrc_v[r, pl.ds(o, 16)]
        ed = edst_v[r, pl.ds(o, 16)]
        is_lo = ed < S_SPLIT
        m1 = jnp.where(is_lo, 1, 0)
        m2 = 1 - m1
        pos = off_sm[0] + plsc.cumsum(m1) - m1
        mk = jnp.logical_and(is_lo, pos < CAP)
        plsc.store_scatter(bsl_v, [pos // CHUNK, pos % CHUNK], es, mask=mk)
        plsc.store_scatter(bdl_v, [pos // CHUNK, pos % CHUNK], ed, mask=mk)
        off_sm[0] = off_sm[0] + jnp.sum(m1)
        posh = off_sm[1] + plsc.cumsum(m2) - m2
        mh = jnp.logical_and(jnp.logical_not(is_lo), posh < CAP)
        plsc.store_scatter(bsh_v, [posh // CHUNK, posh % CHUNK], es, mask=mh)
        plsc.store_scatter(bdh_v, [posh // CHUNK, posh % CHUNK],
                           ed - S_SPLIT, mask=mh)
        off_sm[1] = off_sm[1] + jnp.sum(m2)

    pltpu.sync_copy(bsl_v, bsrc_hbm.at[w, 0])
    pltpu.sync_copy(bdl_v, bdst_hbm.at[w, 0])
    pltpu.sync_copy(bsh_v, bsrc_hbm.at[w, 1])
    pltpu.sync_copy(bdh_v, bdst_hbm.at[w, 1])

    @pl.when(c == 0)
    def _():
        base = s * RPT
        pltpu.sync_copy(zeros_hbm, acc_sh.at[pl.ds(base, RPT)])
        pltpu.sync_copy(edst_hbm.at[2 * s], dstdeg_v.at[pl.ds(0, NCH_E)])
        pltpu.sync_copy(edst_hbm.at[2 * s + 1],
                        dstdeg_v.at[pl.ds(NCH_E, NCH_E)])
        pltpu.sync_copy(ones_hbm, ones_v)
        plsc.subcore_barrier()

        @pl.loop(0, NCHUNK_DEG, step=10)
        def _(j):
            for t in range(10):
                pltpu.async_copy(ones_v, acc_sh.at[dstdeg_v.at[j + t]], sem,
                                 add=True)
            for t in range(10):
                pltpu.make_async_copy(ones_v, acc_sh.at[dstdeg_v.at[j + t]],
                                      sem).wait()

        plsc.subcore_barrier()
        pltpu.sync_copy(acc_sh.at[pl.ds(base, RPT)], slice_v)

        @pl.loop(0, RPT, step=16)
        def _(k):
            d = slice_v[pl.ds(k, 16)]
            slice_v[pl.ds(k, 16)] = jnp.where(d > 0.5, _rsqrt_newton(d), 0.0)

        pltpu.sync_copy(slice_v, norm_hbm.at[pl.ds(base, RPT)])


RING = 3
PRE = 2
_MAIN_END = ((NCH_HOP - PRE) // RING) * RING


@functools.partial(
    pl.kernel,
    out_type=jax.ShapeDtypeStruct((NC, ACC_ROWS, F), jnp.float32),
    mesh=_MESH,
    scratch_types=[
        pltpu.VMEM((NCH_HOP, CHUNK), jnp.int32),
        pltpu.VMEM((NCH_HOP, CHUNK), jnp.int32),
        [pltpu.VMEM((CHUNK, F), jnp.float32)] * RING,
        pltpu.VMEM_SHARED((ACC_ROWS, F), jnp.float32),
        [pltpu.SemaphoreType.DMA] * RING,
        [pltpu.SemaphoreType.DMA] * RING,
    ],
    compiler_params=_SC_PARAMS,
)
def _hop_kernel(g_hbm, bsrc_hbm, bdst_hbm, zeros_hbm, out_hbm,
                src_v, dst_v, bufs, acc_sh, gsems, ssems):
    c = lax.axis_index("c")
    s = lax.axis_index("s")
    base = s * RPT2

    def fire_gather(k, b):
        pltpu.async_copy(g_hbm.at[src_v.at[k]], bufs[b], gsems[b])

    def wait_gather(k, b):
        pltpu.make_async_copy(g_hbm.at[src_v.at[k]], bufs[b], gsems[b]).wait()

    def fire_scatter(k, b):
        pltpu.async_copy(bufs[b], acc_sh.at[dst_v.at[k]], ssems[b], add=True)

    def wait_scatter(k, b):
        pltpu.make_async_copy(bufs[b], acc_sh.at[dst_v.at[k]],
                              ssems[b]).wait()

    pltpu.sync_copy(bsrc_hbm.at[2 * s, c], src_v.at[pl.ds(0, NCH_B)])
    pltpu.sync_copy(bsrc_hbm.at[2 * s + 1, c], src_v.at[pl.ds(NCH_B, NCH_B)])
    pltpu.sync_copy(bdst_hbm.at[2 * s, c], dst_v.at[pl.ds(0, NCH_B)])
    pltpu.sync_copy(bdst_hbm.at[2 * s + 1, c], dst_v.at[pl.ds(NCH_B, NCH_B)])
    for k in range(PRE):
        fire_gather(k, k % RING)
    pltpu.sync_copy(zeros_hbm, acc_sh.at[pl.ds(base, RPT2)])
    plsc.subcore_barrier()

    def step(k):
        wait_gather(k, k % RING)
        fire_scatter(k, k % RING)
        p = k + PRE
        if p < NCH_HOP:
            q = p - RING
            if q >= 0:
                wait_scatter(q, p % RING)
            fire_gather(p, p % RING)

    for k in range(RING):
        step(k)

    @pl.loop(RING, _MAIN_END, step=RING)
    def _(j):
        for b in range(RING):
            k = j + b
            wait_gather(k, b)
            fire_scatter(k, b)
            wait_scatter(k + PRE - RING, (b + PRE) % RING)
            fire_gather(k + PRE, (b + PRE) % RING)

    for k in range(_MAIN_END, NCH_HOP):
        step(k)
    for k in range(NCH_HOP - RING, NCH_HOP):
        wait_scatter(k, k % RING)

    plsc.subcore_barrier()
    pltpu.sync_copy(acc_sh.at[pl.ds(base, RPT2)],
                    out_hbm.at[c, pl.ds(base, RPT2)])


BR = 1000
NBLK = N // BR
HBLK = S_SPLIT // BR


def _dot_t(a, b):
    return lax.dot_general(a, b, (((1,), (1,)), ((), ())),
                           precision=lax.Precision.HIGHEST,
                           preferred_element_type=jnp.float32)


def _fold_body(wsgc_ref, wlin_ref, wproj_ref, w1_ref, w2_ref):
    dn = (((1,), (0,)), ((), ()))
    w1_ref[...] = lax.dot_general(
        wproj_ref[:, :H], wlin_ref[...], dn,
        precision=lax.Precision.HIGHEST, preferred_element_type=jnp.float32)
    w2_ref[...] = lax.dot_general(
        wproj_ref[:, H:], wsgc_ref[...], dn,
        precision=lax.Precision.HIGHEST, preferred_element_type=jnp.float32)


def _root_body(feat_ref, w1_ref, out_ref):
    out_ref[...] = _dot_t(feat_ref[...], w1_ref[...])


def _prep_body(feat_ref, norm_ref, out_ref):
    out_ref[...] = feat_ref[...] * norm_ref[...]


def _mid_body(p_ref, norm_ref, out_ref):
    n2 = norm_ref[...] * norm_ref[...]
    out_ref[...] = p_ref[0] * n2


def _final_body(p_ref, norm_ref, x1p_ref, w2_ref, out_ref):
    s2 = p_ref[0] * norm_ref[...]
    out_ref[...] = x1p_ref[...] + _dot_t(s2, w2_ref[...])


_full_spec = pl.BlockSpec((BR, F), lambda i: (i, 0))
_norm_spec = pl.BlockSpec((BR, 1), lambda i: (i, 0))
_p_spec = pl.BlockSpec((1, BR, F), lambda b: (b // HBLK, b % HBLK, 0))
_out_spec = pl.BlockSpec((BR, C), lambda i: (i, 0))


def _w_spec(r, c_):
    return pl.BlockSpec((r, c_), lambda i: (0, 0))


_wcf = jax.ShapeDtypeStruct((C, F), jnp.float32)
_fold = pl.pallas_call(_fold_body, out_shape=[_wcf, _wcf])
_root = pl.pallas_call(
    _root_body, out_shape=jax.ShapeDtypeStruct((N, C), jnp.float32),
    grid=(NBLK,), in_specs=[_full_spec, _w_spec(C, F)], out_specs=_out_spec)
_prep = pl.pallas_call(
    _prep_body, out_shape=jax.ShapeDtypeStruct((N, F), jnp.float32),
    grid=(NBLK,), in_specs=[_full_spec, _norm_spec], out_specs=_full_spec)
_mid = pl.pallas_call(
    _mid_body, out_shape=jax.ShapeDtypeStruct((N, F), jnp.float32),
    grid=(NBLK,), in_specs=[_p_spec, _norm_spec], out_specs=_full_spec)
_final = pl.pallas_call(
    _final_body, out_shape=jax.ShapeDtypeStruct((N, C), jnp.float32),
    grid=(NBLK,),
    in_specs=[_p_spec, _norm_spec, _out_spec, _w_spec(C, F)],
    out_specs=_out_spec)


@jax.jit
def kernel(features, edge_index, W_sgc, W_lin, W_proj):
    src = edge_index[0].astype(jnp.int32)
    dst = edge_index[1].astype(jnp.int32)
    esrc = src.reshape(NW, NCH_E, CHUNK)
    edst = dst.reshape(NW, NCH_E, CHUNK)

    zeros_deg = jnp.zeros((RPT,), jnp.float32)
    ones_chunk = jnp.ones((CHUNK,), jnp.float32)
    dummy0 = jnp.zeros((NCH_B, CHUNK), jnp.int32)
    dummyp = jnp.full((NCH_B, CHUNK), PAD_ROW, jnp.int32)
    zeros_rows = jnp.zeros((RPT2, F), jnp.float32)

    w1, w2 = _fold(W_sgc, W_lin, W_proj)
    x1p = _root(features, w1)

    norm_flat, bsrc, bdst = _deg_bucket_kernel(
        esrc, edst, zeros_deg, ones_chunk, dummy0, dummyp)
    norm1 = norm_flat[:N].reshape(N, 1)

    g1 = _prep(features, norm1)
    p1 = _hop_kernel(g1, bsrc, bdst, zeros_rows)
    g2 = _mid(p1, norm1)
    p2 = _hop_kernel(g2, bsrc, bdst, zeros_rows)

    return _final(p2, norm1, x1p, w2)

# --- scband reference (transcript-rebuilt; emitter-appended) ---
"""Pipeline reference for scband-root-sgcnet-30683246363241 (READ-ONLY COPY).

The authoritative reference and input builder live on the scoring server;
editing this copy changes nothing except your own understanding.
"""

import jax, jax.numpy as jnp
import numpy as np

N = 10000
E = 320000
F = 128
H = 128
C = 64
K = 2


def setup_inputs(seed: int = 0) -> dict:
    key = jax.random.key(seed)
    k1, k2, k3, k4, k5 = jax.random.split(key, 5)
    features = jax.random.normal(k1, (N, F), dtype=jnp.float32)
    edge_index = jax.random.randint(k2, (2, E), 0, N)
    # learned parameters (bias=False everywhere)
    W_sgc = jax.random.normal(k3, (H, F), dtype=jnp.float32) * (1.0 / np.sqrt(F))
    W_lin = jax.random.normal(k4, (H, F), dtype=jnp.float32) * np.sqrt(2.0 / (F + H))
    W_proj = jax.random.normal(k5, (C, 2 * H), dtype=jnp.float32) * np.sqrt(2.0 / (2 * H + C))
    return {"features": features, "edge_index": edge_index,
            "W_sgc": W_sgc, "W_lin": W_lin, "W_proj": W_proj}


def reference(features, edge_index, W_sgc, W_lin, W_proj):
    src = edge_index[0]
    dst = edge_index[1]
    # symmetric degree normalization D^{-1/2} A D^{-1/2}, k-hop SGC propagation
    deg = jnp.zeros((N,), dtype=features.dtype).at[dst].add(1.0)
    norm = jnp.where(deg > 0, deg ** -0.5, 0.0)
    h = features
    for _ in range(K):
        h = h * norm[:, None]
        msg = jnp.take(h, src, axis=0)
        h = jnp.zeros_like(h).at[dst].add(msg)
        h = h * norm[:, None]
    x2 = h @ W_sgc.T          # SGC fc (num_feats -> num_hidden)
    x1 = features @ W_lin.T   # root linear branch
    x3 = jnp.concatenate([x1, x2], axis=1) @ W_proj.T
    return x3

if __name__ == "__main__":
    import jax
    _d = setup_inputs()
    print(jax.jit(kernel)(*tuple(_d.values())))

</pallas_src>

<mosaic_0001>
#map = affine_map<(d0, d1) -> (0, 0, 0)>
#map1 = affine_map<(d0, d1) -> (0)>
#map2 = affine_map<(d0, d1) -> (0, 0)>
#map3 = affine_map<(d0, d1) -> (0, 0, 0, 0)>
module attributes {stable_mosaic.version = 14 : i64} {
  func.func @_deg_bucket_kernel(%arg0: i32, %arg1: i32, %arg2: memref<32x125x80xi32, #tpu.memory_space<hbm>>, %arg3: memref<32x125x80xi32, #tpu.memory_space<hbm>>, %arg4: memref<640xf32, #tpu.memory_space<hbm>>, %arg5: memref<80xf32, #tpu.memory_space<hbm>>, %arg6: memref<68x80xi32, #tpu.memory_space<hbm>>, %arg7: memref<68x80xi32, #tpu.memory_space<hbm>>, %arg8: memref<10240xf32, #tpu.memory_space<hbm>>, %arg9: memref<32x2x68x80xi32, #tpu.memory_space<hbm>>, %arg10: memref<32x2x68x80xi32, #tpu.memory_space<hbm>>, %arg11: memref<250x80xi32, #tpu.memory_space<vmem>>, %arg12: memref<80xf32, #tpu.memory_space<vmem>>, %arg13: memref<640xf32, #tpu.memory_space<vmem>>, %arg14: memref<125x80xi32, #tpu.memory_space<vmem>>, %arg15: memref<125x80xi32, #tpu.memory_space<vmem>>, %arg16: memref<68x80xi32, #tpu.memory_space<vmem>>, %arg17: memref<68x80xi32, #tpu.memory_space<vmem>>, %arg18: memref<68x80xi32, #tpu.memory_space<vmem>>, %arg19: memref<68x80xi32, #tpu.memory_space<vmem>>, %arg20: memref<2xi32, #tpu.memory_space<smem>>, %arg21: memref<10240xf32, #tpu.memory_space<vmem_shared>>, %arg22: memref<!tpu.dma_semaphore, #tpu.memory_space<semaphore_mem>>) attributes {dimension_semantics = [#tpu.dimension_semantics<core_parallel>, #tpu.dimension_semantics<subcore_parallel>], iteration_bounds = array<i64: 2, 16>, scalar_prefetch = 0 : i64, scratch_operands = 12 : i64, tpu.core_type = #tpu.core_type<sc_vector_subcore>, window_params = [{transform_indices = #map}, {transform_indices = #map}, {transform_indices = #map1}, {transform_indices = #map1}, {transform_indices = #map2}, {transform_indices = #map2}, {transform_indices = #map1}, {transform_indices = #map3}, {transform_indices = #map3}]} {
    %mul3A = arith.constant 16 : i32
    %mul3A_0 = arith.muli %arg0, %mul3A : i32
    %add3A = arith.addi %mul3A_0, %arg1 : i32
    "tpu.region"() ({
      %run_scoped3A_17 = tpu.sem_alloc : memref<!tpu.dma_semaphore, #tpu.memory_space<semaphore_mem>>
      %dma_start3A = arith.constant 0 : i32
      %dma_start3A_18 = arith.constant 0 : i32
      %dma_start3A_19 = tpu.memref_slice %arg2[%add3A, %dma_start3A, %dma_start3A_18] : memref<32x125x80xi32, #tpu.memory_space<hbm>> -> memref<1x125x80xi32, #tpu.memory_space<hbm>>
      %dma_start3A_20 = tpu.memref_squeeze %dma_start3A_19 : memref<1x125x80xi32, #tpu.memory_space<hbm>> -> memref<125x80xi32, #tpu.memory_space<hbm>>
      %dma_start3A_21 = arith.constant 0 : i32
      %dma_start3A_22 = arith.constant 0 : i32
      %dma_start3A_23 = tpu.memref_slice %arg2[%add3A, %dma_start3A_21, %dma_start3A_22] : memref<32x125x80xi32, #tpu.memory_space<hbm>> -> memref<1x125x80xi32, #tpu.memory_space<hbm>>
      %dma_start3A_24 = tpu.memref_squeeze %dma_start3A_23 : memref<1x125x80xi32, #tpu.memory_space<hbm>> -> memref<125x80xi32, #tpu.memory_space<hbm>>
      tpu.enqueue_dma source(%dma_start3A_24 : memref<125x80xi32, #tpu.memory_space<hbm>>) target(%arg14 : memref<125x80xi32, #tpu.memory_space<vmem>>) target_semaphore(%run_scoped3A_17 : memref<!tpu.dma_semaphore, #tpu.memory_space<semaphore_mem>>)
      %dma_wait3A = arith.constant 0 : i32
      %dma_wait3A_25 = arith.constant 0 : i32
      %dma_wait3A_26 = tpu.memref_slice %arg2[%add3A, %dma_wait3A, %dma_wait3A_25] : memref<32x125x80xi32, #tpu.memory_space<hbm>> -> memref<1x125x80xi32, #tpu.memory_space<hbm>>
      %dma_wait3A_27 = tpu.memref_squeeze %dma_wait3A_26 : memref<1x125x80xi32, #tpu.memory_space<hbm>> -> memref<125x80xi32, #tpu.memory_space<hbm>>
      %dma_wait3A_28 = arith.constant 0 : i32
      %dma_wait3A_29 = arith.constant 0 : i32
      %dma_wait3A_30 = tpu.memref_slice %arg2[%add3A, %dma_wait3A_28, %dma_wait3A_29] : memref<32x125x80xi32, #tpu.memory_space<hbm>> -> memref<1x125x80xi32, #tpu.memory_space<hbm>>
      %dma_wait3A_31 = tpu.memref_squeeze %dma_wait3A_30 : memref<1x125x80xi32, #tpu.memory_space<hbm>> -> memref<125x80xi32, #tpu.memory_space<hbm>>
      tpu.wait_dma2 semaphore(%run_scoped3A_17 : memref<!tpu.dma_semaphore, #tpu.memory_space<semaphore_mem>>) src(%dma_wait3A_31 : memref<125x80xi32, #tpu.memory_space<hbm>>) dst(%arg14 : memref<125x80xi32, #tpu.memory_space<vmem>>)
      tpu.yield
    }) : () -> ()
    "tpu.region"() ({
      %run_scoped3A_17 = tpu.sem_alloc : memref<!tpu.dma_semaphore, #tpu.memory_space<semaphore_mem>>
      %dma_start3A = arith.constant 0 : i32
      %dma_start3A_18 = arith.constant 0 : i32
      %dma_start3A_19 = tpu.memref_slice %arg3[%add3A, %dma_start3A, %dma_start3A_18] : memref<32x125x80xi32, #tpu.memory_space<hbm>> -> memref<1x125x80xi32, #tpu.memory_space<hbm>>
      %dma_start3A_20 = tpu.memref_squeeze %dma_start3A_19 : memref<1x125x80xi32, #tpu.memory_space<hbm>> -> memref<125x80xi32, #tpu.memory_space<hbm>>
      %dma_start3A_21 = arith.constant 0 : i32
      %dma_start3A_22 = arith.constant 0 : i32
      %dma_start3A_23 = tpu.memref_slice %arg3[%add3A, %dma_start3A_21, %dma_start3A_22] : memref<32x125x80xi32, #tpu.memory_space<hbm>> -> memref<1x125x80xi32, #tpu.memory_space<hbm>>
      %dma_start3A_24 = tpu.memref_squeeze %dma_start3A_23 : memref<1x125x80xi32, #tpu.memory_space<hbm>> -> memref<125x80xi32, #tpu.memory_space<hbm>>
      tpu.enqueue_dma source(%dma_start3A_24 : memref<125x80xi32, #tpu.memory_space<hbm>>) target(%arg15 : memref<125x80xi32, #tpu.memory_space<vmem>>) target_semaphore(%run_scoped3A_17 : memref<!tpu.dma_semaphore, #tpu.memory_space<semaphore_mem>>)
      %dma_wait3A = arith.constant 0 : i32
      %dma_wait3A_25 = arith.constant 0 : i32
      %dma_wait3A_26 = tpu.memref_slice %arg3[%add3A, %dma_wait3A, %dma_wait3A_25] : memref<32x125x80xi32, #tpu.memory_space<hbm>> -> memref<1x125x80xi32, #tpu.memory_space<hbm>>
      %dma_wait3A_27 = tpu.memref_squeeze %dma_wait3A_26 : memref<1x125x80xi32, #tpu.memory_space<hbm>> -> memref<125x80xi32, #tpu.memory_space<hbm>>
      %dma_wait3A_28 = arith.constant 0 : i32
      %dma_wait3A_29 = arith.constant 0 : i32
      %dma_wait3A_30 = tpu.memref_slice %arg3[%add3A, %dma_wait3A_28, %dma_wait3A_29] : memref<32x125x80xi32, #tpu.memory_space<hbm>> -> memref<1x125x80xi32, #tpu.memory_space<hbm>>
      %dma_wait3A_31 = tpu.memref_squeeze %dma_wait3A_30 : memref<1x125x80xi32, #tpu.memory_space<hbm>> -> memref<125x80xi32, #tpu.memory_space<hbm>>
      tpu.wait_dma2 semaphore(%run_scoped3A_17 : memref<!tpu.dma_semaphore, #tpu.memory_space<semaphore_mem>>) src(%dma_wait3A_31 : memref<125x80xi32, #tpu.memory_space<hbm>>) dst(%arg15 : memref<125x80xi32, #tpu.memory_space<vmem>>)
      tpu.yield
    }) : () -> ()
    "tpu.region"() ({
      %run_scoped3A_17 = tpu.sem_alloc : memref<!tpu.dma_semaphore, #tpu.memory_space<semaphore_mem>>
      tpu.enqueue_dma source(%arg6 : memref<68x80xi32, #tpu.memory_space<hbm>>) target(%arg16 : memref<68x80xi32, #tpu.memory_space<vmem>>) target_semaphore(%run_scoped3A_17 : memref<!tpu.dma_semaphore, #tpu.memory_space<semaphore_mem>>)
      tpu.wait_dma2 semaphore(%run_scoped3A_17 : memref<!tpu.dma_semaphore, #tpu.memory_space<semaphore_mem>>) src(%arg6 : memref<68x80xi32, #tpu.memory_space<hbm>>) dst(%arg16 : memref<68x80xi32, #tpu.memory_space<vmem>>)
      tpu.yield
    }) : () -> ()
    "tpu.region"() ({
      %run_scoped3A_17 = tpu.sem_alloc : memref<!tpu.dma_semaphore, #tpu.memory_space<semaphore_mem>>
      tpu.enqueue_dma source(%arg6 : memref<68x80xi32, #tpu.memory_space<hbm>>) target(%arg18 : memref<68x80xi32, #tpu.memory_space<vmem>>) target_semaphore(%run_scoped3A_17 : memref<!tpu.dma_semaphore, #tpu.memory_space<semaphore_mem>>)
      tpu.wait_dma2 semaphore(%run_scoped3A_17 : memref<!tpu.dma_semaphore, #tpu.memory_space<semaphore_mem>>) src(%arg6 : memref<68x80xi32, #tpu.memory_space<hbm>>) dst(%arg18 : memref<68x80xi32, #tpu.memory_space<vmem>>)
      tpu.yield
    }) : () -> ()
    "tpu.region"() ({
      %run_scoped3A_17 = tpu.sem_alloc : memref<!tpu.dma_semaphore, #tpu.memory_space<semaphore_mem>>
      tpu.enqueue_dma source(%arg7 : memref<68x80xi32, #tpu.memory_space<hbm>>) target(%arg17 : memref<68x80xi32, #tpu.memory_space<vmem>>) target_semaphore(%run_scoped3A_17 : memref<!tpu.dma_semaphore, #tpu.memory_space<semaphore_mem>>)
      tpu.wait_dma2 semaphore(%run_scoped3A_17 : memref<!tpu.dma_semaphore, #tpu.memory_space<semaphore_mem>>) src(%arg7 : memref<68x80xi32, #tpu.memory_space<hbm>>) dst(%arg17 : memref<68x80xi32, #tpu.memory_space<vmem>>)
      tpu.yield
    }) : () -> ()
    "tpu.region"() ({
      %run_scoped3A_17 = tpu.sem_alloc : memref<!tpu.dma_semaphore, #tpu.memory_space<semaphore_mem>>
      tpu.enqueue_dma source(%arg7 : memref<68x80xi32, #tpu.memory_space<hbm>>) target(%arg19 : memref<68x80xi32, #tpu.memory_space<vmem>>) target_semaphore(%run_scoped3A_17 : memref<!tpu.dma_semaphore, #tpu.memory_space<semaphore_mem>>)
      tpu.wait_dma2 semaphore(%run_scoped3A_17 : memref<!tpu.dma_semaphore, #tpu.memory_space<semaphore_mem>>) src(%arg7 : memref<68x80xi32, #tpu.memory_space<hbm>>) dst(%arg19 : memref<68x80xi32, #tpu.memory_space<vmem>>)
      tpu.yield
    }) : () -> ()
    %swap3A = arith.constant 0 : i32
    %swap3A_1 = arith.constant 0 : i32
    %swap3A_2 = arith.index_cast %swap3A_1 : i32 to index
    %swap3A_3 = memref.load %arg20[%swap3A_2] : memref<2xi32, #tpu.memory_space<smem>>
    memref.store %swap3A, %arg20[%swap3A_2] : memref<2xi32, #tpu.memory_space<smem>>
    %swap3A_4 = arith.constant 0 : i32
    %swap3A_5 = arith.constant 1 : i32
    %swap3A_6 = arith.index_cast %swap3A_5 : i32 to index
    %swap3A_7 = memref.load %arg20[%swap3A_6] : memref<2xi32, #tpu.memory_space<smem>>
    memref.store %swap3A_4, %arg20[%swap3A_6] : memref<2xi32, #tpu.memory_space<smem>>
    %scan3A = arith.constant 0 : i32
    %scan3A_8 = arith.constant 625 : i32
    %scan3A_9 = arith.addi %scan3A, %scan3A_8 : i32
    %scan3A_10 = arith.constant 1 : i32
    scf.for %scan3A_17 = %scan3A to %scan3A_9 step %scan3A_10  : i32 {
      %mul3A_18 = arith.constant 16 : i32
      %mul3A_19 = arith.muli %scan3A_17, %mul3A_18 : i32
      %add3A_20 = arith.constant 0 : i32
      %add3A_21 = arith.addi %add3A_20, %mul3A_19 : i32
      %jit3A = arith.constant 80 : i32
      %div3A = arith.divsi %add3A_21, %jit3A : i32
      %sign3A = arith.constant 0 : i32
      %sign3A_22 = arith.cmpi sgt, %add3A_21, %sign3A : i32
      %sign3A_23 = arith.extui %sign3A_22 : i1 to i32
      %sign3A_24 = arith.constant 0 : i32
      %sign3A_25 = arith.cmpi slt, %add3A_21, %sign3A_24 : i32
      %sign3A_26 = arith.extui %sign3A_25 : i1 to i32
      %sign3A_27 = arith.subi %sign3A_23, %sign3A_26 : i32
      %sign3A_28 = arith.constant 0 : i32
      %sign3A_29 = arith.cmpi sgt, %jit3A, %sign3A_28 : i32
      %sign3A_30 = arith.extui %sign3A_29 : i1 to i32
      %sign3A_31 = arith.constant 0 : i32
      %sign3A_32 = arith.cmpi slt, %jit3A, %sign3A_31 : i32
      %sign3A_33 = arith.extui %sign3A_32 : i1 to i32
      %sign3A_34 = arith.subi %sign3A_30, %sign3A_33 : i32
      %ne3A = arith.cmpi ne, %sign3A_27, %sign3A_34 : i32
      %rem3A = arith.remsi %add3A_21, %jit3A : i32
      %ne3A_35 = arith.constant 0 : i32
      %ne3A_36 = arith.cmpi ne, %rem3A, %ne3A_35 : i32
      %and3A = arith.andi %ne3A, %ne3A_36 : i1
      %sub3A = arith.constant 1 : i32
      %sub3A_37 = arith.subi %div3A, %sub3A : i32
      %select_n3A = arith.select %and3A, %sub3A_37, %div3A : i32
      %jit3A_38 = arith.constant 80 : i32
      %eq3A_39 = arith.constant 0 : i32
      %eq3A_40 = arith.cmpi eq, %jit3A_38, %eq3A_39 : i32
      %jit3A_41 = arith.constant 1 : i32
      %select_n3A_42 = arith.select %eq3A_40, %jit3A_41, %jit3A_38 : i32
      %rem3A_43 = arith.remsi %add3A_21, %select_n3A_42 : i32
      %ne3A_44 = arith.constant 0 : i32
      %ne3A_45 = arith.cmpi ne, %rem3A_43, %ne3A_44 : i32
      %lt3A = arith.constant 0 : i32
      %lt3A_46 = arith.cmpi slt, %rem3A_43, %lt3A : i32
      %lt3A_47 = arith.constant 0 : i32
      %lt3A_48 = arith.cmpi slt, %select_n3A_42, %lt3A_47 : i32
      %ne3A_49 = arith.xori %lt3A_46, %lt3A_48 : i1
      %and3A_50 = arith.andi %ne3A_49, %ne3A_45 : i1
      %add3A_51 = arith.addi %rem3A_43, %select_n3A_42 : i32
      %select_n3A_52 = arith.select %and3A_50, %add3A_51, %rem3A_43 : i32
      %get3A = arith.index_cast %select_n3A : i32 to index
      %get3A_53 = arith.index_cast %select_n3A_52 : i32 to index
      %get3A_54 = tpu.vector_load %arg14[%get3A, %get3A_53] {strides = array<i32>} : memref<125x80xi32, #tpu.memory_space<vmem>>, vector<16xi32>,
      %get3A_55 = arith.index_cast %select_n3A : i32 to index
      %get3A_56 = arith.index_cast %select_n3A_52 : i32 to index
      %get3A_57 = tpu.vector_load %arg15[%get3A_55, %get3A_56] {strides = array<i32>} : memref<125x80xi32, #tpu.memory_space<vmem>>, vector<16xi32>,
      %lt3A_58 = arith.constant 5000 : i32
      %lt3A_59 = vector.broadcast %lt3A_58 : i32 to vector<16xi32>
      %lt3A_60 = arith.cmpi slt, %get3A_57, %lt3A_59 : vector<16xi32>
      %jit3A_61 = arith.constant 1 : i32
      %jit3A_62 = arith.constant 0 : i32
      %broadcast_in_dim3A = vector.broadcast %jit3A_61 : i32 to vector<16xi32>
      %broadcast_in_dim3A_63 = vector.broadcast %jit3A_62 : i32 to vector<16xi32>
      %select_n3A_64 = arith.select %lt3A_60, %broadcast_in_dim3A, %broadcast_in_dim3A_63 : vector<16xi1>, vector<16xi32>
      %sub3A_65 = arith.constant 1 : i32
      %sub3A_66 = vector.broadcast %sub3A_65 : i32 to vector<16xi32>
      %sub3A_67 = arith.subi %sub3A_66, %select_n3A_64 : vector<16xi32>
      %get3A_68 = arith.constant 0 : i32
      %get3A_69 = arith.index_cast %get3A_68 : i32 to index
      %get3A_70 = memref.load %arg20[%get3A_69] : memref<2xi32, #tpu.memory_space<smem>>
      %broadcast_in_dim3A_71 = arith.constant true
      %broadcast_in_dim3A_72 = vector.broadcast %broadcast_in_dim3A_71 : i1 to vector<16xi1>
      %masked_cumsum3A = tpu.scan <sum>, %select_n3A_64 masked %broadcast_in_dim3A_72 : vector<16xi32>, vector<16xi1> -> vector<16xi32>
      %add3A_73 = vector.broadcast %get3A_70 : i32 to vector<16xi32>
      %add3A_74 = arith.addi %add3A_73, %masked_cumsum3A : vector<16xi32>
      %sub3A_75 = arith.subi %add3A_74, %select_n3A_64 : vector<16xi32>
      %lt3A_76 = arith.constant 5440 : i32
      %lt3A_77 = vector.broadcast %lt3A_76 : i32 to vector<16xi32>
      %lt3A_78 = arith.cmpi slt, %sub3A_75, %lt3A_77 : vector<16xi32>
      %and3A_79 = arith.andi %lt3A_60, %lt3A_78 : vector<16xi1>
      %jit3A_80 = arith.constant 80 : i32
      %div3A_81 = vector.broadcast %jit3A_80 : i32 to vector<16xi32>
      %div3A_82 = arith.divsi %sub3A_75, %div3A_81 : vector<16xi32>
      %sign3A_83 = arith.constant 0 : i32
      %sign3A_84 = vector.broadcast %sign3A_83 : i32 to vector<16xi32>
      %sign3A_85 = arith.cmpi sgt, %sub3A_75, %sign3A_84 : vector<16xi32>
      %sign3A_86 = arith.extui %sign3A_85 : vector<16xi1> to vector<16xi32>
      %sign3A_87 = arith.constant 0 : i32
      %sign3A_88 = vector.broadcast %sign3A_87 : i32 to vector<16xi32>
      %sign3A_89 = arith.cmpi slt, %sub3A_75, %sign3A_88 : vector<16xi32>
      %sign3A_90 = arith.extui %sign3A_89 : vector<16xi1> to vector<16xi32>
      %sign3A_91 = arith.subi %sign3A_86, %sign3A_90 : vector<16xi32>
      %sign3A_92 = arith.constant 0 : i32
      %sign3A_93 = arith.cmpi sgt, %jit3A_80, %sign3A_92 : i32
      %sign3A_94 = arith.extui %sign3A_93 : i1 to i32
      %sign3A_95 = arith.constant 0 : i32
      %sign3A_96 = arith.cmpi slt, %jit3A_80, %sign3A_95 : i32
      %sign3A_97 = arith.extui %sign3A_96 : i1 to i32
      %sign3A_98 = arith.subi %sign3A_94, %sign3A_97 : i32
      %ne3A_99 = vector.broadcast %sign3A_98 : i32 to vector<16xi32>
      %ne3A_100 = arith.cmpi ne, %sign3A_91, %ne3A_99 : vector<16xi32>
      %rem3A_101 = vector.broadcast %jit3A_80 : i32 to vector<16xi32>
      %rem3A_102 = arith.remsi %sub3A_75, %rem3A_101 : vector<16xi32>
      %ne3A_103 = arith.constant 0 : i32
      %ne3A_104 = vector.broadcast %ne3A_103 : i32 to vector<16xi32>
      %ne3A_105 = arith.cmpi ne, %rem3A_102, %ne3A_104 : vector<16xi32>
      %and3A_106 = arith.andi %ne3A_100, %ne3A_105 : vector<16xi1>
      %sub3A_107 = arith.constant 1 : i32
      %sub3A_108 = vector.broadcast %sub3A_107 : i32 to vector<16xi32>
      %sub3A_109 = arith.subi %div3A_82, %sub3A_108 : vector<16xi32>
      %select_n3A_110 = arith.select %and3A_106, %sub3A_109, %div3A_82 : vector<16xi1>, vector<16xi32>
      %jit3A_111 = arith.constant 80 : i32
      %eq3A_112 = arith.constant 0 : i32
      %eq3A_113 = arith.cmpi eq, %jit3A_111, %eq3A_112 : i32
      %jit3A_114 = arith.constant 1 : i32
      %select_n3A_115 = arith.select %eq3A_113, %jit3A_114, %jit3A_111 : i32
      %rem3A_116 = vector.broadcast %select_n3A_115 : i32 to vector<16xi32>
      %rem3A_117 = arith.remsi %sub3A_75, %rem3A_116 : vector<16xi32>
      %ne3A_118 = arith.constant 0 : i32
      %ne3A_119 = vector.broadcast %ne3A_118 : i32 to vector<16xi32>
      %ne3A_120 = arith.cmpi ne, %rem3A_117, %ne3A_119 : vector<16xi32>
      %lt3A_121 = arith.constant 0 : i32
      %lt3A_122 = vector.broadcast %lt3A_121 : i32 to vector<16xi32>
      %lt3A_123 = arith.cmpi slt, %rem3A_117, %lt3A_122 : vector<16xi32>
      %lt3A_124 = arith.constant 0 : i32
      %lt3A_125 = arith.cmpi slt, %select_n3A_115, %lt3A_124 : i32
      %ne3A_126 = vector.broadcast %lt3A_125 : i1 to vector<16xi1>
      %ne3A_127 = vector.broadcast %ne3A_126 : vector<16xi1> to vector<16xi1>
      %ne3A_128 = arith.xori %lt3A_123, %ne3A_127 : vector<16xi1>
      %and3A_129 = arith.andi %ne3A_128, %ne3A_120 : vector<16xi1>
      %add3A_130 = vector.broadcast %select_n3A_115 : i32 to vector<16xi32>
      %add3A_131 = arith.addi %rem3A_117, %add3A_130 : vector<16xi32>
      %select_n3A_132 = arith.select %and3A_129, %add3A_131, %rem3A_117 : vector<16xi1>, vector<16xi32>
      tpu.vector_store_idx %arg16[%select_n3A_110, %select_n3A_132], %get3A_54 masked %and3A_79 : memref<68x80xi32, #tpu.memory_space<vmem>>[vector<16xi32>, vector<16xi32>], vector<16xi32>, vector<16xi1>
      %jit3A_133 = arith.constant 80 : i32
      %div3A_134 = vector.broadcast %jit3A_133 : i32 to vector<16xi32>
      %div3A_135 = arith.divsi %sub3A_75, %div3A_134 : vector<16xi32>
      %sign3A_136 = arith.constant 0 : i32
      %sign3A_137 = vector.broadcast %sign3A_136 : i32 to vector<16xi32>
      %sign3A_138 = arith.cmpi sgt, %sub3A_75, %sign3A_137 : vector<16xi32>
      %sign3A_139 = arith.extui %sign3A_138 : vector<16xi1> to vector<16xi32>
      %sign3A_140 = arith.constant 0 : i32
      %sign3A_141 = vector.broadcast %sign3A_140 : i32 to vector<16xi32>
      %sign3A_142 = arith.cmpi slt, %sub3A_75, %sign3A_141 : vector<16xi32>
      %sign3A_143 = arith.extui %sign3A_142 : vector<16xi1> to vector<16xi32>
      %sign3A_144 = arith.subi %sign3A_139, %sign3A_143 : vector<16xi32>
      %sign3A_145 = arith.constant 0 : i32
      %sign3A_146 = arith.cmpi sgt, %jit3A_133, %sign3A_145 : i32
      %sign3A_147 = arith.extui %sign3A_146 : i1 to i32
      %sign3A_148 = arith.constant 0 : i32
      %sign3A_149 = arith.cmpi slt, %jit3A_133, %sign3A_148 : i32
      %sign3A_150 = arith.extui %sign3A_149 : i1 to i32
      %sign3A_151 = arith.subi %sign3A_147, %sign3A_150 : i32
      %ne3A_152 = vector.broadcast %sign3A_151 : i32 to vector<16xi32>
      %ne3A_153 = arith.cmpi ne, %sign3A_144, %ne3A_152 : vector<16xi32>
      %rem3A_154 = vector.broadcast %jit3A_133 : i32 to vector<16xi32>
      %rem3A_155 = arith.remsi %sub3A_75, %rem3A_154 : vector<16xi32>
      %ne3A_156 = arith.constant 0 : i32
      %ne3A_157 = vector.broadcast %ne3A_156 : i32 to vector<16xi32>
      %ne3A_158 = arith.cmpi ne, %rem3A_155, %ne3A_157 : vector<16xi32>
      %and3A_159 = arith.andi %ne3A_153, %ne3A_158 : vector<16xi1>
      %sub3A_160 = arith.constant 1 : i32
      %sub3A_161 = vector.broadcast %sub3A_160 : i32 to vector<16xi32>
      %sub3A_162 = arith.subi %div3A_135, %sub3A_161 : vector<16xi32>
      %select_n3A_163 = arith.select %and3A_159, %sub3A_162, %div3A_135 : vector<16xi1>, vector<16xi32>
      %jit3A_164 = arith.constant 80 : i32
      %eq3A_165 = arith.constant 0 : i32
      %eq3A_166 = arith.cmpi eq, %jit3A_164, %eq3A_165 : i32
      %jit3A_167 = arith.constant 1 : i32
      %select_n3A_168 = arith.select %eq3A_166, %jit3A_167, %jit3A_164 : i32
      %rem3A_169 = vector.broadcast %select_n3A_168 : i32 to vector<16xi32>
      %rem3A_170 = arith.remsi %sub3A_75, %rem3A_169 : vector<16xi32>
      %ne3A_171 = arith.constant 0 : i32
      %ne3A_172 = vector.broadcast %ne3A_171 : i32 to vector<16xi32>
      %ne3A_173 = arith.cmpi ne, %rem3A_170, %ne3A_172 : vector<16xi32>
      %lt3A_174 = arith.constant 0 : i32
      %lt3A_175 = vector.broadcast %lt3A_174 : i32 to vector<16xi32>
      %lt3A_176 = arith.cmpi slt, %rem3A_170, %lt3A_175 : vector<16xi32>
      %lt3A_177 = arith.constant 0 : i32
      %lt3A_178 = arith.cmpi slt, %select_n3A_168, %lt3A_177 : i32
      %ne3A_179 = vector.broadcast %lt3A_178 : i1 to vector<16xi1>
      %ne3A_180 = vector.broadcast %ne3A_179 : vector<16xi1> to vector<16xi1>
      %ne3A_181 = arith.xori %lt3A_176, %ne3A_180 : vector<16xi1>
      %and3A_182 = arith.andi %ne3A_181, %ne3A_173 : vector<16xi1>
      %add3A_183 = vector.broadcast %select_n3A_168 : i32 to vector<16xi32>
      %add3A_184 = arith.addi %rem3A_170, %add3A_183 : vector<16xi32>
      %select_n3A_185 = arith.select %and3A_182, %add3A_184, %rem3A_170 : vector<16xi1>, vector<16xi32>
      tpu.vector_store_idx %arg17[%select_n3A_163, %select_n3A_185], %get3A_57 masked %and3A_79 : memref<68x80xi32, #tpu.memory_space<vmem>>[vector<16xi32>, vector<16xi32>], vector<16xi32>, vector<16xi1>
      %get3A_186 = arith.constant 0 : i32
      %get3A_187 = arith.index_cast %get3A_186 : i32 to index
      %get3A_188 = memref.load %arg20[%get3A_187] : memref<2xi32, #tpu.memory_space<smem>>
      %reduce_sum3A = arith.constant true
      %reduce_sum3A_189 = vector.broadcast %reduce_sum3A : i1 to vector<16xi1>
      %reduce_sum3A_190 = tpu.scan <sum>, %select_n3A_64 masked %reduce_sum3A_189 : vector<16xi32>, vector<16xi1> -> vector<16xi32>
      %reduce_sum3A_191 = vector.extract %reduce_sum3A_190[15] : i32 from vector<16xi32>
      %add3A_192 = arith.addi %get3A_188, %reduce_sum3A_191 : i32
      %swap3A_193 = arith.constant 0 : i32
      %swap3A_194 = arith.index_cast %swap3A_193 : i32 to index
      %swap3A_195 = memref.load %arg20[%swap3A_194] : memref<2xi32, #tpu.memory_space<smem>>
      memref.store %add3A_192, %arg20[%swap3A_194] : memref<2xi32, #tpu.memory_space<smem>>
      %get3A_196 = arith.constant 1 : i32
      %get3A_197 = arith.index_cast %get3A_196 : i32 to index
      %get3A_198 = memref.load %arg20[%get3A_197] : memref<2xi32, #tpu.memory_space<smem>>
      %broadcast_in_dim3A_199 = arith.constant true
      %broadcast_in_dim3A_200 = vector.broadcast %broadcast_in_dim3A_199 : i1 to vector<16xi1>
      %masked_cumsum3A_201 = tpu.scan <sum>, %sub3A_67 masked %broadcast_in_dim3A_200 : vector<16xi32>, vector<16xi1> -> vector<16xi32>
      %add3A_202 = vector.broadcast %get3A_198 : i32 to vector<16xi32>
      %add3A_203 = arith.addi %add3A_202, %masked_cumsum3A_201 : vector<16xi32>
      %sub3A_204 = arith.subi %add3A_203, %sub3A_67 : vector<16xi32>
      %not3A = arith.constant dense<true> : vector<16xi1>
      %not3A_205 = arith.xori %lt3A_60, %not3A : vector<16xi1>
      %lt3A_206 = arith.constant 5440 : i32
      %lt3A_207 = vector.broadcast %lt3A_206 : i32 to vector<16xi32>
      %lt3A_208 = arith.cmpi slt, %sub3A_204, %lt3A_207 : vector<16xi32>
      %and3A_209 = arith.andi %not3A_205, %lt3A_208 : vector<16xi1>
      %jit3A_210 = arith.constant 80 : i32
      %div3A_211 = vector.broadcast %jit3A_210 : i32 to vector<16xi32>
      %div3A_212 = arith.divsi %sub3A_204, %div3A_211 : vector<16xi32>
      %sign3A_213 = arith.constant 0 : i32
      %sign3A_214 = vector.broadcast %sign3A_213 : i32 to vector<16xi32>
      %sign3A_215 = arith.cmpi sgt, %sub3A_204, %sign3A_214 : vector<16xi32>
      %sign3A_216 = arith.extui %sign3A_215 : vector<16xi1> to vector<16xi32>
      %sign3A_217 = arith.constant 0 : i32
      %sign3A_218 = vector.broadcast %sign3A_217 : i32 to vector<16xi32>
      %sign3A_219 = arith.cmpi slt, %sub3A_204, %sign3A_218 : vector<16xi32>
      %sign3A_220 = arith.extui %sign3A_219 : vector<16xi1> to vector<16xi32>
      %sign3A_221 = arith.subi %sign3A_216, %sign3A_220 : vector<16xi32>
      %sign3A_222 = arith.constant 0 : i32
      %sign3A_223 = arith.cmpi sgt, %jit3A_210, %sign3A_222 : i32
      %sign3A_224 = arith.extui %sign3A_223 : i1 to i32
      %sign3A_225 = arith.constant 0 : i32
      %sign3A_226 = arith.cmpi slt, %jit3A_210, %sign3A_225 : i32
      %sign3A_227 = arith.extui %sign3A_226 : i1 to i32
      %sign3A_228 = arith.subi %sign3A_224, %sign3A_227 : i32
      %ne3A_229 = vector.broadcast %sign3A_228 : i32 to vector<16xi32>
      %ne3A_230 = arith.cmpi ne, %sign3A_221, %ne3A_229 : vector<16xi32>
      %rem3A_231 = vector.broadcast %jit3A_210 : i32 to vector<16xi32>
      %rem3A_232 = arith.remsi %sub3A_204, %rem3A_231 : vector<16xi32>
      %ne3A_233 = arith.constant 0 : i32
      %ne3A_234 = vector.broadcast %ne3A_233 : i32 to vector<16xi32>
      %ne3A_235 = arith.cmpi ne, %rem3A_232, %ne3A_234 : vector<16xi32>
      %and3A_236 = arith.andi %ne3A_230, %ne3A_235 : vector<16xi1>
      %sub3A_237 = arith.constant 1 : i32
      %sub3A_238 = vector.broadcast %sub3A_237 : i32 to vector<16xi32>
      %sub3A_239 = arith.subi %div3A_212, %sub3A_238 : vector<16xi32>
      %select_n3A_240 = arith.select %and3A_236, %sub3A_239, %div3A_212 : vector<16xi1>, vector<16xi32>
      %jit3A_241 = arith.constant 80 : i32
      %eq3A_242 = arith.constant 0 : i32
      %eq3A_243 = arith.cmpi eq, %jit3A_241, %eq3A_242 : i32
      %jit3A_244 = arith.constant 1 : i32
      %select_n3A_245 = arith.select %eq3A_243, %jit3A_244, %jit3A_241 : i32
      %rem3A_246 = vector.broadcast %select_n3A_245 : i32 to vector<16xi32>
      %rem3A_247 = arith.remsi %sub3A_204, %rem3A_246 : vector<16xi32>
      %ne3A_248 = arith.constant 0 : i32
      %ne3A_249 = vector.broadcast %ne3A_248 : i32 to vector<16xi32>
      %ne3A_250 = arith.cmpi ne, %rem3A_247, %ne3A_249 : vector<16xi32>
      %lt3A_251 = arith.constant 0 : i32
      %lt3A_252 = vector.broadcast %lt3A_251 : i32 to vector<16xi32>
      %lt3A_253 = arith.cmpi slt, %rem3A_247, %lt3A_252 : vector<16xi32>
      %lt3A_254 = arith.constant 0 : i32
      %lt3A_255 = arith.cmpi slt, %select_n3A_245, %lt3A_254 : i32
      %ne3A_256 = vector.broadcast %lt3A_255 : i1 to vector<16xi1>
      %ne3A_257 = vector.broadcast %ne3A_256 : vector<16xi1> to vector<16xi1>
      %ne3A_258 = arith.xori %lt3A_253, %ne3A_257 : vector<16xi1>
      %and3A_259 = arith.andi %ne3A_258, %ne3A_250 : vector<16xi1>
      %add3A_260 = vector.broadcast %select_n3A_245 : i32 to vector<16xi32>
      %add3A_261 = arith.addi %rem3A_247, %add3A_260 : vector<16xi32>
      %select_n3A_262 = arith.select %and3A_259, %add3A_261, %rem3A_247 : vector<16xi1>, vector<16xi32>
      tpu.vector_store_idx %arg18[%select_n3A_240, %select_n3A_262], %get3A_54 masked %and3A_209 : memref<68x80xi32, #tpu.memory_space<vmem>>[vector<16xi32>, vector<16xi32>], vector<16xi32>, vector<16xi1>
      %jit3A_263 = arith.constant 80 : i32
      %div3A_264 = vector.broadcast %jit3A_263 : i32 to vector<16xi32>
      %div3A_265 = arith.divsi %sub3A_204, %div3A_264 : vector<16xi32>
      %sign3A_266 = arith.constant 0 : i32
      %sign3A_267 = vector.broadcast %sign3A_266 : i32 to vector<16xi32>
      %sign3A_268 = arith.cmpi sgt, %sub3A_204, %sign3A_267 : vector<16xi32>
      %sign3A_269 = arith.extui %sign3A_268 : vector<16xi1> to vector<16xi32>
      %sign3A_270 = arith.constant 0 : i32
      %sign3A_271 = vector.broadcast %sign3A_270 : i32 to vector<16xi32>
      %sign3A_272 = arith.cmpi slt, %sub3A_204, %sign3A_271 : vector<16xi32>
      %sign3A_273 = arith.extui %sign3A_272 : vector<16xi1> to vector<16xi32>
      %sign3A_274 = arith.subi %sign3A_269, %sign3A_273 : vector<16xi32>
      %sign3A_275 = arith.constant 0 : i32
      %sign3A_276 = arith.cmpi sgt, %jit3A_263, %sign3A_275 : i32
      %sign3A_277 = arith.extui %sign3A_276 : i1 to i32
      %sign3A_278 = arith.constant 0 : i32
      %sign3A_279 = arith.cmpi slt, %jit3A_263, %sign3A_278 : i32
      %sign3A_280 = arith.extui %sign3A_279 : i1 to i32
      %sign3A_281 = arith.subi %sign3A_277, %sign3A_280 : i32
      %ne3A_282 = vector.broadcast %sign3A_281 : i32 to vector<16xi32>
      %ne3A_283 = arith.cmpi ne, %sign3A_274, %ne3A_282 : vector<16xi32>
      %rem3A_284 = vector.broadcast %jit3A_263 : i32 to vector<16xi32>
      %rem3A_285 = arith.remsi %sub3A_204, %rem3A_284 : vector<16xi32>
      %ne3A_286 = arith.constant 0 : i32
      %ne3A_287 = vector.broadcast %ne3A_286 : i32 to vector<16xi32>
      %ne3A_288 = arith.cmpi ne, %rem3A_285, %ne3A_287 : vector<16xi32>
      %and3A_289 = arith.andi %ne3A_283, %ne3A_288 : vector<16xi1>
      %sub3A_290 = arith.constant 1 : i32
      %sub3A_291 = vector.broadcast %sub3A_290 : i32 to vector<16xi32>
      %sub3A_292 = arith.subi %div3A_265, %sub3A_291 : vector<16xi32>
      %select_n3A_293 = arith.select %and3A_289, %sub3A_292, %div3A_265 : vector<16xi1>, vector<16xi32>
      %jit3A_294 = arith.constant 80 : i32
      %eq3A_295 = arith.constant 0 : i32
      %eq3A_296 = arith.cmpi eq, %jit3A_294, %eq3A_295 : i32
      %jit3A_297 = arith.constant 1 : i32
      %select_n3A_298 = arith.select %eq3A_296, %jit3A_297, %jit3A_294 : i32
      %rem3A_299 = vector.broadcast %select_n3A_298 : i32 to vector<16xi32>
      %rem3A_300 = arith.remsi %sub3A_204, %rem3A_299 : vector<16xi32>
      %ne3A_301 = arith.constant 0 : i32
      %ne3A_302 = vector.broadcast %ne3A_301 : i32 to vector<16xi32>
      %ne3A_303 = arith.cmpi ne, %rem3A_300, %ne3A_302 : vector<16xi32>
      %lt3A_304 = arith.constant 0 : i32
      %lt3A_305 = vector.broadcast %lt3A_304 : i32 to vector<16xi32>
      %lt3A_306 = arith.cmpi slt, %rem3A_300, %lt3A_305 : vector<16xi32>
      %lt3A_307 = arith.constant 0 : i32
      %lt3A_308 = arith.cmpi slt, %select_n3A_298, %lt3A_307 : i32
      %ne3A_309 = vector.broadcast %lt3A_308 : i1 to vector<16xi1>
      %ne3A_310 = vector.broadcast %ne3A_309 : vector<16xi1> to vector<16xi1>
      %ne3A_311 = arith.xori %lt3A_306, %ne3A_310 : vector<16xi1>
      %and3A_312 = arith.andi %ne3A_311, %ne3A_303 : vector<16xi1>
      %add3A_313 = vector.broadcast %select_n3A_298 : i32 to vector<16xi32>
      %add3A_314 = arith.addi %rem3A_300, %add3A_313 : vector<16xi32>
      %select_n3A_315 = arith.select %and3A_312, %add3A_314, %rem3A_300 : vector<16xi1>, vector<16xi32>
      %sub3A_316 = arith.constant 5000 : i32
      %sub3A_317 = vector.broadcast %sub3A_316 : i32 to vector<16xi32>
      %sub3A_318 = arith.subi %get3A_57, %sub3A_317 : vector<16xi32>
      tpu.vector_store_idx %arg19[%select_n3A_293, %select_n3A_315], %sub3A_318 masked %and3A_209 : memref<68x80xi32, #tpu.memory_space<vmem>>[vector<16xi32>, vector<16xi32>], vector<16xi32>, vector<16xi1>
      %get3A_319 = arith.constant 1 : i32
      %get3A_320 = arith.index_cast %get3A_319 : i32 to index
      %get3A_321 = memref.load %arg20[%get3A_320] : memref<2xi32, #tpu.memory_space<smem>>
      %reduce_sum3A_322 = arith.constant true
      %reduce_sum3A_323 = vector.broadcast %reduce_sum3A_322 : i1 to vector<16xi1>
      %reduce_sum3A_324 = tpu.scan <sum>, %sub3A_67 masked %reduce_sum3A_323 : vector<16xi32>, vector<16xi1> -> vector<16xi32>
      %reduce_sum3A_325 = vector.extract %reduce_sum3A_324[15] : i32 from vector<16xi32>
      %add3A_326 = arith.addi %get3A_321, %reduce_sum3A_325 : i32
      %swap3A_327 = arith.constant 1 : i32
      %swap3A_328 = arith.index_cast %swap3A_327 : i32 to index
      %swap3A_329 = memref.load %arg20[%swap3A_328] : memref<2xi32, #tpu.memory_space<smem>>
      memref.store %add3A_326, %arg20[%swap3A_328] : memref<2xi32, #tpu.memory_space<smem>>
    }
    %scan3A_11 = arith.constant 625 : i32
    %run_scoped3A = arith.constant 0 : i32
    "tpu.region"() ({
      %run_scoped3A_17 = tpu.sem_alloc : memref<!tpu.dma_semaphore, #tpu.memory_space<semaphore_mem>>
      %dma_start3A = arith.constant 0 : i32
      %dma_start3A_18 = arith.constant 0 : i32
      %dma_start3A_19 = tpu.memref_slice %arg9[%add3A, %run_scoped3A, %dma_start3A, %dma_start3A_18] : memref<32x2x68x80xi32, #tpu.memory_space<hbm>> -> memref<1x1x68x80xi32, #tpu.memory_space<hbm>>
      %dma_start3A_20 = tpu.memref_squeeze %dma_start3A_19 : memref<1x1x68x80xi32, #tpu.memory_space<hbm>> -> memref<68x80xi32, #tpu.memory_space<hbm>>
      %dma_start3A_21 = arith.constant 0 : i32
      %dma_start3A_22 = arith.constant 0 : i32
      %dma_start3A_23 = tpu.memref_slice %arg9[%add3A, %run_scoped3A, %dma_start3A_21, %dma_start3A_22] : memref<32x2x68x80xi32, #tpu.memory_space<hbm>> -> memref<1x1x68x80xi32, #tpu.memory_space<hbm>>
      %dma_start3A_24 = tpu.memref_squeeze %dma_start3A_23 : memref<1x1x68x80xi32, #tpu.memory_space<hbm>> -> memref<68x80xi32, #tpu.memory_space<hbm>>
      tpu.enqueue_dma source(%arg16 : memref<68x80xi32, #tpu.memory_space<vmem>>) target(%dma_start3A_24 : memref<68x80xi32, #tpu.memory_space<hbm>>) target_semaphore(%run_scoped3A_17 : memref<!tpu.dma_semaphore, #tpu.memory_space<semaphore_mem>>)
      %dma_wait3A = arith.constant 0 : i32
      %dma_wait3A_25 = arith.constant 0 : i32
      %dma_wait3A_26 = tpu.memref_slice %arg9[%add3A, %run_scoped3A, %dma_wait3A, %dma_wait3A_25] : memref<32x2x68x80xi32, #tpu.memory_space<hbm>> -> memref<1x1x68x80xi32, #tpu.memory_space<hbm>>
      %dma_wait3A_27 = tpu.memref_squeeze %dma_wait3A_26 : memref<1x1x68x80xi32, #tpu.memory_space<hbm>> -> memref<68x80xi32, #tpu.memory_space<hbm>>
      %dma_wait3A_28 = arith.constant 0 : i32
      %dma_wait3A_29 = arith.constant 0 : i32
      %dma_wait3A_30 = tpu.memref_slice %arg9[%add3A, %run_scoped3A, %dma_wait3A_28, %dma_wait3A_29] : memref<32x2x68x80xi32, #tpu.memory_space<hbm>> -> memref<1x1x68x80xi32, #tpu.memory_space<hbm>>
      %dma_wait3A_31 = tpu.memref_squeeze %dma_wait3A_30 : memref<1x1x68x80xi32, #tpu.memory_space<hbm>> -> memref<68x80xi32, #tpu.memory_space<hbm>>
      tpu.wait_dma2 semaphore(%run_scoped3A_17 : memref<!tpu.dma_semaphore, #tpu.memory_space<semaphore_mem>>) src(%arg16 : memref<68x80xi32, #tpu.memory_space<vmem>>) dst(%dma_wait3A_31 : memref<68x80xi32, #tpu.memory_space<hbm>>)
      tpu.yield
    }) : () -> ()
    %run_scoped3A_12 = arith.constant 0 : i32
    "tpu.region"() ({
      %run_scoped3A_17 = tpu.sem_alloc : memref<!tpu.dma_semaphore, #tpu.memory_space<semaphore_mem>>
      %dma_start3A = arith.constant 0 : i32
      %dma_start3A_18 = arith.constant 0 : i32
      %dma_start3A_19 = tpu.memref_slice %arg10[%add3A, %run_scoped3A_12, %dma_start3A, %dma_start3A_18] : memref<32x2x68x80xi32, #tpu.memory_space<hbm>> -> memref<1x1x68x80xi32, #tpu.memory_space<hbm>>
      %dma_start3A_20 = tpu.memref_squeeze %dma_start3A_19 : memref<1x1x68x80xi32, #tpu.memory_space<hbm>> -> memref<68x80xi32, #tpu.memory_space<hbm>>
      %dma_start3A_21 = arith.constant 0 : i32
      %dma_start3A_22 = arith.constant 0 : i32
      %dma_start3A_23 = tpu.memref_slice %arg10[%add3A, %run_scoped3A_12, %dma_start3A_21, %dma_start3A_22] : memref<32x2x68x80xi32, #tpu.memory_space<hbm>> -> memref<1x1x68x80xi32, #tpu.memory_space<hbm>>
      %dma_start3A_24 = tpu.memref_squeeze %dma_start3A_23 : memref<1x1x68x80xi32, #tpu.memory_space<hbm>> -> memref<68x80xi32, #tpu.memory_space<hbm>>
      tpu.enqueue_dma source(%arg17 : memref<68x80xi32, #tpu.memory_space<vmem>>) target(%dma_start3A_24 : memref<68x80xi32, #tpu.memory_space<hbm>>) target_semaphore(%run_scoped3A_17 : memref<!tpu.dma_semaphore, #tpu.memory_space<semaphore_mem>>)
      %dma_wait3A = arith.constant 0 : i32
      %dma_wait3A_25 = arith.constant 0 : i32
      %dma_wait3A_26 = tpu.memref_slice %arg10[%add3A, %run_scoped3A_12, %dma_wait3A, %dma_wait3A_25] : memref<32x2x68x80xi32, #tpu.memory_space<hbm>> -> memref<1x1x68x80xi32, #tpu.memory_space<hbm>>
      %dma_wait3A_27 = tpu.memref_squeeze %dma_wait3A_26 : memref<1x1x68x80xi32, #tpu.memory_space<hbm>> -> memref<68x80xi32, #tpu.memory_space<hbm>>
      %dma_wait3A_28 = arith.constant 0 : i32
      %dma_wait3A_29 = arith.constant 0 : i32
      %dma_wait3A_30 = tpu.memref_slice %arg10[%add3A, %run_scoped3A_12, %dma_wait3A_28, %dma_wait3A_29] : memref<32x2x68x80xi32, #tpu.memory_space<hbm>> -> memref<1x1x68x80xi32, #tpu.memory_space<hbm>>
      %dma_wait3A_31 = tpu.memref_squeeze %dma_wait3A_30 : memref<1x1x68x80xi32, #tpu.memory_space<hbm>> -> memref<68x80xi32, #tpu.memory_space<hbm>>
      tpu.wait_dma2 semaphore(%run_scoped3A_17 : memref<!tpu.dma_semaphore, #tpu.memory_space<semaphore_mem>>) src(%arg17 : memref<68x80xi32, #tpu.memory_space<vmem>>) dst(%dma_wait3A_31 : memref<68x80xi32, #tpu.memory_space<hbm>>)
      tpu.yield
    }) : () -> ()
    %run_scoped3A_13 = arith.constant 1 : i32
    "tpu.region"() ({
      %run_scoped3A_17 = tpu.sem_alloc : memref<!tpu.dma_semaphore, #tpu.memory_space<semaphore_mem>>
      %dma_start3A = arith.constant 0 : i32
      %dma_start3A_18 = arith.constant 0 : i32
      %dma_start3A_19 = tpu.memref_slice %arg9[%add3A, %run_scoped3A_13, %dma_start3A, %dma_start3A_18] : memref<32x2x68x80xi32, #tpu.memory_space<hbm>> -> memref<1x1x68x80xi32, #tpu.memory_space<hbm>>
      %dma_start3A_20 = tpu.memref_squeeze %dma_start3A_19 : memref<1x1x68x80xi32, #tpu.memory_space<hbm>> -> memref<68x80xi32, #tpu.memory_space<hbm>>
      %dma_start3A_21 = arith.constant 0 : i32
      %dma_start3A_22 = arith.constant 0 : i32
      %dma_start3A_23 = tpu.memref_slice %arg9[%add3A, %run_scoped3A_13, %dma_start3A_21, %dma_start3A_22] : memref<32x2x68x80xi32, #tpu.memory_space<hbm>> -> memref<1x1x68x80xi32, #tpu.memory_space<hbm>>
      %dma_start3A_24 = tpu.memref_squeeze %dma_start3A_23 : memref<1x1x68x80xi32, #tpu.memory_space<hbm>> -> memref<68x80xi32, #tpu.memory_space<hbm>>
      tpu.enqueue_dma source(%arg18 : memref<68x80xi32, #tpu.memory_space<vmem>>) target(%dma_start3A_24 : memref<68x80xi32, #tpu.memory_space<hbm>>) target_semaphore(%run_scoped3A_17 : memref<!tpu.dma_semaphore, #tpu.memory_space<semaphore_mem>>)
      %dma_wait3A = arith.constant 0 : i32
      %dma_wait3A_25 = arith.constant 0 : i32
      %dma_wait3A_26 = tpu.memref_slice %arg9[%add3A, %run_scoped3A_13, %dma_wait3A, %dma_wait3A_25] : memref<32x2x68x80xi32, #tpu.memory_space<hbm>> -> memref<1x1x68x80xi32, #tpu.memory_space<hbm>>
      %dma_wait3A_27 = tpu.memref_squeeze %dma_wait3A_26 : memref<1x1x68x80xi32, #tpu.memory_space<hbm>> -> memref<68x80xi32, #tpu.memory_space<hbm>>
      %dma_wait3A_28 = arith.constant 0 : i32
      %dma_wait3A_29 = arith.constant 0 : i32
      %dma_wait3A_30 = tpu.memref_slice %arg9[%add3A, %run_scoped3A_13, %dma_wait3A_28, %dma_wait3A_29] : memref<32x2x68x80xi32, #tpu.memory_space<hbm>> -> memref<1x1x68x80xi32, #tpu.memory_space<hbm>>
      %dma_wait3A_31 = tpu.memref_squeeze %dma_wait3A_30 : memref<1x1x68x80xi32, #tpu.memory_space<hbm>> -> memref<68x80xi32, #tpu.memory_space<hbm>>
      tpu.wait_dma2 semaphore(%run_scoped3A_17 : memref<!tpu.dma_semaphore, #tpu.memory_space<semaphore_mem>>) src(%arg18 : memref<68x80xi32, #tpu.memory_space<vmem>>) dst(%dma_wait3A_31 : memref<68x80xi32, #tpu.memory_space<hbm>>)
      tpu.yield
    }) : () -> ()
    %run_scoped3A_14 = arith.constant 1 : i32
    "tpu.region"() ({
      %run_scoped3A_17 = tpu.sem_alloc : memref<!tpu.dma_semaphore, #tpu.memory_space<semaphore_mem>>
      %dma_start3A = arith.constant 0 : i32
      %dma_start3A_18 = arith.constant 0 : i32
      %dma_start3A_19 = tpu.memref_slice %arg10[%add3A, %run_scoped3A_14, %dma_start3A, %dma_start3A_18] : memref<32x2x68x80xi32, #tpu.memory_space<hbm>> -> memref<1x1x68x80xi32, #tpu.memory_space<hbm>>
      %dma_start3A_20 = tpu.memref_squeeze %dma_start3A_19 : memref<1x1x68x80xi32, #tpu.memory_space<hbm>> -> memref<68x80xi32, #tpu.memory_space<hbm>>
      %dma_start3A_21 = arith.constant 0 : i32
      %dma_start3A_22 = arith.constant 0 : i32
      %dma_start3A_23 = tpu.memref_slice %arg10[%add3A, %run_scoped3A_14, %dma_start3A_21, %dma_start3A_22] : memref<32x2x68x80xi32, #tpu.memory_space<hbm>> -> memref<1x1x68x80xi32, #tpu.memory_space<hbm>>
      %dma_start3A_24 = tpu.memref_squeeze %dma_start3A_23 : memref<1x1x68x80xi32, #tpu.memory_space<hbm>> -> memref<68x80xi32, #tpu.memory_space<hbm>>
      tpu.enqueue_dma source(%arg19 : memref<68x80xi32, #tpu.memory_space<vmem>>) target(%dma_start3A_24 : memref<68x80xi32, #tpu.memory_space<hbm>>) target_semaphore(%run_scoped3A_17 : memref<!tpu.dma_semaphore, #tpu.memory_space<semaphore_mem>>)
      %dma_wait3A = arith.constant 0 : i32
      %dma_wait3A_25 = arith.constant 0 : i32
      %dma_wait3A_26 = tpu.memref_slice %arg10[%add3A, %run_scoped3A_14, %dma_wait3A, %dma_wait3A_25] : memref<32x2x68x80xi32, #tpu.memory_space<hbm>> -> memref<1x1x68x80xi32, #tpu.memory_space<hbm>>
      %dma_wait3A_27 = tpu.memref_squeeze %dma_wait3A_26 : memref<1x1x68x80xi32, #tpu.memory_space<hbm>> -> memref<68x80xi32, #tpu.memory_space<hbm>>
      %dma_wait3A_28 = arith.constant 0 : i32
      %dma_wait3A_29 = arith.constant 0 : i32
      %dma_wait3A_30 = tpu.memref_slice %arg10[%add3A, %run_scoped3A_14, %dma_wait3A_28, %dma_wait3A_29] : memref<32x2x68x80xi32, #tpu.memory_space<hbm>> -> memref<1x1x68x80xi32, #tpu.memory_space<hbm>>
      %dma_wait3A_31 = tpu.memref_squeeze %dma_wait3A_30 : memref<1x1x68x80xi32, #tpu.memory_space<hbm>> -> memref<68x80xi32, #tpu.memory_space<hbm>>
      tpu.wait_dma2 semaphore(%run_scoped3A_17 : memref<!tpu.dma_semaphore, #tpu.memory_space<semaphore_mem>>) src(%arg19 : memref<68x80xi32, #tpu.memory_space<vmem>>) dst(%dma_wait3A_31 : memref<68x80xi32, #tpu.memory_space<hbm>>)
      tpu.yield
    }) : () -> ()
    %eq3A = arith.constant 0 : i32
    %eq3A_15 = arith.cmpi eq, %arg0, %eq3A : i32
    %convert_element_type3A = arith.extui %eq3A_15 : i1 to i32
    %cond3A = arith.constant 0 : i32
    %cond3A_16 = arith.cmpi ne, %convert_element_type3A, %cond3A : i32
    scf.if %cond3A_16 {
      %mul3A_17 = arith.constant 640 : i32
      %mul3A_18 = arith.muli %arg1, %mul3A_17 : i32
      "tpu.region"() ({
        %run_scoped3A_36 = tpu.sem_alloc : memref<!tpu.dma_semaphore, #tpu.memory_space<semaphore_mem>>
        %dma_start3A = tpu.memref_slice %arg21[%mul3A_18] : memref<10240xf32, #tpu.memory_space<vmem_shared>> -> memref<640xf32, #tpu.memory_space<vmem_shared>>
        tpu.enqueue_dma source(%arg4 : memref<640xf32, #tpu.memory_space<hbm>>) target(%dma_start3A : memref<640xf32, #tpu.memory_space<vmem_shared>>) target_semaphore(%run_scoped3A_36 : memref<!tpu.dma_semaphore, #tpu.memory_space<semaphore_mem>>)
        %dma_wait3A = tpu.memref_slice %arg21[%mul3A_18] : memref<10240xf32, #tpu.memory_space<vmem_shared>> -> memref<640xf32, #tpu.memory_space<vmem_shared>>
        tpu.wait_dma2 semaphore(%run_scoped3A_36 : memref<!tpu.dma_semaphore, #tpu.memory_space<semaphore_mem>>) src(%arg4 : memref<640xf32, #tpu.memory_space<hbm>>) dst(%dma_wait3A : memref<640xf32, #tpu.memory_space<vmem_shared>>)
        tpu.yield
      }) : () -> ()
      %mul3A_19 = arith.constant 2 : i32
      %mul3A_20 = arith.muli %mul3A_19, %arg1 : i32
      "tpu.region"() ({
        %run_scoped3A_36 = tpu.sem_alloc : memref<!tpu.dma_semaphore, #tpu.memory_space<semaphore_mem>>
        %dma_start3A = arith.constant 0 : i32
        %dma_start3A_37 = arith.constant 0 : i32
        %dma_start3A_38 = tpu.memref_slice %arg11[%dma_start3A, %dma_start3A_37] : memref<250x80xi32, #tpu.memory_space<vmem>> -> memref<125x80xi32, #tpu.memory_space<vmem>>
        %dma_start3A_39 = arith.constant 0 : i32
        %dma_start3A_40 = arith.constant 0 : i32
        %dma_start3A_41 = tpu.memref_slice %arg3[%mul3A_20, %dma_start3A_39, %dma_start3A_40] : memref<32x125x80xi32, #tpu.memory_space<hbm>> -> memref<1x125x80xi32, #tpu.memory_space<hbm>>
        %dma_start3A_42 = tpu.memref_squeeze %dma_start3A_41 : memref<1x125x80xi32, #tpu.memory_space<hbm>> -> memref<125x80xi32, #tpu.memory_space<hbm>>
        %dma_start3A_43 = arith.constant 0 : i32
        %dma_start3A_44 = arith.constant 0 : i32
        %dma_start3A_45 = tpu.memref_slice %arg11[%dma_start3A_43, %dma_start3A_44] : memref<250x80xi32, #tpu.memory_space<vmem>> -> memref<125x80xi32, #tpu.memory_space<vmem>>
        %dma_start3A_46 = arith.constant 0 : i32
        %dma_start3A_47 = arith.constant 0 : i32
        %dma_start3A_48 = tpu.memref_slice %arg3[%mul3A_20, %dma_start3A_46, %dma_start3A_47] : memref<32x125x80xi32, #tpu.memory_space<hbm>> -> memref<1x125x80xi32, #tpu.memory_space<hbm>>
        %dma_start3A_49 = tpu.memref_squeeze %dma_start3A_48 : memref<1x125x80xi32, #tpu.memory_space<hbm>> -> memref<125x80xi32, #tpu.memory_space<hbm>>
        tpu.enqueue_dma source(%dma_start3A_49 : memref<125x80xi32, #tpu.memory_space<hbm>>) target(%dma_start3A_45 : memref<125x80xi32, #tpu.memory_space<vmem>>) target_semaphore(%run_scoped3A_36 : memref<!tpu.dma_semaphore, #tpu.memory_space<semaphore_mem>>)
        %dma_wait3A = arith.constant 0 : i32
        %dma_wait3A_50 = arith.constant 0 : i32
        %dma_wait3A_51 = tpu.memref_slice %arg11[%dma_wait3A, %dma_wait3A_50] : memref<250x80xi32, #tpu.memory_space<vmem>> -> memref<125x80xi32, #tpu.memory_space<vmem>>
        %dma_wait3A_52 = arith.constant 0 : i32
        %dma_wait3A_53 = arith.constant 0 : i32
        %dma_wait3A_54 = tpu.memref_slice %arg3[%mul3A_20, %dma_wait3A_52, %dma_wait3A_53] : memref<32x125x80xi32, #tpu.memory_space<hbm>> -> memref<1x125x80xi32, #tpu.memory_space<hbm>>
        %dma_wait3A_55 = tpu.memref_squeeze %dma_wait3A_54 : memref<1x125x80xi32, #tpu.memory_space<hbm>> -> memref<125x80xi32, #tpu.memory_space<hbm>>
        %dma_wait3A_56 = arith.constant 0 : i32
        %dma_wait3A_57 = arith.constant 0 : i32
        %dma_wait3A_58 = tpu.memref_slice %arg11[%dma_wait3A_56, %dma_wait3A_57] : memref<250x80xi32, #tpu.memory_space<vmem>> -> memref<125x80xi32, #tpu.memory_space<vmem>>
        %dma_wait3A_59 = arith.constant 0 : i32
        %dma_wait3A_60 = arith.constant 0 : i32
        %dma_wait3A_61 = tpu.memref_slice %arg3[%mul3A_20, %dma_wait3A_59, %dma_wait3A_60] : memref<32x125x80xi32, #tpu.memory_space<hbm>> -> memref<1x125x80xi32, #tpu.memory_space<hbm>>
        %dma_wait3A_62 = tpu.memref_squeeze %dma_wait3A_61 : memref<1x125x80xi32, #tpu.memory_space<hbm>> -> memref<125x80xi32, #tpu.memory_space<hbm>>
        tpu.wait_dma2 semaphore(%run_scoped3A_36 : memref<!tpu.dma_semaphore, #tpu.memory_space<semaphore_mem>>) src(%dma_wait3A_62 : memref<125x80xi32, #tpu.memory_space<hbm>>) dst(%dma_wait3A_58 : memref<125x80xi32, #tpu.memory_space<vmem>>)
        tpu.yield
      }) : () -> ()
      %mul3A_21 = arith.constant 2 : i32
      %mul3A_22 = arith.muli %mul3A_21, %arg1 : i32
      %add3A_23 = arith.constant 1 : i32
      %add3A_24 = arith.addi %mul3A_22, %add3A_23 : i32
      "tpu.region"() ({
        %run_scoped3A_36 = tpu.sem_alloc : memref<!tpu.dma_semaphore, #tpu.memory_space<semaphore_mem>>
        %dma_start3A = arith.constant 125 : i32
        %dma_start3A_37 = arith.constant 0 : i32
        %dma_start3A_38 = tpu.memref_slice %arg11[%dma_start3A, %dma_start3A_37] : memref<250x80xi32, #tpu.memory_space<vmem>> -> memref<125x80xi32, #tpu.memory_space<vmem>>
        %dma_start3A_39 = arith.constant 0 : i32
        %dma_start3A_40 = arith.constant 0 : i32
        %dma_start3A_41 = tpu.memref_slice %arg3[%add3A_24, %dma_start3A_39, %dma_start3A_40] : memref<32x125x80xi32, #tpu.memory_space<hbm>> -> memref<1x125x80xi32, #tpu.memory_space<hbm>>
        %dma_start3A_42 = tpu.memref_squeeze %dma_start3A_41 : memref<1x125x80xi32, #tpu.memory_space<hbm>> -> memref<125x80xi32, #tpu.memory_space<hbm>>
        %dma_start3A_43 = arith.constant 125 : i32
        %dma_start3A_44 = arith.constant 0 : i32
        %dma_start3A_45 = tpu.memref_slice %arg11[%dma_start3A_43, %dma_start3A_44] : memref<250x80xi32, #tpu.memory_space<vmem>> -> memref<125x80xi32, #tpu.memory_space<vmem>>
        %dma_start3A_46 = arith.constant 0 : i32
        %dma_start3A_47 = arith.constant 0 : i32
        %dma_start3A_48 = tpu.memref_slice %arg3[%add3A_24, %dma_start3A_46, %dma_start3A_47] : memref<32x125x80xi32, #tpu.memory_space<hbm>> -> memref<1x125x80xi32, #tpu.memory_space<hbm>>
        %dma_start3A_49 = tpu.memref_squeeze %dma_start3A_48 : memref<1x125x80xi32, #tpu.memory_space<hbm>> -> memref<125x80xi32, #tpu.memory_space<hbm>>
        tpu.enqueue_dma source(%dma_start3A_49 : memref<125x80xi32, #tpu.memory_space<hbm>>) target(%dma_start3A_45 : memref<125x80xi32, #tpu.memory_space<vmem>>) target_semaphore(%run_scoped3A_36 : memref<!tpu.dma_semaphore, #tpu.memory_space<semaphore_mem>>)
        %dma_wait3A = arith.constant 125 : i32
        %dma_wait3A_50 = arith.constant 0 : i32
        %dma_wait3A_51 = tpu.memref_slice %arg11[%dma_wait3A, %dma_wait3A_50] : memref<250x80xi32, #tpu.memory_space<vmem>> -> memref<125x80xi32, #tpu.memory_space<vmem>>
        %dma_wait3A_52 = arith.constant 0 : i32
        %dma_wait3A_53 = arith.constant 0 : i32
        %dma_wait3A_54 = tpu.memref_slice %arg3[%add3A_24, %dma_wait3A_52, %dma_wait3A_53] : memref<32x125x80xi32, #tpu.memory_space<hbm>> -> memref<1x125x80xi32, #tpu.memory_space<hbm>>
        %dma_wait3A_55 = tpu.memref_squeeze %dma_wait3A_54 : memref<1x125x80xi32, #tpu.memory_space<hbm>> -> memref<125x80xi32, #tpu.memory_space<hbm>>
        %dma_wait3A_56 = arith.constant 125 : i32
        %dma_wait3A_57 = arith.constant 0 : i32
        %dma_wait3A_58 = tpu.memref_slice %arg11[%dma_wait3A_56, %dma_wait3A_57] : memref<250x80xi32, #tpu.memory_space<vmem>> -> memref<125x80xi32, #tpu.memory_space<vmem>>
        %dma_wait3A_59 = arith.constant 0 : i32
        %dma_wait3A_60 = arith.constant 0 : i32
        %dma_wait3A_61 = tpu.memref_slice %arg3[%add3A_24, %dma_wait3A_59, %dma_wait3A_60] : memref<32x125x80xi32, #tpu.memory_space<hbm>> -> memref<1x125x80xi32, #tpu.memory_space<hbm>>
        %dma_wait3A_62 = tpu.memref_squeeze %dma_wait3A_61 : memref<1x125x80xi32, #tpu.memory_space<hbm>> -> memref<125x80xi32, #tpu.memory_space<hbm>>
        tpu.wait_dma2 semaphore(%run_scoped3A_36 : memref<!tpu.dma_semaphore, #tpu.memory_space<semaphore_mem>>) src(%dma_wait3A_62 : memref<125x80xi32, #tpu.memory_space<hbm>>) dst(%dma_wait3A_58 : memref<125x80xi32, #tpu.memory_space<vmem>>)
        tpu.yield
      }) : () -> ()
      "tpu.region"() ({
        %run_scoped3A_36 = tpu.sem_alloc : memref<!tpu.dma_semaphore, #tpu.memory_space<semaphore_mem>>
        tpu.enqueue_dma source(%arg5 : memref<80xf32, #tpu.memory_space<hbm>>) target(%arg12 : memref<80xf32, #tpu.memory_space<vmem>>) target_semaphore(%run_scoped3A_36 : memref<!tpu.dma_semaphore, #tpu.memory_space<semaphore_mem>>)
        tpu.wait_dma2 semaphore(%run_scoped3A_36 : memref<!tpu.dma_semaphore, #tpu.memory_space<semaphore_mem>>) src(%arg5 : memref<80xf32, #tpu.memory_space<hbm>>) dst(%arg12 : memref<80xf32, #tpu.memory_space<vmem>>)
        tpu.yield
      }) : () -> ()
      %barrier3A = arith.constant 0 : index
      tpu.barrier barrier_id(%barrier3A)
      %scan3A_25 = arith.constant 0 : i32
      %scan3A_26 = arith.constant 25 : i32
      %scan3A_27 = arith.addi %scan3A_25, %scan3A_26 : i32
      %scan3A_28 = arith.constant 1 : i32
      scf.for %scan3A_36 = %scan3A_25 to %scan3A_27 step %scan3A_28  : i32 {
        %mul3A_37 = arith.constant 10 : i32
        %mul3A_38 = arith.muli %scan3A_36, %mul3A_37 : i32
        %add3A_39 = arith.constant 0 : i32
        %add3A_40 = arith.addi %add3A_39, %mul3A_38 : i32
        %add3A_41 = arith.constant 0 : i32
        %add3A_42 = arith.addi %add3A_40, %add3A_41 : i32
        %dma_start3A = arith.constant 0 : i32
        %dma_start3A_43 = tpu.memref_slice %arg11[%add3A_42, %dma_start3A] : memref<250x80xi32, #tpu.memory_space<vmem>> -> memref<1x80xi32, #tpu.memory_space<vmem>>
        %dma_start3A_44 = tpu.memref_squeeze %dma_start3A_43 : memref<1x80xi32, #tpu.memory_space<vmem>> -> memref<80xi32, #tpu.memory_space<vmem>>
        %dma_start3A_45 = arith.constant 0 : i32
        %dma_start3A_46 = tpu.memref_slice %arg21[%dma_start3A_45] : memref<10240xf32, #tpu.memory_space<vmem_shared>> -> memref<10240xf32, #tpu.memory_space<vmem_shared>>
        tpu.enqueue_indirect_dma source(%arg12 : memref<80xf32, #tpu.memory_space<vmem>>) target(%dma_start3A_46 : memref<10240xf32, #tpu.memory_space<vmem_shared>>) offsets(%dma_start3A_44 : memref<80xi32, #tpu.memory_space<vmem>>) semaphore(%arg22 : memref<!tpu.dma_semaphore, #tpu.memory_space<semaphore_mem>>) {add = true}
        %add3A_47 = arith.constant 1 : i32
        %add3A_48 = arith.addi %add3A_40, %add3A_47 : i32
        %dma_start3A_49 = arith.constant 0 : i32
        %dma_start3A_50 = tpu.memref_slice %arg11[%add3A_48, %dma_start3A_49] : memref<250x80xi32, #tpu.memory_space<vmem>> -> memref<1x80xi32, #tpu.memory_space<vmem>>
        %dma_start3A_51 = tpu.memref_squeeze %dma_start3A_50 : memref<1x80xi32, #tpu.memory_space<vmem>> -> memref<80xi32, #tpu.memory_space<vmem>>
        %dma_start3A_52 = arith.constant 0 : i32
        %dma_start3A_53 = tpu.memref_slice %arg21[%dma_start3A_52] : memref<10240xf32, #tpu.memory_space<vmem_shared>> -> memref<10240xf32, #tpu.memory_space<vmem_shared>>
        tpu.enqueue_indirect_dma source(%arg12 : memref<80xf32, #tpu.memory_space<vmem>>) target(%dma_start3A_53 : memref<10240xf32, #tpu.memory_space<vmem_shared>>) offsets(%dma_start3A_51 : memref<80xi32, #tpu.memory_space<vmem>>) semaphore(%arg22 : memref<!tpu.dma_semaphore, #tpu.memory_space<semaphore_mem>>) {add = true}
        %add3A_54 = arith.constant 2 : i32
        %add3A_55 = arith.addi %add3A_40, %add3A_54 : i32
        %dma_start3A_56 = arith.constant 0 : i32
        %dma_start3A_57 = tpu.memref_slice %arg11[%add3A_55, %dma_start3A_56] : memref<250x80xi32, #tpu.memory_space<vmem>> -> memref<1x80xi32, #tpu.memory_space<vmem>>
        %dma_start3A_58 = tpu.memref_squeeze %dma_start3A_57 : memref<1x80xi32, #tpu.memory_space<vmem>> -> memref<80xi32, #tpu.memory_space<vmem>>
        %dma_start3A_59 = arith.constant 0 : i32
        %dma_start3A_60 = tpu.memref_slice %arg21[%dma_start3A_59] : memref<10240xf32, #tpu.memory_space<vmem_shared>> -> memref<10240xf32, #tpu.memory_space<vmem_shared>>
        tpu.enqueue_indirect_dma source(%arg12 : memref<80xf32, #tpu.memory_space<vmem>>) target(%dma_start3A_60 : memref<10240xf32, #tpu.memory_space<vmem_shared>>) offsets(%dma_start3A_58 : memref<80xi32, #tpu.memory_space<vmem>>) semaphore(%arg22 : memref<!tpu.dma_semaphore, #tpu.memory_space<semaphore_mem>>) {add = true}
        %add3A_61 = arith.constant 3 : i32
        %add3A_62 = arith.addi %add3A_40, %add3A_61 : i32
        %dma_start3A_63 = arith.constant 0 : i32
        %dma_start3A_64 = tpu.memref_slice %arg11[%add3A_62, %dma_start3A_63] : memref<250x80xi32, #tpu.memory_space<vmem>> -> memref<1x80xi32, #tpu.memory_space<vmem>>
        %dma_start3A_65 = tpu.memref_squeeze %dma_start3A_64 : memref<1x80xi32, #tpu.memory_space<vmem>> -> memref<80xi32, #tpu.memory_space<vmem>>
        %dma_start3A_66 = arith.constant 0 : i32
        %dma_start3A_67 = tpu.memref_slice %arg21[%dma_start3A_66] : memref<10240xf32, #tpu.memory_space<vmem_shared>> -> memref<10240xf32, #tpu.memory_space<vmem_shared>>
        tpu.enqueue_indirect_dma source(%arg12 : memref<80xf32, #tpu.memory_space<vmem>>) target(%dma_start3A_67 : memref<10240xf32, #tpu.memory_space<vmem_shared>>) offsets(%dma_start3A_65 : memref<80xi32, #tpu.memory_space<vmem>>) semaphore(%arg22 : memref<!tpu.dma_semaphore, #tpu.memory_space<semaphore_mem>>) {add = true}
        %add3A_68 = arith.constant 4 : i32
        %add3A_69 = arith.addi %add3A_40, %add3A_68 : i32
        %dma_start3A_70 = arith.constant 0 : i32
        %dma_start3A_71 = tpu.memref_slice %arg11[%add3A_69, %dma_start3A_70] : memref<250x80xi32, #tpu.memory_space<vmem>> -> memref<1x80xi32, #tpu.memory_space<vmem>>
        %dma_start3A_72 = tpu.memref_squeeze %dma_start3A_71 : memref<1x80xi32, #tpu.memory_space<vmem>> -> memref<80xi32, #tpu.memory_space<vmem>>
        %dma_start3A_73 = arith.constant 0 : i32
        %dma_start3A_74 = tpu.memref_slice %arg21[%dma_start3A_73] : memref<10240xf32, #tpu.memory_space<vmem_shared>> -> memref<10240xf32, #tpu.memory_space<vmem_shared>>
        tpu.enqueue_indirect_dma source(%arg12 : memref<80xf32, #tpu.memory_space<vmem>>) target(%dma_start3A_74 : memref<10240xf32, #tpu.memory_space<vmem_shared>>) offsets(%dma_start3A_72 : memref<80xi32, #tpu.memory_space<vmem>>) semaphore(%arg22 : memref<!tpu.dma_semaphore, #tpu.memory_space<semaphore_mem>>) {add = true}
        %add3A_75 = arith.constant 5 : i32
        %add3A_76 = arith.addi %add3A_40, %add3A_75 : i32
        %dma_start3A_77 = arith.constant 0 : i32
        %dma_start3A_78 = tpu.memref_slice %arg11[%add3A_76, %dma_start3A_77] : memref<250x80xi32, #tpu.memory_space<vmem>> -> memref<1x80xi32, #tpu.memory_space<vmem>>
        %dma_start3A_79 = tpu.memref_squeeze %dma_start3A_78 : memref<1x80xi32, #tpu.memory_space<vmem>> -> memref<80xi32, #tpu.memory_space<vmem>>
        %dma_start3A_80 = arith.constant 0 : i32
        %dma_start3A_81 = tpu.memref_slice %arg21[%dma_start3A_80] : memref<10240xf32, #tpu.memory_space<vmem_shared>> -> memref<10240xf32, #tpu.memory_space<vmem_shared>>
        tpu.enqueue_indirect_dma source(%arg12 : memref<80xf32, #tpu.memory_space<vmem>>) target(%dma_start3A_81 : memref<10240xf32, #tpu.memory_space<vmem_shared>>) offsets(%dma_start3A_79 : memref<80xi32, #tpu.memory_space<vmem>>) semaphore(%arg22 : memref<!tpu.dma_semaphore, #tpu.memory_space<semaphore_mem>>) {add = true}
        %add3A_82 = arith.constant 6 : i32
        %add3A_83 = arith.addi %add3A_40, %add3A_82 : i32
        %dma_start3A_84 = arith.constant 0 : i32
        %dma_start3A_85 = tpu.memref_slice %arg11[%add3A_83, %dma_start3A_84] : memref<250x80xi32, #tpu.memory_space<vmem>> -> memref<1x80xi32, #tpu.memory_space<vmem>>
        %dma_start3A_86 = tpu.memref_squeeze %dma_start3A_85 : memref<1x80xi32, #tpu.memory_space<vmem>> -> memref<80xi32, #tpu.memory_space<vmem>>
        %dma_start3A_87 = arith.constant 0 : i32
        %dma_start3A_88 = tpu.memref_slice %arg21[%dma_start3A_87] : memref<10240xf32, #tpu.memory_space<vmem_shared>> -> memref<10240xf32, #tpu.memory_space<vmem_shared>>
        tpu.enqueue_indirect_dma source(%arg12 : memref<80xf32, #tpu.memory_space<vmem>>) target(%dma_start3A_88 : memref<10240xf32, #tpu.memory_space<vmem_shared>>) offsets(%dma_start3A_86 : memref<80xi32, #tpu.memory_space<vmem>>) semaphore(%arg22 : memref<!tpu.dma_semaphore, #tpu.memory_space<semaphore_mem>>) {add = true}
        %add3A_89 = arith.constant 7 : i32
        %add3A_90 = arith.addi %add3A_40, %add3A_89 : i32
        %dma_start3A_91 = arith.constant 0 : i32
        %dma_start3A_92 = tpu.memref_slice %arg11[%add3A_90, %dma_start3A_91] : memref<250x80xi32, #tpu.memory_space<vmem>> -> memref<1x80xi32, #tpu.memory_space<vmem>>
        %dma_start3A_93 = tpu.memref_squeeze %dma_start3A_92 : memref<1x80xi32, #tpu.memory_space<vmem>> -> memref<80xi32, #tpu.memory_space<vmem>>
        %dma_start3A_94 = arith.constant 0 : i32
        %dma_start3A_95 = tpu.memref_slice %arg21[%dma_start3A_94] : memref<10240xf32, #tpu.memory_space<vmem_shared>> -> memref<10240xf32, #tpu.memory_space<vmem_shared>>
        tpu.enqueue_indirect_dma source(%arg12 : memref<80xf32, #tpu.memory_space<vmem>>) target(%dma_start3A_95 : memref<10240xf32, #tpu.memory_space<vmem_shared>>) offsets(%dma_start3A_93 : memref<80xi32, #tpu.memory_space<vmem>>) semaphore(%arg22 : memref<!tpu.dma_semaphore, #tpu.memory_space<semaphore_mem>>) {add = true}
        %add3A_96 = arith.constant 8 : i32
        %add3A_97 = arith.addi %add3A_40, %add3A_96 : i32
        %dma_start3A_98 = arith.constant 0 : i32
        %dma_start3A_99 = tpu.memref_slice %arg11[%add3A_97, %dma_start3A_98] : memref<250x80xi32, #tpu.memory_space<vmem>> -> memref<1x80xi32, #tpu.memory_space<vmem>>
        %dma_start3A_100 = tpu.memref_squeeze %dma_start3A_99 : memref<1x80xi32, #tpu.memory_space<vmem>> -> memref<80xi32, #tpu.memory_space<vmem>>
        %dma_start3A_101 = arith.constant 0 : i32
        %dma_start3A_102 = tpu.memref_slice %arg21[%dma_start3A_101] : memref<10240xf32, #tpu.memory_space<vmem_shared>> -> memref<10240xf32, #tpu.memory_space<vmem_shared>>
        tpu.enqueue_indirect_dma source(%arg12 : memref<80xf32, #tpu.memory_space<vmem>>) target(%dma_start3A_102 : memref<10240xf32, #tpu.memory_space<vmem_shared>>) offsets(%dma_start3A_100 : memref<80xi32, #tpu.memory_space<vmem>>) semaphore(%arg22 : memref<!tpu.dma_semaphore, #tpu.memory_space<semaphore_mem>>) {add = true}
        %add3A_103 = arith.constant 9 : i32
        %add3A_104 = arith.addi %add3A_40, %add3A_103 : i32
        %dma_start3A_105 = arith.constant 0 : i32
        %dma_start3A_106 = tpu.memref_slice %arg11[%add3A_104, %dma_start3A_105] : memref<250x80xi32, #tpu.memory_space<vmem>> -> memref<1x80xi32, #tpu.memory_space<vmem>>
        %dma_start3A_107 = tpu.memref_squeeze %dma_start3A_106 : memref<1x80xi32, #tpu.memory_space<vmem>> -> memref<80xi32, #tpu.memory_space<vmem>>
        %dma_start3A_108 = arith.constant 0 : i32
        %dma_start3A_109 = tpu.memref_slice %arg21[%dma_start3A_108] : memref<10240xf32, #tpu.memory_space<vmem_shared>> -> memref<10240xf32, #tpu.memory_space<vmem_shared>>
        tpu.enqueue_indirect_dma source(%arg12 : memref<80xf32, #tpu.memory_space<vmem>>) target(%dma_start3A_109 : memref<10240xf32, #tpu.memory_space<vmem_shared>>) offsets(%dma_start3A_107 : memref<80xi32, #tpu.memory_space<vmem>>) semaphore(%arg22 : memref<!tpu.dma_semaphore, #tpu.memory_space<semaphore_mem>>) {add = true}
        %add3A_110 = arith.constant 0 : i32
        %add3A_111 = arith.addi %add3A_40, %add3A_110 : i32
        %dma_wait3A = arith.constant 0 : i32
        %dma_wait3A_112 = tpu.memref_slice %arg11[%add3A_111, %dma_wait3A] : memref<250x80xi32, #tpu.memory_space<vmem>> -> memref<1x80xi32, #tpu.memory_space<vmem>>
        %dma_wait3A_113 = tpu.memref_squeeze %dma_wait3A_112 : memref<1x80xi32, #tpu.memory_space<vmem>> -> memref<80xi32, #tpu.memory_space<vmem>>
        %dma_wait3A_114 = arith.constant 0 : i32
        %dma_wait3A_115 = tpu.memref_slice %arg21[%dma_wait3A_114] : memref<10240xf32, #tpu.memory_space<vmem_shared>> -> memref<10240xf32, #tpu.memory_space<vmem_shared>>
        tpu.wait_indirect_dma semaphore(%arg22 : memref<!tpu.dma_semaphore, #tpu.memory_space<semaphore_mem>>) src(%arg12 : memref<80xf32, #tpu.memory_space<vmem>>) dst(%dma_wait3A_115 : memref<10240xf32, #tpu.memory_space<vmem_shared>>)
        %add3A_116 = arith.constant 1 : i32
        %add3A_117 = arith.addi %add3A_40, %add3A_116 : i32
        %dma_wait3A_118 = arith.constant 0 : i32
        %dma_wait3A_119 = tpu.memref_slice %arg11[%add3A_117, %dma_wait3A_118] : memref<250x80xi32, #tpu.memory_space<vmem>> -> memref<1x80xi32, #tpu.memory_space<vmem>>
        %dma_wait3A_120 = tpu.memref_squeeze %dma_wait3A_119 : memref<1x80xi32, #tpu.memory_space<vmem>> -> memref<80xi32, #tpu.memory_space<vmem>>
        %dma_wait3A_121 = arith.constant 0 : i32
        %dma_wait3A_122 = tpu.memref_slice %arg21[%dma_wait3A_121] : memref<10240xf32, #tpu.memory_space<vmem_shared>> -> memref<10240xf32, #tpu.memory_space<vmem_shared>>
        tpu.wait_indirect_dma semaphore(%arg22 : memref<!tpu.dma_semaphore, #tpu.memory_space<semaphore_mem>>) src(%arg12 : memref<80xf32, #tpu.memory_space<vmem>>) dst(%dma_wait3A_122 : memref<10240xf32, #tpu.memory_space<vmem_shared>>)
        %add3A_123 = arith.constant 2 : i32
        %add3A_124 = arith.addi %add3A_40, %add3A_123 : i32
        %dma_wait3A_125 = arith.constant 0 : i32
        %dma_wait3A_126 = tpu.memref_slice %arg11[%add3A_124, %dma_wait3A_125] : memref<250x80xi32, #tpu.memory_space<vmem>> -> memref<1x80xi32, #tpu.memory_space<vmem>>
        %dma_wait3A_127 = tpu.memref_squeeze %dma_wait3A_126 : memref<1x80xi32, #tpu.memory_space<vmem>> -> memref<80xi32, #tpu.memory_space<vmem>>
        %dma_wait3A_128 = arith.constant 0 : i32
        %dma_wait3A_129 = tpu.memref_slice %arg21[%dma_wait3A_128] : memref<10240xf32, #tpu.memory_space<vmem_shared>> -> memref<10240xf32, #tpu.memory_space<vmem_shared>>
        tpu.wait_indirect_dma semaphore(%arg22 : memref<!tpu.dma_semaphore, #tpu.memory_space<semaphore_mem>>) src(%arg12 : memref<80xf32, #tpu.memory_space<vmem>>) dst(%dma_wait3A_129 : memref<10240xf32, #tpu.memory_space<vmem_shared>>)
        %add3A_130 = arith.constant 3 : i32
        %add3A_131 = arith.addi %add3A_40, %add3A_130 : i32
        %dma_wait3A_132 = arith.constant 0 : i32
        %dma_wait3A_133 = tpu.memref_slice %arg11[%add3A_131, %dma_wait3A_132] : memref<250x80xi32, #tpu.memory_space<vmem>> -> memref<1x80xi32, #tpu.memory_space<vmem>>
        %dma_wait3A_134 = tpu.memref_squeeze %dma_wait3A_133 : memref<1x80xi32, #tpu.memory_space<vmem>> -> memref<80xi32, #tpu.memory_space<vmem>>
        %dma_wait3A_135 = arith.constant 0 : i32
        %dma_wait3A_136 = tpu.memref_slice %arg21[%dma_wait3A_135] : memref<10240xf32, #tpu.memory_space<vmem_shared>> -> memref<10240xf32, #tpu.memory_space<vmem_shared>>
        tpu.wait_indirect_dma semaphore(%arg22 : memref<!tpu.dma_semaphore, #tpu.memory_space<semaphore_mem>>) src(%arg12 : memref<80xf32, #tpu.memory_space<vmem>>) dst(%dma_wait3A_136 : memref<10240xf32, #tpu.memory_space<vmem_shared>>)
        %add3A_137 = arith.constant 4 : i32
        %add3A_138 = arith.addi %add3A_40, %add3A_137 : i32
        %dma_wait3A_139 = arith.constant 0 : i32
        %dma_wait3A_140 = tpu.memref_slice %arg11[%add3A_138, %dma_wait3A_139] : memref<250x80xi32, #tpu.memory_space<vmem>> -> memref<1x80xi32, #tpu.memory_space<vmem>>
        %dma_wait3A_141 = tpu.memref_squeeze %dma_wait3A_140 : memref<1x80xi32, #tpu.memory_space<vmem>> -> memref<80xi32, #tpu.memory_space<vmem>>
        %dma_wait3A_142 = arith.constant 0 : i32
        %dma_wait3A_143 = tpu.memref_slice %arg21[%dma_wait3A_142] : memref<10240xf32, #tpu.memory_space<vmem_shared>> -> memref<10240xf32, #tpu.memory_space<vmem_shared>>
        tpu.wait_indirect_dma semaphore(%arg22 : memref<!tpu.dma_semaphore, #tpu.memory_space<semaphore_mem>>) src(%arg12 : memref<80xf32, #tpu.memory_space<vmem>>) dst(%dma_wait3A_143 : memref<10240xf32, #tpu.memory_space<vmem_shared>>)
        %add3A_144 = arith.constant 5 : i32
        %add3A_145 = arith.addi %add3A_40, %add3A_144 : i32
        %dma_wait3A_146 = arith.constant 0 : i32
        %dma_wait3A_147 = tpu.memref_slice %arg11[%add3A_145, %dma_wait3A_146] : memref<250x80xi32, #tpu.memory_space<vmem>> -> memref<1x80xi32, #tpu.memory_space<vmem>>
        %dma_wait3A_148 = tpu.memref_squeeze %dma_wait3A_147 : memref<1x80xi32, #tpu.memory_space<vmem>> -> memref<80xi32, #tpu.memory_space<vmem>>
        %dma_wait3A_149 = arith.constant 0 : i32
        %dma_wait3A_150 = tpu.memref_slice %arg21[%dma_wait3A_149] : memref<10240xf32, #tpu.memory_space<vmem_shared>> -> memref<10240xf32, #tpu.memory_space<vmem_shared>>
        tpu.wait_indirect_dma semaphore(%arg22 : memref<!tpu.dma_semaphore, #tpu.memory_space<semaphore_mem>>) src(%arg12 : memref<80xf32, #tpu.memory_space<vmem>>) dst(%dma_wait3A_150 : memref<10240xf32, #tpu.memory_space<vmem_shared>>)
        %add3A_151 = arith.constant 6 : i32
        %add3A_152 = arith.addi %add3A_40, %add3A_151 : i32
        %dma_wait3A_153 = arith.constant 0 : i32
        %dma_wait3A_154 = tpu.memref_slice %arg11[%add3A_152, %dma_wait3A_153] : memref<250x80xi32, #tpu.memory_space<vmem>> -> memref<1x80xi32, #tpu.memory_space<vmem>>
        %dma_wait3A_155 = tpu.memref_squeeze %dma_wait3A_154 : memref<1x80xi32, #tpu.memory_space<vmem>> -> memref<80xi32, #tpu.memory_space<vmem>>
        %dma_wait3A_156 = arith.constant 0 : i32
        %dma_wait3A_157 = tpu.memref_slice %arg21[%dma_wait3A_156] : memref<10240xf32, #tpu.memory_space<vmem_shared>> -> memref<10240xf32, #tpu.memory_space<vmem_shared>>
        tpu.wait_indirect_dma semaphore(%arg22 : memref<!tpu.dma_semaphore, #tpu.memory_space<semaphore_mem>>) src(%arg12 : memref<80xf32, #tpu.memory_space<vmem>>) dst(%dma_wait3A_157 : memref<10240xf32, #tpu.memory_space<vmem_shared>>)
        %add3A_158 = arith.constant 7 : i32
        %add3A_159 = arith.addi %add3A_40, %add3A_158 : i32
        %dma_wait3A_160 = arith.constant 0 : i32
        %dma_wait3A_161 = tpu.memref_slice %arg11[%add3A_159, %dma_wait3A_160] : memref<250x80xi32, #tpu.memory_space<vmem>> -> memref<1x80xi32, #tpu.memory_space<vmem>>
        %dma_wait3A_162 = tpu.memref_squeeze %dma_wait3A_161 : memref<1x80xi32, #tpu.memory_space<vmem>> -> memref<80xi32, #tpu.memory_space<vmem>>
        %dma_wait3A_163 = arith.constant 0 : i32
        %dma_wait3A_164 = tpu.memref_slice %arg21[%dma_wait3A_163] : memref<10240xf32, #tpu.memory_space<vmem_shared>> -> memref<10240xf32, #tpu.memory_space<vmem_shared>>
        tpu.wait_indirect_dma semaphore(%arg22 : memref<!tpu.dma_semaphore, #tpu.memory_space<semaphore_mem>>) src(%arg12 : memref<80xf32, #tpu.memory_space<vmem>>) dst(%dma_wait3A_164 : memref<10240xf32, #tpu.memory_space<vmem_shared>>)
        %add3A_165 = arith.constant 8 : i32
        %add3A_166 = arith.addi %add3A_40, %add3A_165 : i32
        %dma_wait3A_167 = arith.constant 0 : i32
        %dma_wait3A_168 = tpu.memref_slice %arg11[%add3A_166, %dma_wait3A_167] : memref<250x80xi32, #tpu.memory_space<vmem>> -> memref<1x80xi32, #tpu.memory_space<vmem>>
        %dma_wait3A_169 = tpu.memref_squeeze %dma_wait3A_168 : memref<1x80xi32, #tpu.memory_space<vmem>> -> memref<80xi32, #tpu.memory_space<vmem>>
        %dma_wait3A_170 = arith.constant 0 : i32
        %dma_wait3A_171 = tpu.memref_slice %arg21[%dma_wait3A_170] : memref<10240xf32, #tpu.memory_space<vmem_shared>> -> memref<10240xf32, #tpu.memory_space<vmem_shared>>
        tpu.wait_indirect_dma semaphore(%arg22 : memref<!tpu.dma_semaphore, #tpu.memory_space<semaphore_mem>>) src(%arg12 : memref<80xf32, #tpu.memory_space<vmem>>) dst(%dma_wait3A_171 : memref<10240xf32, #tpu.memory_space<vmem_shared>>)
        %add3A_172 = arith.constant 9 : i32
        %add3A_173 = arith.addi %add3A_40, %add3A_172 : i32
        %dma_wait3A_174 = arith.constant 0 : i32
        %dma_wait3A_175 = tpu.memref_slice %arg11[%add3A_173, %dma_wait3A_174] : memref<250x80xi32, #tpu.memory_space<vmem>> -> memref<1x80xi32, #tpu.memory_space<vmem>>
        %dma_wait3A_176 = tpu.memref_squeeze %dma_wait3A_175 : memref<1x80xi32, #tpu.memory_space<vmem>> -> memref<80xi32, #tpu.memory_space<vmem>>
        %dma_wait3A_177 = arith.constant 0 : i32
        %dma_wait3A_178 = tpu.memref_slice %arg21[%dma_wait3A_177] : memref<10240xf32, #tpu.memory_space<vmem_shared>> -> memref<10240xf32, #tpu.memory_space<vmem_shared>>
        tpu.wait_indirect_dma semaphore(%arg22 : memref<!tpu.dma_semaphore, #tpu.memory_space<semaphore_mem>>) src(%arg12 : memref<80xf32, #tpu.memory_space<vmem>>) dst(%dma_wait3A_178 : memref<10240xf32, #tpu.memory_space<vmem_shared>>)
      }
      %scan3A_29 = arith.constant 25 : i32
      %barrier3A_30 = arith.constant 0 : index
      tpu.barrier barrier_id(%barrier3A_30)
      "tpu.region"() ({
        %run_scoped3A_36 = tpu.sem_alloc : memref<!tpu.dma_semaphore, #tpu.memory_space<semaphore_mem>>
        %dma_start3A = tpu.memref_slice %arg21[%mul3A_18] : memref<10240xf32, #tpu.memory_space<vmem_shared>> -> memref<640xf32, #tpu.memory_space<vmem_shared>>
        %dma_start3A_37 = tpu.memref_slice %arg21[%mul3A_18] : memref<10240xf32, #tpu.memory_space<vmem_shared>> -> memref<640xf32, #tpu.memory_space<vmem_shared>>
        tpu.enqueue_dma source(%dma_start3A_37 : memref<640xf32, #tpu.memory_space<vmem_shared>>) target(%arg13 : memref<640xf32, #tpu.memory_space<vmem>>) target_semaphore(%run_scoped3A_36 : memref<!tpu.dma_semaphore, #tpu.memory_space<semaphore_mem>>)
        %dma_wait3A = tpu.memref_slice %arg21[%mul3A_18] : memref<10240xf32, #tpu.memory_space<vmem_shared>> -> memref<640xf32, #tpu.memory_space<vmem_shared>>
        %dma_wait3A_38 = tpu.memref_slice %arg21[%mul3A_18] : memref<10240xf32, #tpu.memory_space<vmem_shared>> -> memref<640xf32, #tpu.memory_space<vmem_shared>>
        tpu.wait_dma2 semaphore(%run_scoped3A_36 : memref<!tpu.dma_semaphore, #tpu.memory_space<semaphore_mem>>) src(%dma_wait3A_38 : memref<640xf32, #tpu.memory_space<vmem_shared>>) dst(%arg13 : memref<640xf32, #tpu.memory_space<vmem>>)
        tpu.yield
      }) : () -> ()
      %scan3A_31 = arith.constant 0 : i32
      %scan3A_32 = arith.constant 40 : i32
      %scan3A_33 = arith.addi %scan3A_31, %scan3A_32 : i32
      %scan3A_34 = arith.constant 1 : i32
      scf.for %scan3A_36 = %scan3A_31 to %scan3A_33 step %scan3A_34  : i32 {
        %mul3A_37 = arith.constant 16 : i32
        %mul3A_38 = arith.muli %scan3A_36, %mul3A_37 : i32
        %add3A_39 = arith.constant 0 : i32
        %add3A_40 = arith.addi %add3A_39, %mul3A_38 : i32
        %get3A = arith.index_cast %add3A_40 : i32 to index
        %get3A_41 = tpu.vector_load %arg13[%get3A] {strides = array<i32>} : memref<640xf32, #tpu.memory_space<vmem>>, vector<16xf32>,
        %gt3A = arith.constant 5.000000e-01 : f32
        %gt3A_42 = vector.broadcast %gt3A : f32 to vector<16xf32>
        %gt3A_43 = arith.cmpf ogt, %get3A_41, %gt3A_42 : vector<16xf32>
        %bitcast3A = vector.bitcast %get3A_41 : vector<16xf32> to vector<16xi32>
        %shift_right_logical3A = arith.constant 1 : i32
        %shift_right_logical3A_44 = vector.broadcast %shift_right_logical3A : i32 to vector<16xi32>
        %shift_right_logical3A_45 = arith.shrui %bitcast3A, %shift_right_logical3A_44 : vector<16xi32>
        %sub3A = arith.constant 1597463007 : i32
        %sub3A_46 = vector.broadcast %sub3A : i32 to vector<16xi32>
        %sub3A_47 = arith.subi %sub3A_46, %shift_right_logical3A_45 : vector<16xi32>
        %bitcast3A_48 = vector.bitcast %sub3A_47 : vector<16xi32> to vector<16xf32>
        %mul3A_49 = arith.constant 5.000000e-01 : f32
        %mul3A_50 = vector.broadcast %mul3A_49 : f32 to vector<16xf32>
        %mul3A_51 = arith.mulf %mul3A_50, %get3A_41 : vector<16xf32>
        %mul3A_52 = arith.mulf %mul3A_51, %bitcast3A_48 : vector<16xf32>
        %mul3A_53 = arith.mulf %mul3A_52, %bitcast3A_48 : vector<16xf32>
        %sub3A_54 = arith.constant 1.500000e+00 : f32
        %sub3A_55 = vector.broadcast %sub3A_54 : f32 to vector<16xf32>
        %sub3A_56 = arith.subf %sub3A_55, %mul3A_53 : vector<16xf32>
        %mul3A_57 = arith.mulf %bitcast3A_48, %sub3A_56 : vector<16xf32>
        %mul3A_58 = arith.constant 5.000000e-01 : f32
        %mul3A_59 = vector.broadcast %mul3A_58 : f32 to vector<16xf32>
        %mul3A_60 = arith.mulf %mul3A_59, %get3A_41 : vector<16xf32>
        %mul3A_61 = arith.mulf %mul3A_60, %mul3A_57 : vector<16xf32>
        %mul3A_62 = arith.mulf %mul3A_61, %mul3A_57 : vector<16xf32>
        %sub3A_63 = arith.constant 1.500000e+00 : f32
        %sub3A_64 = vector.broadcast %sub3A_63 : f32 to vector<16xf32>
        %sub3A_65 = arith.subf %sub3A_64, %mul3A_62 : vector<16xf32>
        %mul3A_66 = arith.mulf %mul3A_57, %sub3A_65 : vector<16xf32>
        %mul3A_67 = arith.constant 5.000000e-01 : f32
        %mul3A_68 = vector.broadcast %mul3A_67 : f32 to vector<16xf32>
        %mul3A_69 = arith.mulf %mul3A_68, %get3A_41 : vector<16xf32>
        %mul3A_70 = arith.mulf %mul3A_69, %mul3A_66 : vector<16xf32>
        %mul3A_71 = arith.mulf %mul3A_70, %mul3A_66 : vector<16xf32>
        %sub3A_72 = arith.constant 1.500000e+00 : f32
        %sub3A_73 = vector.broadcast %sub3A_72 : f32 to vector<16xf32>
        %sub3A_74 = arith.subf %sub3A_73, %mul3A_71 : vector<16xf32>
        %mul3A_75 = arith.mulf %mul3A_66, %sub3A_74 : vector<16xf32>
        %jit3A = arith.constant 0.000000e+00 : f32
        %broadcast_in_dim3A = vector.broadcast %jit3A : f32 to vector<16xf32>
        %select_n3A = arith.select %gt3A_43, %mul3A_75, %broadcast_in_dim3A : vector<16xi1>, vector<16xf32>
        %swap3A_76 = arith.index_cast %add3A_40 : i32 to index
        %swap3A_77 = tpu.vector_load %arg13[%swap3A_76] {strides = array<i32>} : memref<640xf32, #tpu.memory_space<vmem>>, vector<16xf32>,
        tpu.vector_store %arg13[%swap3A_76], %select_n3A {strides = array<i32>} : memref<640xf32, #tpu.memory_space<vmem>>, vector<16xf32>,
      }
      %scan3A_35 = arith.constant 40 : i32
      "tpu.region"() ({
        %run_scoped3A_36 = tpu.sem_alloc : memref<!tpu.dma_semaphore, #tpu.memory_space<semaphore_mem>>
        %dma_start3A = tpu.memref_slice %arg8[%mul3A_18] : memref<10240xf32, #tpu.memory_space<hbm>> -> memref<640xf32, #tpu.memory_space<hbm>>
        %dma_start3A_37 = tpu.memref_slice %arg8[%mul3A_18] : memref<10240xf32, #tpu.memory_space<hbm>> -> memref<640xf32, #tpu.memory_space<hbm>>
        tpu.enqueue_dma source(%arg13 : memref<640xf32, #tpu.memory_space<vmem>>) target(%dma_start3A_37 : memref<640xf32, #tpu.memory_space<hbm>>) target_semaphore(%run_scoped3A_36 : memref<!tpu.dma_semaphore, #tpu.memory_space<semaphore_mem>>)
        %dma_wait3A = tpu.memref_slice %arg8[%mul3A_18] : memref<10240xf32, #tpu.memory_space<hbm>> -> memref<640xf32, #tpu.memory_space<hbm>>
        %dma_wait3A_38 = tpu.memref_slice %arg8[%mul3A_18] : memref<10240xf32, #tpu.memory_space<hbm>> -> memref<640xf32, #tpu.memory_space<hbm>>
        tpu.wait_dma2 semaphore(%run_scoped3A_36 : memref<!tpu.dma_semaphore, #tpu.memory_space<semaphore_mem>>) src(%arg13 : memref<640xf32, #tpu.memory_space<vmem>>) dst(%dma_wait3A_38 : memref<640xf32, #tpu.memory_space<hbm>>)
        tpu.yield
      }) : () -> ()
    } else {
    }
    return
  }
}

#map = affine_map<(d0, d1) -> (0, 0)>
#map1 = affine_map<(d0, d1) -> (0, 0, 0, 0)>
#map2 = affine_map<(d0, d1) -> (0, 0, 0)>
module attributes {stable_mosaic.version = 14 : i64} {
  func.func @_hop_kernel(%arg0: i32, %arg1: i32, %arg2: memref<10000x128xf32, #tpu.memory_space<hbm>>, %arg3: memref<32x2x68x80xi32, #tpu.memory_space<hbm>>, %arg4: memref<32x2x68x80xi32, #tpu.memory_space<hbm>>, %arg5: memref<320x128xf32, #tpu.memory_space<hbm>>, %arg6: memref<2x5120x128xf32, #tpu.memory_space<hbm>>, %arg7: memref<136x80xi32, #tpu.memory_space<vmem>>, %arg8: memref<136x80xi32, #tpu.memory_space<vmem>>, %arg9: memref<80x128xf32, #tpu.memory_space<vmem>>, %arg10: memref<80x128xf32, #tpu.memory_space<vmem>>, %arg11: memref<80x128xf32, #tpu.memory_space<vmem>>, %arg12: memref<5120x128xf32, #tpu.memory_space<vmem_shared>>, %arg13: memref<!tpu.dma_semaphore, #tpu.memory_space<semaphore_mem>>, %arg14: memref<!tpu.dma_semaphore, #tpu.memory_space<semaphore_mem>>, %arg15: memref<!tpu.dma_semaphore, #tpu.memory_space<semaphore_mem>>, %arg16: memref<!tpu.dma_semaphore, #tpu.memory_space<semaphore_mem>>, %arg17: memref<!tpu.dma_semaphore, #tpu.memory_space<semaphore_mem>>, %arg18: memref<!tpu.dma_semaphore, #tpu.memory_space<semaphore_mem>>) attributes {dimension_semantics = [#tpu.dimension_semantics<core_parallel>, #tpu.dimension_semantics<subcore_parallel>], iteration_bounds = array<i64: 2, 16>, scalar_prefetch = 0 : i64, scratch_operands = 12 : i64, tpu.core_type = #tpu.core_type<sc_vector_subcore>, window_params = [{transform_indices = #map}, {transform_indices = #map1}, {transform_indices = #map1}, {transform_indices = #map}, {transform_indices = #map2}]} {
    %mul3A = arith.constant 320 : i32
    %mul3A_0 = arith.muli %arg1, %mul3A : i32
    %mul3A_1 = arith.constant 2 : i32
    %mul3A_2 = arith.muli %mul3A_1, %arg1 : i32
    "tpu.region"() ({
      %run_scoped3A = tpu.sem_alloc : memref<!tpu.dma_semaphore, #tpu.memory_space<semaphore_mem>>
      %dma_start3A_211 = arith.constant 0 : i32
      %dma_start3A_212 = arith.constant 0 : i32
      %dma_start3A_213 = tpu.memref_slice %arg7[%dma_start3A_211, %dma_start3A_212] : memref<136x80xi32, #tpu.memory_space<vmem>> -> memref<68x80xi32, #tpu.memory_space<vmem>>
      %dma_start3A_214 = arith.constant 0 : i32
      %dma_start3A_215 = arith.constant 0 : i32
      %dma_start3A_216 = tpu.memref_slice %arg3[%mul3A_2, %arg0, %dma_start3A_214, %dma_start3A_215] : memref<32x2x68x80xi32, #tpu.memory_space<hbm>> -> memref<1x1x68x80xi32, #tpu.memory_space<hbm>>
      %dma_start3A_217 = tpu.memref_squeeze %dma_start3A_216 : memref<1x1x68x80xi32, #tpu.memory_space<hbm>> -> memref<68x80xi32, #tpu.memory_space<hbm>>
      %dma_start3A_218 = arith.constant 0 : i32
      %dma_start3A_219 = arith.constant 0 : i32
      %dma_start3A_220 = tpu.memref_slice %arg7[%dma_start3A_218, %dma_start3A_219] : memref<136x80xi32, #tpu.memory_space<vmem>> -> memref<68x80xi32, #tpu.memory_space<vmem>>
      %dma_start3A_221 = arith.constant 0 : i32
      %dma_start3A_222 = arith.constant 0 : i32
      %dma_start3A_223 = tpu.memref_slice %arg3[%mul3A_2, %arg0, %dma_start3A_221, %dma_start3A_222] : memref<32x2x68x80xi32, #tpu.memory_space<hbm>> -> memref<1x1x68x80xi32, #tpu.memory_space<hbm>>
      %dma_start3A_224 = tpu.memref_squeeze %dma_start3A_223 : memref<1x1x68x80xi32, #tpu.memory_space<hbm>> -> memref<68x80xi32, #tpu.memory_space<hbm>>
      tpu.enqueue_dma source(%dma_start3A_224 : memref<68x80xi32, #tpu.memory_space<hbm>>) target(%dma_start3A_220 : memref<68x80xi32, #tpu.memory_space<vmem>>) target_semaphore(%run_scoped3A : memref<!tpu.dma_semaphore, #tpu.memory_space<semaphore_mem>>)
      %dma_wait3A_225 = arith.constant 0 : i32
      %dma_wait3A_226 = arith.constant 0 : i32
      %dma_wait3A_227 = tpu.memref_slice %arg7[%dma_wait3A_225, %dma_wait3A_226] : memref<136x80xi32, #tpu.memory_space<vmem>> -> memref<68x80xi32, #tpu.memory_space<vmem>>
      %dma_wait3A_228 = arith.constant 0 : i32
      %dma_wait3A_229 = arith.constant 0 : i32
      %dma_wait3A_230 = tpu.memref_slice %arg3[%mul3A_2, %arg0, %dma_wait3A_228, %dma_wait3A_229] : memref<32x2x68x80xi32, #tpu.memory_space<hbm>> -> memref<1x1x68x80xi32, #tpu.memory_space<hbm>>
      %dma_wait3A_231 = tpu.memref_squeeze %dma_wait3A_230 : memref<1x1x68x80xi32, #tpu.memory_space<hbm>> -> memref<68x80xi32, #tpu.memory_space<hbm>>
      %dma_wait3A_232 = arith.constant 0 : i32
      %dma_wait3A_233 = arith.constant 0 : i32
      %dma_wait3A_234 = tpu.memref_slice %arg7[%dma_wait3A_232, %dma_wait3A_233] : memref<136x80xi32, #tpu.memory_space<vmem>> -> memref<68x80xi32, #tpu.memory_space<vmem>>
      %dma_wait3A_235 = arith.constant 0 : i32
      %dma_wait3A_236 = arith.constant 0 : i32
      %dma_wait3A_237 = tpu.memref_slice %arg3[%mul3A_2, %arg0, %dma_wait3A_235, %dma_wait3A_236] : memref<32x2x68x80xi32, #tpu.memory_space<hbm>> -> memref<1x1x68x80xi32, #tpu.memory_space<hbm>>
      %dma_wait3A_238 = tpu.memref_squeeze %dma_wait3A_237 : memref<1x1x68x80xi32, #tpu.memory_space<hbm>> -> memref<68x80xi32, #tpu.memory_space<hbm>>
      tpu.wait_dma2 semaphore(%run_scoped3A : memref<!tpu.dma_semaphore, #tpu.memory_space<semaphore_mem>>) src(%dma_wait3A_238 : memref<68x80xi32, #tpu.memory_space<hbm>>) dst(%dma_wait3A_234 : memref<68x80xi32, #tpu.memory_space<vmem>>)
      tpu.yield
    }) : () -> ()
    %mul3A_3 = arith.constant 2 : i32
    %mul3A_4 = arith.muli %mul3A_3, %arg1 : i32
    %add3A = arith.constant 1 : i32
    %add3A_5 = arith.addi %mul3A_4, %add3A : i32
    "tpu.region"() ({
      %run_scoped3A = tpu.sem_alloc : memref<!tpu.dma_semaphore, #tpu.memory_space<semaphore_mem>>
      %dma_start3A_211 = arith.constant 68 : i32
      %dma_start3A_212 = arith.constant 0 : i32
      %dma_start3A_213 = tpu.memref_slice %arg7[%dma_start3A_211, %dma_start3A_212] : memref<136x80xi32, #tpu.memory_space<vmem>> -> memref<68x80xi32, #tpu.memory_space<vmem>>
      %dma_start3A_214 = arith.constant 0 : i32
      %dma_start3A_215 = arith.constant 0 : i32
      %dma_start3A_216 = tpu.memref_slice %arg3[%add3A_5, %arg0, %dma_start3A_214, %dma_start3A_215] : memref<32x2x68x80xi32, #tpu.memory_space<hbm>> -> memref<1x1x68x80xi32, #tpu.memory_space<hbm>>
      %dma_start3A_217 = tpu.memref_squeeze %dma_start3A_216 : memref<1x1x68x80xi32, #tpu.memory_space<hbm>> -> memref<68x80xi32, #tpu.memory_space<hbm>>
      %dma_start3A_218 = arith.constant 68 : i32
      %dma_start3A_219 = arith.constant 0 : i32
      %dma_start3A_220 = tpu.memref_slice %arg7[%dma_start3A_218, %dma_start3A_219] : memref<136x80xi32, #tpu.memory_space<vmem>> -> memref<68x80xi32, #tpu.memory_space<vmem>>
      %dma_start3A_221 = arith.constant 0 : i32
      %dma_start3A_222 = arith.constant 0 : i32
      %dma_start3A_223 = tpu.memref_slice %arg3[%add3A_5, %arg0, %dma_start3A_221, %dma_start3A_222] : memref<32x2x68x80xi32, #tpu.memory_space<hbm>> -> memref<1x1x68x80xi32, #tpu.memory_space<hbm>>
      %dma_start3A_224 = tpu.memref_squeeze %dma_start3A_223 : memref<1x1x68x80xi32, #tpu.memory_space<hbm>> -> memref<68x80xi32, #tpu.memory_space<hbm>>
      tpu.enqueue_dma source(%dma_start3A_224 : memref<68x80xi32, #tpu.memory_space<hbm>>) target(%dma_start3A_220 : memref<68x80xi32, #tpu.memory_space<vmem>>) target_semaphore(%run_scoped3A : memref<!tpu.dma_semaphore, #tpu.memory_space<semaphore_mem>>)
      %dma_wait3A_225 = arith.constant 68 : i32
      %dma_wait3A_226 = arith.constant 0 : i32
      %dma_wait3A_227 = tpu.memref_slice %arg7[%dma_wait3A_225, %dma_wait3A_226] : memref<136x80xi32, #tpu.memory_space<vmem>> -> memref<68x80xi32, #tpu.memory_space<vmem>>
      %dma_wait3A_228 = arith.constant 0 : i32
      %dma_wait3A_229 = arith.constant 0 : i32
      %dma_wait3A_230 = tpu.memref_slice %arg3[%add3A_5, %arg0, %dma_wait3A_228, %dma_wait3A_229] : memref<32x2x68x80xi32, #tpu.memory_space<hbm>> -> memref<1x1x68x80xi32, #tpu.memory_space<hbm>>
      %dma_wait3A_231 = tpu.memref_squeeze %dma_wait3A_230 : memref<1x1x68x80xi32, #tpu.memory_space<hbm>> -> memref<68x80xi32, #tpu.memory_space<hbm>>
      %dma_wait3A_232 = arith.constant 68 : i32
      %dma_wait3A_233 = arith.constant 0 : i32
      %dma_wait3A_234 = tpu.memref_slice %arg7[%dma_wait3A_232, %dma_wait3A_233] : memref<136x80xi32, #tpu.memory_space<vmem>> -> memref<68x80xi32, #tpu.memory_space<vmem>>
      %dma_wait3A_235 = arith.constant 0 : i32
      %dma_wait3A_236 = arith.constant 0 : i32
      %dma_wait3A_237 = tpu.memref_slice %arg3[%add3A_5, %arg0, %dma_wait3A_235, %dma_wait3A_236] : memref<32x2x68x80xi32, #tpu.memory_space<hbm>> -> memref<1x1x68x80xi32, #tpu.memory_space<hbm>>
      %dma_wait3A_238 = tpu.memref_squeeze %dma_wait3A_237 : memref<1x1x68x80xi32, #tpu.memory_space<hbm>> -> memref<68x80xi32, #tpu.memory_space<hbm>>
      tpu.wait_dma2 semaphore(%run_scoped3A : memref<!tpu.dma_semaphore, #tpu.memory_space<semaphore_mem>>) src(%dma_wait3A_238 : memref<68x80xi32, #tpu.memory_space<hbm>>) dst(%dma_wait3A_234 : memref<68x80xi32, #tpu.memory_space<vmem>>)
      tpu.yield
    }) : () -> ()
    %mul3A_6 = arith.constant 2 : i32
    %mul3A_7 = arith.muli %mul3A_6, %arg1 : i32
    "tpu.region"() ({
      %run_scoped3A = tpu.sem_alloc : memref<!tpu.dma_semaphore, #tpu.memory_space<semaphore_mem>>
      %dma_start3A_211 = arith.constant 0 : i32
      %dma_start3A_212 = arith.constant 0 : i32
      %dma_start3A_213 = tpu.memref_slice %arg8[%dma_start3A_211, %dma_start3A_212] : memref<136x80xi32, #tpu.memory_space<vmem>> -> memref<68x80xi32, #tpu.memory_space<vmem>>
      %dma_start3A_214 = arith.constant 0 : i32
      %dma_start3A_215 = arith.constant 0 : i32
      %dma_start3A_216 = tpu.memref_slice %arg4[%mul3A_7, %arg0, %dma_start3A_214, %dma_start3A_215] : memref<32x2x68x80xi32, #tpu.memory_space<hbm>> -> memref<1x1x68x80xi32, #tpu.memory_space<hbm>>
      %dma_start3A_217 = tpu.memref_squeeze %dma_start3A_216 : memref<1x1x68x80xi32, #tpu.memory_space<hbm>> -> memref<68x80xi32, #tpu.memory_space<hbm>>
      %dma_start3A_218 = arith.constant 0 : i32
      %dma_start3A_219 = arith.constant 0 : i32
      %dma_start3A_220 = tpu.memref_slice %arg8[%dma_start3A_218, %dma_start3A_219] : memref<136x80xi32, #tpu.memory_space<vmem>> -> memref<68x80xi32, #tpu.memory_space<vmem>>
      %dma_start3A_221 = arith.constant 0 : i32
      %dma_start3A_222 = arith.constant 0 : i32
      %dma_start3A_223 = tpu.memref_slice %arg4[%mul3A_7, %arg0, %dma_start3A_221, %dma_start3A_222] : memref<32x2x68x80xi32, #tpu.memory_space<hbm>> -> memref<1x1x68x80xi32, #tpu.memory_space<hbm>>
      %dma_start3A_224 = tpu.memref_squeeze %dma_start3A_223 : memref<1x1x68x80xi32, #tpu.memory_space<hbm>> -> memref<68x80xi32, #tpu.memory_space<hbm>>
      tpu.enqueue_dma source(%dma_start3A_224 : memref<68x80xi32, #tpu.memory_space<hbm>>) target(%dma_start3A_220 : memref<68x80xi32, #tpu.memory_space<vmem>>) target_semaphore(%run_scoped3A : memref<!tpu.dma_semaphore, #tpu.memory_space<semaphore_mem>>)
      %dma_wait3A_225 = arith.constant 0 : i32
      %dma_wait3A_226 = arith.constant 0 : i32
      %dma_wait3A_227 = tpu.memref_slice %arg8[%dma_wait3A_225, %dma_wait3A_226] : memref<136x80xi32, #tpu.memory_space<vmem>> -> memref<68x80xi32, #tpu.memory_space<vmem>>
      %dma_wait3A_228 = arith.constant 0 : i32
      %dma_wait3A_229 = arith.constant 0 : i32
      %dma_wait3A_230 = tpu.memref_slice %arg4[%mul3A_7, %arg0, %dma_wait3A_228, %dma_wait3A_229] : memref<32x2x68x80xi32, #tpu.memory_space<hbm>> -> memref<1x1x68x80xi32, #tpu.memory_space<hbm>>
      %dma_wait3A_231 = tpu.memref_squeeze %dma_wait3A_230 : memref<1x1x68x80xi32, #tpu.memory_space<hbm>> -> memref<68x80xi32, #tpu.memory_space<hbm>>
      %dma_wait3A_232 = arith.constant 0 : i32
      %dma_wait3A_233 = arith.constant 0 : i32
      %dma_wait3A_234 = tpu.memref_slice %arg8[%dma_wait3A_232, %dma_wait3A_233] : memref<136x80xi32, #tpu.memory_space<vmem>> -> memref<68x80xi32, #tpu.memory_space<vmem>>
      %dma_wait3A_235 = arith.constant 0 : i32
      %dma_wait3A_236 = arith.constant 0 : i32
      %dma_wait3A_237 = tpu.memref_slice %arg4[%mul3A_7, %arg0, %dma_wait3A_235, %dma_wait3A_236] : memref<32x2x68x80xi32, #tpu.memory_space<hbm>> -> memref<1x1x68x80xi32, #tpu.memory_space<hbm>>
      %dma_wait3A_238 = tpu.memref_squeeze %dma_wait3A_237 : memref<1x1x68x80xi32, #tpu.memory_space<hbm>> -> memref<68x80xi32, #tpu.memory_space<hbm>>
      tpu.wait_dma2 semaphore(%run_scoped3A : memref<!tpu.dma_semaphore, #tpu.memory_space<semaphore_mem>>) src(%dma_wait3A_238 : memref<68x80xi32, #tpu.memory_space<hbm>>) dst(%dma_wait3A_234 : memref<68x80xi32, #tpu.memory_space<vmem>>)
      tpu.yield
    }) : () -> ()
    %mul3A_8 = arith.constant 2 : i32
    %mul3A_9 = arith.muli %mul3A_8, %arg1 : i32
    %add3A_10 = arith.constant 1 : i32
    %add3A_11 = arith.addi %mul3A_9, %add3A_10 : i32
    "tpu.region"() ({
      %run_scoped3A = tpu.sem_alloc : memref<!tpu.dma_semaphore, #tpu.memory_space<semaphore_mem>>
      %dma_start3A_211 = arith.constant 68 : i32
      %dma_start3A_212 = arith.constant 0 : i32
      %dma_start3A_213 = tpu.memref_slice %arg8[%dma_start3A_211, %dma_start3A_212] : memref<136x80xi32, #tpu.memory_space<vmem>> -> memref<68x80xi32, #tpu.memory_space<vmem>>
      %dma_start3A_214 = arith.constant 0 : i32
      %dma_start3A_215 = arith.constant 0 : i32
      %dma_start3A_216 = tpu.memref_slice %arg4[%add3A_11, %arg0, %dma_start3A_214, %dma_start3A_215] : memref<32x2x68x80xi32, #tpu.memory_space<hbm>> -> memref<1x1x68x80xi32, #tpu.memory_space<hbm>>
      %dma_start3A_217 = tpu.memref_squeeze %dma_start3A_216 : memref<1x1x68x80xi32, #tpu.memory_space<hbm>> -> memref<68x80xi32, #tpu.memory_space<hbm>>
      %dma_start3A_218 = arith.constant 68 : i32
      %dma_start3A_219 = arith.constant 0 : i32
      %dma_start3A_220 = tpu.memref_slice %arg8[%dma_start3A_218, %dma_start3A_219] : memref<136x80xi32, #tpu.memory_space<vmem>> -> memref<68x80xi32, #tpu.memory_space<vmem>>
      %dma_start3A_221 = arith.constant 0 : i32
      %dma_start3A_222 = arith.constant 0 : i32
      %dma_start3A_223 = tpu.memref_slice %arg4[%add3A_11, %arg0, %dma_start3A_221, %dma_start3A_222] : memref<32x2x68x80xi32, #tpu.memory_space<hbm>> -> memref<1x1x68x80xi32, #tpu.memory_space<hbm>>
      %dma_start3A_224 = tpu.memref_squeeze %dma_start3A_223 : memref<1x1x68x80xi32, #tpu.memory_space<hbm>> -> memref<68x80xi32, #tpu.memory_space<hbm>>
      tpu.enqueue_dma source(%dma_start3A_224 : memref<68x80xi32, #tpu.memory_space<hbm>>) target(%dma_start3A_220 : memref<68x80xi32, #tpu.memory_space<vmem>>) target_semaphore(%run_scoped3A : memref<!tpu.dma_semaphore, #tpu.memory_space<semaphore_mem>>)
      %dma_wait3A_225 = arith.constant 68 : i32
      %dma_wait3A_226 = arith.constant 0 : i32
      %dma_wait3A_227 = tpu.memref_slice %arg8[%dma_wait3A_225, %dma_wait3A_226] : memref<136x80xi32, #tpu.memory_space<vmem>> -> memref<68x80xi32, #tpu.memory_space<vmem>>
      %dma_wait3A_228 = arith.constant 0 : i32
      %dma_wait3A_229 = arith.constant 0 : i32
      %dma_wait3A_230 = tpu.memref_slice %arg4[%add3A_11, %arg0, %dma_wait3A_228, %dma_wait3A_229] : memref<32x2x68x80xi32, #tpu.memory_space<hbm>> -> memref<1x1x68x80xi32, #tpu.memory_space<hbm>>
      %dma_wait3A_231 = tpu.memref_squeeze %dma_wait3A_230 : memref<1x1x68x80xi32, #tpu.memory_space<hbm>> -> memref<68x80xi32, #tpu.memory_space<hbm>>
      %dma_wait3A_232 = arith.constant 68 : i32
      %dma_wait3A_233 = arith.constant 0 : i32
      %dma_wait3A_234 = tpu.memref_slice %arg8[%dma_wait3A_232, %dma_wait3A_233] : memref<136x80xi32, #tpu.memory_space<vmem>> -> memref<68x80xi32, #tpu.memory_space<vmem>>
      %dma_wait3A_235 = arith.constant 0 : i32
      %dma_wait3A_236 = arith.constant 0 : i32
      %dma_wait3A_237 = tpu.memref_slice %arg4[%add3A_11, %arg0, %dma_wait3A_235, %dma_wait3A_236] : memref<32x2x68x80xi32, #tpu.memory_space<hbm>> -> memref<1x1x68x80xi32, #tpu.memory_space<hbm>>
      %dma_wait3A_238 = tpu.memref_squeeze %dma_wait3A_237 : memref<1x1x68x80xi32, #tpu.memory_space<hbm>> -> memref<68x80xi32, #tpu.memory_space<hbm>>
      tpu.wait_dma2 semaphore(%run_scoped3A : memref<!tpu.dma_semaphore, #tpu.memory_space<semaphore_mem>>) src(%dma_wait3A_238 : memref<68x80xi32, #tpu.memory_space<hbm>>) dst(%dma_wait3A_234 : memref<68x80xi32, #tpu.memory_space<vmem>>)
      tpu.yield
    }) : () -> ()
    %dma_start3A = arith.constant 0 : i32
    %dma_start3A_12 = arith.constant 0 : i32
    %dma_start3A_13 = tpu.memref_slice %arg7[%dma_start3A, %dma_start3A_12] : memref<136x80xi32, #tpu.memory_space<vmem>> -> memref<1x80xi32, #tpu.memory_space<vmem>>
    %dma_start3A_14 = tpu.memref_squeeze %dma_start3A_13 : memref<1x80xi32, #tpu.memory_space<vmem>> -> memref<80xi32, #tpu.memory_space<vmem>>
    %dma_start3A_15 = arith.constant 0 : i32
    %dma_start3A_16 = arith.constant 0 : i32
    %dma_start3A_17 = tpu.memref_slice %arg2[%dma_start3A_15, %dma_start3A_16] : memref<10000x128xf32, #tpu.memory_space<hbm>> -> memref<10000x128xf32, #tpu.memory_space<hbm>>
    tpu.enqueue_indirect_dma source(%dma_start3A_17 : memref<10000x128xf32, #tpu.memory_space<hbm>>) target(%arg9 : memref<80x128xf32, #tpu.memory_space<vmem>>) offsets(%dma_start3A_14 : memref<80xi32, #tpu.memory_space<vmem>>) semaphore(%arg13 : memref<!tpu.dma_semaphore, #tpu.memory_space<semaphore_mem>>)
    %dma_start3A_18 = arith.constant 1 : i32
    %dma_start3A_19 = arith.constant 0 : i32
    %dma_start3A_20 = tpu.memref_slice %arg7[%dma_start3A_18, %dma_start3A_19] : memref<136x80xi32, #tpu.memory_space<vmem>> -> memref<1x80xi32, #tpu.memory_space<vmem>>
    %dma_start3A_21 = tpu.memref_squeeze %dma_start3A_20 : memref<1x80xi32, #tpu.memory_space<vmem>> -> memref<80xi32, #tpu.memory_space<vmem>>
    %dma_start3A_22 = arith.constant 0 : i32
    %dma_start3A_23 = arith.constant 0 : i32
    %dma_start3A_24 = tpu.memref_slice %arg2[%dma_start3A_22, %dma_start3A_23] : memref<10000x128xf32, #tpu.memory_space<hbm>> -> memref<10000x128xf32, #tpu.memory_space<hbm>>
    tpu.enqueue_indirect_dma source(%dma_start3A_24 : memref<10000x128xf32, #tpu.memory_space<hbm>>) target(%arg10 : memref<80x128xf32, #tpu.memory_space<vmem>>) offsets(%dma_start3A_21 : memref<80xi32, #tpu.memory_space<vmem>>) semaphore(%arg14 : memref<!tpu.dma_semaphore, #tpu.memory_space<semaphore_mem>>)
    "tpu.region"() ({
      %run_scoped3A = tpu.sem_alloc : memref<!tpu.dma_semaphore, #tpu.memory_space<semaphore_mem>>
      %dma_start3A_211 = arith.constant 0 : i32
      %dma_start3A_212 = tpu.memref_slice %arg12[%mul3A_0, %dma_start3A_211] : memref<5120x128xf32, #tpu.memory_space<vmem_shared>> -> memref<320x128xf32, #tpu.memory_space<vmem_shared>>
      tpu.enqueue_dma source(%arg5 : memref<320x128xf32, #tpu.memory_space<hbm>>) target(%dma_start3A_212 : memref<320x128xf32, #tpu.memory_space<vmem_shared>>) target_semaphore(%run_scoped3A : memref<!tpu.dma_semaphore, #tpu.memory_space<semaphore_mem>>)
      %dma_wait3A_213 = arith.constant 0 : i32
      %dma_wait3A_214 = tpu.memref_slice %arg12[%mul3A_0, %dma_wait3A_213] : memref<5120x128xf32, #tpu.memory_space<vmem_shared>> -> memref<320x128xf32, #tpu.memory_space<vmem_shared>>
      tpu.wait_dma2 semaphore(%run_scoped3A : memref<!tpu.dma_semaphore, #tpu.memory_space<semaphore_mem>>) src(%arg5 : memref<320x128xf32, #tpu.memory_space<hbm>>) dst(%dma_wait3A_214 : memref<320x128xf32, #tpu.memory_space<vmem_shared>>)
      tpu.yield
    }) : () -> ()
    %barrier3A = arith.constant 0 : index
    tpu.barrier barrier_id(%barrier3A)
    %dma_wait3A = arith.constant 0 : i32
    %dma_wait3A_25 = arith.constant 0 : i32
    %dma_wait3A_26 = tpu.memref_slice %arg7[%dma_wait3A, %dma_wait3A_25] : memref<136x80xi32, #tpu.memory_space<vmem>> -> memref<1x80xi32, #tpu.memory_space<vmem>>
    %dma_wait3A_27 = tpu.memref_squeeze %dma_wait3A_26 : memref<1x80xi32, #tpu.memory_space<vmem>> -> memref<80xi32, #tpu.memory_space<vmem>>
    %dma_wait3A_28 = arith.constant 0 : i32
    %dma_wait3A_29 = arith.constant 0 : i32
    %dma_wait3A_30 = tpu.memref_slice %arg2[%dma_wait3A_28, %dma_wait3A_29] : memref<10000x128xf32, #tpu.memory_space<hbm>> -> memref<10000x128xf32, #tpu.memory_space<hbm>>
    tpu.wait_indirect_dma semaphore(%arg13 : memref<!tpu.dma_semaphore, #tpu.memory_space<semaphore_mem>>) src(%dma_wait3A_30 : memref<10000x128xf32, #tpu.memory_space<hbm>>) dst(%arg9 : memref<80x128xf32, #tpu.memory_space<vmem>>)
    %dma_start3A_31 = arith.constant 0 : i32
    %dma_start3A_32 = arith.constant 0 : i32
    %dma_start3A_33 = tpu.memref_slice %arg8[%dma_start3A_31, %dma_start3A_32] : memref<136x80xi32, #tpu.memory_space<vmem>> -> memref<1x80xi32, #tpu.memory_space<vmem>>
    %dma_start3A_34 = tpu.memref_squeeze %dma_start3A_33 : memref<1x80xi32, #tpu.memory_space<vmem>> -> memref<80xi32, #tpu.memory_space<vmem>>
    %dma_start3A_35 = arith.constant 0 : i32
    %dma_start3A_36 = arith.constant 0 : i32
    %dma_start3A_37 = tpu.memref_slice %arg12[%dma_start3A_35, %dma_start3A_36] : memref<5120x128xf32, #tpu.memory_space<vmem_shared>> -> memref<5120x128xf32, #tpu.memory_space<vmem_shared>>
    tpu.enqueue_indirect_dma source(%arg9 : memref<80x128xf32, #tpu.memory_space<vmem>>) target(%dma_start3A_37 : memref<5120x128xf32, #tpu.memory_space<vmem_shared>>) offsets(%dma_start3A_34 : memref<80xi32, #tpu.memory_space<vmem>>) semaphore(%arg16 : memref<!tpu.dma_semaphore, #tpu.memory_space<semaphore_mem>>) {add = true}
    %dma_start3A_38 = arith.constant 2 : i32
    %dma_start3A_39 = arith.constant 0 : i32
    %dma_start3A_40 = tpu.memref_slice %arg7[%dma_start3A_38, %dma_start3A_39] : memref<136x80xi32, #tpu.memory_space<vmem>> -> memref<1x80xi32, #tpu.memory_space<vmem>>
    %dma_start3A_41 = tpu.memref_squeeze %dma_start3A_40 : memref<1x80xi32, #tpu.memory_space<vmem>> -> memref<80xi32, #tpu.memory_space<vmem>>
    %dma_start3A_42 = arith.constant 0 : i32
    %dma_start3A_43 = arith.constant 0 : i32
    %dma_start3A_44 = tpu.memref_slice %arg2[%dma_start3A_42, %dma_start3A_43] : memref<10000x128xf32, #tpu.memory_space<hbm>> -> memref<10000x128xf32, #tpu.memory_space<hbm>>
    tpu.enqueue_indirect_dma source(%dma_start3A_44 : memref<10000x128xf32, #tpu.memory_space<hbm>>) target(%arg11 : memref<80x128xf32, #tpu.memory_space<vmem>>) offsets(%dma_start3A_41 : memref<80xi32, #tpu.memory_space<vmem>>) semaphore(%arg15 : memref<!tpu.dma_semaphore, #tpu.memory_space<semaphore_mem>>)
    %dma_wait3A_45 = arith.constant 1 : i32
    %dma_wait3A_46 = arith.constant 0 : i32
    %dma_wait3A_47 = tpu.memref_slice %arg7[%dma_wait3A_45, %dma_wait3A_46] : memref<136x80xi32, #tpu.memory_space<vmem>> -> memref<1x80xi32, #tpu.memory_space<vmem>>
    %dma_wait3A_48 = tpu.memref_squeeze %dma_wait3A_47 : memref<1x80xi32, #tpu.memory_space<vmem>> -> memref<80xi32, #tpu.memory_space<vmem>>
    %dma_wait3A_49 = arith.constant 0 : i32
    %dma_wait3A_50 = arith.constant 0 : i32
    %dma_wait3A_51 = tpu.memref_slice %arg2[%dma_wait3A_49, %dma_wait3A_50] : memref<10000x128xf32, #tpu.memory_space<hbm>> -> memref<10000x128xf32, #tpu.memory_space<hbm>>
    tpu.wait_indirect_dma semaphore(%arg14 : memref<!tpu.dma_semaphore, #tpu.memory_space<semaphore_mem>>) src(%dma_wait3A_51 : memref<10000x128xf32, #tpu.memory_space<hbm>>) dst(%arg10 : memref<80x128xf32, #tpu.memory_space<vmem>>)
    %dma_start3A_52 = arith.constant 1 : i32
    %dma_start3A_53 = arith.constant 0 : i32
    %dma_start3A_54 = tpu.memref_slice %arg8[%dma_start3A_52, %dma_start3A_53] : memref<136x80xi32, #tpu.memory_space<vmem>> -> memref<1x80xi32, #tpu.memory_space<vmem>>
    %dma_start3A_55 = tpu.memref_squeeze %dma_start3A_54 : memref<1x80xi32, #tpu.memory_space<vmem>> -> memref<80xi32, #tpu.memory_space<vmem>>
    %dma_start3A_56 = arith.constant 0 : i32
    %dma_start3A_57 = arith.constant 0 : i32
    %dma_start3A_58 = tpu.memref_slice %arg12[%dma_start3A_56, %dma_start3A_57] : memref<5120x128xf32, #tpu.memory_space<vmem_shared>> -> memref<5120x128xf32, #tpu.memory_space<vmem_shared>>
    tpu.enqueue_indirect_dma source(%arg10 : memref<80x128xf32, #tpu.memory_space<vmem>>) target(%dma_start3A_58 : memref<5120x128xf32, #tpu.memory_space<vmem_shared>>) offsets(%dma_start3A_55 : memref<80xi32, #tpu.memory_space<vmem>>) semaphore(%arg17 : memref<!tpu.dma_semaphore, #tpu.memory_space<semaphore_mem>>) {add = true}
    %dma_wait3A_59 = arith.constant 0 : i32
    %dma_wait3A_60 = arith.constant 0 : i32
    %dma_wait3A_61 = tpu.memref_slice %arg8[%dma_wait3A_59, %dma_wait3A_60] : memref<136x80xi32, #tpu.memory_space<vmem>> -> memref<1x80xi32, #tpu.memory_space<vmem>>
    %dma_wait3A_62 = tpu.memref_squeeze %dma_wait3A_61 : memref<1x80xi32, #tpu.memory_space<vmem>> -> memref<80xi32, #tpu.memory_space<vmem>>
    %dma_wait3A_63 = arith.constant 0 : i32
    %dma_wait3A_64 = arith.constant 0 : i32
    %dma_wait3A_65 = tpu.memref_slice %arg12[%dma_wait3A_63, %dma_wait3A_64] : memref<5120x128xf32, #tpu.memory_space<vmem_shared>> -> memref<5120x128xf32, #tpu.memory_space<vmem_shared>>
    tpu.wait_indirect_dma semaphore(%arg16 : memref<!tpu.dma_semaphore, #tpu.memory_space<semaphore_mem>>) src(%arg9 : memref<80x128xf32, #tpu.memory_space<vmem>>) dst(%dma_wait3A_65 : memref<5120x128xf32, #tpu.memory_space<vmem_shared>>)
    %dma_start3A_66 = arith.constant 3 : i32
    %dma_start3A_67 = arith.constant 0 : i32
    %dma_start3A_68 = tpu.memref_slice %arg7[%dma_start3A_66, %dma_start3A_67] : memref<136x80xi32, #tpu.memory_space<vmem>> -> memref<1x80xi32, #tpu.memory_space<vmem>>
    %dma_start3A_69 = tpu.memref_squeeze %dma_start3A_68 : memref<1x80xi32, #tpu.memory_space<vmem>> -> memref<80xi32, #tpu.memory_space<vmem>>
    %dma_start3A_70 = arith.constant 0 : i32
    %dma_start3A_71 = arith.constant 0 : i32
    %dma_start3A_72 = tpu.memref_slice %arg2[%dma_start3A_70, %dma_start3A_71] : memref<10000x128xf32, #tpu.memory_space<hbm>> -> memref<10000x128xf32, #tpu.memory_space<hbm>>
    tpu.enqueue_indirect_dma source(%dma_start3A_72 : memref<10000x128xf32, #tpu.memory_space<hbm>>) target(%arg9 : memref<80x128xf32, #tpu.memory_space<vmem>>) offsets(%dma_start3A_69 : memref<80xi32, #tpu.memory_space<vmem>>) semaphore(%arg13 : memref<!tpu.dma_semaphore, #tpu.memory_space<semaphore_mem>>)
    %dma_wait3A_73 = arith.constant 2 : i32
    %dma_wait3A_74 = arith.constant 0 : i32
    %dma_wait3A_75 = tpu.memref_slice %arg7[%dma_wait3A_73, %dma_wait3A_74] : memref<136x80xi32, #tpu.memory_space<vmem>> -> memref<1x80xi32, #tpu.memory_space<vmem>>
    %dma_wait3A_76 = tpu.memref_squeeze %dma_wait3A_75 : memref<1x80xi32, #tpu.memory_space<vmem>> -> memref<80xi32, #tpu.memory_space<vmem>>
    %dma_wait3A_77 = arith.constant 0 : i32
    %dma_wait3A_78 = arith.constant 0 : i32
    %dma_wait3A_79 = tpu.memref_slice %arg2[%dma_wait3A_77, %dma_wait3A_78] : memref<10000x128xf32, #tpu.memory_space<hbm>> -> memref<10000x128xf32, #tpu.memory_space<hbm>>
    tpu.wait_indirect_dma semaphore(%arg15 : memref<!tpu.dma_semaphore, #tpu.memory_space<semaphore_mem>>) src(%dma_wait3A_79 : memref<10000x128xf32, #tpu.memory_space<hbm>>) dst(%arg11 : memref<80x128xf32, #tpu.memory_space<vmem>>)
    %dma_start3A_80 = arith.constant 2 : i32
    %dma_start3A_81 = arith.constant 0 : i32
    %dma_start3A_82 = tpu.memref_slice %arg8[%dma_start3A_80, %dma_start3A_81] : memref<136x80xi32, #tpu.memory_space<vmem>> -> memref<1x80xi32, #tpu.memory_space<vmem>>
    %dma_start3A_83 = tpu.memref_squeeze %dma_start3A_82 : memref<1x80xi32, #tpu.memory_space<vmem>> -> memref<80xi32, #tpu.memory_space<vmem>>
    %dma_start3A_84 = arith.constant 0 : i32
    %dma_start3A_85 = arith.constant 0 : i32
    %dma_start3A_86 = tpu.memref_slice %arg12[%dma_start3A_84, %dma_start3A_85] : memref<5120x128xf32, #tpu.memory_space<vmem_shared>> -> memref<5120x128xf32, #tpu.memory_space<vmem_shared>>
    tpu.enqueue_indirect_dma source(%arg11 : memref<80x128xf32, #tpu.memory_space<vmem>>) target(%dma_start3A_86 : memref<5120x128xf32, #tpu.memory_space<vmem_shared>>) offsets(%dma_start3A_83 : memref<80xi32, #tpu.memory_space<vmem>>) semaphore(%arg18 : memref<!tpu.dma_semaphore, #tpu.memory_space<semaphore_mem>>) {add = true}
    %dma_wait3A_87 = arith.constant 1 : i32
    %dma_wait3A_88 = arith.constant 0 : i32
    %dma_wait3A_89 = tpu.memref_slice %arg8[%dma_wait3A_87, %dma_wait3A_88] : memref<136x80xi32, #tpu.memory_space<vmem>> -> memref<1x80xi32, #tpu.memory_space<vmem>>
    %dma_wait3A_90 = tpu.memref_squeeze %dma_wait3A_89 : memref<1x80xi32, #tpu.memory_space<vmem>> -> memref<80xi32, #tpu.memory_space<vmem>>
    %dma_wait3A_91 = arith.constant 0 : i32
    %dma_wait3A_92 = arith.constant 0 : i32
    %dma_wait3A_93 = tpu.memref_slice %arg12[%dma_wait3A_91, %dma_wait3A_92] : memref<5120x128xf32, #tpu.memory_space<vmem_shared>> -> memref<5120x128xf32, #tpu.memory_space<vmem_shared>>
    tpu.wait_indirect_dma semaphore(%arg17 : memref<!tpu.dma_semaphore, #tpu.memory_space<semaphore_mem>>) src(%arg10 : memref<80x128xf32, #tpu.memory_space<vmem>>) dst(%dma_wait3A_93 : memref<5120x128xf32, #tpu.memory_space<vmem_shared>>)
    %dma_start3A_94 = arith.constant 4 : i32
    %dma_start3A_95 = arith.constant 0 : i32
    %dma_start3A_96 = tpu.memref_slice %arg7[%dma_start3A_94, %dma_start3A_95] : memref<136x80xi32, #tpu.memory_space<vmem>> -> memref<1x80xi32, #tpu.memory_space<vmem>>
    %dma_start3A_97 = tpu.memref_squeeze %dma_start3A_96 : memref<1x80xi32, #tpu.memory_space<vmem>> -> memref<80xi32, #tpu.memory_space<vmem>>
    %dma_start3A_98 = arith.constant 0 : i32
    %dma_start3A_99 = arith.constant 0 : i32
    %dma_start3A_100 = tpu.memref_slice %arg2[%dma_start3A_98, %dma_start3A_99] : memref<10000x128xf32, #tpu.memory_space<hbm>> -> memref<10000x128xf32, #tpu.memory_space<hbm>>
    tpu.enqueue_indirect_dma source(%dma_start3A_100 : memref<10000x128xf32, #tpu.memory_space<hbm>>) target(%arg10 : memref<80x128xf32, #tpu.memory_space<vmem>>) offsets(%dma_start3A_97 : memref<80xi32, #tpu.memory_space<vmem>>) semaphore(%arg14 : memref<!tpu.dma_semaphore, #tpu.memory_space<semaphore_mem>>)
    %scan3A = arith.constant 0 : i32
    %scan3A_101 = arith.constant 43 : i32
    %scan3A_102 = arith.addi %scan3A, %scan3A_101 : i32
    %scan3A_103 = arith.constant 1 : i32
    scf.for %scan3A_211 = %scan3A to %scan3A_102 step %scan3A_103  : i32 {
      %mul3A_212 = arith.constant 3 : i32
      %mul3A_213 = arith.muli %scan3A_211, %mul3A_212 : i32
      %add3A_214 = arith.constant 3 : i32
      %add3A_215 = arith.addi %add3A_214, %mul3A_213 : i32
      %add3A_216 = arith.constant 0 : i32
      %add3A_217 = arith.addi %add3A_215, %add3A_216 : i32
      %dma_wait3A_218 = arith.constant 0 : i32
      %dma_wait3A_219 = tpu.memref_slice %arg7[%add3A_217, %dma_wait3A_218] : memref<136x80xi32, #tpu.memory_space<vmem>> -> memref<1x80xi32, #tpu.memory_space<vmem>>
      %dma_wait3A_220 = tpu.memref_squeeze %dma_wait3A_219 : memref<1x80xi32, #tpu.memory_space<vmem>> -> memref<80xi32, #tpu.memory_space<vmem>>
      %dma_wait3A_221 = arith.constant 0 : i32
      %dma_wait3A_222 = arith.constant 0 : i32
      %dma_wait3A_223 = tpu.memref_slice %arg2[%dma_wait3A_221, %dma_wait3A_222] : memref<10000x128xf32, #tpu.memory_space<hbm>> -> memref<10000x128xf32, #tpu.memory_space<hbm>>
      tpu.wait_indirect_dma semaphore(%arg13 : memref<!tpu.dma_semaphore, #tpu.memory_space<semaphore_mem>>) src(%dma_wait3A_223 : memref<10000x128xf32, #tpu.memory_space<hbm>>) dst(%arg9 : memref<80x128xf32, #tpu.memory_space<vmem>>)
      %dma_start3A_224 = arith.constant 0 : i32
      %dma_start3A_225 = tpu.memref_slice %arg8[%add3A_217, %dma_start3A_224] : memref<136x80xi32, #tpu.memory_space<vmem>> -> memref<1x80xi32, #tpu.memory_space<vmem>>
      %dma_start3A_226 = tpu.memref_squeeze %dma_start3A_225 : memref<1x80xi32, #tpu.memory_space<vmem>> -> memref<80xi32, #tpu.memory_space<vmem>>
      %dma_start3A_227 = arith.constant 0 : i32
      %dma_start3A_228 = arith.constant 0 : i32
      %dma_start3A_229 = tpu.memref_slice %arg12[%dma_start3A_227, %dma_start3A_228] : memref<5120x128xf32, #tpu.memory_space<vmem_shared>> -> memref<5120x128xf32, #tpu.memory_space<vmem_shared>>
      tpu.enqueue_indirect_dma source(%arg9 : memref<80x128xf32, #tpu.memory_space<vmem>>) target(%dma_start3A_229 : memref<5120x128xf32, #tpu.memory_space<vmem_shared>>) offsets(%dma_start3A_226 : memref<80xi32, #tpu.memory_space<vmem>>) semaphore(%arg16 : memref<!tpu.dma_semaphore, #tpu.memory_space<semaphore_mem>>) {add = true}
      %add3A_230 = arith.constant 2 : i32
      %add3A_231 = arith.addi %add3A_217, %add3A_230 : i32
      %sub3A = arith.constant 3 : i32
      %sub3A_232 = arith.subi %add3A_231, %sub3A : i32
      %dma_wait3A_233 = arith.constant 0 : i32
      %dma_wait3A_234 = tpu.memref_slice %arg8[%sub3A_232, %dma_wait3A_233] : memref<136x80xi32, #tpu.memory_space<vmem>> -> memref<1x80xi32, #tpu.memory_space<vmem>>
      %dma_wait3A_235 = tpu.memref_squeeze %dma_wait3A_234 : memref<1x80xi32, #tpu.memory_space<vmem>> -> memref<80xi32, #tpu.memory_space<vmem>>
      %dma_wait3A_236 = arith.constant 0 : i32
      %dma_wait3A_237 = arith.constant 0 : i32
      %dma_wait3A_238 = tpu.memref_slice %arg12[%dma_wait3A_236, %dma_wait3A_237] : memref<5120x128xf32, #tpu.memory_space<vmem_shared>> -> memref<5120x128xf32, #tpu.memory_space<vmem_shared>>
      tpu.wait_indirect_dma semaphore(%arg18 : memref<!tpu.dma_semaphore, #tpu.memory_space<semaphore_mem>>) src(%arg11 : memref<80x128xf32, #tpu.memory_space<vmem>>) dst(%dma_wait3A_238 : memref<5120x128xf32, #tpu.memory_space<vmem_shared>>)
      %add3A_239 = arith.constant 2 : i32
      %add3A_240 = arith.addi %add3A_217, %add3A_239 : i32
      %dma_start3A_241 = arith.constant 0 : i32
      %dma_start3A_242 = tpu.memref_slice %arg7[%add3A_240, %dma_start3A_241] : memref<136x80xi32, #tpu.memory_space<vmem>> -> memref<1x80xi32, #tpu.memory_space<vmem>>
      %dma_start3A_243 = tpu.memref_squeeze %dma_start3A_242 : memref<1x80xi32, #tpu.memory_space<vmem>> -> memref<80xi32, #tpu.memory_space<vmem>>
      %dma_start3A_244 = arith.constant 0 : i32
      %dma_start3A_245 = arith.constant 0 : i32
      %dma_start3A_246 = tpu.memref_slice %arg2[%dma_start3A_244, %dma_start3A_245] : memref<10000x128xf32, #tpu.memory_space<hbm>> -> memref<10000x128xf32, #tpu.memory_space<hbm>>
      tpu.enqueue_indirect_dma source(%dma_start3A_246 : memref<10000x128xf32, #tpu.memory_space<hbm>>) target(%arg11 : memref<80x128xf32, #tpu.memory_space<vmem>>) offsets(%dma_start3A_243 : memref<80xi32, #tpu.memory_space<vmem>>) semaphore(%arg15 : memref<!tpu.dma_semaphore, #tpu.memory_space<semaphore_mem>>)
      %add3A_247 = arith.constant 1 : i32
      %add3A_248 = arith.addi %add3A_215, %add3A_247 : i32
      %dma_wait3A_249 = arith.constant 0 : i32
      %dma_wait3A_250 = tpu.memref_slice %arg7[%add3A_248, %dma_wait3A_249] : memref<136x80xi32, #tpu.memory_space<vmem>> -> memref<1x80xi32, #tpu.memory_space<vmem>>
      %dma_wait3A_251 = tpu.memref_squeeze %dma_wait3A_250 : memref<1x80xi32, #tpu.memory_space<vmem>> -> memref<80xi32, #tpu.memory_space<vmem>>
      %dma_wait3A_252 = arith.constant 0 : i32
      %dma_wait3A_253 = arith.constant 0 : i32
      %dma_wait3A_254 = tpu.memref_slice %arg2[%dma_wait3A_252, %dma_wait3A_253] : memref<10000x128xf32, #tpu.memory_space<hbm>> -> memref<10000x128xf32, #tpu.memory_space<hbm>>
      tpu.wait_indirect_dma semaphore(%arg14 : memref<!tpu.dma_semaphore, #tpu.memory_space<semaphore_mem>>) src(%dma_wait3A_254 : memref<10000x128xf32, #tpu.memory_space<hbm>>) dst(%arg10 : memref<80x128xf32, #tpu.memory_space<vmem>>)
      %dma_start3A_255 = arith.constant 0 : i32
      %dma_start3A_256 = tpu.memref_slice %arg8[%add3A_248, %dma_start3A_255] : memref<136x80xi32, #tpu.memory_space<vmem>> -> memref<1x80xi32, #tpu.memory_space<vmem>>
      %dma_start3A_257 = tpu.memref_squeeze %dma_start3A_256 : memref<1x80xi32, #tpu.memory_space<vmem>> -> memref<80xi32, #tpu.memory_space<vmem>>
      %dma_start3A_258 = arith.constant 0 : i32
      %dma_start3A_259 = arith.constant 0 : i32
      %dma_start3A_260 = tpu.memref_slice %arg12[%dma_start3A_258, %dma_start3A_259] : memref<5120x128xf32, #tpu.memory_space<vmem_shared>> -> memref<5120x128xf32, #tpu.memory_space<vmem_shared>>
      tpu.enqueue_indirect_dma source(%arg10 : memref<80x128xf32, #tpu.memory_space<vmem>>) target(%dma_start3A_260 : memref<5120x128xf32, #tpu.memory_space<vmem_shared>>) offsets(%dma_start3A_257 : memref<80xi32, #tpu.memory_space<vmem>>) semaphore(%arg17 : memref<!tpu.dma_semaphore, #tpu.memory_space<semaphore_mem>>) {add = true}
      %add3A_261 = arith.constant 2 : i32
      %add3A_262 = arith.addi %add3A_248, %add3A_261 : i32
      %sub3A_263 = arith.constant 3 : i32
      %sub3A_264 = arith.subi %add3A_262, %sub3A_263 : i32
      %dma_wait3A_265 = arith.constant 0 : i32
      %dma_wait3A_266 = tpu.memref_slice %arg8[%sub3A_264, %dma_wait3A_265] : memref<136x80xi32, #tpu.memory_space<vmem>> -> memref<1x80xi32, #tpu.memory_space<vmem>>
      %dma_wait3A_267 = tpu.memref_squeeze %dma_wait3A_266 : memref<1x80xi32, #tpu.memory_space<vmem>> -> memref<80xi32, #tpu.memory_space<vmem>>
      %dma_wait3A_268 = arith.constant 0 : i32
      %dma_wait3A_269 = arith.constant 0 : i32
      %dma_wait3A_270 = tpu.memref_slice %arg12[%dma_wait3A_268, %dma_wait3A_269] : memref<5120x128xf32, #tpu.memory_space<vmem_shared>> -> memref<5120x128xf32, #tpu.memory_space<vmem_shared>>
      tpu.wait_indirect_dma semaphore(%arg16 : memref<!tpu.dma_semaphore, #tpu.memory_space<semaphore_mem>>) src(%arg9 : memref<80x128xf32, #tpu.memory_space<vmem>>) dst(%dma_wait3A_270 : memref<5120x128xf32, #tpu.memory_space<vmem_shared>>)
      %add3A_271 = arith.constant 2 : i32
      %add3A_272 = arith.addi %add3A_248, %add3A_271 : i32
      %dma_start3A_273 = arith.constant 0 : i32
      %dma_start3A_274 = tpu.memref_slice %arg7[%add3A_272, %dma_start3A_273] : memref<136x80xi32, #tpu.memory_space<vmem>> -> memref<1x80xi32, #tpu.memory_space<vmem>>
      %dma_start3A_275 = tpu.memref_squeeze %dma_start3A_274 : memref<1x80xi32, #tpu.memory_space<vmem>> -> memref<80xi32, #tpu.memory_space<vmem>>
      %dma_start3A_276 = arith.constant 0 : i32
      %dma_start3A_277 = arith.constant 0 : i32
      %dma_start3A_278 = tpu.memref_slice %arg2[%dma_start3A_276, %dma_start3A_277] : memref<10000x128xf32, #tpu.memory_space<hbm>> -> memref<10000x128xf32, #tpu.memory_space<hbm>>
      tpu.enqueue_indirect_dma source(%dma_start3A_278 : memref<10000x128xf32, #tpu.memory_space<hbm>>) target(%arg9 : memref<80x128xf32, #tpu.memory_space<vmem>>) offsets(%dma_start3A_275 : memref<80xi32, #tpu.memory_space<vmem>>) semaphore(%arg13 : memref<!tpu.dma_semaphore, #tpu.memory_space<semaphore_mem>>)
      %add3A_279 = arith.constant 2 : i32
      %add3A_280 = arith.addi %add3A_215, %add3A_279 : i32
      %dma_wait3A_281 = arith.constant 0 : i32
      %dma_wait3A_282 = tpu.memref_slice %arg7[%add3A_280, %dma_wait3A_281] : memref<136x80xi32, #tpu.memory_space<vmem>> -> memref<1x80xi32, #tpu.memory_space<vmem>>
      %dma_wait3A_283 = tpu.memref_squeeze %dma_wait3A_282 : memref<1x80xi32, #tpu.memory_space<vmem>> -> memref<80xi32, #tpu.memory_space<vmem>>
      %dma_wait3A_284 = arith.constant 0 : i32
      %dma_wait3A_285 = arith.constant 0 : i32
      %dma_wait3A_286 = tpu.memref_slice %arg2[%dma_wait3A_284, %dma_wait3A_285] : memref<10000x128xf32, #tpu.memory_space<hbm>> -> memref<10000x128xf32, #tpu.memory_space<hbm>>
      tpu.wait_indirect_dma semaphore(%arg15 : memref<!tpu.dma_semaphore, #tpu.memory_space<semaphore_mem>>) src(%dma_wait3A_286 : memref<10000x128xf32, #tpu.memory_space<hbm>>) dst(%arg11 : memref<80x128xf32, #tpu.memory_space<vmem>>)
      %dma_start3A_287 = arith.constant 0 : i32
      %dma_start3A_288 = tpu.memref_slice %arg8[%add3A_280, %dma_start3A_287] : memref<136x80xi32, #tpu.memory_space<vmem>> -> memref<1x80xi32, #tpu.memory_space<vmem>>
      %dma_start3A_289 = tpu.memref_squeeze %dma_start3A_288 : memref<1x80xi32, #tpu.memory_space<vmem>> -> memref<80xi32, #tpu.memory_space<vmem>>
      %dma_start3A_290 = arith.constant 0 : i32
      %dma_start3A_291 = arith.constant 0 : i32
      %dma_start3A_292 = tpu.memref_slice %arg12[%dma_start3A_290, %dma_start3A_291] : memref<5120x128xf32, #tpu.memory_space<vmem_shared>> -> memref<5120x128xf32, #tpu.memory_space<vmem_shared>>
      tpu.enqueue_indirect_dma source(%arg11 : memref<80x128xf32, #tpu.memory_space<vmem>>) target(%dma_start3A_292 : memref<5120x128xf32, #tpu.memory_space<vmem_shared>>) offsets(%dma_start3A_289 : memref<80xi32, #tpu.memory_space<vmem>>) semaphore(%arg18 : memref<!tpu.dma_semaphore, #tpu.memory_space<semaphore_mem>>) {add = true}
      %add3A_293 = arith.constant 2 : i32
      %add3A_294 = arith.addi %add3A_280, %add3A_293 : i32
      %sub3A_295 = arith.constant 3 : i32
      %sub3A_296 = arith.subi %add3A_294, %sub3A_295 : i32
      %dma_wait3A_297 = arith.constant 0 : i32
      %dma_wait3A_298 = tpu.memref_slice %arg8[%sub3A_296, %dma_wait3A_297] : memref<136x80xi32, #tpu.memory_space<vmem>> -> memref<1x80xi32, #tpu.memory_space<vmem>>
      %dma_wait3A_299 = tpu.memref_squeeze %dma_wait3A_298 : memref<1x80xi32, #tpu.memory_space<vmem>> -> memref<80xi32, #tpu.memory_space<vmem>>
      %dma_wait3A_300 = arith.constant 0 : i32
      %dma_wait3A_301 = arith.constant 0 : i32
      %dma_wait3A_302 = tpu.memref_slice %arg12[%dma_wait3A_300, %dma_wait3A_301] : memref<5120x128xf32, #tpu.memory_space<vmem_shared>> -> memref<5120x128xf32, #tpu.memory_space<vmem_shared>>
      tpu.wait_indirect_dma semaphore(%arg17 : memref<!tpu.dma_semaphore, #tpu.memory_space<semaphore_mem>>) src(%arg10 : memref<80x128xf32, #tpu.memory_space<vmem>>) dst(%dma_wait3A_302 : memref<5120x128xf32, #tpu.memory_space<vmem_shared>>)
      %add3A_303 = arith.constant 2 : i32
      %add3A_304 = arith.addi %add3A_280, %add3A_303 : i32
      %dma_start3A_305 = arith.constant 0 : i32
      %dma_start3A_306 = tpu.memref_slice %arg7[%add3A_304, %dma_start3A_305] : memref<136x80xi32, #tpu.memory_space<vmem>> -> memref<1x80xi32, #tpu.memory_space<vmem>>
      %dma_start3A_307 = tpu.memref_squeeze %dma_start3A_306 : memref<1x80xi32, #tpu.memory_space<vmem>> -> memref<80xi32, #tpu.memory_space<vmem>>
      %dma_start3A_308 = arith.constant 0 : i32
      %dma_start3A_309 = arith.constant 0 : i32
      %dma_start3A_310 = tpu.memref_slice %arg2[%dma_start3A_308, %dma_start3A_309] : memref<10000x128xf32, #tpu.memory_space<hbm>> -> memref<10000x128xf32, #tpu.memory_space<hbm>>
      tpu.enqueue_indirect_dma source(%dma_start3A_310 : memref<10000x128xf32, #tpu.memory_space<hbm>>) target(%arg10 : memref<80x128xf32, #tpu.memory_space<vmem>>) offsets(%dma_start3A_307 : memref<80xi32, #tpu.memory_space<vmem>>) semaphore(%arg14 : memref<!tpu.dma_semaphore, #tpu.memory_space<semaphore_mem>>)
    }
    %scan3A_104 = arith.constant 43 : i32
    %dma_wait3A_105 = arith.constant 132 : i32
    %dma_wait3A_106 = arith.constant 0 : i32
    %dma_wait3A_107 = tpu.memref_slice %arg7[%dma_wait3A_105, %dma_wait3A_106] : memref<136x80xi32, #tpu.memory_space<vmem>> -> memref<1x80xi32, #tpu.memory_space<vmem>>
    %dma_wait3A_108 = tpu.memref_squeeze %dma_wait3A_107 : memref<1x80xi32, #tpu.memory_space<vmem>> -> memref<80xi32, #tpu.memory_space<vmem>>
    %dma_wait3A_109 = arith.constant 0 : i32
    %dma_wait3A_110 = arith.constant 0 : i32
    %dma_wait3A_111 = tpu.memref_slice %arg2[%dma_wait3A_109, %dma_wait3A_110] : memref<10000x128xf32, #tpu.memory_space<hbm>> -> memref<10000x128xf32, #tpu.memory_space<hbm>>
    tpu.wait_indirect_dma semaphore(%arg13 : memref<!tpu.dma_semaphore, #tpu.memory_space<semaphore_mem>>) src(%dma_wait3A_111 : memref<10000x128xf32, #tpu.memory_space<hbm>>) dst(%arg9 : memref<80x128xf32, #tpu.memory_space<vmem>>)
    %dma_start3A_112 = arith.constant 132 : i32
    %dma_start3A_113 = arith.constant 0 : i32
    %dma_start3A_114 = tpu.memref_slice %arg8[%dma_start3A_112, %dma_start3A_113] : memref<136x80xi32, #tpu.memory_space<vmem>> -> memref<1x80xi32, #tpu.memory_space<vmem>>
    %dma_start3A_115 = tpu.memref_squeeze %dma_start3A_114 : memref<1x80xi32, #tpu.memory_space<vmem>> -> memref<80xi32, #tpu.memory_space<vmem>>
    %dma_start3A_116 = arith.constant 0 : i32
    %dma_start3A_117 = arith.constant 0 : i32
    %dma_start3A_118 = tpu.memref_slice %arg12[%dma_start3A_116, %dma_start3A_117] : memref<5120x128xf32, #tpu.memory_space<vmem_shared>> -> memref<5120x128xf32, #tpu.memory_space<vmem_shared>>
    tpu.enqueue_indirect_dma source(%arg9 : memref<80x128xf32, #tpu.memory_space<vmem>>) target(%dma_start3A_118 : memref<5120x128xf32, #tpu.memory_space<vmem_shared>>) offsets(%dma_start3A_115 : memref<80xi32, #tpu.memory_space<vmem>>) semaphore(%arg16 : memref<!tpu.dma_semaphore, #tpu.memory_space<semaphore_mem>>) {add = true}
    %dma_wait3A_119 = arith.constant 131 : i32
    %dma_wait3A_120 = arith.constant 0 : i32
    %dma_wait3A_121 = tpu.memref_slice %arg8[%dma_wait3A_119, %dma_wait3A_120] : memref<136x80xi32, #tpu.memory_space<vmem>> -> memref<1x80xi32, #tpu.memory_space<vmem>>
    %dma_wait3A_122 = tpu.memref_squeeze %dma_wait3A_121 : memref<1x80xi32, #tpu.memory_space<vmem>> -> memref<80xi32, #tpu.memory_space<vmem>>
    %dma_wait3A_123 = arith.constant 0 : i32
    %dma_wait3A_124 = arith.constant 0 : i32
    %dma_wait3A_125 = tpu.memref_slice %arg12[%dma_wait3A_123, %dma_wait3A_124] : memref<5120x128xf32, #tpu.memory_space<vmem_shared>> -> memref<5120x128xf32, #tpu.memory_space<vmem_shared>>
    tpu.wait_indirect_dma semaphore(%arg18 : memref<!tpu.dma_semaphore, #tpu.memory_space<semaphore_mem>>) src(%arg11 : memref<80x128xf32, #tpu.memory_space<vmem>>) dst(%dma_wait3A_125 : memref<5120x128xf32, #tpu.memory_space<vmem_shared>>)
    %dma_start3A_126 = arith.constant 134 : i32
    %dma_start3A_127 = arith.constant 0 : i32
    %dma_start3A_128 = tpu.memref_slice %arg7[%dma_start3A_126, %dma_start3A_127] : memref<136x80xi32, #tpu.memory_space<vmem>> -> memref<1x80xi32, #tpu.memory_space<vmem>>
    %dma_start3A_129 = tpu.memref_squeeze %dma_start3A_128 : memref<1x80xi32, #tpu.memory_space<vmem>> -> memref<80xi32, #tpu.memory_space<vmem>>
    %dma_start3A_130 = arith.constant 0 : i32
    %dma_start3A_131 = arith.constant 0 : i32
    %dma_start3A_132 = tpu.memref_slice %arg2[%dma_start3A_130, %dma_start3A_131] : memref<10000x128xf32, #tpu.memory_space<hbm>> -> memref<10000x128xf32, #tpu.memory_space<hbm>>
    tpu.enqueue_indirect_dma source(%dma_start3A_132 : memref<10000x128xf32, #tpu.memory_space<hbm>>) target(%arg11 : memref<80x128xf32, #tpu.memory_space<vmem>>) offsets(%dma_start3A_129 : memref<80xi32, #tpu.memory_space<vmem>>) semaphore(%arg15 : memref<!tpu.dma_semaphore, #tpu.memory_space<semaphore_mem>>)
    %dma_wait3A_133 = arith.constant 133 : i32
    %dma_wait3A_134 = arith.constant 0 : i32
    %dma_wait3A_135 = tpu.memref_slice %arg7[%dma_wait3A_133, %dma_wait3A_134] : memref<136x80xi32, #tpu.memory_space<vmem>> -> memref<1x80xi32, #tpu.memory_space<vmem>>
    %dma_wait3A_136 = tpu.memref_squeeze %dma_wait3A_135 : memref<1x80xi32, #tpu.memory_space<vmem>> -> memref<80xi32, #tpu.memory_space<vmem>>
    %dma_wait3A_137 = arith.constant 0 : i32
    %dma_wait3A_138 = arith.constant 0 : i32
    %dma_wait3A_139 = tpu.memref_slice %arg2[%dma_wait3A_137, %dma_wait3A_138] : memref<10000x128xf32, #tpu.memory_space<hbm>> -> memref<10000x128xf32, #tpu.memory_space<hbm>>
    tpu.wait_indirect_dma semaphore(%arg14 : memref<!tpu.dma_semaphore, #tpu.memory_space<semaphore_mem>>) src(%dma_wait3A_139 : memref<10000x128xf32, #tpu.memory_space<hbm>>) dst(%arg10 : memref<80x128xf32, #tpu.memory_space<vmem>>)
    %dma_start3A_140 = arith.constant 133 : i32
    %dma_start3A_141 = arith.constant 0 : i32
    %dma_start3A_142 = tpu.memref_slice %arg8[%dma_start3A_140, %dma_start3A_141] : memref<136x80xi32, #tpu.memory_space<vmem>> -> memref<1x80xi32, #tpu.memory_space<vmem>>
    %dma_start3A_143 = tpu.memref_squeeze %dma_start3A_142 : memref<1x80xi32, #tpu.memory_space<vmem>> -> memref<80xi32, #tpu.memory_space<vmem>>
    %dma_start3A_144 = arith.constant 0 : i32
    %dma_start3A_145 = arith.constant 0 : i32
    %dma_start3A_146 = tpu.memref_slice %arg12[%dma_start3A_144, %dma_start3A_145] : memref<5120x128xf32, #tpu.memory_space<vmem_shared>> -> memref<5120x128xf32, #tpu.memory_space<vmem_shared>>
    tpu.enqueue_indirect_dma source(%arg10 : memref<80x128xf32, #tpu.memory_space<vmem>>) target(%dma_start3A_146 : memref<5120x128xf32, #tpu.memory_space<vmem_shared>>) offsets(%dma_start3A_143 : memref<80xi32, #tpu.memory_space<vmem>>) semaphore(%arg17 : memref<!tpu.dma_semaphore, #tpu.memory_space<semaphore_mem>>) {add = true}
    %dma_wait3A_147 = arith.constant 132 : i32
    %dma_wait3A_148 = arith.constant 0 : i32
    %dma_wait3A_149 = tpu.memref_slice %arg8[%dma_wait3A_147, %dma_wait3A_148] : memref<136x80xi32, #tpu.memory_space<vmem>> -> memref<1x80xi32, #tpu.memory_space<vmem>>
    %dma_wait3A_150 = tpu.memref_squeeze %dma_wait3A_149 : memref<1x80xi32, #tpu.memory_space<vmem>> -> memref<80xi32, #tpu.memory_space<vmem>>
    %dma_wait3A_151 = arith.constant 0 : i32
    %dma_wait3A_152 = arith.constant 0 : i32
    %dma_wait3A_153 = tpu.memref_slice %arg12[%dma_wait3A_151, %dma_wait3A_152] : memref<5120x128xf32, #tpu.memory_space<vmem_shared>> -> memref<5120x128xf32, #tpu.memory_space<vmem_shared>>
    tpu.wait_indirect_dma semaphore(%arg16 : memref<!tpu.dma_semaphore, #tpu.memory_space<semaphore_mem>>) src(%arg9 : memref<80x128xf32, #tpu.memory_space<vmem>>) dst(%dma_wait3A_153 : memref<5120x128xf32, #tpu.memory_space<vmem_shared>>)
    %dma_start3A_154 = arith.constant 135 : i32
    %dma_start3A_155 = arith.constant 0 : i32
    %dma_start3A_156 = tpu.memref_slice %arg7[%dma_start3A_154, %dma_start3A_155] : memref<136x80xi32, #tpu.memory_space<vmem>> -> memref<1x80xi32, #tpu.memory_space<vmem>>
    %dma_start3A_157 = tpu.memref_squeeze %dma_start3A_156 : memref<1x80xi32, #tpu.memory_space<vmem>> -> memref<80xi32, #tpu.memory_space<vmem>>
    %dma_start3A_158 = arith.constant 0 : i32
    %dma_start3A_159 = arith.constant 0 : i32
    %dma_start3A_160 = tpu.memref_slice %arg2[%dma_start3A_158, %dma_start3A_159] : memref<10000x128xf32, #tpu.memory_space<hbm>> -> memref<10000x128xf32, #tpu.memory_space<hbm>>
    tpu.enqueue_indirect_dma source(%dma_start3A_160 : memref<10000x128xf32, #tpu.memory_space<hbm>>) target(%arg9 : memref<80x128xf32, #tpu.memory_space<vmem>>) offsets(%dma_start3A_157 : memref<80xi32, #tpu.memory_space<vmem>>) semaphore(%arg13 : memref<!tpu.dma_semaphore, #tpu.memory_space<semaphore_mem>>)
    %dma_wait3A_161 = arith.constant 134 : i32
    %dma_wait3A_162 = arith.constant 0 : i32
    %dma_wait3A_163 = tpu.memref_slice %arg7[%dma_wait3A_161, %dma_wait3A_162] : memref<136x80xi32, #tpu.memory_space<vmem>> -> memref<1x80xi32, #tpu.memory_space<vmem>>
    %dma_wait3A_164 = tpu.memref_squeeze %dma_wait3A_163 : memref<1x80xi32, #tpu.memory_space<vmem>> -> memref<80xi32, #tpu.memory_space<vmem>>
    %dma_wait3A_165 = arith.constant 0 : i32
    %dma_wait3A_166 = arith.constant 0 : i32
    %dma_wait3A_167 = tpu.memref_slice %arg2[%dma_wait3A_165, %dma_wait3A_166] : memref<10000x128xf32, #tpu.memory_space<hbm>> -> memref<10000x128xf32, #tpu.memory_space<hbm>>
    tpu.wait_indirect_dma semaphore(%arg15 : memref<!tpu.dma_semaphore, #tpu.memory_space<semaphore_mem>>) src(%dma_wait3A_167 : memref<10000x128xf32, #tpu.memory_space<hbm>>) dst(%arg11 : memref<80x128xf32, #tpu.memory_space<vmem>>)
    %dma_start3A_168 = arith.constant 134 : i32
    %dma_start3A_169 = arith.constant 0 : i32
    %dma_start3A_170 = tpu.memref_slice %arg8[%dma_start3A_168, %dma_start3A_169] : memref<136x80xi32, #tpu.memory_space<vmem>> -> memref<1x80xi32, #tpu.memory_space<vmem>>
    %dma_start3A_171 = tpu.memref_squeeze %dma_start3A_170 : memref<1x80xi32, #tpu.memory_space<vmem>> -> memref<80xi32, #tpu.memory_space<vmem>>
    %dma_start3A_172 = arith.constant 0 : i32
    %dma_start3A_173 = arith.constant 0 : i32
    %dma_start3A_174 = tpu.memref_slice %arg12[%dma_start3A_172, %dma_start3A_173] : memref<5120x128xf32, #tpu.memory_space<vmem_shared>> -> memref<5120x128xf32, #tpu.memory_space<vmem_shared>>
    tpu.enqueue_indirect_dma source(%arg11 : memref<80x128xf32, #tpu.memory_space<vmem>>) target(%dma_start3A_174 : memref<5120x128xf32, #tpu.memory_space<vmem_shared>>) offsets(%dma_start3A_171 : memref<80xi32, #tpu.memory_space<vmem>>) semaphore(%arg18 : memref<!tpu.dma_semaphore, #tpu.memory_space<semaphore_mem>>) {add = true}
    %dma_wait3A_175 = arith.constant 135 : i32
    %dma_wait3A_176 = arith.constant 0 : i32
    %dma_wait3A_177 = tpu.memref_slice %arg7[%dma_wait3A_175, %dma_wait3A_176] : memref<136x80xi32, #tpu.memory_space<vmem>> -> memref<1x80xi32, #tpu.memory_space<vmem>>
    %dma_wait3A_178 = tpu.memref_squeeze %dma_wait3A_177 : memref<1x80xi32, #tpu.memory_space<vmem>> -> memref<80xi32, #tpu.memory_space<vmem>>
    %dma_wait3A_179 = arith.constant 0 : i32
    %dma_wait3A_180 = arith.constant 0 : i32
    %dma_wait3A_181 = tpu.memref_slice %arg2[%dma_wait3A_179, %dma_wait3A_180] : memref<10000x128xf32, #tpu.memory_space<hbm>> -> memref<10000x128xf32, #tpu.memory_space<hbm>>
    tpu.wait_indirect_dma semaphore(%arg13 : memref<!tpu.dma_semaphore, #tpu.memory_space<semaphore_mem>>) src(%dma_wait3A_181 : memref<10000x128xf32, #tpu.memory_space<hbm>>) dst(%arg9 : memref<80x128xf32, #tpu.memory_space<vmem>>)
    %dma_start3A_182 = arith.constant 135 : i32
    %dma_start3A_183 = arith.constant 0 : i32
    %dma_start3A_184 = tpu.memref_slice %arg8[%dma_start3A_182, %dma_start3A_183] : memref<136x80xi32, #tpu.memory_space<vmem>> -> memref<1x80xi32, #tpu.memory_space<vmem>>
    %dma_start3A_185 = tpu.memref_squeeze %dma_start3A_184 : memref<1x80xi32, #tpu.memory_space<vmem>> -> memref<80xi32, #tpu.memory_space<vmem>>
    %dma_start3A_186 = arith.constant 0 : i32
    %dma_start3A_187 = arith.constant 0 : i32
    %dma_start3A_188 = tpu.memref_slice %arg12[%dma_start3A_186, %dma_start3A_187] : memref<5120x128xf32, #tpu.memory_space<vmem_shared>> -> memref<5120x128xf32, #tpu.memory_space<vmem_shared>>
    tpu.enqueue_indirect_dma source(%arg9 : memref<80x128xf32, #tpu.memory_space<vmem>>) target(%dma_start3A_188 : memref<5120x128xf32, #tpu.memory_space<vmem_shared>>) offsets(%dma_start3A_185 : memref<80xi32, #tpu.memory_space<vmem>>) semaphore(%arg16 : memref<!tpu.dma_semaphore, #tpu.memory_space<semaphore_mem>>) {add = true}
    %dma_wait3A_189 = arith.constant 133 : i32
    %dma_wait3A_190 = arith.constant 0 : i32
    %dma_wait3A_191 = tpu.memref_slice %arg8[%dma_wait3A_189, %dma_wait3A_190] : memref<136x80xi32, #tpu.memory_space<vmem>> -> memref<1x80xi32, #tpu.memory_space<vmem>>
    %dma_wait3A_192 = tpu.memref_squeeze %dma_wait3A_191 : memref<1x80xi32, #tpu.memory_space<vmem>> -> memref<80xi32, #tpu.memory_space<vmem>>
    %dma_wait3A_193 = arith.constant 0 : i32
    %dma_wait3A_194 = arith.constant 0 : i32
    %dma_wait3A_195 = tpu.memref_slice %arg12[%dma_wait3A_193, %dma_wait3A_194] : memref<5120x128xf32, #tpu.memory_space<vmem_shared>> -> memref<5120x128xf32, #tpu.memory_space<vmem_shared>>
    tpu.wait_indirect_dma semaphore(%arg17 : memref<!tpu.dma_semaphore, #tpu.memory_space<semaphore_mem>>) src(%arg10 : memref<80x128xf32, #tpu.memory_space<vmem>>) dst(%dma_wait3A_195 : memref<5120x128xf32, #tpu.memory_space<vmem_shared>>)
    %dma_wait3A_196 = arith.constant 134 : i32
    %dma_wait3A_197 = arith.constant 0 : i32
    %dma_wait3A_198 = tpu.memref_slice %arg8[%dma_wait3A_196, %dma_wait3A_197] : memref<136x80xi32, #tpu.memory_space<vmem>> -> memref<1x80xi32, #tpu.memory_space<vmem>>
    %dma_wait3A_199 = tpu.memref_squeeze %dma_wait3A_198 : memref<1x80xi32, #tpu.memory_space<vmem>> -> memref<80xi32, #tpu.memory_space<vmem>>
    %dma_wait3A_200 = arith.constant 0 : i32
    %dma_wait3A_201 = arith.constant 0 : i32
    %dma_wait3A_202 = tpu.memref_slice %arg12[%dma_wait3A_200, %dma_wait3A_201] : memref<5120x128xf32, #tpu.memory_space<vmem_shared>> -> memref<5120x128xf32, #tpu.memory_space<vmem_shared>>
    tpu.wait_indirect_dma semaphore(%arg18 : memref<!tpu.dma_semaphore, #tpu.memory_space<semaphore_mem>>) src(%arg11 : memref<80x128xf32, #tpu.memory_space<vmem>>) dst(%dma_wait3A_202 : memref<5120x128xf32, #tpu.memory_space<vmem_shared>>)
    %dma_wait3A_203 = arith.constant 135 : i32
    %dma_wait3A_204 = arith.constant 0 : i32
    %dma_wait3A_205 = tpu.memref_slice %arg8[%dma_wait3A_203, %dma_wait3A_204] : memref<136x80xi32, #tpu.memory_space<vmem>> -> memref<1x80xi32, #tpu.memory_space<vmem>>
    %dma_wait3A_206 = tpu.memref_squeeze %dma_wait3A_205 : memref<1x80xi32, #tpu.memory_space<vmem>> -> memref<80xi32, #tpu.memory_space<vmem>>
    %dma_wait3A_207 = arith.constant 0 : i32
    %dma_wait3A_208 = arith.constant 0 : i32
    %dma_wait3A_209 = tpu.memref_slice %arg12[%dma_wait3A_207, %dma_wait3A_208] : memref<5120x128xf32, #tpu.memory_space<vmem_shared>> -> memref<5120x128xf32, #tpu.memory_space<vmem_shared>>
    tpu.wait_indirect_dma semaphore(%arg16 : memref<!tpu.dma_semaphore, #tpu.memory_space<semaphore_mem>>) src(%arg9 : memref<80x128xf32, #tpu.memory_space<vmem>>) dst(%dma_wait3A_209 : memref<5120x128xf32, #tpu.memory_space<vmem_shared>>)
    %barrier3A_210 = arith.constant 0 : index
    tpu.barrier barrier_id(%barrier3A_210)
    "tpu.region"() ({
      %run_scoped3A = tpu.sem_alloc : memref<!tpu.dma_semaphore, #tpu.memory_space<semaphore_mem>>
      %dma_start3A_211 = arith.constant 0 : i32
      %dma_start3A_212 = tpu.memref_slice %arg6[%arg0, %mul3A_0, %dma_start3A_211] : memref<2x5120x128xf32, #tpu.memory_space<hbm>> -> memref<1x320x128xf32, #tpu.memory_space<hbm>>
      %dma_start3A_213 = tpu.memref_squeeze %dma_start3A_212 : memref<1x320x128xf32, #tpu.memory_space<hbm>> -> memref<320x128xf32, #tpu.memory_space<hbm>>
      %dma_start3A_214 = arith.constant 0 : i32
      %dma_start3A_215 = tpu.memref_slice %arg12[%mul3A_0, %dma_start3A_214] : memref<5120x128xf32, #tpu.memory_space<vmem_shared>> -> memref<320x128xf32, #tpu.memory_space<vmem_shared>>
      tpu.enqueue_dma source(%dma_start3A_215 : memref<320x128xf32, #tpu.memory_space<vmem_shared>>) target(%dma_start3A_213 : memref<320x128xf32, #tpu.memory_space<hbm>>) target_semaphore(%run_scoped3A : memref<!tpu.dma_semaphore, #tpu.memory_space<semaphore_mem>>)
      %dma_wait3A_216 = arith.constant 0 : i32
      %dma_wait3A_217 = tpu.memref_slice %arg6[%arg0, %mul3A_0, %dma_wait3A_216] : memref<2x5120x128xf32, #tpu.memory_space<hbm>> -> memref<1x320x128xf32, #tpu.memory_space<hbm>>
      %dma_wait3A_218 = tpu.memref_squeeze %dma_wait3A_217 : memref<1x320x128xf32, #tpu.memory_space<hbm>> -> memref<320x128xf32, #tpu.memory_space<hbm>>
      %dma_wait3A_219 = arith.constant 0 : i32
      %dma_wait3A_220 = tpu.memref_slice %arg12[%mul3A_0, %dma_wait3A_219] : memref<5120x128xf32, #tpu.memory_space<vmem_shared>> -> memref<320x128xf32, #tpu.memory_space<vmem_shared>>
      tpu.wait_dma2 semaphore(%run_scoped3A : memref<!tpu.dma_semaphore, #tpu.memory_space<semaphore_mem>>) src(%dma_wait3A_220 : memref<320x128xf32, #tpu.memory_space<vmem_shared>>) dst(%dma_wait3A_218 : memref<320x128xf32, #tpu.memory_space<hbm>>)
      tpu.yield
    }) : () -> ()
    return
  }
}

#map = affine_map<(d0, d1) -> (0, 0)>
#map1 = affine_map<(d0, d1) -> (0, 0, 0, 0)>
#map2 = affine_map<(d0, d1) -> (0, 0, 0)>
module attributes {stable_mosaic.version = 14 : i64} {
  func.func @_hop_kernel(%arg0: i32, %arg1: i32, %arg2: memref<10000x128xf32, #tpu.memory_space<hbm>>, %arg3: memref<32x2x68x80xi32, #tpu.memory_space<hbm>>, %arg4: memref<32x2x68x80xi32, #tpu.memory_space<hbm>>, %arg5: memref<320x128xf32, #tpu.memory_space<hbm>>, %arg6: memref<2x5120x128xf32, #tpu.memory_space<hbm>>, %arg7: memref<136x80xi32, #tpu.memory_space<vmem>>, %arg8: memref<136x80xi32, #tpu.memory_space<vmem>>, %arg9: memref<80x128xf32, #tpu.memory_space<vmem>>, %arg10: memref<80x128xf32, #tpu.memory_space<vmem>>, %arg11: memref<80x128xf32, #tpu.memory_space<vmem>>, %arg12: memref<5120x128xf32, #tpu.memory_space<vmem_shared>>, %arg13: memref<!tpu.dma_semaphore, #tpu.memory_space<semaphore_mem>>, %arg14: memref<!tpu.dma_semaphore, #tpu.memory_space<semaphore_mem>>, %arg15: memref<!tpu.dma_semaphore, #tpu.memory_space<semaphore_mem>>, %arg16: memref<!tpu.dma_semaphore, #tpu.memory_space<semaphore_mem>>, %arg17: memref<!tpu.dma_semaphore, #tpu.memory_space<semaphore_mem>>, %arg18: memref<!tpu.dma_semaphore, #tpu.memory_space<semaphore_mem>>) attributes {dimension_semantics = [#tpu.dimension_semantics<core_parallel>, #tpu.dimension_semantics<subcore_parallel>], iteration_bounds = array<i64: 2, 16>, scalar_prefetch = 0 : i64, scratch_operands = 12 : i64, tpu.core_type = #tpu.core_type<sc_vector_subcore>, window_params = [{transform_indices = #map}, {transform_indices = #map1}, {transform_indices = #map1}, {transform_indices = #map}, {transform_indices = #map2}]} {
    %mul3A = arith.constant 320 : i32
    %mul3A_0 = arith.muli %arg1, %mul3A : i32
    %mul3A_1 = arith.constant 2 : i32
    %mul3A_2 = arith.muli %mul3A_1, %arg1 : i32
    "tpu.region"() ({
      %run_scoped3A = tpu.sem_alloc : memref<!tpu.dma_semaphore, #tpu.memory_space<semaphore_mem>>
      %dma_start3A_211 = arith.constant 0 : i32
      %dma_start3A_212 = arith.constant 0 : i32
      %dma_start3A_213 = tpu.memref_slice %arg7[%dma_start3A_211, %dma_start3A_212] : memref<136x80xi32, #tpu.memory_space<vmem>> -> memref<68x80xi32, #tpu.memory_space<vmem>>
      %dma_start3A_214 = arith.constant 0 : i32
      %dma_start3A_215 = arith.constant 0 : i32
      %dma_start3A_216 = tpu.memref_slice %arg3[%mul3A_2, %arg0, %dma_start3A_214, %dma_start3A_215] : memref<32x2x68x80xi32, #tpu.memory_space<hbm>> -> memref<1x1x68x80xi32, #tpu.memory_space<hbm>>
      %dma_start3A_217 = tpu.memref_squeeze %dma_start3A_216 : memref<1x1x68x80xi32, #tpu.memory_space<hbm>> -> memref<68x80xi32, #tpu.memory_space<hbm>>
      %dma_start3A_218 = arith.constant 0 : i32
      %dma_start3A_219 = arith.constant 0 : i32
      %dma_start3A_220 = tpu.memref_slice %arg7[%dma_start3A_218, %dma_start3A_219] : memref<136x80xi32, #tpu.memory_space<vmem>> -> memref<68x80xi32, #tpu.memory_space<vmem>>
      %dma_start3A_221 = arith.constant 0 : i32
      %dma_start3A_222 = arith.constant 0 : i32
      %dma_start3A_223 = tpu.memref_slice %arg3[%mul3A_2, %arg0, %dma_start3A_221, %dma_start3A_222] : memref<32x2x68x80xi32, #tpu.memory_space<hbm>> -> memref<1x1x68x80xi32, #tpu.memory_space<hbm>>
      %dma_start3A_224 = tpu.memref_squeeze %dma_start3A_223 : memref<1x1x68x80xi32, #tpu.memory_space<hbm>> -> memref<68x80xi32, #tpu.memory_space<hbm>>
      tpu.enqueue_dma source(%dma_start3A_224 : memref<68x80xi32, #tpu.memory_space<hbm>>) target(%dma_start3A_220 : memref<68x80xi32, #tpu.memory_space<vmem>>) target_semaphore(%run_scoped3A : memref<!tpu.dma_semaphore, #tpu.memory_space<semaphore_mem>>)
      %dma_wait3A_225 = arith.constant 0 : i32
      %dma_wait3A_226 = arith.constant 0 : i32
      %dma_wait3A_227 = tpu.memref_slice %arg7[%dma_wait3A_225, %dma_wait3A_226] : memref<136x80xi32, #tpu.memory_space<vmem>> -> memref<68x80xi32, #tpu.memory_space<vmem>>
      %dma_wait3A_228 = arith.constant 0 : i32
      %dma_wait3A_229 = arith.constant 0 : i32
      %dma_wait3A_230 = tpu.memref_slice %arg3[%mul3A_2, %arg0, %dma_wait3A_228, %dma_wait3A_229] : memref<32x2x68x80xi32, #tpu.memory_space<hbm>> -> memref<1x1x68x80xi32, #tpu.memory_space<hbm>>
      %dma_wait3A_231 = tpu.memref_squeeze %dma_wait3A_230 : memref<1x1x68x80xi32, #tpu.memory_space<hbm>> -> memref<68x80xi32, #tpu.memory_space<hbm>>
      %dma_wait3A_232 = arith.constant 0 : i32
      %dma_wait3A_233 = arith.constant 0 : i32
      %dma_wait3A_234 = tpu.memref_slice %arg7[%dma_wait3A_232, %dma_wait3A_233] : memref<136x80xi32, #tpu.memory_space<vmem>> -> memref<68x80xi32, #tpu.memory_space<vmem>>
      %dma_wait3A_235 = arith.constant 0 : i32
      %dma_wait3A_236 = arith.constant 0 : i32
      %dma_wait3A_237 = tpu.memref_slice %arg3[%mul3A_2, %arg0, %dma_wait3A_235, %dma_wait3A_236] : memref<32x2x68x80xi32, #tpu.memory_space<hbm>> -> memref<1x1x68x80xi32, #tpu.memory_space<hbm>>
      %dma_wait3A_238 = tpu.memref_squeeze %dma_wait3A_237 : memref<1x1x68x80xi32, #tpu.memory_space<hbm>> -> memref<68x80xi32, #tpu.memory_space<hbm>>
      tpu.wait_dma2 semaphore(%run_scoped3A : memref<!tpu.dma_semaphore, #tpu.memory_space<semaphore_mem>>) src(%dma_wait3A_238 : memref<68x80xi32, #tpu.memory_space<hbm>>) dst(%dma_wait3A_234 : memref<68x80xi32, #tpu.memory_space<vmem>>)
      tpu.yield
    }) : () -> ()
    %mul3A_3 = arith.constant 2 : i32
    %mul3A_4 = arith.muli %mul3A_3, %arg1 : i32
    %add3A = arith.constant 1 : i32
    %add3A_5 = arith.addi %mul3A_4, %add3A : i32
    "tpu.region"() ({
      %run_scoped3A = tpu.sem_alloc : memref<!tpu.dma_semaphore, #tpu.memory_space<semaphore_mem>>
      %dma_start3A_211 = arith.constant 68 : i32
      %dma_start3A_212 = arith.constant 0 : i32
      %dma_start3A_213 = tpu.memref_slice %arg7[%dma_start3A_211, %dma_start3A_212] : memref<136x80xi32, #tpu.memory_space<vmem>> -> memref<68x80xi32, #tpu.memory_space<vmem>>
      %dma_start3A_214 = arith.constant 0 : i32
      %dma_start3A_215 = arith.constant 0 : i32
      %dma_start3A_216 = tpu.memref_slice %arg3[%add3A_5, %arg0, %dma_start3A_214, %dma_start3A_215] : memref<32x2x68x80xi32, #tpu.memory_space<hbm>> -> memref<1x1x68x80xi32, #tpu.memory_space<hbm>>
      %dma_start3A_217 = tpu.memref_squeeze %dma_start3A_216 : memref<1x1x68x80xi32, #tpu.memory_space<hbm>> -> memref<68x80xi32, #tpu.memory_space<hbm>>
      %dma_start3A_218 = arith.constant 68 : i32
      %dma_start3A_219 = arith.constant 0 : i32
      %dma_start3A_220 = tpu.memref_slice %arg7[%dma_start3A_218, %dma_start3A_219] : memref<136x80xi32, #tpu.memory_space<vmem>> -> memref<68x80xi32, #tpu.memory_space<vmem>>
      %dma_start3A_221 = arith.constant 0 : i32
      %dma_start3A_222 = arith.constant 0 : i32
      %dma_start3A_223 = tpu.memref_slice %arg3[%add3A_5, %arg0, %dma_start3A_221, %dma_start3A_222] : memref<32x2x68x80xi32, #tpu.memory_space<hbm>> -> memref<1x1x68x80xi32, #tpu.memory_space<hbm>>
      %dma_start3A_224 = tpu.memref_squeeze %dma_start3A_223 : memref<1x1x68x80xi32, #tpu.memory_space<hbm>> -> memref<68x80xi32, #tpu.memory_space<hbm>>
      tpu.enqueue_dma source(%dma_start3A_224 : memref<68x80xi32, #tpu.memory_space<hbm>>) target(%dma_start3A_220 : memref<68x80xi32, #tpu.memory_space<vmem>>) target_semaphore(%run_scoped3A : memref<!tpu.dma_semaphore, #tpu.memory_space<semaphore_mem>>)
      %dma_wait3A_225 = arith.constant 68 : i32
      %dma_wait3A_226 = arith.constant 0 : i32
      %dma_wait3A_227 = tpu.memref_slice %arg7[%dma_wait3A_225, %dma_wait3A_226] : memref<136x80xi32, #tpu.memory_space<vmem>> -> memref<68x80xi32, #tpu.memory_space<vmem>>
      %dma_wait3A_228 = arith.constant 0 : i32
      %dma_wait3A_229 = arith.constant 0 : i32
      %dma_wait3A_230 = tpu.memref_slice %arg3[%add3A_5, %arg0, %dma_wait3A_228, %dma_wait3A_229] : memref<32x2x68x80xi32, #tpu.memory_space<hbm>> -> memref<1x1x68x80xi32, #tpu.memory_space<hbm>>
      %dma_wait3A_231 = tpu.memref_squeeze %dma_wait3A_230 : memref<1x1x68x80xi32, #tpu.memory_space<hbm>> -> memref<68x80xi32, #tpu.memory_space<hbm>>
      %dma_wait3A_232 = arith.constant 68 : i32
      %dma_wait3A_233 = arith.constant 0 : i32
      %dma_wait3A_234 = tpu.memref_slice %arg7[%dma_wait3A_232, %dma_wait3A_233] : memref<136x80xi32, #tpu.memory_space<vmem>> -> memref<68x80xi32, #tpu.memory_space<vmem>>
      %dma_wait3A_235 = arith.constant 0 : i32
      %dma_wait3A_236 = arith.constant 0 : i32
      %dma_wait3A_237 = tpu.memref_slice %arg3[%add3A_5, %arg0, %dma_wait3A_235, %dma_wait3A_236] : memref<32x2x68x80xi32, #tpu.memory_space<hbm>> -> memref<1x1x68x80xi32, #tpu.memory_space<hbm>>
      %dma_wait3A_238 = tpu.memref_squeeze %dma_wait3A_237 : memref<1x1x68x80xi32, #tpu.memory_space<hbm>> -> memref<68x80xi32, #tpu.memory_space<hbm>>
      tpu.wait_dma2 semaphore(%run_scoped3A : memref<!tpu.dma_semaphore, #tpu.memory_space<semaphore_mem>>) src(%dma_wait3A_238 : memref<68x80xi32, #tpu.memory_space<hbm>>) dst(%dma_wait3A_234 : memref<68x80xi32, #tpu.memory_space<vmem>>)
      tpu.yield
    }) : () -> ()
    %mul3A_6 = arith.constant 2 : i32
    %mul3A_7 = arith.muli %mul3A_6, %arg1 : i32
    "tpu.region"() ({
      %run_scoped3A = tpu.sem_alloc : memref<!tpu.dma_semaphore, #tpu.memory_space<semaphore_mem>>
      %dma_start3A_211 = arith.constant 0 : i32
      %dma_start3A_212 = arith.constant 0 : i32
      %dma_start3A_213 = tpu.memref_slice %arg8[%dma_start3A_211, %dma_start3A_212] : memref<136x80xi32, #tpu.memory_space<vmem>> -> memref<68x80xi32, #tpu.memory_space<vmem>>
      %dma_start3A_214 = arith.constant 0 : i32
      %dma_start3A_215 = arith.constant 0 : i32
      %dma_start3A_216 = tpu.memref_slice %arg4[%mul3A_7, %arg0, %dma_start3A_214, %dma_start3A_215] : memref<32x2x68x80xi32, #tpu.memory_space<hbm>> -> memref<1x1x68x80xi32, #tpu.memory_space<hbm>>
      %dma_start3A_217 = tpu.memref_squeeze %dma_start3A_216 : memref<1x1x68x80xi32, #tpu.memory_space<hbm>> -> memref<68x80xi32, #tpu.memory_space<hbm>>
      %dma_start3A_218 = arith.constant 0 : i32
      %dma_start3A_219 = arith.constant 0 : i32
      %dma_start3A_220 = tpu.memref_slice %arg8[%dma_start3A_218, %dma_start3A_219] : memref<136x80xi32, #tpu.memory_space<vmem>> -> memref<68x80xi32, #tpu.memory_space<vmem>>
      %dma_start3A_221 = arith.constant 0 : i32
      %dma_start3A_222 = arith.constant 0 : i32
      %dma_start3A_223 = tpu.memref_slice %arg4[%mul3A_7, %arg0, %dma_start3A_221, %dma_start3A_222] : memref<32x2x68x80xi32, #tpu.memory_space<hbm>> -> memref<1x1x68x80xi32, #tpu.memory_space<hbm>>
      %dma_start3A_224 = tpu.memref_squeeze %dma_start3A_223 : memref<1x1x68x80xi32, #tpu.memory_space<hbm>> -> memref<68x80xi32, #tpu.memory_space<hbm>>
      tpu.enqueue_dma source(%dma_start3A_224 : memref<68x80xi32, #tpu.memory_space<hbm>>) target(%dma_start3A_220 : memref<68x80xi32, #tpu.memory_space<vmem>>) target_semaphore(%run_scoped3A : memref<!tpu.dma_semaphore, #tpu.memory_space<semaphore_mem>>)
      %dma_wait3A_225 = arith.constant 0 : i32
      %dma_wait3A_226 = arith.constant 0 : i32
      %dma_wait3A_227 = tpu.memref_slice %arg8[%dma_wait3A_225, %dma_wait3A_226] : memref<136x80xi32, #tpu.memory_space<vmem>> -> memref<68x80xi32, #tpu.memory_space<vmem>>
      %dma_wait3A_228 = arith.constant 0 : i32
      %dma_wait3A_229 = arith.constant 0 : i32
      %dma_wait3A_230 = tpu.memref_slice %arg4[%mul3A_7, %arg0, %dma_wait3A_228, %dma_wait3A_229] : memref<32x2x68x80xi32, #tpu.memory_space<hbm>> -> memref<1x1x68x80xi32, #tpu.memory_space<hbm>>
      %dma_wait3A_231 = tpu.memref_squeeze %dma_wait3A_230 : memref<1x1x68x80xi32, #tpu.memory_space<hbm>> -> memref<68x80xi32, #tpu.memory_space<hbm>>
      %dma_wait3A_232 = arith.constant 0 : i32
      %dma_wait3A_233 = arith.constant 0 : i32
      %dma_wait3A_234 = tpu.memref_slice %arg8[%dma_wait3A_232, %dma_wait3A_233] : memref<136x80xi32, #tpu.memory_space<vmem>> -> memref<68x80xi32, #tpu.memory_space<vmem>>
      %dma_wait3A_235 = arith.constant 0 : i32
      %dma_wait3A_236 = arith.constant 0 : i32
      %dma_wait3A_237 = tpu.memref_slice %arg4[%mul3A_7, %arg0, %dma_wait3A_235, %dma_wait3A_236] : memref<32x2x68x80xi32, #tpu.memory_space<hbm>> -> memref<1x1x68x80xi32, #tpu.memory_space<hbm>>
      %dma_wait3A_238 = tpu.memref_squeeze %dma_wait3A_237 : memref<1x1x68x80xi32, #tpu.memory_space<hbm>> -> memref<68x80xi32, #tpu.memory_space<hbm>>
      tpu.wait_dma2 semaphore(%run_scoped3A : memref<!tpu.dma_semaphore, #tpu.memory_space<semaphore_mem>>) src(%dma_wait3A_238 : memref<68x80xi32, #tpu.memory_space<hbm>>) dst(%dma_wait3A_234 : memref<68x80xi32, #tpu.memory_space<vmem>>)
      tpu.yield
    }) : () -> ()
    %mul3A_8 = arith.constant 2 : i32
    %mul3A_9 = arith.muli %mul3A_8, %arg1 : i32
    %add3A_10 = arith.constant 1 : i32
    %add3A_11 = arith.addi %mul3A_9, %add3A_10 : i32
    "tpu.region"() ({
      %run_scoped3A = tpu.sem_alloc : memref<!tpu.dma_semaphore, #tpu.memory_space<semaphore_mem>>
      %dma_start3A_211 = arith.constant 68 : i32
      %dma_start3A_212 = arith.constant 0 : i32
      %dma_start3A_213 = tpu.memref_slice %arg8[%dma_start3A_211, %dma_start3A_212] : memref<136x80xi32, #tpu.memory_space<vmem>> -> memref<68x80xi32, #tpu.memory_space<vmem>>
      %dma_start3A_214 = arith.constant 0 : i32
      %dma_start3A_215 = arith.constant 0 : i32
      %dma_start3A_216 = tpu.memref_slice %arg4[%add3A_11, %arg0, %dma_start3A_214, %dma_start3A_215] : memref<32x2x68x80xi32, #tpu.memory_space<hbm>> -> memref<1x1x68x80xi32, #tpu.memory_space<hbm>>
      %dma_start3A_217 = tpu.memref_squeeze %dma_start3A_216 : memref<1x1x68x80xi32, #tpu.memory_space<hbm>> -> memref<68x80xi32, #tpu.memory_space<hbm>>
      %dma_start3A_218 = arith.constant 68 : i32
      %dma_start3A_219 = arith.constant 0 : i32
      %dma_start3A_220 = tpu.memref_slice %arg8[%dma_start3A_218, %dma_start3A_219] : memref<136x80xi32, #tpu.memory_space<vmem>> -> memref<68x80xi32, #tpu.memory_space<vmem>>
      %dma_start3A_221 = arith.constant 0 : i32
      %dma_start3A_222 = arith.constant 0 : i32
      %dma_start3A_223 = tpu.memref_slice %arg4[%add3A_11, %arg0, %dma_start3A_221, %dma_start3A_222] : memref<32x2x68x80xi32, #tpu.memory_space<hbm>> -> memref<1x1x68x80xi32, #tpu.memory_space<hbm>>
      %dma_start3A_224 = tpu.memref_squeeze %dma_start3A_223 : memref<1x1x68x80xi32, #tpu.memory_space<hbm>> -> memref<68x80xi32, #tpu.memory_space<hbm>>
      tpu.enqueue_dma source(%dma_start3A_224 : memref<68x80xi32, #tpu.memory_space<hbm>>) target(%dma_start3A_220 : memref<68x80xi32, #tpu.memory_space<vmem>>) target_semaphore(%run_scoped3A : memref<!tpu.dma_semaphore, #tpu.memory_space<semaphore_mem>>)
      %dma_wait3A_225 = arith.constant 68 : i32
      %dma_wait3A_226 = arith.constant 0 : i32
      %dma_wait3A_227 = tpu.memref_slice %arg8[%dma_wait3A_225, %dma_wait3A_226] : memref<136x80xi32, #tpu.memory_space<vmem>> -> memref<68x80xi32, #tpu.memory_space<vmem>>
      %dma_wait3A_228 = arith.constant 0 : i32
      %dma_wait3A_229 = arith.constant 0 : i32
      %dma_wait3A_230 = tpu.memref_slice %arg4[%add3A_11, %arg0, %dma_wait3A_228, %dma_wait3A_229] : memref<32x2x68x80xi32, #tpu.memory_space<hbm>> -> memref<1x1x68x80xi32, #tpu.memory_space<hbm>>
      %dma_wait3A_231 = tpu.memref_squeeze %dma_wait3A_230 : memref<1x1x68x80xi32, #tpu.memory_space<hbm>> -> memref<68x80xi32, #tpu.memory_space<hbm>>
      %dma_wait3A_232 = arith.constant 68 : i32
      %dma_wait3A_233 = arith.constant 0 : i32
      %dma_wait3A_234 = tpu.memref_slice %arg8[%dma_wait3A_232, %dma_wait3A_233] : memref<136x80xi32, #tpu.memory_space<vmem>> -> memref<68x80xi32, #tpu.memory_space<vmem>>
      %dma_wait3A_235 = arith.constant 0 : i32
      %dma_wait3A_236 = arith.constant 0 : i32
      %dma_wait3A_237 = tpu.memref_slice %arg4[%add3A_11, %arg0, %dma_wait3A_235, %dma_wait3A_236] : memref<32x2x68x80xi32, #tpu.memory_space<hbm>> -> memref<1x1x68x80xi32, #tpu.memory_space<hbm>>
      %dma_wait3A_238 = tpu.memref_squeeze %dma_wait3A_237 : memref<1x1x68x80xi32, #tpu.memory_space<hbm>> -> memref<68x80xi32, #tpu.memory_space<hbm>>
      tpu.wait_dma2 semaphore(%run_scoped3A : memref<!tpu.dma_semaphore, #tpu.memory_space<semaphore_mem>>) src(%dma_wait3A_238 : memref<68x80xi32, #tpu.memory_space<hbm>>) dst(%dma_wait3A_234 : memref<68x80xi32, #tpu.memory_space<vmem>>)
      tpu.yield
    }) : () -> ()
    %dma_start3A = arith.constant 0 : i32
    %dma_start3A_12 = arith.constant 0 : i32
    %dma_start3A_13 = tpu.memref_slice %arg7[%dma_start3A, %dma_start3A_12] : memref<136x80xi32, #tpu.memory_space<vmem>> -> memref<1x80xi32, #tpu.memory_space<vmem>>
    %dma_start3A_14 = tpu.memref_squeeze %dma_start3A_13 : memref<1x80xi32, #tpu.memory_space<vmem>> -> memref<80xi32, #tpu.memory_space<vmem>>
    %dma_start3A_15 = arith.constant 0 : i32
    %dma_start3A_16 = arith.constant 0 : i32
    %dma_start3A_17 = tpu.memref_slice %arg2[%dma_start3A_15, %dma_start3A_16] : memref<10000x128xf32, #tpu.memory_space<hbm>> -> memref<10000x128xf32, #tpu.memory_space<hbm>>
    tpu.enqueue_indirect_dma source(%dma_start3A_17 : memref<10000x128xf32, #tpu.memory_space<hbm>>) target(%arg9 : memref<80x128xf32, #tpu.memory_space<vmem>>) offsets(%dma_start3A_14 : memref<80xi32, #tpu.memory_space<vmem>>) semaphore(%arg13 : memref<!tpu.dma_semaphore, #tpu.memory_space<semaphore_mem>>)
    %dma_start3A_18 = arith.constant 1 : i32
    %dma_start3A_19 = arith.constant 0 : i32
    %dma_start3A_20 = tpu.memref_slice %arg7[%dma_start3A_18, %dma_start3A_19] : memref<136x80xi32, #tpu.memory_space<vmem>> -> memref<1x80xi32, #tpu.memory_space<vmem>>
    %dma_start3A_21 = tpu.memref_squeeze %dma_start3A_20 : memref<1x80xi32, #tpu.memory_space<vmem>> -> memref<80xi32, #tpu.memory_space<vmem>>
    %dma_start3A_22 = arith.constant 0 : i32
    %dma_start3A_23 = arith.constant 0 : i32
    %dma_start3A_24 = tpu.memref_slice %arg2[%dma_start3A_22, %dma_start3A_23] : memref<10000x128xf32, #tpu.memory_space<hbm>> -> memref<10000x128xf32, #tpu.memory_space<hbm>>
    tpu.enqueue_indirect_dma source(%dma_start3A_24 : memref<10000x128xf32, #tpu.memory_space<hbm>>) target(%arg10 : memref<80x128xf32, #tpu.memory_space<vmem>>) offsets(%dma_start3A_21 : memref<80xi32, #tpu.memory_space<vmem>>) semaphore(%arg14 : memref<!tpu.dma_semaphore, #tpu.memory_space<semaphore_mem>>)
    "tpu.region"() ({
      %run_scoped3A = tpu.sem_alloc : memref<!tpu.dma_semaphore, #tpu.memory_space<semaphore_mem>>
      %dma_start3A_211 = arith.constant 0 : i32
      %dma_start3A_212 = tpu.memref_slice %arg12[%mul3A_0, %dma_start3A_211] : memref<5120x128xf32, #tpu.memory_space<vmem_shared>> -> memref<320x128xf32, #tpu.memory_space<vmem_shared>>
      tpu.enqueue_dma source(%arg5 : memref<320x128xf32, #tpu.memory_space<hbm>>) target(%dma_start3A_212 : memref<320x128xf32, #tpu.memory_space<vmem_shared>>) target_semaphore(%run_scoped3A : memref<!tpu.dma_semaphore, #tpu.memory_space<semaphore_mem>>)
      %dma_wait3A_213 = arith.constant 0 : i32
      %dma_wait3A_214 = tpu.memref_slice %arg12[%mul3A_0, %dma_wait3A_213] : memref<5120x128xf32, #tpu.memory_space<vmem_shared>> -> memref<320x128xf32, #tpu.memory_space<vmem_shared>>
      tpu.wait_dma2 semaphore(%run_scoped3A : memref<!tpu.dma_semaphore, #tpu.memory_space<semaphore_mem>>) src(%arg5 : memref<320x128xf32, #tpu.memory_space<hbm>>) dst(%dma_wait3A_214 : memref<320x128xf32, #tpu.memory_space<vmem_shared>>)
      tpu.yield
    }) : () -> ()
    %barrier3A = arith.constant 0 : index
    tpu.barrier barrier_id(%barrier3A)
    %dma_wait3A = arith.constant 0 : i32
    %dma_wait3A_25 = arith.constant 0 : i32
    %dma_wait3A_26 = tpu.memref_slice %arg7[%dma_wait3A, %dma_wait3A_25] : memref<136x80xi32, #tpu.memory_space<vmem>> -> memref<1x80xi32, #tpu.memory_space<vmem>>
    %dma_wait3A_27 = tpu.memref_squeeze %dma_wait3A_26 : memref<1x80xi32, #tpu.memory_space<vmem>> -> memref<80xi32, #tpu.memory_space<vmem>>
    %dma_wait3A_28 = arith.constant 0 : i32
    %dma_wait3A_29 = arith.constant 0 : i32
    %dma_wait3A_30 = tpu.memref_slice %arg2[%dma_wait3A_28, %dma_wait3A_29] : memref<10000x128xf32, #tpu.memory_space<hbm>> -> memref<10000x128xf32, #tpu.memory_space<hbm>>
    tpu.wait_indirect_dma semaphore(%arg13 : memref<!tpu.dma_semaphore, #tpu.memory_space<semaphore_mem>>) src(%dma_wait3A_30 : memref<10000x128xf32, #tpu.memory_space<hbm>>) dst(%arg9 : memref<80x128xf32, #tpu.memory_space<vmem>>)
    %dma_start3A_31 = arith.constant 0 : i32
    %dma_start3A_32 = arith.constant 0 : i32
    %dma_start3A_33 = tpu.memref_slice %arg8[%dma_start3A_31, %dma_start3A_32] : memref<136x80xi32, #tpu.memory_space<vmem>> -> memref<1x80xi32, #tpu.memory_space<vmem>>
    %dma_start3A_34 = tpu.memref_squeeze %dma_start3A_33 : memref<1x80xi32, #tpu.memory_space<vmem>> -> memref<80xi32, #tpu.memory_space<vmem>>
    %dma_start3A_35 = arith.constant 0 : i32
    %dma_start3A_36 = arith.constant 0 : i32
    %dma_start3A_37 = tpu.memref_slice %arg12[%dma_start3A_35, %dma_start3A_36] : memref<5120x128xf32, #tpu.memory_space<vmem_shared>> -> memref<5120x128xf32, #tpu.memory_space<vmem_shared>>
    tpu.enqueue_indirect_dma source(%arg9 : memref<80x128xf32, #tpu.memory_space<vmem>>) target(%dma_start3A_37 : memref<5120x128xf32, #tpu.memory_space<vmem_shared>>) offsets(%dma_start3A_34 : memref<80xi32, #tpu.memory_space<vmem>>) semaphore(%arg16 : memref<!tpu.dma_semaphore, #tpu.memory_space<semaphore_mem>>) {add = true}
    %dma_start3A_38 = arith.constant 2 : i32
    %dma_start3A_39 = arith.constant 0 : i32
    %dma_start3A_40 = tpu.memref_slice %arg7[%dma_start3A_38, %dma_start3A_39] : memref<136x80xi32, #tpu.memory_space<vmem>> -> memref<1x80xi32, #tpu.memory_space<vmem>>
    %dma_start3A_41 = tpu.memref_squeeze %dma_start3A_40 : memref<1x80xi32, #tpu.memory_space<vmem>> -> memref<80xi32, #tpu.memory_space<vmem>>
    %dma_start3A_42 = arith.constant 0 : i32
    %dma_start3A_43 = arith.constant 0 : i32
    %dma_start3A_44 = tpu.memref_slice %arg2[%dma_start3A_42, %dma_start3A_43] : memref<10000x128xf32, #tpu.memory_space<hbm>> -> memref<10000x128xf32, #tpu.memory_space<hbm>>
    tpu.enqueue_indirect_dma source(%dma_start3A_44 : memref<10000x128xf32, #tpu.memory_space<hbm>>) target(%arg11 : memref<80x128xf32, #tpu.memory_space<vmem>>) offsets(%dma_start3A_41 : memref<80xi32, #tpu.memory_space<vmem>>) semaphore(%arg15 : memref<!tpu.dma_semaphore, #tpu.memory_space<semaphore_mem>>)
    %dma_wait3A_45 = arith.constant 1 : i32
    %dma_wait3A_46 = arith.constant 0 : i32
    %dma_wait3A_47 = tpu.memref_slice %arg7[%dma_wait3A_45, %dma_wait3A_46] : memref<136x80xi32, #tpu.memory_space<vmem>> -> memref<1x80xi32, #tpu.memory_space<vmem>>
    %dma_wait3A_48 = tpu.memref_squeeze %dma_wait3A_47 : memref<1x80xi32, #tpu.memory_space<vmem>> -> memref<80xi32, #tpu.memory_space<vmem>>
    %dma_wait3A_49 = arith.constant 0 : i32
    %dma_wait3A_50 = arith.constant 0 : i32
    %dma_wait3A_51 = tpu.memref_slice %arg2[%dma_wait3A_49, %dma_wait3A_50] : memref<10000x128xf32, #tpu.memory_space<hbm>> -> memref<10000x128xf32, #tpu.memory_space<hbm>>
    tpu.wait_indirect_dma semaphore(%arg14 : memref<!tpu.dma_semaphore, #tpu.memory_space<semaphore_mem>>) src(%dma_wait3A_51 : memref<10000x128xf32, #tpu.memory_space<hbm>>) dst(%arg10 : memref<80x128xf32, #tpu.memory_space<vmem>>)
    %dma_start3A_52 = arith.constant 1 : i32
    %dma_start3A_53 = arith.constant 0 : i32
    %dma_start3A_54 = tpu.memref_slice %arg8[%dma_start3A_52, %dma_start3A_53] : memref<136x80xi32, #tpu.memory_space<vmem>> -> memref<1x80xi32, #tpu.memory_space<vmem>>
    %dma_start3A_55 = tpu.memref_squeeze %dma_start3A_54 : memref<1x80xi32, #tpu.memory_space<vmem>> -> memref<80xi32, #tpu.memory_space<vmem>>
    %dma_start3A_56 = arith.constant 0 : i32
    %dma_start3A_57 = arith.constant 0 : i32
    %dma_start3A_58 = tpu.memref_slice %arg12[%dma_start3A_56, %dma_start3A_57] : memref<5120x128xf32, #tpu.memory_space<vmem_shared>> -> memref<5120x128xf32, #tpu.memory_space<vmem_shared>>
    tpu.enqueue_indirect_dma source(%arg10 : memref<80x128xf32, #tpu.memory_space<vmem>>) target(%dma_start3A_58 : memref<5120x128xf32, #tpu.memory_space<vmem_shared>>) offsets(%dma_start3A_55 : memref<80xi32, #tpu.memory_space<vmem>>) semaphore(%arg17 : memref<!tpu.dma_semaphore, #tpu.memory_space<semaphore_mem>>) {add = true}
    %dma_wait3A_59 = arith.constant 0 : i32
    %dma_wait3A_60 = arith.constant 0 : i32
    %dma_wait3A_61 = tpu.memref_slice %arg8[%dma_wait3A_59, %dma_wait3A_60] : memref<136x80xi32, #tpu.memory_space<vmem>> -> memref<1x80xi32, #tpu.memory_space<vmem>>
    %dma_wait3A_62 = tpu.memref_squeeze %dma_wait3A_61 : memref<1x80xi32, #tpu.memory_space<vmem>> -> memref<80xi32, #tpu.memory_space<vmem>>
    %dma_wait3A_63 = arith.constant 0 : i32
    %dma_wait3A_64 = arith.constant 0 : i32
    %dma_wait3A_65 = tpu.memref_slice %arg12[%dma_wait3A_63, %dma_wait3A_64] : memref<5120x128xf32, #tpu.memory_space<vmem_shared>> -> memref<5120x128xf32, #tpu.memory_space<vmem_shared>>
    tpu.wait_indirect_dma semaphore(%arg16 : memref<!tpu.dma_semaphore, #tpu.memory_space<semaphore_mem>>) src(%arg9 : memref<80x128xf32, #tpu.memory_space<vmem>>) dst(%dma_wait3A_65 : memref<5120x128xf32, #tpu.memory_space<vmem_shared>>)
    %dma_start3A_66 = arith.constant 3 : i32
    %dma_start3A_67 = arith.constant 0 : i32
    %dma_start3A_68 = tpu.memref_slice %arg7[%dma_start3A_66, %dma_start3A_67] : memref<136x80xi32, #tpu.memory_space<vmem>> -> memref<1x80xi32, #tpu.memory_space<vmem>>
    %dma_start3A_69 = tpu.memref_squeeze %dma_start3A_68 : memref<1x80xi32, #tpu.memory_space<vmem>> -> memref<80xi32, #tpu.memory_space<vmem>>
    %dma_start3A_70 = arith.constant 0 : i32
    %dma_start3A_71 = arith.constant 0 : i32
    %dma_start3A_72 = tpu.memref_slice %arg2[%dma_start3A_70, %dma_start3A_71] : memref<10000x128xf32, #tpu.memory_space<hbm>> -> memref<10000x128xf32, #tpu.memory_space<hbm>>
    tpu.enqueue_indirect_dma source(%dma_start3A_72 : memref<10000x128xf32, #tpu.memory_space<hbm>>) target(%arg9 : memref<80x128xf32, #tpu.memory_space<vmem>>) offsets(%dma_start3A_69 : memref<80xi32, #tpu.memory_space<vmem>>) semaphore(%arg13 : memref<!tpu.dma_semaphore, #tpu.memory_space<semaphore_mem>>)
    %dma_wait3A_73 = arith.constant 2 : i32
    %dma_wait3A_74 = arith.constant 0 : i32
    %dma_wait3A_75 = tpu.memref_slice %arg7[%dma_wait3A_73, %dma_wait3A_74] : memref<136x80xi32, #tpu.memory_space<vmem>> -> memref<1x80xi32, #tpu.memory_space<vmem>>
    %dma_wait3A_76 = tpu.memref_squeeze %dma_wait3A_75 : memref<1x80xi32, #tpu.memory_space<vmem>> -> memref<80xi32, #tpu.memory_space<vmem>>
    %dma_wait3A_77 = arith.constant 0 : i32
    %dma_wait3A_78 = arith.constant 0 : i32
    %dma_wait3A_79 = tpu.memref_slice %arg2[%dma_wait3A_77, %dma_wait3A_78] : memref<10000x128xf32, #tpu.memory_space<hbm>> -> memref<10000x128xf32, #tpu.memory_space<hbm>>
    tpu.wait_indirect_dma semaphore(%arg15 : memref<!tpu.dma_semaphore, #tpu.memory_space<semaphore_mem>>) src(%dma_wait3A_79 : memref<10000x128xf32, #tpu.memory_space<hbm>>) dst(%arg11 : memref<80x128xf32, #tpu.memory_space<vmem>>)
    %dma_start3A_80 = arith.constant 2 : i32
    %dma_start3A_81 = arith.constant 0 : i32
    %dma_start3A_82 = tpu.memref_slice %arg8[%dma_start3A_80, %dma_start3A_81] : memref<136x80xi32, #tpu.memory_space<vmem>> -> memref<1x80xi32, #tpu.memory_space<vmem>>
    %dma_start3A_83 = tpu.memref_squeeze %dma_start3A_82 : memref<1x80xi32, #tpu.memory_space<vmem>> -> memref<80xi32, #tpu.memory_space<vmem>>
    %dma_start3A_84 = arith.constant 0 : i32
    %dma_start3A_85 = arith.constant 0 : i32
    %dma_start3A_86 = tpu.memref_slice %arg12[%dma_start3A_84, %dma_start3A_85] : memref<5120x128xf32, #tpu.memory_space<vmem_shared>> -> memref<5120x128xf32, #tpu.memory_space<vmem_shared>>
    tpu.enqueue_indirect_dma source(%arg11 : memref<80x128xf32, #tpu.memory_space<vmem>>) target(%dma_start3A_86 : memref<5120x128xf32, #tpu.memory_space<vmem_shared>>) offsets(%dma_start3A_83 : memref<80xi32, #tpu.memory_space<vmem>>) semaphore(%arg18 : memref<!tpu.dma_semaphore, #tpu.memory_space<semaphore_mem>>) {add = true}
    %dma_wait3A_87 = arith.constant 1 : i32
    %dma_wait3A_88 = arith.constant 0 : i32
    %dma_wait3A_89 = tpu.memref_slice %arg8[%dma_wait3A_87, %dma_wait3A_88] : memref<136x80xi32, #tpu.memory_space<vmem>> -> memref<1x80xi32, #tpu.memory_space<vmem>>
    %dma_wait3A_90 = tpu.memref_squeeze %dma_wait3A_89 : memref<1x80xi32, #tpu.memory_space<vmem>> -> memref<80xi32, #tpu.memory_space<vmem>>
    %dma_wait3A_91 = arith.constant 0 : i32
    %dma_wait3A_92 = arith.constant 0 : i32
    %dma_wait3A_93 = tpu.memref_slice %arg12[%dma_wait3A_91, %dma_wait3A_92] : memref<5120x128xf32, #tpu.memory_space<vmem_shared>> -> memref<5120x128xf32, #tpu.memory_space<vmem_shared>>
    tpu.wait_indirect_dma semaphore(%arg17 : memref<!tpu.dma_semaphore, #tpu.memory_space<semaphore_mem>>) src(%arg10 : memref<80x128xf32, #tpu.memory_space<vmem>>) dst(%dma_wait3A_93 : memref<5120x128xf32, #tpu.memory_space<vmem_shared>>)
    %dma_start3A_94 = arith.constant 4 : i32
    %dma_start3A_95 = arith.constant 0 : i32
    %dma_start3A_96 = tpu.memref_slice %arg7[%dma_start3A_94, %dma_start3A_95] : memref<136x80xi32, #tpu.memory_space<vmem>> -> memref<1x80xi32, #tpu.memory_space<vmem>>
    %dma_start3A_97 = tpu.memref_squeeze %dma_start3A_96 : memref<1x80xi32, #tpu.memory_space<vmem>> -> memref<80xi32, #tpu.memory_space<vmem>>
    %dma_start3A_98 = arith.constant 0 : i32
    %dma_start3A_99 = arith.constant 0 : i32
    %dma_start3A_100 = tpu.memref_slice %arg2[%dma_start3A_98, %dma_start3A_99] : memref<10000x128xf32, #tpu.memory_space<hbm>> -> memref<10000x128xf32, #tpu.memory_space<hbm>>
    tpu.enqueue_indirect_dma source(%dma_start3A_100 : memref<10000x128xf32, #tpu.memory_space<hbm>>) target(%arg10 : memref<80x128xf32, #tpu.memory_space<vmem>>) offsets(%dma_start3A_97 : memref<80xi32, #tpu.memory_space<vmem>>) semaphore(%arg14 : memref<!tpu.dma_semaphore, #tpu.memory_space<semaphore_mem>>)
    %scan3A = arith.constant 0 : i32
    %scan3A_101 = arith.constant 43 : i32
    %scan3A_102 = arith.addi %scan3A, %scan3A_101 : i32
    %scan3A_103 = arith.constant 1 : i32
    scf.for %scan3A_211 = %scan3A to %scan3A_102 step %scan3A_103  : i32 {
      %mul3A_212 = arith.constant 3 : i32
      %mul3A_213 = arith.muli %scan3A_211, %mul3A_212 : i32
      %add3A_214 = arith.constant 3 : i32
      %add3A_215 = arith.addi %add3A_214, %mul3A_213 : i32
      %add3A_216 = arith.constant 0 : i32
      %add3A_217 = arith.addi %add3A_215, %add3A_216 : i32
      %dma_wait3A_218 = arith.constant 0 : i32
      %dma_wait3A_219 = tpu.memref_slice %arg7[%add3A_217, %dma_wait3A_218] : memref<136x80xi32, #tpu.memory_space<vmem>> -> memref<1x80xi32, #tpu.memory_space<vmem>>
      %dma_wait3A_220 = tpu.memref_squeeze %dma_wait3A_219 : memref<1x80xi32, #tpu.memory_space<vmem>> -> memref<80xi32, #tpu.memory_space<vmem>>
      %dma_wait3A_221 = arith.constant 0 : i32
      %dma_wait3A_222 = arith.constant 0 : i32
      %dma_wait3A_223 = tpu.memref_slice %arg2[%dma_wait3A_221, %dma_wait3A_222] : memref<10000x128xf32, #tpu.memory_space<hbm>> -> memref<10000x128xf32, #tpu.memory_space<hbm>>
      tpu.wait_indirect_dma semaphore(%arg13 : memref<!tpu.dma_semaphore, #tpu.memory_space<semaphore_mem>>) src(%dma_wait3A_223 : memref<10000x128xf32, #tpu.memory_space<hbm>>) dst(%arg9 : memref<80x128xf32, #tpu.memory_space<vmem>>)
      %dma_start3A_224 = arith.constant 0 : i32
      %dma_start3A_225 = tpu.memref_slice %arg8[%add3A_217, %dma_start3A_224] : memref<136x80xi32, #tpu.memory_space<vmem>> -> memref<1x80xi32, #tpu.memory_space<vmem>>
      %dma_start3A_226 = tpu.memref_squeeze %dma_start3A_225 : memref<1x80xi32, #tpu.memory_space<vmem>> -> memref<80xi32, #tpu.memory_space<vmem>>
      %dma_start3A_227 = arith.constant 0 : i32
      %dma_start3A_228 = arith.constant 0 : i32
      %dma_start3A_229 = tpu.memref_slice %arg12[%dma_start3A_227, %dma_start3A_228] : memref<5120x128xf32, #tpu.memory_space<vmem_shared>> -> memref<5120x128xf32, #tpu.memory_space<vmem_shared>>
      tpu.enqueue_indirect_dma source(%arg9 : memref<80x128xf32, #tpu.memory_space<vmem>>) target(%dma_start3A_229 : memref<5120x128xf32, #tpu.memory_space<vmem_shared>>) offsets(%dma_start3A_226 : memref<80xi32, #tpu.memory_space<vmem>>) semaphore(%arg16 : memref<!tpu.dma_semaphore, #tpu.memory_space<semaphore_mem>>) {add = true}
      %add3A_230 = arith.constant 2 : i32
      %add3A_231 = arith.addi %add3A_217, %add3A_230 : i32
      %sub3A = arith.constant 3 : i32
      %sub3A_232 = arith.subi %add3A_231, %sub3A : i32
      %dma_wait3A_233 = arith.constant 0 : i32
      %dma_wait3A_234 = tpu.memref_slice %arg8[%sub3A_232, %dma_wait3A_233] : memref<136x80xi32, #tpu.memory_space<vmem>> -> memref<1x80xi32, #tpu.memory_space<vmem>>
      %dma_wait3A_235 = tpu.memref_squeeze %dma_wait3A_234 : memref<1x80xi32, #tpu.memory_space<vmem>> -> memref<80xi32, #tpu.memory_space<vmem>>
      %dma_wait3A_236 = arith.constant 0 : i32
      %dma_wait3A_237 = arith.constant 0 : i32
      %dma_wait3A_238 = tpu.memref_slice %arg12[%dma_wait3A_236, %dma_wait3A_237] : memref<5120x128xf32, #tpu.memory_space<vmem_shared>> -> memref<5120x128xf32, #tpu.memory_space<vmem_shared>>
      tpu.wait_indirect_dma semaphore(%arg18 : memref<!tpu.dma_semaphore, #tpu.memory_space<semaphore_mem>>) src(%arg11 : memref<80x128xf32, #tpu.memory_space<vmem>>) dst(%dma_wait3A_238 : memref<5120x128xf32, #tpu.memory_space<vmem_shared>>)
      %add3A_239 = arith.constant 2 : i32
      %add3A_240 = arith.addi %add3A_217, %add3A_239 : i32
      %dma_start3A_241 = arith.constant 0 : i32
      %dma_start3A_242 = tpu.memref_slice %arg7[%add3A_240, %dma_start3A_241] : memref<136x80xi32, #tpu.memory_space<vmem>> -> memref<1x80xi32, #tpu.memory_space<vmem>>
      %dma_start3A_243 = tpu.memref_squeeze %dma_start3A_242 : memref<1x80xi32, #tpu.memory_space<vmem>> -> memref<80xi32, #tpu.memory_space<vmem>>
      %dma_start3A_244 = arith.constant 0 : i32
      %dma_start3A_245 = arith.constant 0 : i32
      %dma_start3A_246 = tpu.memref_slice %arg2[%dma_start3A_244, %dma_start3A_245] : memref<10000x128xf32, #tpu.memory_space<hbm>> -> memref<10000x128xf32, #tpu.memory_space<hbm>>
      tpu.enqueue_indirect_dma source(%dma_start3A_246 : memref<10000x128xf32, #tpu.memory_space<hbm>>) target(%arg11 : memref<80x128xf32, #tpu.memory_space<vmem>>) offsets(%dma_start3A_243 : memref<80xi32, #tpu.memory_space<vmem>>) semaphore(%arg15 : memref<!tpu.dma_semaphore, #tpu.memory_space<semaphore_mem>>)
      %add3A_247 = arith.constant 1 : i32
      %add3A_248 = arith.addi %add3A_215, %add3A_247 : i32
      %dma_wait3A_249 = arith.constant 0 : i32
      %dma_wait3A_250 = tpu.memref_slice %arg7[%add3A_248, %dma_wait3A_249] : memref<136x80xi32, #tpu.memory_space<vmem>> -> memref<1x80xi32, #tpu.memory_space<vmem>>
      %dma_wait3A_251 = tpu.memref_squeeze %dma_wait3A_250 : memref<1x80xi32, #tpu.memory_space<vmem>> -> memref<80xi32, #tpu.memory_space<vmem>>
      %dma_wait3A_252 = arith.constant 0 : i32
      %dma_wait3A_253 = arith.constant 0 : i32
      %dma_wait3A_254 = tpu.memref_slice %arg2[%dma_wait3A_252, %dma_wait3A_253] : memref<10000x128xf32, #tpu.memory_space<hbm>> -> memref<10000x128xf32, #tpu.memory_space<hbm>>
      tpu.wait_indirect_dma semaphore(%arg14 : memref<!tpu.dma_semaphore, #tpu.memory_space<semaphore_mem>>) src(%dma_wait3A_254 : memref<10000x128xf32, #tpu.memory_space<hbm>>) dst(%arg10 : memref<80x128xf32, #tpu.memory_space<vmem>>)
      %dma_start3A_255 = arith.constant 0 : i32
      %dma_start3A_256 = tpu.memref_slice %arg8[%add3A_248, %dma_start3A_255] : memref<136x80xi32, #tpu.memory_space<vmem>> -> memref<1x80xi32, #tpu.memory_space<vmem>>
      %dma_start3A_257 = tpu.memref_squeeze %dma_start3A_256 : memref<1x80xi32, #tpu.memory_space<vmem>> -> memref<80xi32, #tpu.memory_space<vmem>>
      %dma_start3A_258 = arith.constant 0 : i32
      %dma_start3A_259 = arith.constant 0 : i32
      %dma_start3A_260 = tpu.memref_slice %arg12[%dma_start3A_258, %dma_start3A_259] : memref<5120x128xf32, #tpu.memory_space<vmem_shared>> -> memref<5120x128xf32, #tpu.memory_space<vmem_shared>>
      tpu.enqueue_indirect_dma source(%arg10 : memref<80x128xf32, #tpu.memory_space<vmem>>) target(%dma_start3A_260 : memref<5120x128xf32, #tpu.memory_space<vmem_shared>>) offsets(%dma_start3A_257 : memref<80xi32, #tpu.memory_space<vmem>>) semaphore(%arg17 : memref<!tpu.dma_semaphore, #tpu.memory_space<semaphore_mem>>) {add = true}
      %add3A_261 = arith.constant 2 : i32
      %add3A_262 = arith.addi %add3A_248, %add3A_261 : i32
      %sub3A_263 = arith.constant 3 : i32
      %sub3A_264 = arith.subi %add3A_262, %sub3A_263 : i32
      %dma_wait3A_265 = arith.constant 0 : i32
      %dma_wait3A_266 = tpu.memref_slice %arg8[%sub3A_264, %dma_wait3A_265] : memref<136x80xi32, #tpu.memory_space<vmem>> -> memref<1x80xi32, #tpu.memory_space<vmem>>
      %dma_wait3A_267 = tpu.memref_squeeze %dma_wait3A_266 : memref<1x80xi32, #tpu.memory_space<vmem>> -> memref<80xi32, #tpu.memory_space<vmem>>
      %dma_wait3A_268 = arith.constant 0 : i32
      %dma_wait3A_269 = arith.constant 0 : i32
      %dma_wait3A_270 = tpu.memref_slice %arg12[%dma_wait3A_268, %dma_wait3A_269] : memref<5120x128xf32, #tpu.memory_space<vmem_shared>> -> memref<5120x128xf32, #tpu.memory_space<vmem_shared>>
      tpu.wait_indirect_dma semaphore(%arg16 : memref<!tpu.dma_semaphore, #tpu.memory_space<semaphore_mem>>) src(%arg9 : memref<80x128xf32, #tpu.memory_space<vmem>>) dst(%dma_wait3A_270 : memref<5120x128xf32, #tpu.memory_space<vmem_shared>>)
      %add3A_271 = arith.constant 2 : i32
      %add3A_272 = arith.addi %add3A_248, %add3A_271 : i32
      %dma_start3A_273 = arith.constant 0 : i32
      %dma_start3A_274 = tpu.memref_slice %arg7[%add3A_272, %dma_start3A_273] : memref<136x80xi32, #tpu.memory_space<vmem>> -> memref<1x80xi32, #tpu.memory_space<vmem>>
      %dma_start3A_275 = tpu.memref_squeeze %dma_start3A_274 : memref<1x80xi32, #tpu.memory_space<vmem>> -> memref<80xi32, #tpu.memory_space<vmem>>
      %dma_start3A_276 = arith.constant 0 : i32
      %dma_start3A_277 = arith.constant 0 : i32
      %dma_start3A_278 = tpu.memref_slice %arg2[%dma_start3A_276, %dma_start3A_277] : memref<10000x128xf32, #tpu.memory_space<hbm>> -> memref<10000x128xf32, #tpu.memory_space<hbm>>
      tpu.enqueue_indirect_dma source(%dma_start3A_278 : memref<10000x128xf32, #tpu.memory_space<hbm>>) target(%arg9 : memref<80x128xf32, #tpu.memory_space<vmem>>) offsets(%dma_start3A_275 : memref<80xi32, #tpu.memory_space<vmem>>) semaphore(%arg13 : memref<!tpu.dma_semaphore, #tpu.memory_space<semaphore_mem>>)
      %add3A_279 = arith.constant 2 : i32
      %add3A_280 = arith.addi %add3A_215, %add3A_279 : i32
      %dma_wait3A_281 = arith.constant 0 : i32
      %dma_wait3A_282 = tpu.memref_slice %arg7[%add3A_280, %dma_wait3A_281] : memref<136x80xi32, #tpu.memory_space<vmem>> -> memref<1x80xi32, #tpu.memory_space<vmem>>
      %dma_wait3A_283 = tpu.memref_squeeze %dma_wait3A_282 : memref<1x80xi32, #tpu.memory_space<vmem>> -> memref<80xi32, #tpu.memory_space<vmem>>
      %dma_wait3A_284 = arith.constant 0 : i32
      %dma_wait3A_285 = arith.constant 0 : i32
      %dma_wait3A_286 = tpu.memref_slice %arg2[%dma_wait3A_284, %dma_wait3A_285] : memref<10000x128xf32, #tpu.memory_space<hbm>> -> memref<10000x128xf32, #tpu.memory_space<hbm>>
      tpu.wait_indirect_dma semaphore(%arg15 : memref<!tpu.dma_semaphore, #tpu.memory_space<semaphore_mem>>) src(%dma_wait3A_286 : memref<10000x128xf32, #tpu.memory_space<hbm>>) dst(%arg11 : memref<80x128xf32, #tpu.memory_space<vmem>>)
      %dma_start3A_287 = arith.constant 0 : i32
      %dma_start3A_288 = tpu.memref_slice %arg8[%add3A_280, %dma_start3A_287] : memref<136x80xi32, #tpu.memory_space<vmem>> -> memref<1x80xi32, #tpu.memory_space<vmem>>
      %dma_start3A_289 = tpu.memref_squeeze %dma_start3A_288 : memref<1x80xi32, #tpu.memory_space<vmem>> -> memref<80xi32, #tpu.memory_space<vmem>>
      %dma_start3A_290 = arith.constant 0 : i32
      %dma_start3A_291 = arith.constant 0 : i32
      %dma_start3A_292 = tpu.memref_slice %arg12[%dma_start3A_290, %dma_start3A_291] : memref<5120x128xf32, #tpu.memory_space<vmem_shared>> -> memref<5120x128xf32, #tpu.memory_space<vmem_shared>>
      tpu.enqueue_indirect_dma source(%arg11 : memref<80x128xf32, #tpu.memory_space<vmem>>) target(%dma_start3A_292 : memref<5120x128xf32, #tpu.memory_space<vmem_shared>>) offsets(%dma_start3A_289 : memref<80xi32, #tpu.memory_space<vmem>>) semaphore(%arg18 : memref<!tpu.dma_semaphore, #tpu.memory_space<semaphore_mem>>) {add = true}
      %add3A_293 = arith.constant 2 : i32
      %add3A_294 = arith.addi %add3A_280, %add3A_293 : i32
      %sub3A_295 = arith.constant 3 : i32
      %sub3A_296 = arith.subi %add3A_294, %sub3A_295 : i32
      %dma_wait3A_297 = arith.constant 0 : i32
      %dma_wait3A_298 = tpu.memref_slice %arg8[%sub3A_296, %dma_wait3A_297] : memref<136x80xi32, #tpu.memory_space<vmem>> -> memref<1x80xi32, #tpu.memory_space<vmem>>
      %dma_wait3A_299 = tpu.memref_squeeze %dma_wait3A_298 : memref<1x80xi32, #tpu.memory_space<vmem>> -> memref<80xi32, #tpu.memory_space<vmem>>
      %dma_wait3A_300 = arith.constant 0 : i32
      %dma_wait3A_301 = arith.constant 0 : i32
      %dma_wait3A_302 = tpu.memref_slice %arg12[%dma_wait3A_300, %dma_wait3A_301] : memref<5120x128xf32, #tpu.memory_space<vmem_shared>> -> memref<5120x128xf32, #tpu.memory_space<vmem_shared>>
      tpu.wait_indirect_dma semaphore(%arg17 : memref<!tpu.dma_semaphore, #tpu.memory_space<semaphore_mem>>) src(%arg10 : memref<80x128xf32, #tpu.memory_space<vmem>>) dst(%dma_wait3A_302 : memref<5120x128xf32, #tpu.memory_space<vmem_shared>>)
      %add3A_303 = arith.constant 2 : i32
      %add3A_304 = arith.addi %add3A_280, %add3A_303 : i32
      %dma_start3A_305 = arith.constant 0 : i32
      %dma_start3A_306 = tpu.memref_slice %arg7[%add3A_304, %dma_start3A_305] : memref<136x80xi32, #tpu.memory_space<vmem>> -> memref<1x80xi32, #tpu.memory_space<vmem>>
      %dma_start3A_307 = tpu.memref_squeeze %dma_start3A_306 : memref<1x80xi32, #tpu.memory_space<vmem>> -> memref<80xi32, #tpu.memory_space<vmem>>
      %dma_start3A_308 = arith.constant 0 : i32
      %dma_start3A_309 = arith.constant 0 : i32
      %dma_start3A_310 = tpu.memref_slice %arg2[%dma_start3A_308, %dma_start3A_309] : memref<10000x128xf32, #tpu.memory_space<hbm>> -> memref<10000x128xf32, #tpu.memory_space<hbm>>
      tpu.enqueue_indirect_dma source(%dma_start3A_310 : memref<10000x128xf32, #tpu.memory_space<hbm>>) target(%arg10 : memref<80x128xf32, #tpu.memory_space<vmem>>) offsets(%dma_start3A_307 : memref<80xi32, #tpu.memory_space<vmem>>) semaphore(%arg14 : memref<!tpu.dma_semaphore, #tpu.memory_space<semaphore_mem>>)
    }
    %scan3A_104 = arith.constant 43 : i32
    %dma_wait3A_105 = arith.constant 132 : i32
    %dma_wait3A_106 = arith.constant 0 : i32
    %dma_wait3A_107 = tpu.memref_slice %arg7[%dma_wait3A_105, %dma_wait3A_106] : memref<136x80xi32, #tpu.memory_space<vmem>> -> memref<1x80xi32, #tpu.memory_space<vmem>>
    %dma_wait3A_108 = tpu.memref_squeeze %dma_wait3A_107 : memref<1x80xi32, #tpu.memory_space<vmem>> -> memref<80xi32, #tpu.memory_space<vmem>>
    %dma_wait3A_109 = arith.constant 0 : i32
    %dma_wait3A_110 = arith.constant 0 : i32
    %dma_wait3A_111 = tpu.memref_slice %arg2[%dma_wait3A_109, %dma_wait3A_110] : memref<10000x128xf32, #tpu.memory_space<hbm>> -> memref<10000x128xf32, #tpu.memory_space<hbm>>
    tpu.wait_indirect_dma semaphore(%arg13 : memref<!tpu.dma_semaphore, #tpu.memory_space<semaphore_mem>>) src(%dma_wait3A_111 : memref<10000x128xf32, #tpu.memory_space<hbm>>) dst(%arg9 : memref<80x128xf32, #tpu.memory_space<vmem>>)
    %dma_start3A_112 = arith.constant 132 : i32
    %dma_start3A_113 = arith.constant 0 : i32
    %dma_start3A_114 = tpu.memref_slice %arg8[%dma_start3A_112, %dma_start3A_113] : memref<136x80xi32, #tpu.memory_space<vmem>> -> memref<1x80xi32, #tpu.memory_space<vmem>>
    %dma_start3A_115 = tpu.memref_squeeze %dma_start3A_114 : memref<1x80xi32, #tpu.memory_space<vmem>> -> memref<80xi32, #tpu.memory_space<vmem>>
    %dma_start3A_116 = arith.constant 0 : i32
    %dma_start3A_117 = arith.constant 0 : i32
    %dma_start3A_118 = tpu.memref_slice %arg12[%dma_start3A_116, %dma_start3A_117] : memref<5120x128xf32, #tpu.memory_space<vmem_shared>> -> memref<5120x128xf32, #tpu.memory_space<vmem_shared>>
    tpu.enqueue_indirect_dma source(%arg9 : memref<80x128xf32, #tpu.memory_space<vmem>>) target(%dma_start3A_118 : memref<5120x128xf32, #tpu.memory_space<vmem_shared>>) offsets(%dma_start3A_115 : memref<80xi32, #tpu.memory_space<vmem>>) semaphore(%arg16 : memref<!tpu.dma_semaphore, #tpu.memory_space<semaphore_mem>>) {add = true}
    %dma_wait3A_119 = arith.constant 131 : i32
    %dma_wait3A_120 = arith.constant 0 : i32
    %dma_wait3A_121 = tpu.memref_slice %arg8[%dma_wait3A_119, %dma_wait3A_120] : memref<136x80xi32, #tpu.memory_space<vmem>> -> memref<1x80xi32, #tpu.memory_space<vmem>>
    %dma_wait3A_122 = tpu.memref_squeeze %dma_wait3A_121 : memref<1x80xi32, #tpu.memory_space<vmem>> -> memref<80xi32, #tpu.memory_space<vmem>>
    %dma_wait3A_123 = arith.constant 0 : i32
    %dma_wait3A_124 = arith.constant 0 : i32
    %dma_wait3A_125 = tpu.memref_slice %arg12[%dma_wait3A_123, %dma_wait3A_124] : memref<5120x128xf32, #tpu.memory_space<vmem_shared>> -> memref<5120x128xf32, #tpu.memory_space<vmem_shared>>
    tpu.wait_indirect_dma semaphore(%arg18 : memref<!tpu.dma_semaphore, #tpu.memory_space<semaphore_mem>>) src(%arg11 : memref<80x128xf32, #tpu.memory_space<vmem>>) dst(%dma_wait3A_125 : memref<5120x128xf32, #tpu.memory_space<vmem_shared>>)
    %dma_start3A_126 = arith.constant 134 : i32
    %dma_start3A_127 = arith.constant 0 : i32
    %dma_start3A_128 = tpu.memref_slice %arg7[%dma_start3A_126, %dma_start3A_127] : memref<136x80xi32, #tpu.memory_space<vmem>> -> memref<1x80xi32, #tpu.memory_space<vmem>>
    %dma_start3A_129 = tpu.memref_squeeze %dma_start3A_128 : memref<1x80xi32, #tpu.memory_space<vmem>> -> memref<80xi32, #tpu.memory_space<vmem>>
    %dma_start3A_130 = arith.constant 0 : i32
    %dma_start3A_131 = arith.constant 0 : i32
    %dma_start3A_132 = tpu.memref_slice %arg2[%dma_start3A_130, %dma_start3A_131] : memref<10000x128xf32, #tpu.memory_space<hbm>> -> memref<10000x128xf32, #tpu.memory_space<hbm>>
    tpu.enqueue_indirect_dma source(%dma_start3A_132 : memref<10000x128xf32, #tpu.memory_space<hbm>>) target(%arg11 : memref<80x128xf32, #tpu.memory_space<vmem>>) offsets(%dma_start3A_129 : memref<80xi32, #tpu.memory_space<vmem>>) semaphore(%arg15 : memref<!tpu.dma_semaphore, #tpu.memory_space<semaphore_mem>>)
    %dma_wait3A_133 = arith.constant 133 : i32
    %dma_wait3A_134 = arith.constant 0 : i32
    %dma_wait3A_135 = tpu.memref_slice %arg7[%dma_wait3A_133, %dma_wait3A_134] : memref<136x80xi32, #tpu.memory_space<vmem>> -> memref<1x80xi32, #tpu.memory_space<vmem>>
    %dma_wait3A_136 = tpu.memref_squeeze %dma_wait3A_135 : memref<1x80xi32, #tpu.memory_space<vmem>> -> memref<80xi32, #tpu.memory_space<vmem>>
    %dma_wait3A_137 = arith.constant 0 : i32
    %dma_wait3A_138 = arith.constant 0 : i32
    %dma_wait3A_139 = tpu.memref_slice %arg2[%dma_wait3A_137, %dma_wait3A_138] : memref<10000x128xf32, #tpu.memory_space<hbm>> -> memref<10000x128xf32, #tpu.memory_space<hbm>>
    tpu.wait_indirect_dma semaphore(%arg14 : memref<!tpu.dma_semaphore, #tpu.memory_space<semaphore_mem>>) src(%dma_wait3A_139 : memref<10000x128xf32, #tpu.memory_space<hbm>>) dst(%arg10 : memref<80x128xf32, #tpu.memory_space<vmem>>)
    %dma_start3A_140 = arith.constant 133 : i32
    %dma_start3A_141 = arith.constant 0 : i32
    %dma_start3A_142 = tpu.memref_slice %arg8[%dma_start3A_140, %dma_start3A_141] : memref<136x80xi32, #tpu.memory_space<vmem>> -> memref<1x80xi32, #tpu.memory_space<vmem>>
    %dma_start3A_143 = tpu.memref_squeeze %dma_start3A_142 : memref<1x80xi32, #tpu.memory_space<vmem>> -> memref<80xi32, #tpu.memory_space<vmem>>
    %dma_start3A_144 = arith.constant 0 : i32
    %dma_start3A_145 = arith.constant 0 : i32
    %dma_start3A_146 = tpu.memref_slice %arg12[%dma_start3A_144, %dma_start3A_145] : memref<5120x128xf32, #tpu.memory_space<vmem_shared>> -> memref<5120x128xf32, #tpu.memory_space<vmem_shared>>
    tpu.enqueue_indirect_dma source(%arg10 : memref<80x128xf32, #tpu.memory_space<vmem>>) target(%dma_start3A_146 : memref<5120x128xf32, #tpu.memory_space<vmem_shared>>) offsets(%dma_start3A_143 : memref<80xi32, #tpu.memory_space<vmem>>) semaphore(%arg17 : memref<!tpu.dma_semaphore, #tpu.memory_space<semaphore_mem>>) {add = true}
    %dma_wait3A_147 = arith.constant 132 : i32
    %dma_wait3A_148 = arith.constant 0 : i32
    %dma_wait3A_149 = tpu.memref_slice %arg8[%dma_wait3A_147, %dma_wait3A_148] : memref<136x80xi32, #tpu.memory_space<vmem>> -> memref<1x80xi32, #tpu.memory_space<vmem>>
    %dma_wait3A_150 = tpu.memref_squeeze %dma_wait3A_149 : memref<1x80xi32, #tpu.memory_space<vmem>> -> memref<80xi32, #tpu.memory_space<vmem>>
    %dma_wait3A_151 = arith.constant 0 : i32
    %dma_wait3A_152 = arith.constant 0 : i32
    %dma_wait3A_153 = tpu.memref_slice %arg12[%dma_wait3A_151, %dma_wait3A_152] : memref<5120x128xf32, #tpu.memory_space<vmem_shared>> -> memref<5120x128xf32, #tpu.memory_space<vmem_shared>>
    tpu.wait_indirect_dma semaphore(%arg16 : memref<!tpu.dma_semaphore, #tpu.memory_space<semaphore_mem>>) src(%arg9 : memref<80x128xf32, #tpu.memory_space<vmem>>) dst(%dma_wait3A_153 : memref<5120x128xf32, #tpu.memory_space<vmem_shared>>)
    %dma_start3A_154 = arith.constant 135 : i32
    %dma_start3A_155 = arith.constant 0 : i32
    %dma_start3A_156 = tpu.memref_slice %arg7[%dma_start3A_154, %dma_start3A_155] : memref<136x80xi32, #tpu.memory_space<vmem>> -> memref<1x80xi32, #tpu.memory_space<vmem>>
    %dma_start3A_157 = tpu.memref_squeeze %dma_start3A_156 : memref<1x80xi32, #tpu.memory_space<vmem>> -> memref<80xi32, #tpu.memory_space<vmem>>
    %dma_start3A_158 = arith.constant 0 : i32
    %dma_start3A_159 = arith.constant 0 : i32
    %dma_start3A_160 = tpu.memref_slice %arg2[%dma_start3A_158, %dma_start3A_159] : memref<10000x128xf32, #tpu.memory_space<hbm>> -> memref<10000x128xf32, #tpu.memory_space<hbm>>
    tpu.enqueue_indirect_dma source(%dma_start3A_160 : memref<10000x128xf32, #tpu.memory_space<hbm>>) target(%arg9 : memref<80x128xf32, #tpu.memory_space<vmem>>) offsets(%dma_start3A_157 : memref<80xi32, #tpu.memory_space<vmem>>) semaphore(%arg13 : memref<!tpu.dma_semaphore, #tpu.memory_space<semaphore_mem>>)
    %dma_wait3A_161 = arith.constant 134 : i32
    %dma_wait3A_162 = arith.constant 0 : i32
    %dma_wait3A_163 = tpu.memref_slice %arg7[%dma_wait3A_161, %dma_wait3A_162] : memref<136x80xi32, #tpu.memory_space<vmem>> -> memref<1x80xi32, #tpu.memory_space<vmem>>
    %dma_wait3A_164 = tpu.memref_squeeze %dma_wait3A_163 : memref<1x80xi32, #tpu.memory_space<vmem>> -> memref<80xi32, #tpu.memory_space<vmem>>
    %dma_wait3A_165 = arith.constant 0 : i32
    %dma_wait3A_166 = arith.constant 0 : i32
    %dma_wait3A_167 = tpu.memref_slice %arg2[%dma_wait3A_165, %dma_wait3A_166] : memref<10000x128xf32, #tpu.memory_space<hbm>> -> memref<10000x128xf32, #tpu.memory_space<hbm>>
    tpu.wait_indirect_dma semaphore(%arg15 : memref<!tpu.dma_semaphore, #tpu.memory_space<semaphore_mem>>) src(%dma_wait3A_167 : memref<10000x128xf32, #tpu.memory_space<hbm>>) dst(%arg11 : memref<80x128xf32, #tpu.memory_space<vmem>>)
    %dma_start3A_168 = arith.constant 134 : i32
    %dma_start3A_169 = arith.constant 0 : i32
    %dma_start3A_170 = tpu.memref_slice %arg8[%dma_start3A_168, %dma_start3A_169] : memref<136x80xi32, #tpu.memory_space<vmem>> -> memref<1x80xi32, #tpu.memory_space<vmem>>
    %dma_start3A_171 = tpu.memref_squeeze %dma_start3A_170 : memref<1x80xi32, #tpu.memory_space<vmem>> -> memref<80xi32, #tpu.memory_space<vmem>>
    %dma_start3A_172 = arith.constant 0 : i32
    %dma_start3A_173 = arith.constant 0 : i32
    %dma_start3A_174 = tpu.memref_slice %arg12[%dma_start3A_172, %dma_start3A_173] : memref<5120x128xf32, #tpu.memory_space<vmem_shared>> -> memref<5120x128xf32, #tpu.memory_space<vmem_shared>>
    tpu.enqueue_indirect_dma source(%arg11 : memref<80x128xf32, #tpu.memory_space<vmem>>) target(%dma_start3A_174 : memref<5120x128xf32, #tpu.memory_space<vmem_shared>>) offsets(%dma_start3A_171 : memref<80xi32, #tpu.memory_space<vmem>>) semaphore(%arg18 : memref<!tpu.dma_semaphore, #tpu.memory_space<semaphore_mem>>) {add = true}
    %dma_wait3A_175 = arith.constant 135 : i32
    %dma_wait3A_176 = arith.constant 0 : i32
    %dma_wait3A_177 = tpu.memref_slice %arg7[%dma_wait3A_175, %dma_wait3A_176] : memref<136x80xi32, #tpu.memory_space<vmem>> -> memref<1x80xi32, #tpu.memory_space<vmem>>
    %dma_wait3A_178 = tpu.memref_squeeze %dma_wait3A_177 : memref<1x80xi32, #tpu.memory_space<vmem>> -> memref<80xi32, #tpu.memory_space<vmem>>
    %dma_wait3A_179 = arith.constant 0 : i32
    %dma_wait3A_180 = arith.constant 0 : i32
    %dma_wait3A_181 = tpu.memref_slice %arg2[%dma_wait3A_179, %dma_wait3A_180] : memref<10000x128xf32, #tpu.memory_space<hbm>> -> memref<10000x128xf32, #tpu.memory_space<hbm>>
    tpu.wait_indirect_dma semaphore(%arg13 : memref<!tpu.dma_semaphore, #tpu.memory_space<semaphore_mem>>) src(%dma_wait3A_181 : memref<10000x128xf32, #tpu.memory_space<hbm>>) dst(%arg9 : memref<80x128xf32, #tpu.memory_space<vmem>>)
    %dma_start3A_182 = arith.constant 135 : i32
    %dma_start3A_183 = arith.constant 0 : i32
    %dma_start3A_184 = tpu.memref_slice %arg8[%dma_start3A_182, %dma_start3A_183] : memref<136x80xi32, #tpu.memory_space<vmem>> -> memref<1x80xi32, #tpu.memory_space<vmem>>
    %dma_start3A_185 = tpu.memref_squeeze %dma_start3A_184 : memref<1x80xi32, #tpu.memory_space<vmem>> -> memref<80xi32, #tpu.memory_space<vmem>>
    %dma_start3A_186 = arith.constant 0 : i32
    %dma_start3A_187 = arith.constant 0 : i32
    %dma_start3A_188 = tpu.memref_slice %arg12[%dma_start3A_186, %dma_start3A_187] : memref<5120x128xf32, #tpu.memory_space<vmem_shared>> -> memref<5120x128xf32, #tpu.memory_space<vmem_shared>>
    tpu.enqueue_indirect_dma source(%arg9 : memref<80x128xf32, #tpu.memory_space<vmem>>) target(%dma_start3A_188 : memref<5120x128xf32, #tpu.memory_space<vmem_shared>>) offsets(%dma_start3A_185 : memref<80xi32, #tpu.memory_space<vmem>>) semaphore(%arg16 : memref<!tpu.dma_semaphore, #tpu.memory_space<semaphore_mem>>) {add = true}
    %dma_wait3A_189 = arith.constant 133 : i32
    %dma_wait3A_190 = arith.constant 0 : i32
    %dma_wait3A_191 = tpu.memref_slice %arg8[%dma_wait3A_189, %dma_wait3A_190] : memref<136x80xi32, #tpu.memory_space<vmem>> -> memref<1x80xi32, #tpu.memory_space<vmem>>
    %dma_wait3A_192 = tpu.memref_squeeze %dma_wait3A_191 : memref<1x80xi32, #tpu.memory_space<vmem>> -> memref<80xi32, #tpu.memory_space<vmem>>
    %dma_wait3A_193 = arith.constant 0 : i32
    %dma_wait3A_194 = arith.constant 0 : i32
    %dma_wait3A_195 = tpu.memref_slice %arg12[%dma_wait3A_193, %dma_wait3A_194] : memref<5120x128xf32, #tpu.memory_space<vmem_shared>> -> memref<5120x128xf32, #tpu.memory_space<vmem_shared>>
    tpu.wait_indirect_dma semaphore(%arg17 : memref<!tpu.dma_semaphore, #tpu.memory_space<semaphore_mem>>) src(%arg10 : memref<80x128xf32, #tpu.memory_space<vmem>>) dst(%dma_wait3A_195 : memref<5120x128xf32, #tpu.memory_space<vmem_shared>>)
    %dma_wait3A_196 = arith.constant 134 : i32
    %dma_wait3A_197 = arith.constant 0 : i32
    %dma_wait3A_198 = tpu.memref_slice %arg8[%dma_wait3A_196, %dma_wait3A_197] : memref<136x80xi32, #tpu.memory_space<vmem>> -> memref<1x80xi32, #tpu.memory_space<vmem>>
    %dma_wait3A_199 = tpu.memref_squeeze %dma_wait3A_198 : memref<1x80xi32, #tpu.memory_space<vmem>> -> memref<80xi32, #tpu.memory_space<vmem>>
    %dma_wait3A_200 = arith.constant 0 : i32
    %dma_wait3A_201 = arith.constant 0 : i32
    %dma_wait3A_202 = tpu.memref_slice %arg12[%dma_wait3A_200, %dma_wait3A_201] : memref<5120x128xf32, #tpu.memory_space<vmem_shared>> -> memref<5120x128xf32, #tpu.memory_space<vmem_shared>>
    tpu.wait_indirect_dma semaphore(%arg18 : memref<!tpu.dma_semaphore, #tpu.memory_space<semaphore_mem>>) src(%arg11 : memref<80x128xf32, #tpu.memory_space<vmem>>) dst(%dma_wait3A_202 : memref<5120x128xf32, #tpu.memory_space<vmem_shared>>)
    %dma_wait3A_203 = arith.constant 135 : i32
    %dma_wait3A_204 = arith.constant 0 : i32
    %dma_wait3A_205 = tpu.memref_slice %arg8[%dma_wait3A_203, %dma_wait3A_204] : memref<136x80xi32, #tpu.memory_space<vmem>> -> memref<1x80xi32, #tpu.memory_space<vmem>>
    %dma_wait3A_206 = tpu.memref_squeeze %dma_wait3A_205 : memref<1x80xi32, #tpu.memory_space<vmem>> -> memref<80xi32, #tpu.memory_space<vmem>>
    %dma_wait3A_207 = arith.constant 0 : i32
    %dma_wait3A_208 = arith.constant 0 : i32
    %dma_wait3A_209 = tpu.memref_slice %arg12[%dma_wait3A_207, %dma_wait3A_208] : memref<5120x128xf32, #tpu.memory_space<vmem_shared>> -> memref<5120x128xf32, #tpu.memory_space<vmem_shared>>
    tpu.wait_indirect_dma semaphore(%arg16 : memref<!tpu.dma_semaphore, #tpu.memory_space<semaphore_mem>>) src(%arg9 : memref<80x128xf32, #tpu.memory_space<vmem>>) dst(%dma_wait3A_209 : memref<5120x128xf32, #tpu.memory_space<vmem_shared>>)
    %barrier3A_210 = arith.constant 0 : index
    tpu.barrier barrier_id(%barrier3A_210)
    "tpu.region"() ({
      %run_scoped3A = tpu.sem_alloc : memref<!tpu.dma_semaphore, #tpu.memory_space<semaphore_mem>>
      %dma_start3A_211 = arith.constant 0 : i32
      %dma_start3A_212 = tpu.memref_slice %arg6[%arg0, %mul3A_0, %dma_start3A_211] : memref<2x5120x128xf32, #tpu.memory_space<hbm>> -> memref<1x320x128xf32, #tpu.memory_space<hbm>>
      %dma_start3A_213 = tpu.memref_squeeze %dma_start3A_212 : memref<1x320x128xf32, #tpu.memory_space<hbm>> -> memref<320x128xf32, #tpu.memory_space<hbm>>
      %dma_start3A_214 = arith.constant 0 : i32
      %dma_start3A_215 = tpu.memref_slice %arg12[%mul3A_0, %dma_start3A_214] : memref<5120x128xf32, #tpu.memory_space<vmem_shared>> -> memref<320x128xf32, #tpu.memory_space<vmem_shared>>
      tpu.enqueue_dma source(%dma_start3A_215 : memref<320x128xf32, #tpu.memory_space<vmem_shared>>) target(%dma_start3A_213 : memref<320x128xf32, #tpu.memory_space<hbm>>) target_semaphore(%run_scoped3A : memref<!tpu.dma_semaphore, #tpu.memory_space<semaphore_mem>>)
      %dma_wait3A_216 = arith.constant 0 : i32
      %dma_wait3A_217 = tpu.memref_slice %arg6[%arg0, %mul3A_0, %dma_wait3A_216] : memref<2x5120x128xf32, #tpu.memory_space<hbm>> -> memref<1x320x128xf32, #tpu.memory_space<hbm>>
      %dma_wait3A_218 = tpu.memref_squeeze %dma_wait3A_217 : memref<1x320x128xf32, #tpu.memory_space<hbm>> -> memref<320x128xf32, #tpu.memory_space<hbm>>
      %dma_wait3A_219 = arith.constant 0 : i32
      %dma_wait3A_220 = tpu.memref_slice %arg12[%mul3A_0, %dma_wait3A_219] : memref<5120x128xf32, #tpu.memory_space<vmem_shared>> -> memref<320x128xf32, #tpu.memory_space<vmem_shared>>
      tpu.wait_dma2 semaphore(%run_scoped3A : memref<!tpu.dma_semaphore, #tpu.memory_space<semaphore_mem>>) src(%dma_wait3A_220 : memref<320x128xf32, #tpu.memory_space<vmem_shared>>) dst(%dma_wait3A_218 : memref<320x128xf32, #tpu.memory_space<hbm>>)
      tpu.yield
    }) : () -> ()
    return
  }
}

module attributes {stable_mosaic.version = 14 : i64} {
  func.func @_prep_body(%arg0: i32, %arg1: memref<1000x128xf32, #tpu.memory_space<vmem>>, %arg2: memref<1000x1xf32, #tpu.memory_space<vmem>>, %arg3: memref<1000x128xf32, #tpu.memory_space<vmem>>) attributes {dimension_semantics = [#tpu.dimension_semantics<arbitrary>], iteration_bounds = array<i64: 10>, scalar_prefetch = 0 : i64, scratch_operands = 0 : i64, tpu.core_type = #tpu.core_type<tc>, window_params = [{transform_indices = @transform_0, window_bounds = array<i64: 1000, 128>}, {transform_indices = @transform_1, window_bounds = array<i64: 1000, 1>}, {transform_indices = @transform_2, window_bounds = array<i64: 1000, 128>}]} {
    %get3A = arith.constant 0 : index
    %get3A_0 = arith.constant 0 : index
    %get3A_1 = vector.load %arg1[%get3A, %get3A_0] : memref<1000x128xf32, #tpu.memory_space<vmem>>, vector<1000x128xf32>
    %get3A_2 = arith.constant 0 : index
    %get3A_3 = arith.constant 0 : index
    %get3A_4 = vector.load %arg2[%get3A_2, %get3A_3] : memref<1000x1xf32, #tpu.memory_space<vmem>>, vector<1000x1xf32>
    %mul3A = vector.broadcast %get3A_4 : vector<1000x1xf32> to vector<1000x128xf32>
    %mul3A_5 = arith.mulf %get3A_1, %mul3A : vector<1000x128xf32>
    %swap3A = arith.constant 0 : index
    %swap3A_6 = arith.constant 0 : index
    %swap3A_7 = vector.load %arg3[%swap3A, %swap3A_6] : memref<1000x128xf32, #tpu.memory_space<vmem>>, vector<1000x128xf32>
    tpu.vector_store %arg3[%swap3A, %swap3A_6], %mul3A_5 {strides = array<i32>} : memref<1000x128xf32, #tpu.memory_space<vmem>>, vector<1000x128xf32>,
    return
  }
  func.func @transform_0(%arg0: i32) -> (i32, i32) {
    %c0_i32 = arith.constant 0 : i32
    %c0_i32_0 = arith.constant 0 : i32
    return %arg0, %c0_i32 : i32, i32
  }
  func.func @transform_1(%arg0: i32) -> (i32, i32) {
    %c0_i32 = arith.constant 0 : i32
    %c0_i32_0 = arith.constant 0 : i32
    return %arg0, %c0_i32 : i32, i32
  }
  func.func @transform_2(%arg0: i32) -> (i32, i32) {
    %c0_i32 = arith.constant 0 : i32
    %c0_i32_0 = arith.constant 0 : i32
    return %arg0, %c0_i32 : i32, i32
  }
}

module attributes {stable_mosaic.version = 14 : i64} {
  func.func @_mid_body(%arg0: i32, %arg1: memref<1x1000x128xf32, #tpu.memory_space<vmem>>, %arg2: memref<1000x1xf32, #tpu.memory_space<vmem>>, %arg3: memref<1000x128xf32, #tpu.memory_space<vmem>>) attributes {dimension_semantics = [#tpu.dimension_semantics<arbitrary>], iteration_bounds = array<i64: 10>, scalar_prefetch = 0 : i64, scratch_operands = 0 : i64, tpu.core_type = #tpu.core_type<tc>, window_params = [{transform_indices = @transform_0, window_bounds = array<i64: 1, 1000, 128>}, {transform_indices = @transform_1, window_bounds = array<i64: 1000, 1>}, {transform_indices = @transform_2, window_bounds = array<i64: 1000, 128>}]} {
    %get3A = arith.constant 0 : index
    %get3A_0 = arith.constant 0 : index
    %get3A_1 = vector.load %arg2[%get3A, %get3A_0] : memref<1000x1xf32, #tpu.memory_space<vmem>>, vector<1000x1xf32>
    %get3A_2 = arith.constant 0 : index
    %get3A_3 = arith.constant 0 : index
    %get3A_4 = vector.load %arg2[%get3A_2, %get3A_3] : memref<1000x1xf32, #tpu.memory_space<vmem>>, vector<1000x1xf32>
    %mul3A = arith.mulf %get3A_1, %get3A_4 : vector<1000x1xf32>
    %get3A_5 = arith.constant 0 : index
    %get3A_6 = arith.constant 0 : index
    %get3A_7 = arith.constant 0 : index
    %get3A_8 = vector.load %arg1[%get3A_5, %get3A_6, %get3A_7] : memref<1x1000x128xf32, #tpu.memory_space<vmem>>, vector<1x1000x128xf32>
    %get3A_9 = vector.shape_cast %get3A_8 : vector<1x1000x128xf32> to vector<1000x128xf32>
    %mul3A_10 = vector.broadcast %mul3A : vector<1000x1xf32> to vector<1000x128xf32>
    %mul3A_11 = arith.mulf %get3A_9, %mul3A_10 : vector<1000x128xf32>
    %swap3A = arith.constant 0 : index
    %swap3A_12 = arith.constant 0 : index
    %swap3A_13 = vector.load %arg3[%swap3A, %swap3A_12] : memref<1000x128xf32, #tpu.memory_space<vmem>>, vector<1000x128xf32>
    tpu.vector_store %arg3[%swap3A, %swap3A_12], %mul3A_11 {strides = array<i32>} : memref<1000x128xf32, #tpu.memory_space<vmem>>, vector<1000x128xf32>,
    return
  }
  func.func @transform_0(%arg0: i32) -> (i32, i32, i32) {
    %jit3A = arith.constant 5 : i32
    %div3A = arith.divsi %arg0, %jit3A : i32
    %sign3A = arith.constant 0 : i32
    %sign3A_0 = arith.cmpi sgt, %arg0, %sign3A : i32
    %sign3A_1 = arith.extui %sign3A_0 : i1 to i32
    %sign3A_2 = arith.constant 0 : i32
    %sign3A_3 = arith.cmpi slt, %arg0, %sign3A_2 : i32
    %sign3A_4 = arith.extui %sign3A_3 : i1 to i32
    %sign3A_5 = arith.subi %sign3A_1, %sign3A_4 : i32
    %sign3A_6 = arith.constant 0 : i32
    %sign3A_7 = arith.cmpi sgt, %jit3A, %sign3A_6 : i32
    %sign3A_8 = arith.extui %sign3A_7 : i1 to i32
    %sign3A_9 = arith.constant 0 : i32
    %sign3A_10 = arith.cmpi slt, %jit3A, %sign3A_9 : i32
    %sign3A_11 = arith.extui %sign3A_10 : i1 to i32
    %sign3A_12 = arith.subi %sign3A_8, %sign3A_11 : i32
    %ne3A = arith.cmpi ne, %sign3A_5, %sign3A_12 : i32
    %rem3A = arith.remsi %arg0, %jit3A : i32
    %ne3A_13 = arith.constant 0 : i32
    %ne3A_14 = arith.cmpi ne, %rem3A, %ne3A_13 : i32
    %and3A = arith.andi %ne3A, %ne3A_14 : i1
    %sub3A = arith.constant 1 : i32
    %sub3A_15 = arith.subi %div3A, %sub3A : i32
    %select_n3A = arith.select %and3A, %sub3A_15, %div3A : i32
    %jit3A_16 = arith.constant 5 : i32
    %eq3A = arith.constant 0 : i32
    %eq3A_17 = arith.cmpi eq, %jit3A_16, %eq3A : i32
    %jit3A_18 = arith.constant 1 : i32
    %select_n3A_19 = arith.select %eq3A_17, %jit3A_18, %jit3A_16 : i32
    %rem3A_20 = arith.remsi %arg0, %select_n3A_19 : i32
    %ne3A_21 = arith.constant 0 : i32
    %ne3A_22 = arith.cmpi ne, %rem3A_20, %ne3A_21 : i32
    %lt3A = arith.constant 0 : i32
    %lt3A_23 = arith.cmpi slt, %rem3A_20, %lt3A : i32
    %lt3A_24 = arith.constant 0 : i32
    %lt3A_25 = arith.cmpi slt, %select_n3A_19, %lt3A_24 : i32
    %ne3A_26 = arith.xori %lt3A_23, %lt3A_25 : i1
    %and3A_27 = arith.andi %ne3A_26, %ne3A_22 : i1
    %add3A = arith.addi %rem3A_20, %select_n3A_19 : i32
    %select_n3A_28 = arith.select %and3A_27, %add3A, %rem3A_20 : i32
    %c0_i32 = arith.constant 0 : i32
    %c0_i32_29 = arith.constant 0 : i32
    return %select_n3A, %select_n3A_28, %c0_i32 : i32, i32, i32
  }
  func.func @transform_1(%arg0: i32) -> (i32, i32) {
    %c0_i32 = arith.constant 0 : i32
    %c0_i32_0 = arith.constant 0 : i32
    return %arg0, %c0_i32 : i32, i32
  }
  func.func @transform_2(%arg0: i32) -> (i32, i32) {
    %c0_i32 = arith.constant 0 : i32
    %c0_i32_0 = arith.constant 0 : i32
    return %arg0, %c0_i32 : i32, i32
  }
}

module attributes {stable_mosaic.version = 14 : i64} {
  func.func @_fold_body(%arg0: memref<128x128xf32, #tpu.memory_space<vmem>>, %arg1: memref<128x128xf32, #tpu.memory_space<vmem>>, %arg2: memref<64x256xf32, #tpu.memory_space<vmem>>, %arg3: memref<64x128xf32, #tpu.memory_space<vmem>>, %arg4: memref<64x128xf32, #tpu.memory_space<vmem>>) attributes {dimension_semantics = [], scalar_prefetch = 0 : i64, scratch_operands = 0 : i64, tpu.core_type = #tpu.core_type<tc>} {
    %get3A = arith.constant 0 : index
    %get3A_0 = arith.constant 0 : index
    %get3A_1 = vector.load %arg2[%get3A, %get3A_0] : memref<64x256xf32, #tpu.memory_space<vmem>>, vector<64x128xf32>
    %get3A_2 = arith.constant 0 : index
    %get3A_3 = arith.constant 0 : index
    %get3A_4 = vector.load %arg1[%get3A_2, %get3A_3] : memref<128x128xf32, #tpu.memory_space<vmem>>, vector<128x128xf32>
    %dot_general3A = arith.constant dense<0.000000e+00> : vector<64x128xf32>
    %dot_general3A_5 = tpu.matmul %get3A_1, %get3A_4, %dot_general3A {dimension_numbers = #tpu.dot_dimension_numbers<[1], [0], [0], [1], [0, 0, 1, 1], [], []>, precision = #tpu.contract_precision<fp32>, transpose_lhs_hint = false} : vector<64x128xf32>, vector<128x128xf32>, vector<64x128xf32> -> vector<64x128xf32>
    %swap3A = arith.constant 0 : index
    %swap3A_6 = arith.constant 0 : index
    %swap3A_7 = vector.load %arg3[%swap3A, %swap3A_6] : memref<64x128xf32, #tpu.memory_space<vmem>>, vector<64x128xf32>
    tpu.vector_store %arg3[%swap3A, %swap3A_6], %dot_general3A_5 {strides = array<i32>} : memref<64x128xf32, #tpu.memory_space<vmem>>, vector<64x128xf32>,
    %get3A_8 = arith.constant 0 : index
    %get3A_9 = arith.constant 128 : index
    %get3A_10 = vector.load %arg2[%get3A_8, %get3A_9] : memref<64x256xf32, #tpu.memory_space<vmem>>, vector<64x128xf32>
    %get3A_11 = arith.constant 0 : index
    %get3A_12 = arith.constant 0 : index
    %get3A_13 = vector.load %arg0[%get3A_11, %get3A_12] : memref<128x128xf32, #tpu.memory_space<vmem>>, vector<128x128xf32>
    %dot_general3A_14 = arith.constant dense<0.000000e+00> : vector<64x128xf32>
    %dot_general3A_15 = tpu.matmul %get3A_10, %get3A_13, %dot_general3A_14 {dimension_numbers = #tpu.dot_dimension_numbers<[1], [0], [0], [1], [0, 0, 1, 1], [], []>, precision = #tpu.contract_precision<fp32>, transpose_lhs_hint = false} : vector<64x128xf32>, vector<128x128xf32>, vector<64x128xf32> -> vector<64x128xf32>
    %swap3A_16 = arith.constant 0 : index
    %swap3A_17 = arith.constant 0 : index
    %swap3A_18 = vector.load %arg4[%swap3A_16, %swap3A_17] : memref<64x128xf32, #tpu.memory_space<vmem>>, vector<64x128xf32>
    tpu.vector_store %arg4[%swap3A_16, %swap3A_17], %dot_general3A_15 {strides = array<i32>} : memref<64x128xf32, #tpu.memory_space<vmem>>, vector<64x128xf32>,
    return
  }
}

module attributes {stable_mosaic.version = 14 : i64} {
  func.func @_final_body(%arg0: i32, %arg1: memref<1x1000x128xf32, #tpu.memory_space<vmem>>, %arg2: memref<1000x1xf32, #tpu.memory_space<vmem>>, %arg3: memref<1000x64xf32, #tpu.memory_space<vmem>>, %arg4: memref<64x128xf32, #tpu.memory_space<vmem>>, %arg5: memref<1000x64xf32, #tpu.memory_space<vmem>>) attributes {dimension_semantics = [#tpu.dimension_semantics<arbitrary>], iteration_bounds = array<i64: 10>, scalar_prefetch = 0 : i64, scratch_operands = 0 : i64, tpu.core_type = #tpu.core_type<tc>, window_params = [{transform_indices = @transform_0, window_bounds = array<i64: 1, 1000, 128>}, {transform_indices = @transform_1, window_bounds = array<i64: 1000, 1>}, {transform_indices = @transform_2, window_bounds = array<i64: 1000, 64>}, {pipeline_mode = #tpu.pipeline_mode<synchronous>, transform_indices = @transform_3, window_bounds = array<i64: 64, 128>}, {transform_indices = @transform_4, window_bounds = array<i64: 1000, 64>}]} {
    %get3A = arith.constant 0 : index
    %get3A_0 = arith.constant 0 : index
    %get3A_1 = arith.constant 0 : index
    %get3A_2 = vector.load %arg1[%get3A, %get3A_0, %get3A_1] : memref<1x1000x128xf32, #tpu.memory_space<vmem>>, vector<1x1000x128xf32>
    %get3A_3 = vector.shape_cast %get3A_2 : vector<1x1000x128xf32> to vector<1000x128xf32>
    %get3A_4 = arith.constant 0 : index
    %get3A_5 = arith.constant 0 : index
    %get3A_6 = vector.load %arg2[%get3A_4, %get3A_5] : memref<1000x1xf32, #tpu.memory_space<vmem>>, vector<1000x1xf32>
    %mul3A = vector.broadcast %get3A_6 : vector<1000x1xf32> to vector<1000x128xf32>
    %mul3A_7 = arith.mulf %get3A_3, %mul3A : vector<1000x128xf32>
    %get3A_8 = arith.constant 0 : index
    %get3A_9 = arith.constant 0 : index
    %get3A_10 = vector.load %arg3[%get3A_8, %get3A_9] : memref<1000x64xf32, #tpu.memory_space<vmem>>, vector<1000x64xf32>
    %get3A_11 = arith.constant 0 : index
    %get3A_12 = arith.constant 0 : index
    %get3A_13 = vector.load %arg4[%get3A_11, %get3A_12] : memref<64x128xf32, #tpu.memory_space<vmem>>, vector<64x128xf32>
    %dot_general3A = arith.constant dense<0.000000e+00> : vector<1000x64xf32>
    %dot_general3A_14 = tpu.matmul %mul3A_7, %get3A_13, %dot_general3A {dimension_numbers = #tpu.dot_dimension_numbers<[1], [1], [0], [0], [0, 0, 1, 0], [], []>, precision = #tpu.contract_precision<fp32>, transpose_lhs_hint = false} : vector<1000x128xf32>, vector<64x128xf32>, vector<1000x64xf32> -> vector<1000x64xf32>
    %add3A = arith.addf %get3A_10, %dot_general3A_14 : vector<1000x64xf32>
    %swap3A = arith.constant 0 : index
    %swap3A_15 = arith.constant 0 : index
    %swap3A_16 = vector.load %arg5[%swap3A, %swap3A_15] : memref<1000x64xf32, #tpu.memory_space<vmem>>, vector<1000x64xf32>
    tpu.vector_store %arg5[%swap3A, %swap3A_15], %add3A {strides = array<i32>} : memref<1000x64xf32, #tpu.memory_space<vmem>>, vector<1000x64xf32>,
    return
  }
  func.func @transform_0(%arg0: i32) -> (i32, i32, i32) {
    %jit3A = arith.constant 5 : i32
    %div3A = arith.divsi %arg0, %jit3A : i32
    %sign3A = arith.constant 0 : i32
    %sign3A_0 = arith.cmpi sgt, %arg0, %sign3A : i32
    %sign3A_1 = arith.extui %sign3A_0 : i1 to i32
    %sign3A_2 = arith.constant 0 : i32
    %sign3A_3 = arith.cmpi slt, %arg0, %sign3A_2 : i32
    %sign3A_4 = arith.extui %sign3A_3 : i1 to i32
    %sign3A_5 = arith.subi %sign3A_1, %sign3A_4 : i32
    %sign3A_6 = arith.constant 0 : i32
    %sign3A_7 = arith.cmpi sgt, %jit3A, %sign3A_6 : i32
    %sign3A_8 = arith.extui %sign3A_7 : i1 to i32
    %sign3A_9 = arith.constant 0 : i32
    %sign3A_10 = arith.cmpi slt, %jit3A, %sign3A_9 : i32
    %sign3A_11 = arith.extui %sign3A_10 : i1 to i32
    %sign3A_12 = arith.subi %sign3A_8, %sign3A_11 : i32
    %ne3A = arith.cmpi ne, %sign3A_5, %sign3A_12 : i32
    %rem3A = arith.remsi %arg0, %jit3A : i32
    %ne3A_13 = arith.constant 0 : i32
    %ne3A_14 = arith.cmpi ne, %rem3A, %ne3A_13 : i32
    %and3A = arith.andi %ne3A, %ne3A_14 : i1
    %sub3A = arith.constant 1 : i32
    %sub3A_15 = arith.subi %div3A, %sub3A : i32
    %select_n3A = arith.select %and3A, %sub3A_15, %div3A : i32
    %jit3A_16 = arith.constant 5 : i32
    %eq3A = arith.constant 0 : i32
    %eq3A_17 = arith.cmpi eq, %jit3A_16, %eq3A : i32
    %jit3A_18 = arith.constant 1 : i32
    %select_n3A_19 = arith.select %eq3A_17, %jit3A_18, %jit3A_16 : i32
    %rem3A_20 = arith.remsi %arg0, %select_n3A_19 : i32
    %ne3A_21 = arith.constant 0 : i32
    %ne3A_22 = arith.cmpi ne, %rem3A_20, %ne3A_21 : i32
    %lt3A = arith.constant 0 : i32
    %lt3A_23 = arith.cmpi slt, %rem3A_20, %lt3A : i32
    %lt3A_24 = arith.constant 0 : i32
    %lt3A_25 = arith.cmpi slt, %select_n3A_19, %lt3A_24 : i32
    %ne3A_26 = arith.xori %lt3A_23, %lt3A_25 : i1
    %and3A_27 = arith.andi %ne3A_26, %ne3A_22 : i1
    %add3A = arith.addi %rem3A_20, %select_n3A_19 : i32
    %select_n3A_28 = arith.select %and3A_27, %add3A, %rem3A_20 : i32
    %c0_i32 = arith.constant 0 : i32
    %c0_i32_29 = arith.constant 0 : i32
    return %select_n3A, %select_n3A_28, %c0_i32 : i32, i32, i32
  }
  func.func @transform_1(%arg0: i32) -> (i32, i32) {
    %c0_i32 = arith.constant 0 : i32
    %c0_i32_0 = arith.constant 0 : i32
    return %arg0, %c0_i32 : i32, i32
  }
  func.func @transform_2(%arg0: i32) -> (i32, i32) {
    %c0_i32 = arith.constant 0 : i32
    %c0_i32_0 = arith.constant 0 : i32
    return %arg0, %c0_i32 : i32, i32
  }
  func.func @transform_3(%arg0: i32) -> (i32, i32) {
    %c0_i32 = arith.constant 0 : i32
    %c0_i32_0 = arith.constant 0 : i32
    %c0_i32_1 = arith.constant 0 : i32
    return %c0_i32, %c0_i32_0 : i32, i32
  }
  func.func @transform_4(%arg0: i32) -> (i32, i32) {
    %c0_i32 = arith.constant 0 : i32
    %c0_i32_0 = arith.constant 0 : i32
    return %arg0, %c0_i32 : i32, i32
  }
}

module attributes {stable_mosaic.version = 14 : i64} {
  func.func @_root_body(%arg0: i32, %arg1: memref<1000x128xf32, #tpu.memory_space<vmem>>, %arg2: memref<64x128xf32, #tpu.memory_space<vmem>>, %arg3: memref<1000x64xf32, #tpu.memory_space<vmem>>) attributes {dimension_semantics = [#tpu.dimension_semantics<arbitrary>], iteration_bounds = array<i64: 10>, scalar_prefetch = 0 : i64, scratch_operands = 0 : i64, tpu.core_type = #tpu.core_type<tc>, window_params = [{transform_indices = @transform_0, window_bounds = array<i64: 1000, 128>}, {pipeline_mode = #tpu.pipeline_mode<synchronous>, transform_indices = @transform_1, window_bounds = array<i64: 64, 128>}, {transform_indices = @transform_2, window_bounds = array<i64: 1000, 64>}]} {
    %get3A = arith.constant 0 : index
    %get3A_0 = arith.constant 0 : index
    %get3A_1 = vector.load %arg1[%get3A, %get3A_0] : memref<1000x128xf32, #tpu.memory_space<vmem>>, vector<1000x128xf32>
    %get3A_2 = arith.constant 0 : index
    %get3A_3 = arith.constant 0 : index
    %get3A_4 = vector.load %arg2[%get3A_2, %get3A_3] : memref<64x128xf32, #tpu.memory_space<vmem>>, vector<64x128xf32>
    %dot_general3A = arith.constant dense<0.000000e+00> : vector<1000x64xf32>
    %dot_general3A_5 = tpu.matmul %get3A_1, %get3A_4, %dot_general3A {dimension_numbers = #tpu.dot_dimension_numbers<[1], [1], [0], [0], [0, 0, 1, 0], [], []>, precision = #tpu.contract_precision<fp32>, transpose_lhs_hint = false} : vector<1000x128xf32>, vector<64x128xf32>, vector<1000x64xf32> -> vector<1000x64xf32>
    %swap3A = arith.constant 0 : index
    %swap3A_6 = arith.constant 0 : index
    %swap3A_7 = vector.load %arg3[%swap3A, %swap3A_6] : memref<1000x64xf32, #tpu.memory_space<vmem>>, vector<1000x64xf32>
    tpu.vector_store %arg3[%swap3A, %swap3A_6], %dot_general3A_5 {strides = array<i32>} : memref<1000x64xf32, #tpu.memory_space<vmem>>, vector<1000x64xf32>,
    return
  }
  func.func @transform_0(%arg0: i32) -> (i32, i32) {
    %c0_i32 = arith.constant 0 : i32
    %c0_i32_0 = arith.constant 0 : i32
    return %arg0, %c0_i32 : i32, i32
  }
  func.func @transform_1(%arg0: i32) -> (i32, i32) {
    %c0_i32 = arith.constant 0 : i32
    %c0_i32_0 = arith.constant 0 : i32
    %c0_i32_1 = arith.constant 0 : i32
    return %c0_i32, %c0_i32_0 : i32, i32
  }
  func.func @transform_2(%arg0: i32) -> (i32, i32) {
    %c0_i32 = arith.constant 0 : i32
    %c0_i32_0 = arith.constant 0 : i32
    return %arg0, %c0_i32 : i32, i32
  }
}

</mosaic_0001>

<sc_bundles>
// kernel: kernel.10.cloned.1.call-start
scs
__scs_entry_jumppad:
0x0: {  	(pc) =	sbr.rel $0x88, $3  }
0x1: {  	(tag) =	ssettag $0x0;
	lr =	simm.s32 $0x1  }
0x2: {  	[smem:$0x3F9C] =	sst lr;
	_ =	strace $0xD0000000  }
0x3: {  	_ = 	snop  }
0x4: {  	_ = 	snop  }
0x5: {  	_ = 	snop  }
0x6: {  	_ = 	snop  }
0x7: {  	_ = 	snop  }
__scs_overlays_trampoline_lowered:
0x8: {  	[smem:$0x3FAB] =	sst s0  }
0x9: {  	[smem:$0x3FAC] =	sst s1  }
0xa: {  	[smem:$0x3FAD] =	sst s2  }
0xb: {  	[smem:$0x3FAE] =	sst s3  }
0xc: {  	[smem:$0x3FAF] =	sst s4  }
0xd: {  	[smem:$0x3FB0] =	sst s5  }
0xe: {  	[smem:$0x3FB1] =	sst s6  }
0xf: {  	[smem:$0x3FB2] =	sst s7  }
0x10: {  	[smem:$0x3FB3] =	sst s8  }
0x11: {  	[smem:$0x3FB4] =	sst s9;
	s0 =	simm.s32 @!p0 $0x0  }
0x12: {  	s1 =	sld [smem:$0x3F9A];
	s0 =	simm.s32 @p0 $0x1  }
0x13: {  	[smem:$0x3FB5] =	sst s0;
	s0 =	simm.s32 @!p1 $0x0  }
0x14: {  	s2 =	sld [smem:$0x3F99];
	s0 =	simm.s32 @p1 $0x1  }
0x15: {  	[smem:$0x3FB6] =	sst s0;
	s0 =	simm.s32 @!p2 $0x0  }
0x16: {  	s3 =	sld [smem:$0x3FDB];
	s0 =	simm.s32 @p2 $0x1  }
0x17: {  	s4 =	simm.s32 $0x1BF5;
	[smem:$0x3FB8] =	sst s0  }
0x18: {  	s0 =	sld [smem:$0x3F9B];
	_ =	swait.ge [sflag:s4], $0x0  }
0x19: {  	s7 =	sld [smem:$0x3F9C]  }
0x1a: {  	s8 =	sadd.s32 $0xFFFFE003, lr  }
0x1b: {  	s9 =	sadd.s32 $0xFFFFFEF7, lr;
	s5 =	simm.s32 $0xFFFFFFFF;
	p2 =	slt.u32 s8, $0xFFFFF086  }
0x1c: {  	p1 =	slt.u32 s9, $0xF7A;
	s5 =	simm.s32 @!p2 $0x0  }
0x1d: {  	s5 =	simm.s32 @p1 $0x1;
	p0 =	seq.s32 s7, s2  }
0x1e: {  	s7 =	smul.u32 @!p0 $0xF7A, s2;
	p2 =	seq.s32 @!p0 s5, $0x0  }
0x1f: {  	s9 =	smul.u32 $0xF7A, s1;
	s8 =	simm.s32 @!p0 $0x1BF5;
	p2 =	por !p2, p0  }
0x20: {  	[sflag:s8] =	ssyncset.s32 @!p0 $0xFFFFF086;
	s6 =	sadd.s32 @!p0 s3, s7;
	s7 =	simm.s32 @!p0 $0x108  }
0x21: {  	s3 =	sadd.s32 s3, s9;
	s6 =	sadd.s32 @!p0 $0x88, s6;
	s7 =	simm.s32 @p2 $0x1082  }
0x22: {  	[simem:s7], [sflag:s8] =	dma.local @!p0 [hbm:s6], $0xF7A  }
0x23: {  	s9 =	sor.u32 $0xD0000000, s2;
	s6 =	simm.s32 $0x108;
	_ =	swait.ge @!p0 [sflag:s8], $0x0  }
0x24: {  	s3 =	sadd.s32 $0x88, s3;
	s6 =	simm.s32 @!p1 $0x1082;
	[sflag:s4] =	ssyncset.s32 $0xFFFFF086  }
0x25: {  	[simem:s6], [sflag:s4] =	dma.local [hbm:s3], $0xF7A  }
0x26: {  	[smem:$0x3F9C] =	sst s1;
	(tag) =	ssettag s2;
	_ =	strace s9  }
0x27: {  	s1 =	sld [smem:$0x3FAC]  }
0x28: {  	s2 =	sld [smem:$0x3FAD]  }
0x29: {  	s4 =	sld [smem:$0x3FAF]  }
0x2a: {  	p0 =	seq.s32 s5, $0x0;
	s5 =	sld [smem:$0x3FB0]  }
0x2b: {  	s6 =	sld [smem:$0x3FB1]  }
0x2c: {  	s7 =	sld [smem:$0x3FB2]  }
0x2d: {  	s3 =	simm.s32 $0x108;
	s8 =	sld [smem:$0x3FB3]  }
0x2e: {  	s3 =	simm.s32 @!p0 $0x1082;
	s9 =	sld [smem:$0x3FB4]  }
0x2f: {  	lr =	sadd.s32 s0, s3;
	s0 =	sld [smem:$0x3FAB]  }
0x30: {  	s3 =	sld [smem:$0x3FAE]  }
0x31: {  	[smem:$0x3FB7] =	sst s10  }
0x32: {  	s10 =	sld [smem:$0x3FB5];
	_ =	sdelay $0x3  }
0x33: {  	p0 =	seq.s32 s10, $0x1;
	s10 =	sld [smem:$0x3FB7];
	_ =	sdelay $0x3  }
0x34: {  	[smem:$0x3FB7] =	sst s10  }
0x35: {  	s10 =	sld [smem:$0x3FB6];
	_ =	sdelay $0x3  }
0x36: {  	p1 =	seq.s32 s10, $0x1;
	s10 =	sld [smem:$0x3FB7];
	_ =	sdelay $0x3  }
0x37: {  	[smem:$0x3FB7] =	sst s10  }
0x38: {  	s10 =	sld [smem:$0x3FB8]  }
0x39: {  	_ = 	snop;
	(pc) =	sbr.ind lr, $3  }
0x3a: {  	_ = 	snop  }
0x3b: {  	_ = 	snop  }
0x3c: {  	p2 =	seq.s32 s10, $0x1;
	s10 =	sld [smem:$0x3FB7]  }
0x3d: {  	_ =	shalt  }
0x3e: {  	_ =	shalt  }
0x3f: {  	_ =	shalt  }
0x40: {  	_ =	shalt  }
0x41: {  	_ =	shalt  }
0x42: {  	_ =	shalt  }
0x43: {  	_ =	shalt  }
0x44: {  	_ =	shalt  }
0x45: {  	_ =	shalt  }
0x46: {  	_ =	shalt  }
0x47: {  	_ =	shalt  }
0x48: {  	_ =	shalt  }
0x49: {  	_ =	shalt  }
0x4a: {  	_ =	shalt  }
0x4b: {  	_ =	shalt  }
0x4c: {  	_ =	shalt  }
0x4d: {  	_ =	shalt  }
0x4e: {  	_ =	shalt  }
0x4f: {  	_ =	shalt  }
0x50: {  	_ =	shalt  }
0x51: {  	_ =	shalt  }
0x52: {  	_ =	shalt  }
0x53: {  	_ =	shalt  }
0x54: {  	_ =	shalt  }
0x55: {  	_ =	shalt  }
0x56: {  	_ =	shalt  }
0x57: {  	_ =	shalt  }
0x58: {  	_ =	shalt  }
0x59: {  	_ =	shalt  }
0x5a: {  	_ =	shalt  }
0x5b: {  	_ =	shalt  }
0x5c: {  	_ =	shalt  }
0x5d: {  	_ =	shalt  }
0x5e: {  	_ =	shalt  }
0x5f: {  	_ =	shalt  }
0x60: {  	_ =	shalt  }
0x61: {  	_ =	shalt  }
0x62: {  	_ =	shalt  }
0x63: {  	_ =	shalt  }
0x64: {  	_ =	shalt  }
0x65: {  	_ =	shalt  }
0x66: {  	_ =	shalt  }
0x67: {  	_ =	shalt  }
0x68: {  	_ =	shalt  }
0x69: {  	_ =	shalt  }
0x6a: {  	_ =	shalt  }
0x6b: {  	_ =	shalt  }
0x6c: {  	_ =	shalt  }
0x6d: {  	_ =	shalt  }
0x6e: {  	_ =	shalt  }
0x6f: {  	_ =	shalt  }
0x70: {  	_ =	shalt  }
0x71: {  	_ =	shalt  }
0x72: {  	_ =	shalt  }
0x73: {  	_ =	shalt  }
0x74: {  	_ =	shalt  }
0x75: {  	_ =	shalt  }
0x76: {  	_ =	shalt  }
0x77: {  	_ =	shalt  }
0x78: {  	_ =	shalt  }
0x79: {  	_ =	shalt  }
0x7a: {  	_ =	shalt  }
0x7b: {  	_ =	shalt  }
0x7c: {  	_ =	shalt  }
0x7d: {  	_ =	shalt  }
0x7e: {  	_ =	shalt  }
0x7f: {  	_ =	shalt  }
0x80: {  	_ =	shalt  }
0x81: {  	_ =	shalt  }
0x82: {  	_ =	shalt  }
0x83: {  	_ =	shalt  }
0x84: {  	_ =	shalt  }
0x85: {  	_ =	shalt  }
0x86: {  	_ =	shalt  }
0x87: {  	_ =	shalt  }
.Lfunc_end0:
.L_simem_size_0:
called_computation_lowered:
.L_overlay_start_0:
0x88: {  	s2 =	sld [smem:$0x3FD9]  }
0x89: {  	s3 =	sld [smem:$0x3FFE];
	_ =	sdelay $0x1  }
0x8a: {  	s1 =	srdreg.scid  }
0x8b: {  	s0 =	sand.u32 $0x1, s1  }
0x8c: {  	s17 =	sshll.u32 s0, $0xA;
	s2 =	sadd.s32 s3, s2  }
0x8d: {  	s2 =	sadd.s32 s2, s17  }
0x8e: {  	[smem:$0x3FC3] =	sst s2  }
0x8f: {  	_ = 	snop  }
0x90: {  	s2 =	sld [smem:$0x3FD0];
	(tm) =	ssettm $0x1  }
0x91: {  	s18 =	sld [smem:$0x3FFB];
	_ =	sdelay $0x3  }
0x92: {  	_ =	strace s18  }
0x93: {  	s3 =	sld [smem:$0x3FFC];
	_ =	sdelay $0x3  }
0x94: {  	_ =	strace s3  }
0x95: {  	s3 =	sld [smem:$0x3FFD];
	_ =	sdelay $0x3  }
0x96: {  	_ =	strace s3  }
0x97: {  	_ =	strace $0x8FFFFFFF  }
0x98: {  	s19 =	sld [smem:$0x3FDB];
	_ =	sdelay $0x1  }
0x99: {  	s4 =	simm.s32 $_scs_section_size  }
0x9a: {  	s5 =	simm.s32 $_size__tile_overlayer_lowered;
	s6 =	simm.s32 $_tile_overlayer_lowered  }
0x9b: {  	s22 =	simm.s32 $0x1BFF;
	s21 =	sshll.u32 s6, $0x1;
	s3 =	sadd.s32 s4, s19  }
0x9c: {  	s7 =	simm.s32 $0x0;
	s20 =	sshll.u32 s5, $0x1;
	s5 =	sadd.s32 s21, s3  }
0x9d: {  	[timem:s7], [sflag:s22] =	dma.local [hbm:s5], s20  }
0x9e: {  	_ =	swait.ge [sflag:s22], s20  }
0x9f: {  	s4 =	ssub.s32 $0x0, s20;
	[sflag:s22] =	ssyncset.done $0x0  }
0xa0: {  	[sflag:s22] =	ssyncadd.s32 s4;
	_ =	sdelay $0x1  }
0xa1: {  	s23 =	simm.s32 $0x1B8B  }
0xa2: {  	_ =	swait.ge [sflag:s23], $0x1  }
0xa3: {  	[sflag:s23] =	ssyncset.done $0x0  }
0xa4: {  	s25 =	simm.s32 $0x1B8E;
	s24 =	sld [smem:$0x3FFE];
	[sflag:s23] =	ssyncadd.s32 $0xFFFFFFFF  }
0xa5: {  	s26 =	simm.s32 $execute0_lowered;
	[smem:$0x3FD2] =	sst s25  }
0xa6: {  	s5 =	sshll.u32 s26, $0x1;
	_ =	strace $0x80000046;
	[dreg:$0x1] =	wrdreg $0xFFFFFFFF  }
0xa7: {  	s28 =	simm.s32 $_size_execute0_lowered;
	s3 =	sadd.s32 s3, s5;
	[dreg:$0x0] =	wrdreg $0x0  }
0xa8: {  	s5 =	sshll.u32 s28, $0x1;
	[dreg:$0x2] =	wrdreg s3  }
0xa9: {  	[dreg:$0x3] =	wrdreg s5  }
0xaa: {  	[dreg:$0x4] =	wrdreg $0xC0  }
0xab: {  	_ =	task [dreg:s7], $0x5FFFF  }
0xac: {  	[dreg:$0x1] =	wrdreg $0xFFFFFFFF  }
0xad: {  	[dreg:$0x0] =	wrdreg $0x60  }
0xae: {  	[dreg:$0x2] =	wrdreg s24  }
0xaf: {  	[dreg:$0x3] =	wrdreg s2  }
0xb0: {  	[dreg:$0x4] =	wrdreg $0xF4100  }
0xb1: {  	[dreg:$0x5] =	wrdreg $0x9  }
0xb2: {  	_ =	task.clear_ibuf [dreg:s7], $0x6FFFF;
	_ =	strace $0x90000046  }
0xb3: {  	s29 =	simm.s32 $0x9;
	_ =	strace $0x80000048  }
0xb4: {  	_ =	swait.ge [sflag:s29], $0x1  }
0xb5: {  	[sflag:s29] =	ssyncadd.s32 $0xFFFFFFFF  }
0xb6: {  	_ =	strace $0x90000048  }
0xb7: {  	_ =	sfence  }
0xb8: {  	s30 =	sld [smem:$0x0];
	_ =	sdelay $0x2  }
0xb9: {  	s31 =	sshll.u32 s1, $0xD;
	s1 =	sshrl.u32 s1, $0x2  }
0xba: {  	s3 =	sand.u32 $0x4000, s31;
	s1 =	sadd.s32 s1, s30  }
0xbb: {  	s0 =	sor.u32 s3, s0;
	s1 =	sshll.u32 s1, $0x11  }
0xbc: {  	s0 =	sor.u32 s1, s0  }
0xbd: {  	s0 =	sadd.s32 $0x8F2B, s0  }
0xbe: {  	[sflag:s0] =	ssyncadd.remote.s32 $0x1  }
0xbf: {  	_ =	sfence.sel $0xFFFF  }
0xc0: {  	[dreg:$0x0] =	wrdreg $0xFFFFFFFF;
	(pc) =	sbr.abs _section_cstart, $3  }
0xc1: {  	[dreg:$0x1] =	wrdreg $0xFFFFFFFF  }
0xc2: {  	_ =	task.clear_ibuf [dreg:s7], $0x2FFFF;
	_ =	strace $0x9FFFFFFF  }
0xc3: {  	(tm) =	ssettm $0x7FFFFFFF  }
tec
execute0_lowered:
.L_overlay_start_1:
0x0: {  	(tag) =	ssettag $0x1  }
0x1: {  	s0 =	rddreg [dreg:$0x0]  }
0x2: {  	s1 =	srdreg.scid;
	s3 =	rddreg [dreg:$0x1]  }
0x3: {  	s2 =	rddreg [dreg:$0x2];
	s12 =	stileid.u32;
	s13 =	simm.s32 $0x0  }
0x4: {  	s28 =	simm.s32 $0x4E20;
	s29 =	simm.s32 $0x50;
	s30 =	simm.s32 $0x1  }
0x5: {  	s1 =	sand.u32 $0x1, s1;
	[smem:$0x7FF] =	sst s13;
	s7 =	sadd.s32 $0x2000, s0  }
0x6: {  	s8 =	smul.u32 $0x280, s12;
	s9 =	sadd.s32 $0x16400, s0;
	s16 =	sadd.s32 $0x16600, s0  }
0x7: {  	s17 =	sadd.s32 $0x15C00, s0;
	_ =	strace $0x80000047;
	[dreg:$0x4] =	wrdreg s9  }
0x8: {  	s18 =	sadd.s32 $0x16000, s0;
	s20 =	smul.u32 $0x4E20, s12;
	[dreg:$0x5] =	wrdreg s16  }
0x9: {  	s23 =	smul.u32 $0x9C4, s12;
	s4 =	sshll.u32 s1, $0x4;
	[dreg:$0x6] =	wrdreg s17  }
0xa: {  	[dreg:$0x7] =	wrdreg s18;
	s10 =	ssub.s32 $0x2, s1;
	p0 =	sne.s32 s1, $0x0  }
0xb: {  	s1 =	simm.s32 $0x0;
	s4 =	sor.u32 s12, s4;
	s19 =	sshrl.u32 s8, $0x3  }
0xc: {  	s11 =	sshrl.u32 s10, $0x1;
	s24 =	sadd.s32 s8, s2;
	s5 =	smul.u32 $0x4E2, s4  }
0xd: {  	s8 =	simm.s32 $0xB450;
	s9 =	sadd.s32 s19, s0;
	s4 =	smul.u32 $0x2A80, s4  }
0xe: {  	s10 =	ssub.s32 s10, s11;
	[dreg:$0xe] =	wrdreg s24;
	s26 =	sadd.s32 $0x16800, s9  }
0xf: {  	s31 =	smax.u32 s10, $0x1;
	s9 =	simm.s32 $0xDED0;
	[dreg:$0x11] =	wrdreg s26  }
0x10: {  	s6 =	sadd.s32 s5, s0;
	s5 =	sadd.s32 s7, s5;
	[dreg:$0x12] =	wrdreg s31  }
0x11: {  	s4 =	sshrl.u32 s4, $0x3;
	s6 =	sadd.s32 $0xBE00, s6;
	[dreg:$0x9] =	wrdreg s5  }
0x12: {  	v0 =	vimm.s32 $0xECA86420;
	vm12 =	vcmask $0xB08;
	vm1 =	vcmask $0x1310;
	s0 =	sadd.s32 $0x16E00, s0;
	s21 =	sadd.s32 s3, s4;
	[dreg:$0x8] =	wrdreg s6  }
0x13: {  	vm2 =	vcmask $0x1B18;
	vm3 =	vcmask $0x300;
	v2 =	vlaneseq.u32;
	s22 =	sadd.s32 s0, s4;
	s4 =	sadd.s32 $0x2A8, s4;
	[dreg:$0xa] =	wrdreg s21  }
.Ltmp0:
0x14: {  	vm4 =	vmmov $0xff;
	vm11 =	vcmask $0x704;
	vm14 =	vcmask $0xF0C;
	[dreg:$0xb] =	wrdreg s22;
	s3 =	sadd.s32 s3, s4;
	(pc) =	sbr.rel .LBB2_1-.Ltmp0, $4  }
0x15: {  	vm15 =	vcmask $0x1714;
	vm13 =	vcmask $0x2F2C;
	v3 =	vimm.s32 $0x0;
	s5 =	sshrl.u32 s20, $0x3;
	s0 =	sadd.s32 s0, s4;
	[dreg:$0xc] =	wrdreg s3  }
0x16: {  	vm5 =	vcmask $0x2320;
	vm6 =	vcmask $0x2B28;
	v1 =	vunpack.c.l.s4.s8 v0;
	s25 =	sadd.s32 s7, s5;
	[dreg:$0xd] =	wrdreg s0;
	s3 =	sadd.s32 s7, s23  }
0x17: {  	vm7 =	vcmask $0x3330;
	vm8 =	vcmask $0x3B38;
	v3 =	vsel vm4, $0xFFFFFFFF, v3;
	s5 =	simm.s32 $0x2;
	s0 =	sadd.s32 $0x4E2, s25;
	[dreg:$0xf] =	wrdreg s3  }
0x18: {  	v0 =	vimm.s32 $0x0;
	v2 =	vmul.u32 $0x2, v2;
	[tilespmem:$0x1FFF0] =	vst v3;
	v1 =	vunpack.c.0.s8.s32 v1;
	s6 =	simm.s32 $0x9F10;
	s7 =	simm.s32 $0xC990;
	[dreg:$0x10] =	wrdreg s0  }
.LBB2_8:
0x19: {  	v3 =	vld [tilespmem:s0+$0x4E70];
	_ =	sdelay $0x4  }
0x1a: {  	v4 =	vshrl.u32 v3, $0x1;
	v5 =	vmul.f32 $5.000000000e-01, v3  }
0x1b: {  	v4 =	vsub.s32 $0x5F3759DF, v4  }
0x1c: {  	v6 =	vmul.f32 v4, v5;
	_ =	sdelay $0x1  }
0x1d: {  	v6 =	vmul.f32 v4, v6;
	_ =	sdelay $0x1  }
0x1e: {  	v6 =	vsub.f32 $1.500000000e+00, v6;
	_ =	sdelay $0x1  }
0x1f: {  	v4 =	vmul.f32 v4, v6;
	_ =	sdelay $0x1  }
0x20: {  	v6 =	vmul.f32 v4, v5;
	_ =	sdelay $0x1  }
0x21: {  	v6 =	vmul.f32 v6, v4;
	_ =	sdelay $0x1  }
0x22: {  	v6 =	vsub.f32 $1.500000000e+00, v6;
	_ =	sdelay $0x1  }
0x23: {  	v4 =	vmul.f32 v6, v4;
	_ =	sdelay $0x1  }
0x24: {  	v5 =	vmul.f32 v4, v5;
	_ =	sdelay $0x1  }
0x25: {  	v5 =	vmul.f32 v5, v4;
	_ =	sdelay $0x1  }
0x26: {  	v5 =	vsub.f32 $1.500000000e+00, v5;
	_ =	sdelay $0x1  }
0x27: {  	v4 =	vmul.f32 v5, v4  }
0x28: {  	vm9 =	vgt.f32 v3, $5.000000000e-01  }
0x29: {  	v3 =	vnsel vm9, $0x0, v4  }
0x2a: {  	s31 =	rddreg [dreg:$0x11];
	s1 =	simm.s32 $0x4E70;
	[tilespmem:s0+$0x4E70] =	vst v3  }
0x2b: {  	[hbm4b:s31+s13] =	stream.linear.scatter [tilespmem:s1], [sflag:$0x2], $0x280, $0x38;
	[tilespmem:$0xF690] =	vst v63  }
0x2c: {  	_ =	swait.ge [sflag:s5], $0x280  }
0x2d: {  	[sflag:s5] =	ssyncset.done $0x0  }
0x2e: {  	s1 =	rddreg [dreg:$0x13];
	[sflag:s5] =	ssyncadd.s32 $0xFFFFFD80  }
.LBB2_9:
0x2f: {  	s1 =	sadd.s32 $0x1, s1;
	s0 =	rddreg [dreg:$0x12]  }
0x30: {  	p1 =	sne.s32 s1, s0  }
.Ltmp1:
0x31: {  	_ = 	snop;
	(pc) =	sbr.rel @!p1 .LBB2_10-.Ltmp1, $1  }
0x32: {  	_ =	sdelay $0x3  }
.LBB2_1:
0x33: {  	[dreg:$0x13] =	wrdreg s1  }
0x34: {  	s0 =	rddreg [dreg:$0x8];
	s23 =	simm.s32 $0x50F0  }
0x35: {  	[tilespmem:s23], [sflag:$0x2] =	stream.linear.gather [hbm4b:s0+s13], $0x2710, $0x38;
	[tilespmem:$0xF690] =	vst v63  }
0x36: {  	_ =	swait.ge [sflag:s5], $0x2710  }
0x37: {  	[sflag:s5] =	ssyncset.done $0x0  }
0x38: {  	s25 =	simm.s32 $0x7800;
	s24 =	rddreg [dreg:$0x9];
	[sflag:s5] =	ssyncadd.s32 $0xFFFFD8F0  }
0x39: {  	[tilespmem:s25], [sflag:$0x2] =	stream.linear.gather [hbm4b:s24+s13], $0x2710, $0x38;
	[tilespmem:$0xF690] =	vst v63  }
0x3a: {  	_ =	swait.ge [sflag:s5], $0x2710  }
0x3b: {  	[sflag:s5] =	ssyncset.done $0x0  }
0x3c: {  	s26 =	rddreg [dreg:$0x6];
	[sflag:s5] =	ssyncadd.s32 $0xFFFFD8F0  }
0x3d: {  	[tilespmem:s6], [sflag:$0x2] =	stream.linear.gather [hbm4b:s26+s13], $0x1540, $0x38;
	[tilespmem:$0xF690] =	vst v63  }
0x3e: {  	_ =	swait.ge [sflag:s5], $0x1540  }
0x3f: {  	[sflag:s5] =	ssyncset.done $0x0  }
0x40: {  	[sflag:s5] =	ssyncadd.s32 $0xFFFFEAC0  }
0x41: {  	[tilespmem:s7], [sflag:$0x2] =	stream.linear.gather [hbm4b:s26+s13], $0x1540, $0x38;
	[tilespmem:$0xF690] =	vst v63  }
0x42: {  	_ =	swait.ge [sflag:s5], $0x1540  }
0x43: {  	[sflag:s5] =	ssyncset.done $0x0  }
0x44: {  	s31 =	rddreg [dreg:$0x7];
	[sflag:s5] =	ssyncadd.s32 $0xFFFFEAC0  }
0x45: {  	[tilespmem:s8], [sflag:$0x2] =	stream.linear.gather [hbm4b:s31+s13], $0x1540, $0x38;
	[tilespmem:$0xF690] =	vst v63  }
0x46: {  	_ =	swait.ge [sflag:s5], $0x1540  }
0x47: {  	[sflag:s5] =	ssyncset.done $0x0  }
0x48: {  	[sflag:s5] =	ssyncadd.s32 $0xFFFFEAC0  }
0x49: {  	[tilespmem:s9], [sflag:$0x2] =	stream.linear.gather [hbm4b:s31+s13], $0x1540, $0x38;
	[tilespmem:$0xF690] =	vst v63  }
0x4a: {  	_ =	swait.ge [sflag:s5], $0x1540  }
0x4b: {  	s10 =	simm.s32 $0x0;
	[sflag:s5] =	ssyncset.done $0x0  }
0x4c: {  	s4 =	simm.s32 $0x0;
	s0 =	simm.s32 $0x0;
	[sflag:s5] =	ssyncadd.s32 $0xFFFFEAC0  }
.LBB2_2:
0x4d: {  	[dreg:$0x15] =	wrdreg s0  }
0x4e: {  	s0 =	rddreg [dreg:$0x15]  }
0x4f: {  	s0 =	sshll.u32 s0, $0x4  }
0x50: {  	s1 =	sand.u32 $0xFFF0, s0  }
0x51: {  	s3 =	rddreg [dreg:$0x15];
	s1 =	smul.u32 $0x6667, s1  }
0x52: {  	s3 =	smul.u32 $0xCCCD, s3  }
0x53: {  	s1 =	sshrl.u32 s1, $0x15  }
0x54: {  	s3 =	sshrl.u32 s3, $0x12;
	s1 =	smul.u32 $0x50, s1  }
0x55: {  	s3 =	smul.u32 $0x50, s3  }
0x56: {  	s0 =	ssub.s32 s0, s1  }
0x57: {  	s0 =	sadd.s32 s0, s3  }
0x58: {  	s0 =	sand.u32 $0xFFF0, s0  }
0x59: {  	v3 =	vld [tilespmem:s0+$0x7800];
	_ =	sdelay $0x4  }
0x5a: {  	vm4 =	vlt.s32 v3, $0x1388  }
0x5b: {  	v9 =	vsel vm4, $0x1, v0  }
0x5c: {  	(xrf0) =	vadd.scan.msk.s32 $0xffff, v9;
	_ =	sdelay $0x5  }
0x5d: {  	v6, _, _ =	vpop (xrf0)  }
0x5e: {  	v10 =	vadd.s32 s4, v6  }
0x5f: {  	v34 =	vsub.s32 v10, v9  }
0x60: {  	(v2sf) =	vpush v34, $0xD;
	_ =	sdelay $0x1  }
0x61: {  	(v2sf) =	vpush v34, $0xC;
	_ =	sdelay $0x1  }
0x62: {  	(v2sf) =	vpush v34, $0xE;
	_ =	sdelay $0x1  }
0x63: {  	(v2sf) =	vpush v34, $0xF;
	_ =	sdelay $0x1  }
0x64: {  	(v2sf) =	vpush v34, $0x9  }
0x65: {  	(v2sf) =	vpush v34, $0x8;
	_ =	sdelay $0x1  }
0x66: {  	(v2sf) =	vpush v34, $0xA;
	_ =	sdelay $0x1  }
0x67: {  	(v2sf) =	vpush v34, $0xB;
	_ =	sdelay $0x1  }
0x68: {  	[dreg:$0x16] =	wrdreg s4;
	(v2sf) =	vpush v34, $0x0;
	s4 =	spop (v2sf)  }
0x69: {  	[dreg:$0x17] =	wrdreg s0;
	s7 =	smulhi.u32 $0x66666667, s4;
	s0 =	sshra.s32 s4, $0x1F  }
0x6a: {  	s5 =	spop (v2sf);
	s12 =	smul.u32 $0x66666667, s0  }
0x6b: {  	(v2sf) =	vpush v34, $0x1;
	s11 =	smulhi.u32 $0x66666667, s5;
	s0 =	sshra.s32 s5, $0x1F  }
0x6c: {  	s6 =	spop (v2sf);
	s24 =	smul.u32 $0x66666667, s0  }
0x6d: {  	(v2sf) =	vpush v34, $0x2;
	s13 =	smulhi.u32 $0x66666667, s6;
	s0 =	sshra.s32 s6, $0x1F  }
0x6e: {  	v4 =	vimm.s32 $0x0;
	s8 =	spop (v2sf);
	s6 =	smul.u32 $0x66666667, s0  }
0x6f: {  	[dreg:$0x14] =	wrdreg s10;
	v4 =	vsel vm4, $0xFFFFFFFF, v4;
	vm4 =	vge.s32 v3, $0x1388;
	(v2sf) =	vpush v34, $0x3;
	s14 =	smulhi.u32 $0x66666667, s8;
	s0 =	sshra.s32 s8, $0x1F  }
0x70: {  	v35 =	vsel vm4, $0x1, v0;
	s9 =	spop (v2sf);
	s7 =	sadd.s32 s12, s7;
	s5 =	smul.u32 $0x66666667, s0  }
0x71: {  	(xrf0) =	vadd.scan.msk.s32 $0xffff, v35;
	(v2sf) =	vpush v34, $0x4;
	s15 =	smulhi.u32 $0x66666667, s9;
	s0 =	sshra.s32 s9, $0x1F;
	s8 =	spop (v2sf)  }
0x72: {  	[smem:$0x7F8] =	sst s7;
	s11 =	sadd.s32 s24, s11;
	s17 =	smul.u32 $0x66666667, s0  }
0x73: {  	(v2sf) =	vpush v34, $0x5;
	s16 =	smulhi.u32 $0x66666667, s8;
	s8 =	sshra.s32 s8, $0x1F;
	s18 =	spop (v2sf)  }
0x74: {  	(v2sf) =	vpush v34, $0x6;
	[smem:$0x7F9] =	sst s11;
	s3 =	smul.u32 $0x66666667, s8  }
0x75: {  	s19 =	smulhi.u32 $0x66666667, s18;
	s8 =	sshra.s32 s18, $0x1F;
	s20 =	spop (v2sf)  }
0x76: {  	[smem:$0x7E7] =	sst s16;
	s4 =	smul.u32 $0x66666667, s8  }
0x77: {  	v7, _, _ =	vpop (xrf0);
	s21 =	smulhi.u32 $0x66666667, s20;
	s8 =	sshra.s32 s20, $0x1F;
	s22 =	spop (v2sf)  }
0x78: {  	v8 =	vadd.s32 s10, v7;
	(v2sf) =	vpush v34, $0x7;
	[smem:$0x7E8] =	sst s19;
	s9 =	smul.u32 $0x66666667, s8  }
0x79: {  	v36 =	vsub.s32 v8, v35;
	(v2sf) =	vpush v6, $0xF;
	s10 =	smulhi.u32 $0x66666667, s22;
	s8 =	sshra.s32 s22, $0x1F;
	s24 =	sld [smem:$0x7E7]  }
0x7a: {  	(v2sf) =	vpush v36, $0xD;
	s31 =	smul.u32 $0x66666667, s8;
	s23 =	spop (v2sf)  }
0x7b: {  	[smem:$0x7E9] =	sst s21;
	s25 =	smulhi.u32 $0x66666667, s23;
	s8 =	sshra.s32 s23, $0x1F  }
0x7c: {  	s26 =	spop (v2sf);
	s19 =	smul.u32 $0x66666667, s8  }
0x7d: {  	s7 =	sld [smem:$0x7E9];
	s1 =	smulhi.u32 $0x66666667, s26;
	s8 =	sshra.s32 s26, $0x1F  }
0x7e: {  	(v2sf) =	vpush v36, $0xC;
	s22 =	spop (v2sf);
	s26 =	smul.u32 $0x66666667, s8  }
0x7f: {  	[smem:$0x7EA] =	sst s25;
	s8 =	smulhi.u32 $0x66666667, s22;
	s22 =	sshra.s32 s22, $0x1F  }
0x80: {  	(v2sf) =	vpush v36, $0xE;
	s16 =	spop (v2sf);
	s23 =	smul.u32 $0x66666667, s22  }
0x81: {  	(v2sf) =	vpush v36, $0xF;
	[smem:$0x7EB] =	sst s1;
	s18 =	smulhi.u32 $0x66666667, s16;
	s22 =	sshra.s32 s16, $0x1F  }
0x82: {  	s20 =	spop (v2sf);
	s16 =	smul.u32 $0x66666667, s22  }
0x83: {  	(v2sf) =	vpush v36, $0x9;
	s21 =	smulhi.u32 $0x66666667, s20;
	s22 =	sshra.s32 s20, $0x1F;
	s25 =	spop (v2sf)  }
0x84: {  	[smem:$0x7EC] =	sst s18;
	s18 =	smul.u32 $0x66666667, s22  }
0x85: {  	(v2sf) =	vpush v36, $0x8;
	s11 =	sld [smem:$0x7EA];
	s1 =	smulhi.u32 $0x66666667, s25;
	s22 =	sshra.s32 s25, $0x1F  }
0x86: {  	[smem:$0x7ED] =	sst s21;
	s20 =	smul.u32 $0x66666667, s22  }
0x87: {  	s21 =	spop (v2sf);
	[smem:$0x7EE] =	sst s1  }
0x88: {  	(v2sf) =	vpush v36, $0xA;
	s25 =	smulhi.u32 $0x66666667, s21;
	s1 =	spop (v2sf)  }
0x89: {  	[smem:$0x7EF] =	sst s20;
	s20 =	spop (v2sf)  }
0x8a: {  	(v2sf) =	vpush v36, $0xB;
	s22 =	sshra.s32 s21, $0x1F;
	[dreg:$0x18] =	wrdreg s1;
	s21 =	smulhi.u32 $0x66666667, s20  }
0x8b: {  	s1 =	smul.u32 $0x66666667, s22;
	[smem:$0x7F0] =	sst s25;
	s22 =	sshra.s32 s20, $0x1F  }
0x8c: {  	s0 =	smul.u32 $0x66666667, s22;
	[smem:$0x7F1] =	sst s21  }
0x8d: {  	s21 =	sadd.s32 s5, s14;
	s5 =	sld [smem:$0x7E8];
	s25 =	spop (v2sf)  }
0x8e: {  	[smem:$0x7F2] =	sst s0;
	s12 =	smulhi.u32 $0x66666667, s25;
	s0 =	sshra.s32 s25, $0x1F  }
0x8f: {  	s20 =	sadd.s32 s6, s13;
	s13 =	spop (v2sf);
	s0 =	smul.u32 $0x66666667, s0  }
0x90: {  	s17 =	sadd.s32 s17, s15;
	s14 =	smulhi.u32 $0x66666667, s13;
	s22 =	spop (v2sf)  }
0x91: {  	s15 =	sadd.s32 s3, s24;
	[smem:$0x7F3] =	sst s12;
	s25 =	smulhi.u32 $0x66666667, s22  }
0x92: {  	s31 =	sadd.s32 s31, s10;
	s6 =	spop (v2sf);
	[smem:$0x7F4] =	sst s0  }
0x93: {  	[smem:$0x7F5] =	sst s14;
	s0 =	sshra.s32 s13, $0x1F;
	s24 =	smulhi.u32 $0x66666667, s6  }
0x94: {  	(v2sf) =	vpush v36, $0x0;
	s14 =	sadd.s32 s4, s5;
	s10 =	spop (v2sf);
	s4 =	sld [smem:$0x7EC]  }
0x95: {  	s23 =	sadd.s32 s23, s8;
	s0 =	smul.u32 $0x66666667, s0;
	[smem:$0x7F7] =	sst s25  }
0x96: {  	s19 =	sadd.s32 s19, s11;
	s11 =	smulhi.u32 $0x66666667, s10;
	s25 =	sld [smem:$0x7EB]  }
0x97: {  	s12 =	sadd.s32 s9, s7;
	s3 =	spop (v2sf);
	[smem:$0x7F6] =	sst s0  }
0x98: {  	s8 =	smulhi.u32 $0x66666667, s3;
	s9 =	sadd.s32 s16, s4;
	s16 =	sld [smem:$0x7EF]  }
0x99: {  	(v2sf) =	vpush v36, $0x1;
	s0 =	sshra.s32 s22, $0x1F;
	s5 =	spop (v2sf);
	s4 =	sld [smem:$0x7F0]  }
0x9a: {  	s22 =	smul.u32 $0x66666667, s0;
	s0 =	sshra.s32 s6, $0x1F;
	s6 =	sld [smem:$0x7ED]  }
0x9b: {  	s26 =	sadd.s32 s26, s25;
	s13 =	smul.u32 $0x66666667, s0;
	s0 =	sshra.s32 s10, $0x1F  }
0x9c: {  	s25 =	sshra.s32 s5, $0x1F;
	s10 =	smul.u32 $0x66666667, s0;
	s1 =	sadd.s32 s1, s4  }
0x9d: {  	s18 =	sadd.s32 s18, s6;
	s6 =	smulhi.u32 $0x66666667, s5;
	s5 =	sld [smem:$0x7EE]  }
0x9e: {  	s0 =	sshra.s32 s3, $0x1F;
	[smem:$0x7FA] =	sst s1;
	s13 =	sadd.s32 s13, s24  }
0x9f: {  	s7 =	smul.u32 $0x66666667, s0;
	[dreg:$0x1c] =	wrdreg s13;
	s10 =	sadd.s32 s10, s11  }
0xa0: {  	[dreg:$0x1b] =	wrdreg s10  }
0xa1: {  	s7 =	sadd.s32 s7, s8;
	s10 =	sld [smem:$0x7F9]  }
0xa2: {  	s3 =	sadd.s32 s16, s5;
	s5 =	smul.u32 $0x66666667, s25;
	s16 =	sld [smem:$0x7F1]  }
0xa3: {  	s25 =	spop (v2sf);
	[dreg:$0x1a] =	wrdreg s7  }
0xa4: {  	s4 =	smulhi.u32 $0x66666667, s25;
	s0 =	sshra.s32 s25, $0x1F;
	s25 =	sld [smem:$0x7F2]  }
0xa5: {  	[smem:$0x7FB] =	sst s3  }
0xa6: {  	s5 =	sadd.s32 s5, s6;
	s6 =	sld [smem:$0x7F8]  }
0xa7: {  	s3 =	smul.u32 $0x66666667, s0;
	s1 =	sadd.s32 s25, s16;
	s16 =	sld [smem:$0x7F3]  }
0xa8: {  	s13 =	sshrl.u32 s20, $0x1F;
	s0 =	spop (v2sf);
	s25 =	sld [smem:$0x7F4]  }
0xa9: {  	s11 =	sshrl.u32 s10, $0x1F;
	[dreg:$0x19] =	wrdreg s5;
	s5 =	sshra.s32 s20, $0x5  }
0xaa: {  	(v2sf) =	vpush v36, $0x2;
	s20 =	sshra.s32 s15, $0x5;
	v11 =	vmov s11;
	s11 =	sshra.s32 s31, $0x5;
	[dreg:$0x1d] =	wrdreg s1  }
0xab: {  	s8 =	sadd.s32 s3, s4;
	s1 =	sadd.s32 s25, s16;
	s16 =	sld [smem:$0x7F5]  }
0xac: {  	(v2sf) =	vpush v36, $0x3;
	s3 =	sshra.s32 s10, $0x5;
	s10 =	sshra.s32 s14, $0x5;
	s25 =	sld [smem:$0x7F6]  }
0xad: {  	(v2sf) =	vpush v36, $0x4;
	s7 =	sshrl.u32 s6, $0x1F;
	s4 =	sshra.s32 s6, $0x5;
	s6 =	sshra.s32 s17, $0x5  }
0xae: {  	[smem:$0x7FC] =	sst s1;
	s1 =	smulhi.u32 $0x66666667, s0;
	s0 =	sshra.s32 s0, $0x1F  }
0xaf: {  	v11 =	vsel vm12, s7, v11;
	s0 =	smul.u32 $0x66666667, s0;
	s16 =	sadd.s32 s25, s16;
	s25 =	sld [smem:$0x7F7]  }
0xb0: {  	s7 =	sshra.s32 s19, $0x1F;
	v11 =	vsel vm1, s13, v11;
	s13 =	sshrl.u32 s23, $0x1F;
	[dreg:$0x1f] =	wrdreg s16  }
0xb1: {  	s24 =	sadd.s32 s0, s1;
	s1 =	sld [smem:$0x7FA];
	s0 =	sshra.s32 s19, $0x5  }
0xb2: {  	(v2sf) =	vpush v36, $0x5;
	v16 =	vmov s20;
	s20 =	rddreg [dreg:$0x1f];
	s22 =	sadd.s32 s22, s25;
	s25 =	sshrl.u32 s21, $0x1F  }
0xb3: {  	(v2sf) =	vpush v36, $0x6;
	[dreg:$0x1e] =	wrdreg s22;
	s22 =	sshra.s32 s21, $0x5;
	s21 =	sshrl.u32 s17, $0x1F  }
0xb4: {  	v15 =	vmov s3;
	(v2sf) =	vpush v36, $0x7;
	s17 =	sshrl.u32 s15, $0x1F;
	s15 =	sshrl.u32 s14, $0x1F;
	s14 =	sshrl.u32 s12, $0x1F  }
0xb5: {  	v15 =	vsel vm12, s4, v15;
	s12 =	sshra.s32 s12, $0x5;
	s16 =	sshra.s32 s1, $0x1F;
	v11 =	vsel vm2, s25, v11;
	s25 =	sshrl.u32 s9, $0x1F  }
0xb6: {  	v15 =	vsel vm1, s5, v15;
	[smem:$0x7FD] =	sst s12;
	s12 =	sshrl.u32 s31, $0x1F;
	v12 =	vmov s16;
	s16 =	sshra.s32 s31, $0x1F  }
0xb7: {  	s31 =	sshrl.u32 s19, $0x1F;
	s19 =	sshrl.u32 s26, $0x1F;
	v14 =	vmov s17;
	v15 =	vsel vm2, s22, v15;
	s22 =	sld [smem:$0x7FC]  }
0xb8: {  	v41 =	vld [tilespmem:$0x1FFF0];
	v12 =	vsel vm3, s11, v12;
	v13 =	vmov s12;
	s12 =	sshra.s32 s26, $0x1F;
	v14 =	vsel vm12, s21, v14;
	s21 =	sld [smem:$0x7FB];
	s11 =	sshrl.u32 s8, $0x1F  }
0xb9: {  	v5 =	vimm.s32 $0x0;
	v12 =	vsel vm11, s16, v12;
	s16 =	sshra.s32 s26, $0x5;
	s26 =	spop (v2sf);
	v38 =	vmov s11;
	s11 =	rddreg [dreg:$0x19]  }
0xba: {  	vm9 =	vcmask $0x2724;
	v13 =	vnsel vm3, $0x0, v13;
	v12 =	vsel vm12, s0, v12;
	s0 =	sshra.s32 s23, $0x5;
	s23 =	sshra.s32 s23, $0x1F;
	s17 =	smulhi.u32 $0x66666667, s26  }
0xbb: {  	vm10 =	vcmask $0x3734;
	v14 =	vsel vm1, s15, v14;
	v13 =	vsel vm12, s31, v13;
	s31 =	sshra.s32 s26, $0x1F;
	s26 =	spop (v2sf);
	s5 =	sshrl.u32 s22, $0x1F  }
0xbc: {  	v14 =	vsel vm2, s14, v14;
	v12 =	vsel vm14, s7, v12;
	v13 =	vsel vm1, s19, v13;
	s19 =	smul.u32 $0x66666667, s31;
	s31 =	sshrl.u32 s18, $0x1F;
	s14 =	spop (v2sf)  }
0xbd: {  	vm0 =	vnez.u8 v41;
	v5 =	vsel vm4, $0xFFFFFFFF, v5;
	s15 =	smulhi.u32 $0x66666667, s26;
	s4 =	sshra.s32 s21, $0x1F;
	v12 =	vsel vm1, s16, v12;
	s16 =	sshra.s32 s9, $0x5  }
0xbe: {  	vm4 =	vmmov vm3;
	s9 =	sshra.s32 s9, $0x1F;
	v13 =	vsel vm2, s13, v13;
	s13 =	sshra.s32 s18, $0x5;
	v12 =	vsel vm15, s12, v12;
	s12 =	sshra.s32 s26, $0x1F  }
0xbf: {  	v42 =	vshra.s32 v34, $0x1F;
	v17 =	vmov s5;
	v13 =	vsel vm5, s25, v13;
	s25 =	sshrl.u32 s1, $0x1F;
	s5 =	sadd.s32 s19, s17;
	s17 =	rddreg [dreg:$0x1e]  }
0xc0: {  	v54 =	vshra.s32 v36, $0x1F;
	vm3 =	vcmask $0x1F1C;
	s26 =	sshra.s32 s21, $0x5;
	s19 =	rddreg [dreg:$0x1c];
	v12 =	vsel vm2, s0, v12;
	s0 =	sshra.s32 s18, $0x1F  }
0xc1: {  	v16 =	vsel vm12, s6, v16;
	v11 =	vcombine.low v14, v11;
	s18 =	spop (v2sf);
	s3 =	smul.u32 $0x66666667, s12;
	s12 =	sshra.s32 s1, $0x5;
	v12 =	vsel vm3, s23, v12  }
0xc2: {  	v16 =	vsel vm1, s10, v16;
	v13 =	vsel vm6, s31, v13;
	s23 =	sshrl.u32 s21, $0x1F;
	s7 =	spop (v2sf);
	s21 =	rddreg [dreg:$0x1d];
	v12 =	vsel vm5, s16, v12  }
0xc3: {  	v11 =	vperm.xlane v11, v1;
	v13 =	vsel vm7, s23, v13;
	s31 =	spop (v2sf);
	s23 =	sshrl.u32 s17, $0x1F;
	v12 =	vsel vm9, s9, v12;
	s9 =	sshrl.u32 s21, $0x1F  }
0xc4: {  	v13 =	vsel vm8, s25, v13;
	s16 =	smulhi.u32 $0x66666667, s31;
	s6 =	sshra.s32 s31, $0x1F;
	v12 =	vsel vm6, s13, v12;
	s13 =	sshrl.u32 s20, $0x1F;
	v17 =	vsel vm12, s9, v17  }
0xc5: {  	s25 =	smul.u32 $0x66666667, s6;
	v13 =	vperm.xlane v13, v2;
	v12 =	vsel vm13, s0, v12;
	v17 =	vsel vm1, s13, v17;
	s0 =	sadd.s32 s3, s15;
	s15 =	rddreg [dreg:$0x1b]  }
0xc6: {  	(v2sf) =	vpush v7, $0xF;
	s31 =	sshrl.u32 s19, $0x1F;
	v12 =	vsel vm7, s26, v12;
	s26 =	sld [smem:$0x7FD];
	s1 =	sshrl.u32 s15, $0x1F;
	v17 =	vsel vm2, s23, v17  }
0xc7: {  	s13 =	sadd.s32 s25, s16;
	s16 =	sshra.s32 s14, $0x1F;
	s25 =	sshrl.u32 s24, $0x1F;
	v11 =	vsel vm0, v13, v11;
	v12 =	vsel vm10, s4, v12;
	v18 =	vmov s1  }
0xc8: {  	s4 =	smulhi.u32 $0x66666667, s14;
	s23 =	sshra.s32 s13, $0x1F;
	v12 =	vsel vm8, s12, v12;
	s12 =	rddreg [dreg:$0x1a];
	v37 =	vsel vm12, s31, v18;
	v18 =	vnsel vm4, $0x0, v38  }
0xc9: {  	s6 =	smul.u32 $0x66666667, s16;
	v19 =	vmov s23;
	v16 =	vsel vm2, s26, v16;
	s9 =	sshrl.u32 s12, $0x1F;
	s26 =	sshra.s32 s8, $0x5;
	v39 =	vsel vm12, s25, v18  }
0xca: {  	s1 =	sshrl.u32 s5, $0x1F;
	s14 =	sshra.s32 s24, $0x5;
	s8 =	sshra.s32 s8, $0x1F;
	v12 =	vperm.xlane v12, v2;
	v14 =	vsel vm1, s9, v37;
	v40 =	vsel vm4, s26, v19  }
0xcb: {  	s31 =	sshrl.u32 s11, $0x1F;
	s4 =	sadd.s32 s6, s4;
	v15 =	vcombine.low v16, v15;
	v16 =	vsel vm1, s1, v39;
	s9 =	sshrl.u32 s0, $0x1F;
	v18 =	vsel vm11, s8, v40  }
0xcc: {  	s16 =	smulhi.u32 $0x66666667, s18;
	s23 =	sshra.s32 s18, $0x1F;
	s25 =	sshrl.u32 s4, $0x1F;
	v16 =	vsel vm2, s9, v16;
	v14 =	vsel vm2, s31, v14;
	vm11 =	vne.s32 v10, v9  }
0xcd: {  	s24 =	sshra.s32 s24, $0x1F;
	s9 =	smul.u32 $0x66666667, s23;
	v15 =	vperm.xlane v15, v1;
	v18 =	vsel vm12, s14, v18;
	v16 =	vsel vm5, s25, v16  }
0xce: {  	s26 =	sshra.s32 s5, $0x5;
	s31 =	smulhi.u32 $0x66666667, s7;
	s23 =	sshra.s32 s22, $0x5;
	v10 =	vsel vm11, $0x1, v0;
	v45 =	vcombine.low v14, v17;
	v18 =	vsel vm14, s24, v18  }
0xcf: {  	s14 =	sshra.s32 s7, $0x1F;
	v47 =	vmov s23;
	s6 =	sadd.s32 s9, s16;
	v9 =	vor.u32 v10, v42;
	s24 =	sshra.s32 s15, $0x5;
	v18 =	vsel vm1, s26, v18  }
0xd0: {  	[tilespmem:$0x1FFD0] =	vst v4;
	s5 =	sshra.s32 s5, $0x1F;
	s3 =	smul.u32 $0x66666667, s14;
	v12 =	vsel vm0, v12, v15;
	s18 =	sshrl.u32 s6, $0x1F;
	v48 =	vmov s24;
	vm11 =	vne.s32 v9, $0x1  }
0xd1: {  	v51 =	vld [tilespmem:$0x1FFD0];
	s16 =	sshra.s32 s0, $0x5;
	s0 =	sshra.s32 s0, $0x1F;
	s26 =	sshra.s32 s21, $0x5;
	v43 =	vsel vm15, s5, v18;
	v11 =	vadd.s32 v11, v12;
	v46 =	vsel vm6, s18, v16  }
0xd2: {  	s1 =	sadd.s32 s3, s31;
	s31 =	sshra.s32 s19, $0x5;
	v14 =	vsel vm12, s26, v47;
	s5 =	sshra.s32 s20, $0x5;
	v12 =	vperm.xlane v45, v1;
	v44 =	vsel vm2, s16, v43  }
0xd3: {  	s12 =	sshra.s32 s12, $0x5;
	s25 =	sshra.s32 s4, $0x5;
	v15 =	vsel vm12, s31, v48;
	v14 =	vsel vm1, s5, v14;
	v10 =	vsel vm3, s0, v44  }
0xd4: {  	s4 =	sshra.s32 s4, $0x1F;
	s15 =	sshra.s32 s17, $0x5;
	s18 =	sshrl.u32 s1, $0x1F;
	v49 =	vmul.u32 $0xFFFFFFB0, v11;
	v15 =	vsel vm1, s12, v15;
	v10 =	vsel vm5, s25, v10  }
0xd5: {  	s14 =	sshra.s32 s6, $0x5;
	s16 =	sshra.s32 s11, $0x5;
	v14 =	vsel vm2, s15, v14;
	v13 =	vsel vm7, s18, v46;
	v10 =	vsel vm9, s4, v10  }
0xd6: {  	s17 =	sshra.s32 s6, $0x1F;
	s21 =	sshrl.u32 s13, $0x1F;
	vm3 =	vnez.u8 v51;
	v15 =	vsel vm2, s16, v15;
	v10 =	vsel vm6, s14, v10  }
0xd7: {  	[tilespmem:$0x1FFE0] =	vst v5;
	s20 =	sshra.s32 s1, $0x5;
	v13 =	vsel vm8, s21, v13;
	v4 =	vadd.s32 v34, v49;
	v10 =	vsel vm13, s17, v10  }
0xd8: {  	v63 =	vld [tilespmem:$0x1FFE0];
	s22 =	sshra.s32 s1, $0x1F;
	v14 =	vcombine.low v15, v14;
	v13 =	vperm.xlane v13, v2;
	v10 =	vsel vm7, s20, v10  }
0xd9: {  	s23 =	sshra.s32 s13, $0x5;
	vm9 =	vmmov vm2;
	vm2 =	vmmov vm1;
	v10 =	vsel vm10, s22, v10  }
0xda: {  	vm1 =	vmmov vm12;
	vm12 =	vlt.s32 v34, $0x1540;
	v10 =	vsel vm8, s23, v10  }
0xdb: {  	v56 =	vadd.s32 $0x50, v4;
	v50 =	vperm.xlane v14, v1;
	v10 =	vperm.xlane v10, v2  }
0xdc: {  	v12 =	vsel vm0, v13, v12;
	vm10 =	vmand vm3, vm12;
	vm12 =	vne.s32 v4, $0x0  }
0xdd: {  	vm3 =	vmmov vm4;
	vm4 =	vnez.u8 v63;
	v9 =	vsel vm0, v10, v50  }
0xde: {  	vm11 =	vmand vm12, vm11;
	vm12 =	vlt.s32 v4, $0x0;
	v9 =	vadd.s32 v12, v9  }
0xdf: {  	v52 =	vsel vm11, $0xFFFFFFFF, v0;
	vm11 =	vne.s32 v8, v35;
	v53 =	vmul.u32 $0xFFFFFFB0, v9  }
0xe0: {  	v4 =	vsel vm12, v56, v4;
	v55 =	vsel vm11, $0x1, v0;
	v7 =	vadd.s32 v52, v11  }
0xe1: {  	v8 =	vor.u32 v55, v54;
	v7 =	vmul.u32 $0x50, v7;
	v5 =	vadd.s32 v36, v53  }
0xe2: {  	v57 =	vand.u32 $0xFFFFFFF8, v4;
	vm11 =	vne.s32 v8, $0x1;
	vm12 =	vne.s32 v5, $0x0  }
0xe3: {  	v4 =	vand.u32 $0x7, v4;
	v7 =	vadd.s32 v57, v7;
	vm11 =	vmand vm12, vm11  }
0xe4: {  	v4 =	vor.u32 v4, v7;
	v59 =	vadd.s32 $0x50, v5;
	v58 =	vsel vm11, $0xFFFFFFFF, v0  }
0xe5: {  	vm12 =	vmmov vm1;
	vm11 =	vlt.s32 v5, $0x0;
	v9 =	vadd.s32 v58, v9  }
0xe6: {  	s24 =	rddreg [dreg:$0x17];
	vm1 =	vmmov vm2;
	v5 =	vsel vm11, v59, v5;
	v60 =	vmul.u32 $0x50, v9  }
0xe7: {  	v61 =	vld [tilespmem:s24+$0x50F0];
	vm2 =	vmmov vm9;
	vm11 =	vlt.s32 v36, $0x1540;
	v62 =	vand.u32 $0xFFFFFFF8, v5  }
0xe8: {  	vm9 =	vmand vm11, vm4;
	v5 =	vand.u32 $0x7, v5;
	v6 =	vadd.s32 v62, v60  }
0xe9: {  	s31 =	rddreg [dreg:$0x15];
	v5 =	vor.u32 v5, v6  }
0xea: {  	s10 =	rddreg [dreg:$0x14];
	p1 =	sne.s32 s31, $0x270  }
.Ltmp2:
0xeb: {  	s6 =	simm.s32 $0x9F10;
	s19 =	rddreg [dreg:$0x16];
	(pc) =	sbr.rel @p1 .LBB2_2-.Ltmp2, $4  }
0xec: {  	s8 =	simm.s32 $0xB450;
	s25 =	rddreg [dreg:$0x18];
	[tilespmem:v4+s6+$0x0] =	vst.idx.msk vm10, v61  }
0xed: {  	s7 =	simm.s32 $0xC990;
	s26 =	spop (v2sf);
	s4 =	sadd.s32 s19, s25;
	[tilespmem:v4+s8+$0x0] =	vst.idx.msk vm10, v3  }
0xee: {  	s9 =	simm.s32 $0xDED0;
	s10 =	sadd.s32 s26, s10;
	[smem:$0x0] =	sst s4;
	v3 =	vadd.s32 $0xFFFFEC78, v3;
	[tilespmem:v5+s7+$0x0] =	vst.idx.msk vm9, v61  }
0xef: {  	s0 =	sadd.s32 $0x1, s31;
	[smem:$0x1] =	sst s10;
	vm11 =	vcmask $0x704;
	[tilespmem:v5+s9+$0x0] =	vst.idx.msk vm9, v3  }
0xf0: {  	s13 =	simm.s32 $0x0;
	s0 =	rddreg [dreg:$0xa];
	s5 =	simm.s32 $0x2  }
0xf1: {  	[hbm4b:s0+s13] =	stream.linear.scatter [tilespmem:s6], [sflag:$0x2], $0x1540, $0x38;
	[tilespmem:$0xF690] =	vst v63  }
0xf2: {  	_ =	swait.ge [sflag:s5], $0x1540  }
0xf3: {  	[sflag:s5] =	ssyncset.done $0x0  }
0xf4: {  	s25 =	rddreg [dreg:$0xb];
	[sflag:s5] =	ssyncadd.s32 $0xFFFFEAC0  }
0xf5: {  	[hbm4b:s25+s13] =	stream.linear.scatter [tilespmem:s8], [sflag:$0x2], $0x1540, $0x38;
	[tilespmem:$0xF690] =	vst v63  }
0xf6: {  	_ =	swait.ge [sflag:s5], $0x1540  }
0xf7: {  	[sflag:s5] =	ssyncset.done $0x0  }
0xf8: {  	s26 =	rddreg [dreg:$0xc];
	[sflag:s5] =	ssyncadd.s32 $0xFFFFEAC0  }
0xf9: {  	[hbm4b:s26+s13] =	stream.linear.scatter [tilespmem:s7], [sflag:$0x2], $0x1540, $0x38;
	[tilespmem:$0xF690] =	vst v63  }
0xfa: {  	_ =	swait.ge [sflag:s5], $0x1540  }
0xfb: {  	[sflag:s5] =	ssyncset.done $0x0  }
.Ltmp3:
0xfc: {  	s31 =	rddreg [dreg:$0xd];
	[sflag:s5] =	ssyncadd.s32 $0xFFFFEAC0;
	(pc) =	sbr.rel @p0 .LBB2_9-.Ltmp3, $4  }
0xfd: {  	[hbm4b:s31+s13] =	stream.linear.scatter [tilespmem:s9], [sflag:$0x2], $0x1540, $0x38;
	[tilespmem:$0xF690] =	vst v63  }
0xfe: {  	_ =	swait.ge [sflag:s5], $0x1540  }
0xff: {  	[sflag:s5] =	ssyncset.done $0x0  }
0x100: {  	s1 =	rddreg [dreg:$0x13];
	[sflag:s5] =	ssyncadd.s32 $0xFFFFEAC0  }
0x101: {  	s0 =	stileid.u32  }
0x102: {  	s1 =	rddreg [dreg:$0xe];
	s0 =	sshll.u32 s0, $0x6  }
0x103: {  	s3 =	rddreg [dreg:$0x4];
	s1 =	sshrl.u32 s1, $0x3;
	s0 =	sor.u32 $0x1C02, s0  }
0x104: {  	[spmem:s1], [sflag:s0] =	dma.local [hbm:s3], $0x50  }
0x105: {  	_ =	swait.ge [sflag:s5], $0x50  }
0x106: {  	[sflag:s5] =	ssyncset.done $0x0  }
0x107: {  	s12 =	simm.s32 $0x0;
	s14 =	rddreg [dreg:$0xf];
	[sflag:s5] =	ssyncadd.s32 $0xFFFFFFB0  }
0x108: {  	[tilespmem:s12], [sflag:$0x2] =	stream.linear.gather [hbm4b:s14+s12], $0x2710, $0x38;
	[tilespmem:$0xF690] =	vst v63  }
0x109: {  	_ =	swait.ge [sflag:s5], $0x2710  }
0x10a: {  	[sflag:s5] =	ssyncset.done $0x0  }
0x10b: {  	s16 =	simm.s32 $0x2710;
	s15 =	rddreg [dreg:$0x10];
	[sflag:s5] =	ssyncadd.s32 $0xFFFFD8F0  }
0x10c: {  	[tilespmem:s16], [sflag:$0x2] =	stream.linear.gather [hbm4b:s15+s12], $0x2710, $0x38;
	[tilespmem:$0xF690] =	vst v63  }
0x10d: {  	_ =	swait.ge [sflag:s5], $0x2710  }
0x10e: {  	[sflag:s5] =	ssyncset.done $0x0  }
0x10f: {  	s17 =	rddreg [dreg:$0x5];
	[sflag:s5] =	ssyncadd.s32 $0xFFFFD8F0  }
0x110: {  	[tilespmem:s28], [sflag:$0x2] =	stream.linear.gather [hbm4b:s17+s12], $0x50, $0x38;
	[tilespmem:$0xF690] =	vst v63  }
0x111: {  	_ =	swait.ge [sflag:s5], $0x50  }
0x112: {  	[sflag:s5] =	ssyncset.done $0x0  }
0x113: {  	[sflag:s5] =	ssyncadd.s32 $0xFFFFFFB0  }
0x114: {  	s18 =	simm.s32 $0x0;
	[bflag:$0x0] =	sbarrier.arrive $0xFFFF  }
0x115: {  	[spmem:s2] =	stream.indirect.scatter.add.f32 [tilespmem:s28], [sflag:$0x1], $0x1, s18, s29, $0xb8;
	[tilespmem:$0xF690] =	vst v63  }
0x116: {  	s19 =	simm.s32 $0x50  }
0x117: {  	[spmem:s2] =	stream.indirect.scatter.add.f32 [tilespmem:s28], [sflag:$0x1], $0x1, s19, s29, $0xb8;
	[tilespmem:$0xF690] =	vst v63  }
0x118: {  	s20 =	simm.s32 $0xA0  }
0x119: {  	[spmem:s2] =	stream.indirect.scatter.add.f32 [tilespmem:s28], [sflag:$0x1], $0x1, s20, s29, $0xb8;
	[tilespmem:$0xF690] =	vst v63  }
0x11a: {  	s21 =	simm.s32 $0xF0  }
0x11b: {  	[spmem:s2] =	stream.indirect.scatter.add.f32 [tilespmem:s28], [sflag:$0x1], $0x1, s21, s29, $0xb8;
	[tilespmem:$0xF690] =	vst v63  }
0x11c: {  	s22 =	simm.s32 $0x140  }
0x11d: {  	[spmem:s2] =	stream.indirect.scatter.add.f32 [tilespmem:s28], [sflag:$0x1], $0x1, s22, s29, $0xb8;
	[tilespmem:$0xF690] =	vst v63  }
0x11e: {  	s23 =	simm.s32 $0x190  }
0x11f: {  	[spmem:s2] =	stream.indirect.scatter.add.f32 [tilespmem:s28], [sflag:$0x1], $0x1, s23, s29, $0xb8;
	[tilespmem:$0xF690] =	vst v63  }
0x120: {  	s24 =	simm.s32 $0x1E0  }
0x121: {  	[spmem:s2] =	stream.indirect.scatter.add.f32 [tilespmem:s28], [sflag:$0x1], $0x1, s24, s29, $0xb8;
	[tilespmem:$0xF690] =	vst v63  }
0x122: {  	s25 =	simm.s32 $0x230  }
0x123: {  	[spmem:s2] =	stream.indirect.scatter.add.f32 [tilespmem:s28], [sflag:$0x1], $0x1, s25, s29, $0xb8;
	[tilespmem:$0xF690] =	vst v63  }
0x124: {  	s26 =	simm.s32 $0x280  }
0x125: {  	[spmem:s2] =	stream.indirect.scatter.add.f32 [tilespmem:s28], [sflag:$0x1], $0x1, s26, s29, $0xb8;
	[tilespmem:$0xF690] =	vst v63  }
0x126: {  	s31 =	simm.s32 $0x2D0  }
0x127: {  	[spmem:s2] =	stream.indirect.scatter.add.f32 [tilespmem:s28], [sflag:$0x1], $0x1, s31, s29, $0xb8;
	[tilespmem:$0xF690] =	vst v63  }
0x128: {  	_ =	swait.ge [sflag:s30], $0x50  }
0x129: {  	[sflag:s30] =	ssyncset.done $0x0  }
0x12a: {  	[sflag:s30] =	ssyncadd.s32 $0xFFFFFFB0  }
0x12b: {  	_ =	swait.ge [sflag:s30], $0x50  }
0x12c: {  	[sflag:s30] =	ssyncset.done $0x0  }
0x12d: {  	[sflag:s30] =	ssyncadd.s32 $0xFFFFFFB0  }
0x12e: {  	_ =	swait.ge [sflag:s30], $0x50  }
0x12f: {  	[sflag:s30] =	ssyncset.done $0x0  }
0x130: {  	[sflag:s30] =	ssyncadd.s32 $0xFFFFFFB0  }
0x131: {  	_ =	swait.ge [sflag:s30], $0x50  }
0x132: {  	[sflag:s30] =	ssyncset.done $0x0  }
0x133: {  	[sflag:s30] =	ssyncadd.s32 $0xFFFFFFB0  }
0x134: {  	_ =	swait.ge [sflag:s30], $0x50  }
0x135: {  	[sflag:s30] =	ssyncset.done $0x0  }
0x136: {  	[sflag:s30] =	ssyncadd.s32 $0xFFFFFFB0  }
0x137: {  	_ =	swait.ge [sflag:s30], $0x50  }
0x138: {  	[sflag:s30] =	ssyncset.done $0x0  }
0x139: {  	[sflag:s30] =	ssyncadd.s32 $0xFFFFFFB0  }
0x13a: {  	_ =	swait.ge [sflag:s30], $0x50  }
0x13b: {  	[sflag:s30] =	ssyncset.done $0x0  }
0x13c: {  	[sflag:s30] =	ssyncadd.s32 $0xFFFFFFB0  }
0x13d: {  	_ =	swait.ge [sflag:s30], $0x50  }
0x13e: {  	[sflag:s30] =	ssyncset.done $0x0  }
0x13f: {  	[sflag:s30] =	ssyncadd.s32 $0xFFFFFFB0  }
0x140: {  	_ =	swait.ge [sflag:s30], $0x50  }
0x141: {  	[sflag:s30] =	ssyncset.done $0x0  }
0x142: {  	[sflag:s30] =	ssyncadd.s32 $0xFFFFFFB0  }
0x143: {  	_ =	swait.ge [sflag:s30], $0x50  }
0x144: {  	s1 =	simm.s32 $0xC80;
	s0 =	simm.s32 $0x1900;
	[sflag:s30] =	ssyncset.done $0x0  }
.LBB2_5:
0x145: {  	s3 =	sshra.s32 s1, $0x2  }
0x146: {  	[sflag:s30] =	ssyncadd.s32 $0xFFFFFFB0;
	s1 =	smov.u32 s0;
	s4 =	sadd.s32 $0xC80, s0  }
0x147: {  	[spmem:s2] =	stream.indirect.scatter.add.f32 [tilespmem:s28], [sflag:$0x1], $0x1, s3, s29, $0xb8;
	[tilespmem:$0xF690] =	vst v63  }
0x148: {  	p1 =	sne.s32 s0, $0x12C00;
	s0 =	sadd.s32 $0x50, s3  }
0x149: {  	[spmem:s2] =	stream.indirect.scatter.add.f32 [tilespmem:s28], [sflag:$0x1], $0x1, s0, s29, $0xb8;
	[tilespmem:$0xF690] =	vst v63  }
0x14a: {  	s0 =	sadd.s32 $0xA0, s3  }
0x14b: {  	[spmem:s2] =	stream.indirect.scatter.add.f32 [tilespmem:s28], [sflag:$0x1], $0x1, s0, s29, $0xb8;
	[tilespmem:$0xF690] =	vst v63  }
0x14c: {  	s0 =	sadd.s32 $0xF0, s3  }
0x14d: {  	[spmem:s2] =	stream.indirect.scatter.add.f32 [tilespmem:s28], [sflag:$0x1], $0x1, s0, s29, $0xb8;
	[tilespmem:$0xF690] =	vst v63  }
0x14e: {  	s0 =	sadd.s32 $0x140, s3  }
0x14f: {  	[spmem:s2] =	stream.indirect.scatter.add.f32 [tilespmem:s28], [sflag:$0x1], $0x1, s0, s29, $0xb8;
	[tilespmem:$0xF690] =	vst v63  }
0x150: {  	s0 =	sadd.s32 $0x190, s3  }
0x151: {  	[spmem:s2] =	stream.indirect.scatter.add.f32 [tilespmem:s28], [sflag:$0x1], $0x1, s0, s29, $0xb8;
	[tilespmem:$0xF690] =	vst v63  }
0x152: {  	s0 =	sadd.s32 $0x1E0, s3  }
0x153: {  	[spmem:s2] =	stream.indirect.scatter.add.f32 [tilespmem:s28], [sflag:$0x1], $0x1, s0, s29, $0xb8;
	[tilespmem:$0xF690] =	vst v63  }
0x154: {  	s0 =	sadd.s32 $0x230, s3  }
0x155: {  	[spmem:s2] =	stream.indirect.scatter.add.f32 [tilespmem:s28], [sflag:$0x1], $0x1, s0, s29, $0xb8;
	[tilespmem:$0xF690] =	vst v63  }
0x156: {  	s0 =	sadd.s32 $0x280, s3  }
0x157: {  	[spmem:s2] =	stream.indirect.scatter.add.f32 [tilespmem:s28], [sflag:$0x1], $0x1, s0, s29, $0xb8;
	[tilespmem:$0xF690] =	vst v63  }
0x158: {  	s0 =	sadd.s32 $0x2D0, s3  }
0x159: {  	[spmem:s2] =	stream.indirect.scatter.add.f32 [tilespmem:s28], [sflag:$0x1], $0x1, s0, s29, $0xb8;
	[tilespmem:$0xF690] =	vst v63  }
0x15a: {  	_ =	swait.ge [sflag:s30], $0x50  }
0x15b: {  	[sflag:s30] =	ssyncset.done $0x0  }
0x15c: {  	[sflag:s30] =	ssyncadd.s32 $0xFFFFFFB0  }
0x15d: {  	_ =	swait.ge [sflag:s30], $0x50  }
0x15e: {  	[sflag:s30] =	ssyncset.done $0x0  }
0x15f: {  	[sflag:s30] =	ssyncadd.s32 $0xFFFFFFB0  }
0x160: {  	_ =	swait.ge [sflag:s30], $0x50  }
0x161: {  	[sflag:s30] =	ssyncset.done $0x0  }
0x162: {  	[sflag:s30] =	ssyncadd.s32 $0xFFFFFFB0  }
0x163: {  	_ =	swait.ge [sflag:s30], $0x50  }
0x164: {  	[sflag:s30] =	ssyncset.done $0x0  }
0x165: {  	[sflag:s30] =	ssyncadd.s32 $0xFFFFFFB0  }
0x166: {  	_ =	swait.ge [sflag:s30], $0x50  }
0x167: {  	[sflag:s30] =	ssyncset.done $0x0  }
0x168: {  	[sflag:s30] =	ssyncadd.s32 $0xFFFFFFB0  }
0x169: {  	_ =	swait.ge [sflag:s30], $0x50  }
0x16a: {  	[sflag:s30] =	ssyncset.done $0x0  }
0x16b: {  	[sflag:s30] =	ssyncadd.s32 $0xFFFFFFB0  }
0x16c: {  	_ =	swait.ge [sflag:s30], $0x50  }
0x16d: {  	[sflag:s30] =	ssyncset.done $0x0  }
0x16e: {  	[sflag:s30] =	ssyncadd.s32 $0xFFFFFFB0  }
0x16f: {  	_ =	swait.ge [sflag:s30], $0x50  }
0x170: {  	[sflag:s30] =	ssyncset.done $0x0  }
0x171: {  	[sflag:s30] =	ssyncadd.s32 $0xFFFFFFB0  }
.Ltmp4:
0x172: {  	_ =	swait.ge [sflag:s30], $0x50;
	(pc) =	sbr.rel @p1 .LBB2_5-.Ltmp4, $4  }
0x173: {  	[sflag:s30] =	ssyncset.done $0x0  }
0x174: {  	[sflag:s30] =	ssyncadd.s32 $0xFFFFFFB0  }
0x175: {  	_ =	swait.ge [sflag:s30], $0x50  }
0x176: {  	s0 =	smov.u32 s4;
	[sflag:s30] =	ssyncset.done $0x0  }
0x177: {  	s0 =	sshra.s32 s1, $0x2;
	[sflag:s30] =	ssyncadd.s32 $0xFFFFFFB0  }
0x178: {  	[spmem:s2] =	stream.indirect.scatter.add.f32 [tilespmem:s28], [sflag:$0x1], $0x1, s0, s29, $0xb8;
	[tilespmem:$0xF690] =	vst v63  }
0x179: {  	s1 =	sadd.s32 $0x50, s0  }
0x17a: {  	[spmem:s2] =	stream.indirect.scatter.add.f32 [tilespmem:s28], [sflag:$0x1], $0x1, s1, s29, $0xb8;
	[tilespmem:$0xF690] =	vst v63  }
0x17b: {  	s19 =	sadd.s32 $0xA0, s0  }
0x17c: {  	[spmem:s2] =	stream.indirect.scatter.add.f32 [tilespmem:s28], [sflag:$0x1], $0x1, s19, s29, $0xb8;
	[tilespmem:$0xF690] =	vst v63  }
0x17d: {  	s20 =	sadd.s32 $0xF0, s0  }
0x17e: {  	[spmem:s2] =	stream.indirect.scatter.add.f32 [tilespmem:s28], [sflag:$0x1], $0x1, s20, s29, $0xb8;
	[tilespmem:$0xF690] =	vst v63  }
0x17f: {  	s21 =	sadd.s32 $0x140, s0  }
0x180: {  	[spmem:s2] =	stream.indirect.scatter.add.f32 [tilespmem:s28], [sflag:$0x1], $0x1, s21, s29, $0xb8;
	[tilespmem:$0xF690] =	vst v63  }
0x181: {  	s22 =	sadd.s32 $0x190, s0  }
0x182: {  	[spmem:s2] =	stream.indirect.scatter.add.f32 [tilespmem:s28], [sflag:$0x1], $0x1, s22, s29, $0xb8;
	[tilespmem:$0xF690] =	vst v63  }
0x183: {  	s23 =	sadd.s32 $0x1E0, s0  }
0x184: {  	[spmem:s2] =	stream.indirect.scatter.add.f32 [tilespmem:s28], [sflag:$0x1], $0x1, s23, s29, $0xb8;
	[tilespmem:$0xF690] =	vst v63  }
0x185: {  	s24 =	sadd.s32 $0x230, s0  }
0x186: {  	[spmem:s2] =	stream.indirect.scatter.add.f32 [tilespmem:s28], [sflag:$0x1], $0x1, s24, s29, $0xb8;
	[tilespmem:$0xF690] =	vst v63  }
0x187: {  	s25 =	sadd.s32 $0x280, s0  }
0x188: {  	[spmem:s2] =	stream.indirect.scatter.add.f32 [tilespmem:s28], [sflag:$0x1], $0x1, s25, s29, $0xb8;
	[tilespmem:$0xF690] =	vst v63  }
0x189: {  	s0 =	sadd.s32 $0x2D0, s0  }
0x18a: {  	[spmem:s2] =	stream.indirect.scatter.add.f32 [tilespmem:s28], [sflag:$0x1], $0x1, s0, s29, $0xb8;
	[tilespmem:$0xF690] =	vst v63  }
0x18b: {  	_ =	swait.ge [sflag:s30], $0x50  }
0x18c: {  	[sflag:s30] =	ssyncset.done $0x0  }
0x18d: {  	[sflag:s30] =	ssyncadd.s32 $0xFFFFFFB0  }
0x18e: {  	_ =	swait.ge [sflag:s30], $0x50  }
0x18f: {  	[sflag:s30] =	ssyncset.done $0x0  }
0x190: {  	[sflag:s30] =	ssyncadd.s32 $0xFFFFFFB0  }
0x191: {  	_ =	swait.ge [sflag:s30], $0x50  }
0x192: {  	[sflag:s30] =	ssyncset.done $0x0  }
0x193: {  	[sflag:s30] =	ssyncadd.s32 $0xFFFFFFB0  }
0x194: {  	_ =	swait.ge [sflag:s30], $0x50  }
0x195: {  	[sflag:s30] =	ssyncset.done $0x0  }
0x196: {  	[sflag:s30] =	ssyncadd.s32 $0xFFFFFFB0  }
0x197: {  	_ =	swait.ge [sflag:s30], $0x50  }
0x198: {  	[sflag:s30] =	ssyncset.done $0x0  }
0x199: {  	[sflag:s30] =	ssyncadd.s32 $0xFFFFFFB0  }
0x19a: {  	_ =	swait.ge [sflag:s30], $0x50  }
0x19b: {  	[sflag:s30] =	ssyncset.done $0x0  }
0x19c: {  	[sflag:s30] =	ssyncadd.s32 $0xFFFFFFB0  }
0x19d: {  	_ =	swait.ge [sflag:s30], $0x50  }
0x19e: {  	[sflag:s30] =	ssyncset.done $0x0  }
0x19f: {  	[sflag:s30] =	ssyncadd.s32 $0xFFFFFFB0  }
0x1a0: {  	_ =	swait.ge [sflag:s30], $0x50  }
0x1a1: {  	[sflag:s30] =	ssyncset.done $0x0  }
0x1a2: {  	[sflag:s30] =	ssyncadd.s32 $0xFFFFFFB0  }
0x1a3: {  	_ =	swait.ge [sflag:s30], $0x50  }
0x1a4: {  	[sflag:s30] =	ssyncset.done $0x0  }
0x1a5: {  	[sflag:s30] =	ssyncadd.s32 $0xFFFFFFB0  }
0x1a6: {  	_ =	swait.ge [sflag:s30], $0x50  }
0x1a7: {  	[sflag:s30] =	ssyncset.done $0x0  }
0x1a8: {  	[sflag:s30] =	ssyncadd.s32 $0xFFFFFFB0  }
0x1a9: {  	[bflag:$0x0] =	sbarrier.arrive $0xFFFF  }
0x1aa: {  	s31 =	simm.s32 $0x4E70;
	s26 =	rddreg [dreg:$0xe]  }
0x1ab: {  	[tilespmem:s31], [sflag:$0x2] =	stream.linear.gather [spmem:s26], $0x280, $0x38;
	[tilespmem:$0xF690] =	vst v63  }
0x1ac: {  	_ =	swait.ge [sflag:s5], $0x280  }
0x1ad: {  	[sflag:s5] =	ssyncset.done $0x0  }
0x1ae: {  	s1 =	simm.s32 $0x40;
	s0 =	simm.s32 $0x0;
	[sflag:s5] =	ssyncadd.s32 $0xFFFFFD80  }
.LBB2_7:
0x1af: {  	p1 =	sne.s32 s1, $0x9C0;
	v3 =	vld [tilespmem:s0+$0x4E70];
	_ =	sdelay $0x4  }
0x1b0: {  	v4 =	vshrl.u32 v3, $0x1;
	v5 =	vmul.f32 $5.000000000e-01, v3  }
0x1b1: {  	v4 =	vsub.s32 $0x5F3759DF, v4  }
0x1b2: {  	v6 =	vmul.f32 v4, v5;
	_ =	sdelay $0x1  }
0x1b3: {  	v6 =	vmul.f32 v4, v6;
	_ =	sdelay $0x1  }
0x1b4: {  	v6 =	vsub.f32 $1.500000000e+00, v6;
	_ =	sdelay $0x1  }
0x1b5: {  	v4 =	vmul.f32 v4, v6;
	_ =	sdelay $0x1  }
0x1b6: {  	v6 =	vmul.f32 v4, v5;
	_ =	sdelay $0x1  }
0x1b7: {  	v6 =	vmul.f32 v6, v4;
	_ =	sdelay $0x1  }
0x1b8: {  	v6 =	vsub.f32 $1.500000000e+00, v6;
	_ =	sdelay $0x1  }
0x1b9: {  	v4 =	vmul.f32 v6, v4;
	_ =	sdelay $0x1  }
0x1ba: {  	v5 =	vmul.f32 v4, v5;
	_ =	sdelay $0x1  }
0x1bb: {  	v5 =	vmul.f32 v5, v4;
	_ =	sdelay $0x1  }
0x1bc: {  	v5 =	vsub.f32 $1.500000000e+00, v5  }
.Ltmp5:
0x1bd: {  	(pc) =	sbr.rel @p1 .LBB2_7-.Ltmp5, $4  }
0x1be: {  	v4 =	vmul.f32 v5, v4  }
0x1bf: {  	vm9 =	vgt.f32 v3, $5.000000000e-01  }
0x1c0: {  	v3 =	vnsel vm9, $0x0, v4  }
0x1c1: {  	[tilespmem:s0+$0x4E70] =	vst v3;
	s0 =	sshra.s32 s1, $0x2;
	s1 =	sadd.s32 $0x40, s1  }
.Ltmp6:
0x1c2: {  	_ = 	snop;
	(pc) =	sbr.rel .LBB2_8-.Ltmp6, $1  }
0x1c3: {  	_ =	sdelay $0x3  }
.LBB2_10:
0x1c4: {  	_ =	sfence.sel $0x180000  }
0x1c5: {  	[bflag:$0x0] =	sbarrier.arrive $0xFFFF  }
0x1c6: {  	_ =	strace $0x90000047  }
0x1c7: {  	s0 =	stileid.u32;
	[bflag:$0x2] =	sbarrier.arrive $0xFFFF  }
0x1c8: {  	p0 =	sne.s32 s0, $0x0;
	s0 =	rddreg [dreg:$0x3]  }
0x1c9: {  	s0 =	sadd.s32 @!p0 $0x100000, s0  }
0x1ca: {  	[sflag:s0] =	ssyncadd.tile.s32 @!p0 $0x1;
	_ =	shalt  }
.Lfunc_end2:
_tile_overlayer_lowered:
.L_overlay_start_2:
0x1cb: {  	(tag) =	ssettag $0x2  }
0x1cc: {  	s0 =	rddreg [dreg:$0x0];
	s2 =	stileid.u32  }
0x1cd: {  	s1 =	rddreg [dreg:$0x1];
	p0 =	sne.s32 s2, $0x0  }
0x1ce: {  	s3 =	rddreg [dreg:$0x2];
	[bflag:$0x3] =	sbarrier.arrive $0xFFFF;
	s2 =	simm.s32 @!p0 $0x1C02  }
0x1cf: {  	[timem:s3], [sflag:s2] =	dma.local @!p0 [hbm:s0], s1  }
0x1d0: {  	s0 =	simm.s32 @!p0 $0x2  }
0x1d1: {  	_ =	swait.ge @!p0 [sflag:s0], s1  }
0x1d2: {  	s1 =	ssub.s32 @!p0 $0x0, s1;
	[sflag:s0] =	ssyncset.done @!p0 $0x0  }
0x1d3: {  	[sflag:s0] =	ssyncadd.s32 @!p0 s1  }
0x1d4: {  	[bflag:$0x3] =	sbarrier.arrive $0xFFFF  }
0x1d5: {  	_ =	shalt  }

// kernel: kernel.13.cloned.1.call-start
scs
__scs_entry_jumppad:
0x0: {  	(pc) =	sbr.rel $0x88, $3  }
0x1: {  	(tag) =	ssettag $0x0;
	lr =	simm.s32 $0x1  }
0x2: {  	[smem:$0x3F9C] =	sst lr;
	_ =	strace $0xD0000000  }
0x3: {  	_ = 	snop  }
0x4: {  	_ = 	snop  }
0x5: {  	_ = 	snop  }
0x6: {  	_ = 	snop  }
0x7: {  	_ = 	snop  }
__scs_overlays_trampoline_lowered:
0x8: {  	[smem:$0x3FAB] =	sst s0  }
0x9: {  	[smem:$0x3FAC] =	sst s1  }
0xa: {  	[smem:$0x3FAD] =	sst s2  }
0xb: {  	[smem:$0x3FAE] =	sst s3  }
0xc: {  	[smem:$0x3FAF] =	sst s4  }
0xd: {  	[smem:$0x3FB0] =	sst s5  }
0xe: {  	[smem:$0x3FB1] =	sst s6  }
0xf: {  	[smem:$0x3FB2] =	sst s7  }
0x10: {  	[smem:$0x3FB3] =	sst s8  }
0x11: {  	[smem:$0x3FB4] =	sst s9;
	s0 =	simm.s32 @!p0 $0x0  }
0x12: {  	s1 =	sld [smem:$0x3F9A];
	s0 =	simm.s32 @p0 $0x1  }
0x13: {  	[smem:$0x3FB5] =	sst s0;
	s0 =	simm.s32 @!p1 $0x0  }
0x14: {  	s2 =	sld [smem:$0x3F99];
	s0 =	simm.s32 @p1 $0x1  }
0x15: {  	[smem:$0x3FB6] =	sst s0;
	s0 =	simm.s32 @!p2 $0x0  }
0x16: {  	s3 =	sld [smem:$0x3FDB];
	s0 =	simm.s32 @p2 $0x1  }
0x17: {  	s4 =	simm.s32 $0x1BF5;
	[smem:$0x3FB8] =	sst s0  }
0x18: {  	s0 =	sld [smem:$0x3F9B];
	_ =	swait.ge [sflag:s4], $0x0  }
0x19: {  	s7 =	sld [smem:$0x3F9C]  }
0x1a: {  	s8 =	sadd.s32 $0xFFFFE003, lr  }
0x1b: {  	s9 =	sadd.s32 $0xFFFFFEF7, lr;
	s5 =	simm.s32 $0xFFFFFFFF;
	p2 =	slt.u32 s8, $0xFFFFF086  }
0x1c: {  	p1 =	slt.u32 s9, $0xF7A;
	s5 =	simm.s32 @!p2 $0x0  }
0x1d: {  	s5 =	simm.s32 @p1 $0x1;
	p0 =	seq.s32 s7, s2  }
0x1e: {  	s7 =	smul.u32 @!p0 $0xF7A, s2;
	p2 =	seq.s32 @!p0 s5, $0x0  }
0x1f: {  	s9 =	smul.u32 $0xF7A, s1;
	s8 =	simm.s32 @!p0 $0x1BF5;
	p2 =	por !p2, p0  }
0x20: {  	[sflag:s8] =	ssyncset.s32 @!p0 $0xFFFFF086;
	s6 =	sadd.s32 @!p0 s3, s7;
	s7 =	simm.s32 @!p0 $0x108  }
0x21: {  	s3 =	sadd.s32 s3, s9;
	s6 =	sadd.s32 @!p0 $0x88, s6;
	s7 =	simm.s32 @p2 $0x1082  }
0x22: {  	[simem:s7], [sflag:s8] =	dma.local @!p0 [hbm:s6], $0xF7A  }
0x23: {  	s9 =	sor.u32 $0xD0000000, s2;
	s6 =	simm.s32 $0x108;
	_ =	swait.ge @!p0 [sflag:s8], $0x0  }
0x24: {  	s3 =	sadd.s32 $0x88, s3;
	s6 =	simm.s32 @!p1 $0x1082;
	[sflag:s4] =	ssyncset.s32 $0xFFFFF086  }
0x25: {  	[simem:s6], [sflag:s4] =	dma.local [hbm:s3], $0xF7A  }
0x26: {  	[smem:$0x3F9C] =	sst s1;
	(tag) =	ssettag s2;
	_ =	strace s9  }
0x27: {  	s1 =	sld [smem:$0x3FAC]  }
0x28: {  	s2 =	sld [smem:$0x3FAD]  }
0x29: {  	s4 =	sld [smem:$0x3FAF]  }
0x2a: {  	p0 =	seq.s32 s5, $0x0;
	s5 =	sld [smem:$0x3FB0]  }
0x2b: {  	s6 =	sld [smem:$0x3FB1]  }
0x2c: {  	s7 =	sld [smem:$0x3FB2]  }
0x2d: {  	s3 =	simm.s32 $0x108;
	s8 =	sld [smem:$0x3FB3]  }
0x2e: {  	s3 =	simm.s32 @!p0 $0x1082;
	s9 =	sld [smem:$0x3FB4]  }
0x2f: {  	lr =	sadd.s32 s0, s3;
	s0 =	sld [smem:$0x3FAB]  }
0x30: {  	s3 =	sld [smem:$0x3FAE]  }
0x31: {  	[smem:$0x3FB7] =	sst s10  }
0x32: {  	s10 =	sld [smem:$0x3FB5];
	_ =	sdelay $0x3  }
0x33: {  	p0 =	seq.s32 s10, $0x1;
	s10 =	sld [smem:$0x3FB7];
	_ =	sdelay $0x3  }
0x34: {  	[smem:$0x3FB7] =	sst s10  }
0x35: {  	s10 =	sld [smem:$0x3FB6];
	_ =	sdelay $0x3  }
0x36: {  	p1 =	seq.s32 s10, $0x1;
	s10 =	sld [smem:$0x3FB7];
	_ =	sdelay $0x3  }
0x37: {  	[smem:$0x3FB7] =	sst s10  }
0x38: {  	s10 =	sld [smem:$0x3FB8]  }
0x39: {  	_ = 	snop;
	(pc) =	sbr.ind lr, $3  }
0x3a: {  	_ = 	snop  }
0x3b: {  	_ = 	snop  }
0x3c: {  	p2 =	seq.s32 s10, $0x1;
	s10 =	sld [smem:$0x3FB7]  }
0x3d: {  	_ =	shalt  }
0x3e: {  	_ =	shalt  }
0x3f: {  	_ =	shalt  }
0x40: {  	_ =	shalt  }
0x41: {  	_ =	shalt  }
0x42: {  	_ =	shalt  }
0x43: {  	_ =	shalt  }
0x44: {  	_ =	shalt  }
0x45: {  	_ =	shalt  }
0x46: {  	_ =	shalt  }
0x47: {  	_ =	shalt  }
0x48: {  	_ =	shalt  }
0x49: {  	_ =	shalt  }
0x4a: {  	_ =	shalt  }
0x4b: {  	_ =	shalt  }
0x4c: {  	_ =	shalt  }
0x4d: {  	_ =	shalt  }
0x4e: {  	_ =	shalt  }
0x4f: {  	_ =	shalt  }
0x50: {  	_ =	shalt  }
0x51: {  	_ =	shalt  }
0x52: {  	_ =	shalt  }
0x53: {  	_ =	shalt  }
0x54: {  	_ =	shalt  }
0x55: {  	_ =	shalt  }
0x56: {  	_ =	shalt  }
0x57: {  	_ =	shalt  }
0x58: {  	_ =	shalt  }
0x59: {  	_ =	shalt  }
0x5a: {  	_ =	shalt  }
0x5b: {  	_ =	shalt  }
0x5c: {  	_ =	shalt  }
0x5d: {  	_ =	shalt  }
0x5e: {  	_ =	shalt  }
0x5f: {  	_ =	shalt  }
0x60: {  	_ =	shalt  }
0x61: {  	_ =	shalt  }
0x62: {  	_ =	shalt  }
0x63: {  	_ =	shalt  }
0x64: {  	_ =	shalt  }
0x65: {  	_ =	shalt  }
0x66: {  	_ =	shalt  }
0x67: {  	_ =	shalt  }
0x68: {  	_ =	shalt  }
0x69: {  	_ =	shalt  }
0x6a: {  	_ =	shalt  }
0x6b: {  	_ =	shalt  }
0x6c: {  	_ =	shalt  }
0x6d: {  	_ =	shalt  }
0x6e: {  	_ =	shalt  }
0x6f: {  	_ =	shalt  }
0x70: {  	_ =	shalt  }
0x71: {  	_ =	shalt  }
0x72: {  	_ =	shalt  }
0x73: {  	_ =	shalt  }
0x74: {  	_ =	shalt  }
0x75: {  	_ =	shalt  }
0x76: {  	_ =	shalt  }
0x77: {  	_ =	shalt  }
0x78: {  	_ =	shalt  }
0x79: {  	_ =	shalt  }
0x7a: {  	_ =	shalt  }
0x7b: {  	_ =	shalt  }
0x7c: {  	_ =	shalt  }
0x7d: {  	_ =	shalt  }
0x7e: {  	_ =	shalt  }
0x7f: {  	_ =	shalt  }
0x80: {  	_ =	shalt  }
0x81: {  	_ =	shalt  }
0x82: {  	_ =	shalt  }
0x83: {  	_ =	shalt  }
0x84: {  	_ =	shalt  }
0x85: {  	_ =	shalt  }
0x86: {  	_ =	shalt  }
0x87: {  	_ =	shalt  }
.Lfunc_end0:
.L_simem_size_0:
called_computation.1_lowered:
.L_overlay_start_0:
0x88: {  	s2 =	sld [smem:$0x3FD9]  }
0x89: {  	s3 =	sld [smem:$0x3FFE];
	_ =	sdelay $0x1  }
0x8a: {  	s1 =	srdreg.scid  }
0x8b: {  	s0 =	sand.u32 $0x1, s1  }
0x8c: {  	s17 =	sshll.u32 s0, $0xA;
	s2 =	sadd.s32 s3, s2  }
0x8d: {  	s2 =	sadd.s32 s2, s17  }
0x8e: {  	[smem:$0x3FC3] =	sst s2  }
0x8f: {  	_ = 	snop  }
0x90: {  	s2 =	sld [smem:$0x3FD0];
	(tm) =	ssettm $0x1  }
0x91: {  	s18 =	sld [smem:$0x3FFB];
	_ =	sdelay $0x3  }
0x92: {  	_ =	strace s18  }
0x93: {  	s3 =	sld [smem:$0x3FFC];
	_ =	sdelay $0x3  }
0x94: {  	_ =	strace s3  }
0x95: {  	s3 =	sld [smem:$0x3FFD];
	_ =	sdelay $0x3  }
0x96: {  	_ =	strace s3  }
0x97: {  	_ =	strace $0x8FFFFFFF  }
0x98: {  	s19 =	sld [smem:$0x3FDB];
	_ =	sdelay $0x1  }
0x99: {  	s4 =	simm.s32 $_scs_section_size  }
0x9a: {  	s5 =	simm.s32 $_size__tile_overlayer_lowered;
	s6 =	simm.s32 $_tile_overlayer_lowered  }
0x9b: {  	s22 =	simm.s32 $0x1BFF;
	s21 =	sshll.u32 s6, $0x1;
	s3 =	sadd.s32 s4, s19  }
0x9c: {  	s7 =	simm.s32 $0x0;
	s20 =	sshll.u32 s5, $0x1;
	s5 =	sadd.s32 s21, s3  }
0x9d: {  	[timem:s7], [sflag:s22] =	dma.local [hbm:s5], s20  }
0x9e: {  	_ =	swait.ge [sflag:s22], s20  }
0x9f: {  	s4 =	ssub.s32 $0x0, s20;
	[sflag:s22] =	ssyncset.done $0x0  }
0xa0: {  	[sflag:s22] =	ssyncadd.s32 s4;
	_ =	sdelay $0x1  }
0xa1: {  	s23 =	simm.s32 $0x1B8B  }
0xa2: {  	_ =	swait.ge [sflag:s23], $0x1  }
0xa3: {  	[sflag:s23] =	ssyncset.done $0x0  }
0xa4: {  	s25 =	simm.s32 $0x1B8E;
	s24 =	sld [smem:$0x3FFE];
	[sflag:s23] =	ssyncadd.s32 $0xFFFFFFFF  }
0xa5: {  	s26 =	simm.s32 $execute0_lowered;
	[smem:$0x3FD2] =	sst s25  }
0xa6: {  	s5 =	sshll.u32 s26, $0x1;
	_ =	strace $0x80000049;
	[dreg:$0x1] =	wrdreg $0xFFFFFFFF  }
0xa7: {  	s28 =	simm.s32 $_size_execute0_lowered;
	s3 =	sadd.s32 s3, s5;
	[dreg:$0x0] =	wrdreg $0x0  }
0xa8: {  	s5 =	sshll.u32 s28, $0x1;
	[dreg:$0x2] =	wrdreg s3  }
0xa9: {  	[dreg:$0x3] =	wrdreg s5  }
0xaa: {  	[dreg:$0x4] =	wrdreg $0xC0  }
0xab: {  	_ =	task [dreg:s7], $0x5FFFF  }
0xac: {  	[dreg:$0x1] =	wrdreg $0xFFFFFFFF  }
0xad: {  	[dreg:$0x0] =	wrdreg $0x60  }
0xae: {  	[dreg:$0x2] =	wrdreg s24  }
0xaf: {  	[dreg:$0x3] =	wrdreg s2  }
0xb0: {  	[dreg:$0x4] =	wrdreg $0xCD000  }
0xb1: {  	[dreg:$0x5] =	wrdreg $0x9  }
0xb2: {  	_ =	task.clear_ibuf [dreg:s7], $0x6FFFF;
	_ =	strace $0x90000049  }
0xb3: {  	s29 =	simm.s32 $0x9;
	_ =	strace $0x8000004B  }
0xb4: {  	_ =	swait.ge [sflag:s29], $0x1  }
0xb5: {  	[sflag:s29] =	ssyncadd.s32 $0xFFFFFFFF  }
0xb6: {  	_ =	strace $0x9000004B  }
0xb7: {  	_ =	sfence  }
0xb8: {  	s30 =	sld [smem:$0x0];
	_ =	sdelay $0x2  }
0xb9: {  	s31 =	sshll.u32 s1, $0xD;
	s1 =	sshrl.u32 s1, $0x2  }
0xba: {  	s3 =	sand.u32 $0x4000, s31;
	s1 =	sadd.s32 s1, s30  }
0xbb: {  	s0 =	sor.u32 s3, s0;
	s1 =	sshll.u32 s1, $0x11  }
0xbc: {  	s0 =	sor.u32 s1, s0  }
0xbd: {  	s0 =	sadd.s32 $0x8F2B, s0  }
0xbe: {  	[sflag:s0] =	ssyncadd.remote.s32 $0x1  }
0xbf: {  	_ =	sfence.sel $0xFFFF  }
0xc0: {  	[dreg:$0x0] =	wrdreg $0xFFFFFFFF;
	(pc) =	sbr.abs _section_cstart, $3  }
0xc1: {  	[dreg:$0x1] =	wrdreg $0xFFFFFFFF  }
0xc2: {  	_ =	task.clear_ibuf [dreg:s7], $0x2FFFF;
	_ =	strace $0x9FFFFFFF  }
0xc3: {  	(tm) =	ssettm $0x7FFFFFFF  }
tec
execute0_lowered:
.L_overlay_start_1:
0x0: {  	(tag) =	ssettag $0x1  }
0x1: {  	s0 =	rddreg [dreg:$0x0]  }
0x2: {  	s1 =	rddreg [dreg:$0x1];
	s3 =	srdreg.scid  }
0x3: {  	s13 =	stileid.u32;
	s2 =	rddreg [dreg:$0x2];
	s14 =	simm.s32 $0x2A80  }
0x4: {  	s16 =	simm.s32 $0x50;
	s17 =	simm.s32 $0x5500;
	s18 =	simm.s32 $0x7D00  }
0x5: {  	s21 =	simm.s32 $0x1;
	s29 =	simm.s32 $0x3;
	s31 =	simm.s32 $0x5  }
0x6: {  	s28 =	simm.s32 $0x5460;
	s30 =	simm.s32 $0x54B0;
	s10 =	smul.u32 $0xA000, s13  }
0x7: {  	s6 =	sand.u32 $0x1, s3;
	s3 =	simm.s32 $0x0;
	s8 =	smul.u32 $0x5500, s13  }
0x8: {  	s4 =	sadd.s32 $0x21800, s0;
	s11 =	sadd.s32 $0x16E00, s0;
	s5 =	sadd.s32 $0x2000, s0  }
0x9: {  	s26 =	sshll.u32 s13, $0x6;
	s7 =	smul.u32 $0xA0000, s6;
	[smem:$0x7FF] =	sst s3  }
0xa: {  	s9 =	smul.u32 $0x1540, s6;
	s6 =	ssub.s32 $0x2, s6;
	s19 =	sor.u32 $0x1C07, s26  }
0xb: {  	s26 =	simm.s32 $0x4;
	_ =	strace $0x8000004A;
	s23 =	sshrl.u32 s6, $0x1  }
0xc: {  	s25 =	sadd.s32 s10, s2;
	s7 =	sadd.s32 s10, s7;
	s8 =	sadd.s32 s9, s8  }
0xd: {  	s12 =	ssub.s32 s6, s23;
	s20 =	sshrl.u32 s25, $0x3;
	s23 =	simm.s32 $0xA500  }
0xe: {  	s25 =	simm.s32 $0x2A30;
	s7 =	sshrl.u32 s7, $0x3;
	s8 =	sshrl.u32 s8, $0x3  }
0xf: {  	s0 =	sadd.s32 s7, s0;
	s24 =	sadd.s32 $0x550, s8;
	s6 =	sadd.s32 s1, s8  }
0x10: {  	s8 =	sadd.s32 s11, s8;
	s7 =	sadd.s32 s1, s24;
	s9 =	sadd.s32 s11, s24  }
0x11: {  	s10 =	sadd.s32 $0x48A00, s0;
	s11 =	smax.u32 s12, $0x1;
	s12 =	simm.s32 $0x7  }
0x12: {  	s24 =	simm.s32 $0x2;
	s0 =	simm.s32 $0x6;
	s1 =	simm.s32 $0x0  }
.LBB2_1:
0x13: {  	[tilespmem:s3], [sflag:$0x7] =	stream.linear.gather [hbm4b:s6+s3], $0x1540, $0x38;
	[tilespmem:$0x16D00] =	vst v63  }
0x14: {  	_ =	swait.ge [sflag:s12], $0x1540  }
0x15: {  	[sflag:s12] =	ssyncset.done $0x0  }
0x16: {  	s13 =	simm.s32 $0x1540;
	[sflag:s12] =	ssyncadd.s32 $0xFFFFEAC0  }
0x17: {  	[tilespmem:s13], [sflag:$0x7] =	stream.linear.gather [hbm4b:s7+s3], $0x1540, $0x38;
	[tilespmem:$0x16D00] =	vst v63  }
0x18: {  	_ =	swait.ge [sflag:s12], $0x1540  }
0x19: {  	[sflag:s12] =	ssyncset.done $0x0  }
0x1a: {  	[sflag:s12] =	ssyncadd.s32 $0xFFFFEAC0  }
0x1b: {  	[tilespmem:s14], [sflag:$0x7] =	stream.linear.gather [hbm4b:s8+s3], $0x1540, $0x38;
	[tilespmem:$0x16D00] =	vst v63  }
0x1c: {  	_ =	swait.ge [sflag:s12], $0x1540  }
0x1d: {  	[sflag:s12] =	ssyncset.done $0x0  }
0x1e: {  	s22 =	simm.s32 $0x3FC0;
	[sflag:s12] =	ssyncadd.s32 $0xFFFFEAC0  }
0x1f: {  	[tilespmem:s22], [sflag:$0x7] =	stream.linear.gather [hbm4b:s9+s3], $0x1540, $0x38;
	[tilespmem:$0x16D00] =	vst v63  }
0x20: {  	_ =	swait.ge [sflag:s12], $0x1540  }
0x21: {  	[sflag:s12] =	ssyncset.done $0x0  }
0x22: {  	[sflag:s12] =	ssyncadd.s32 $0xFFFFEAC0  }
0x23: {  	[tilespmem:s17], [sflag:$0x1] =	stream.indirect.gather [hbm4b:s4+s16], $0x80, s3, s16, $0xb8;
	[tilespmem:$0x16D00] =	vst v63  }
0x24: {  	_ = 	snop  }
0x25: {  	[tilespmem:s18], [sflag:$0x2] =	stream.indirect.gather [hbm4b:s4+s16], $0x80, s16, s16, $0xb8;
	[tilespmem:$0x16D00] =	vst v63  }
0x26: {  	[spmem:s20], [sflag:s19] =	dma.local [hbm:s5], $0x1400  }
0x27: {  	_ =	swait.ge [sflag:s12], $0x1400  }
0x28: {  	[sflag:s12] =	ssyncset.done $0x0  }
0x29: {  	[sflag:s12] =	ssyncadd.s32 $0xFFFFEC00  }
0x2a: {  	[bflag:$0x0] =	sbarrier.arrive $0xFFFF  }
0x2b: {  	_ =	swait.ge [sflag:s21], $0x2800  }
0x2c: {  	[sflag:s21] =	ssyncset.done $0x0  }
0x2d: {  	[sflag:s21] =	ssyncadd.s32 $0xFFFFD800  }
0x2e: {  	[spmem:s2] =	stream.indirect.scatter.add.f32 [tilespmem:s17], [sflag:$0x4], $0x80, s14, s16, $0xb8;
	[tilespmem:$0x16D00] =	vst v63  }
0x2f: {  	s15 =	simm.s32 $0xA0  }
0x30: {  	[tilespmem:s23], [sflag:$0x3] =	stream.indirect.gather [hbm4b:s4+s16], $0x80, s15, s16, $0xb8;
	[tilespmem:$0x16D00] =	vst v63  }
0x31: {  	_ =	swait.ge [sflag:s24], $0x2800  }
0x32: {  	[sflag:s24] =	ssyncset.done $0x0  }
0x33: {  	s22 =	simm.s32 $0x2AD0;
	[sflag:s24] =	ssyncadd.s32 $0xFFFFD800  }
0x34: {  	[spmem:s2] =	stream.indirect.scatter.add.f32 [tilespmem:s18], [sflag:$0x5], $0x80, s22, s16, $0xb8;
	[tilespmem:$0x16D00] =	vst v63  }
0x35: {  	_ =	swait.ge [sflag:s26], $0x2800  }
0x36: {  	[sflag:s26] =	ssyncset.done $0x0  }
0x37: {  	s15 =	simm.s32 $0xF0;
	[sflag:s26] =	ssyncadd.s32 $0xFFFFD800  }
0x38: {  	[tilespmem:s17], [sflag:$0x1] =	stream.indirect.gather [hbm4b:s4+s16], $0x80, s15, s16, $0xb8;
	[tilespmem:$0x16D00] =	vst v63  }
0x39: {  	_ =	swait.ge [sflag:s29], $0x2800  }
0x3a: {  	[sflag:s29] =	ssyncset.done $0x0  }
0x3b: {  	s22 =	simm.s32 $0x2B20;
	[sflag:s29] =	ssyncadd.s32 $0xFFFFD800  }
0x3c: {  	[spmem:s2] =	stream.indirect.scatter.add.f32 [tilespmem:s23], [sflag:$0x6], $0x80, s22, s16, $0xb8;
	[tilespmem:$0x16D00] =	vst v63  }
0x3d: {  	_ =	swait.ge [sflag:s31], $0x2800  }
0x3e: {  	[sflag:s31] =	ssyncset.done $0x0  }
0x3f: {  	s15 =	simm.s32 $0x140;
	[sflag:s31] =	ssyncadd.s32 $0xFFFFD800  }
0x40: {  	[tilespmem:s18], [sflag:$0x2] =	stream.indirect.gather [hbm4b:s4+s16], $0x80, s15, s16, $0xb8;
	[tilespmem:$0x16D00] =	vst v63  }
0x41: {  	_ =	swait.ge [sflag:s21], $0x2800  }
0x42: {  	[sflag:s21] =	ssyncset.done $0x0  }
0x43: {  	s22 =	simm.s32 $0x2B70;
	[sflag:s21] =	ssyncadd.s32 $0xFFFFD800  }
0x44: {  	[spmem:s2] =	stream.indirect.scatter.add.f32 [tilespmem:s17], [sflag:$0x4], $0x80, s22, s16, $0xb8;
	[tilespmem:$0x16D00] =	vst v63  }
0x45: {  	_ =	swait.ge [sflag:s0], $0x2800  }
0x46: {  	[sflag:s0] =	ssyncset.done $0x0  }
0x47: {  	s15 =	simm.s32 $0x190;
	[sflag:s0] =	ssyncadd.s32 $0xFFFFD800  }
0x48: {  	[tilespmem:s23], [sflag:$0x3] =	stream.indirect.gather [hbm4b:s4+s16], $0x80, s15, s16, $0xb8;
	[tilespmem:$0x16D00] =	vst v63  }
0x49: {  	_ =	swait.ge [sflag:s24], $0x2800  }
0x4a: {  	[sflag:s24] =	ssyncset.done $0x0  }
0x4b: {  	s22 =	simm.s32 $0x2BC0;
	[sflag:s24] =	ssyncadd.s32 $0xFFFFD800  }
0x4c: {  	[spmem:s2] =	stream.indirect.scatter.add.f32 [tilespmem:s18], [sflag:$0x5], $0x80, s22, s16, $0xb8;
	[tilespmem:$0x16D00] =	vst v63  }
0x4d: {  	_ =	swait.ge [sflag:s26], $0x2800  }
0x4e: {  	[sflag:s26] =	ssyncset.done $0x0  }
0x4f: {  	s15 =	simm.s32 $0x1E0;
	[sflag:s26] =	ssyncadd.s32 $0xFFFFD800  }
0x50: {  	[tilespmem:s17], [sflag:$0x1] =	stream.indirect.gather [hbm4b:s4+s16], $0x80, s15, s16, $0xb8;
	[tilespmem:$0x16D00] =	vst v63  }
0x51: {  	_ =	swait.ge [sflag:s29], $0x2800  }
0x52: {  	[sflag:s29] =	ssyncset.done $0x0  }
0x53: {  	s22 =	simm.s32 $0x2C10;
	[sflag:s29] =	ssyncadd.s32 $0xFFFFD800  }
0x54: {  	[spmem:s2] =	stream.indirect.scatter.add.f32 [tilespmem:s23], [sflag:$0x6], $0x80, s22, s16, $0xb8;
	[tilespmem:$0x16D00] =	vst v63  }
0x55: {  	_ =	swait.ge [sflag:s31], $0x2800  }
0x56: {  	[sflag:s31] =	ssyncset.done $0x0  }
0x57: {  	s13 =	simm.s32 $0x3C0;
	s15 =	simm.s32 $0x230;
	[sflag:s31] =	ssyncadd.s32 $0xFFFFD800  }
.LBB2_2:
0x58: {  	[tilespmem:s18], [sflag:$0x2] =	stream.indirect.gather [hbm4b:s4+s16], $0x80, s15, s16, $0xb8;
	[tilespmem:$0x16D00] =	vst v63  }
0x59: {  	s15 =	smov.u32 s13  }
0x5a: {  	p0 =	sne.s32 s13, $0x9D80;
	s13 =	sadd.s32 $0x3C0, s13;
	_ =	swait.ge [sflag:s21], $0x2800  }
0x5b: {  	s15 =	sshra.s32 s15, $0x2;
	[sflag:s21] =	ssyncset.done $0x0  }
0x5c: {  	s22 =	sadd.s32 $0x2B70, s15;
	[sflag:s21] =	ssyncadd.s32 $0xFFFFD800  }
0x5d: {  	[spmem:s2] =	stream.indirect.scatter.add.f32 [tilespmem:s17], [sflag:$0x4], $0x80, s22, s16, $0xb8;
	[tilespmem:$0x16D00] =	vst v63  }
0x5e: {  	_ =	swait.ge [sflag:s0], $0x2800  }
0x5f: {  	[sflag:s0] =	ssyncset.done $0x0  }
0x60: {  	s22 =	sadd.s32 $0x190, s15;
	[sflag:s0] =	ssyncadd.s32 $0xFFFFD800  }
0x61: {  	[tilespmem:s23], [sflag:$0x3] =	stream.indirect.gather [hbm4b:s4+s16], $0x80, s22, s16, $0xb8;
	[tilespmem:$0x16D00] =	vst v63  }
0x62: {  	_ =	swait.ge [sflag:s24], $0x2800  }
0x63: {  	[sflag:s24] =	ssyncset.done $0x0  }
0x64: {  	s22 =	sadd.s32 $0x2BC0, s15;
	[sflag:s24] =	ssyncadd.s32 $0xFFFFD800  }
0x65: {  	[spmem:s2] =	stream.indirect.scatter.add.f32 [tilespmem:s18], [sflag:$0x5], $0x80, s22, s16, $0xb8;
	[tilespmem:$0x16D00] =	vst v63  }
0x66: {  	_ =	swait.ge [sflag:s26], $0x2800  }
0x67: {  	[sflag:s26] =	ssyncset.done $0x0  }
0x68: {  	s22 =	sadd.s32 $0x1E0, s15;
	[sflag:s26] =	ssyncadd.s32 $0xFFFFD800  }
0x69: {  	[tilespmem:s17], [sflag:$0x1] =	stream.indirect.gather [hbm4b:s4+s16], $0x80, s22, s16, $0xb8;
	[tilespmem:$0x16D00] =	vst v63  }
0x6a: {  	_ =	swait.ge [sflag:s29], $0x2800  }
0x6b: {  	[sflag:s29] =	ssyncset.done $0x0  }
.Ltmp0:
0x6c: {  	s22 =	sadd.s32 $0x2C10, s15;
	[sflag:s29] =	ssyncadd.s32 $0xFFFFD800;
	(pc) =	sbr.rel @p0 .LBB2_2-.Ltmp0, $4  }
0x6d: {  	[spmem:s2] =	stream.indirect.scatter.add.f32 [tilespmem:s23], [sflag:$0x6], $0x80, s22, s16, $0xb8;
	[tilespmem:$0x16D00] =	vst v63  }
0x6e: {  	_ =	swait.ge [sflag:s31], $0x2800  }
0x6f: {  	[sflag:s31] =	ssyncset.done $0x0  }
0x70: {  	s15 =	sadd.s32 $0x230, s15;
	[sflag:s31] =	ssyncadd.s32 $0xFFFFD800  }
0x71: {  	[tilespmem:s18], [sflag:$0x2] =	stream.indirect.gather [hbm4b:s4+s16], $0x80, s15, s16, $0xb8;
	[tilespmem:$0x16D00] =	vst v63  }
0x72: {  	_ =	swait.ge [sflag:s21], $0x2800  }
0x73: {  	[sflag:s21] =	ssyncset.done $0x0  }
0x74: {  	s13 =	simm.s32 $0x53C0;
	[sflag:s21] =	ssyncadd.s32 $0xFFFFD800  }
0x75: {  	[spmem:s2] =	stream.indirect.scatter.add.f32 [tilespmem:s17], [sflag:$0x4], $0x80, s13, s16, $0xb8;
	[tilespmem:$0x16D00] =	vst v63  }
0x76: {  	_ =	swait.ge [sflag:s0], $0x2800  }
0x77: {  	[sflag:s0] =	ssyncset.done $0x0  }
0x78: {  	s15 =	simm.s32 $0x29E0;
	[sflag:s0] =	ssyncadd.s32 $0xFFFFD800  }
0x79: {  	[tilespmem:s23], [sflag:$0x3] =	stream.indirect.gather [hbm4b:s4+s16], $0x80, s15, s16, $0xb8;
	[tilespmem:$0x16D00] =	vst v63  }
0x7a: {  	_ =	swait.ge [sflag:s24], $0x2800  }
0x7b: {  	[sflag:s24] =	ssyncset.done $0x0  }
0x7c: {  	s22 =	simm.s32 $0x5410;
	[sflag:s24] =	ssyncadd.s32 $0xFFFFD800  }
0x7d: {  	[spmem:s2] =	stream.indirect.scatter.add.f32 [tilespmem:s18], [sflag:$0x5], $0x80, s22, s16, $0xb8;
	[tilespmem:$0x16D00] =	vst v63  }
0x7e: {  	_ =	swait.ge [sflag:s26], $0x2800  }
0x7f: {  	[sflag:s26] =	ssyncset.done $0x0  }
0x80: {  	[sflag:s26] =	ssyncadd.s32 $0xFFFFD800  }
0x81: {  	[tilespmem:s17], [sflag:$0x1] =	stream.indirect.gather [hbm4b:s4+s16], $0x80, s25, s16, $0xb8;
	[tilespmem:$0x16D00] =	vst v63  }
0x82: {  	_ =	swait.ge [sflag:s29], $0x2800  }
0x83: {  	[sflag:s29] =	ssyncset.done $0x0  }
0x84: {  	[sflag:s29] =	ssyncadd.s32 $0xFFFFD800  }
0x85: {  	[spmem:s2] =	stream.indirect.scatter.add.f32 [tilespmem:s23], [sflag:$0x6], $0x80, s28, s16, $0xb8;
	[tilespmem:$0x16D00] =	vst v63  }
0x86: {  	_ =	swait.ge [sflag:s21], $0x2800  }
0x87: {  	[sflag:s21] =	ssyncset.done $0x0  }
0x88: {  	[sflag:s21] =	ssyncadd.s32 $0xFFFFD800  }
0x89: {  	[spmem:s2] =	stream.indirect.scatter.add.f32 [tilespmem:s17], [sflag:$0x4], $0x80, s30, s16, $0xb8;
	[tilespmem:$0x16D00] =	vst v63  }
0x8a: {  	_ =	swait.ge [sflag:s31], $0x2800  }
0x8b: {  	[sflag:s31] =	ssyncset.done $0x0  }
0x8c: {  	[sflag:s31] =	ssyncadd.s32 $0xFFFFD800  }
0x8d: {  	_ =	swait.ge [sflag:s0], $0x2800  }
0x8e: {  	[sflag:s0] =	ssyncset.done $0x0  }
0x8f: {  	[sflag:s0] =	ssyncadd.s32 $0xFFFFD800  }
0x90: {  	_ =	swait.ge [sflag:s26], $0x2800  }
0x91: {  	s1 =	sadd.s32 $0x1, s1;
	[sflag:s26] =	ssyncset.done $0x0  }
0x92: {  	p0 =	sne.s32 s1, s11;
	[sflag:s26] =	ssyncadd.s32 $0xFFFFD800  }
.Ltmp1:
0x93: {  	[bflag:$0x0] =	sbarrier.arrive $0xFFFF;
	(pc) =	sbr.rel @p0 .LBB2_1-.Ltmp1, $4  }
0x94: {  	[hbm:s10], [sflag:s19] =	dma.local [spmem:s20], $0x1400  }
0x95: {  	_ =	swait.ge [sflag:s12], $0x1400  }
0x96: {  	[sflag:s12] =	ssyncset.done $0x0  }
0x97: {  	[sflag:s12] =	ssyncadd.s32 $0xFFFFEC00  }
0x98: {  	_ =	sfence.sel $0x180000  }
0x99: {  	[bflag:$0x0] =	sbarrier.arrive $0xFFFF  }
0x9a: {  	_ =	strace $0x9000004A  }
0x9b: {  	s0 =	stileid.u32;
	[bflag:$0x2] =	sbarrier.arrive $0xFFFF  }
0x9c: {  	p0 =	sne.s32 s0, $0x0;
	s0 =	rddreg [dreg:$0x3]  }
0x9d: {  	s0 =	sadd.s32 @!p0 $0x100000, s0  }
0x9e: {  	[sflag:s0] =	ssyncadd.tile.s32 @!p0 $0x1;
	_ =	shalt  }
.Lfunc_end2:
_tile_overlayer_lowered:
.L_overlay_start_2:
0x9f: {  	(tag) =	ssettag $0x2  }
0xa0: {  	s0 =	rddreg [dreg:$0x0];
	s2 =	stileid.u32  }
0xa1: {  	s1 =	rddreg [dreg:$0x1];
	p0 =	sne.s32 s2, $0x0  }
0xa2: {  	s3 =	rddreg [dreg:$0x2];
	[bflag:$0x3] =	sbarrier.arrive $0xFFFF;
	s2 =	simm.s32 @!p0 $0x1C07  }
0xa3: {  	[timem:s3], [sflag:s2] =	dma.local @!p0 [hbm:s0], s1  }
0xa4: {  	s0 =	simm.s32 @!p0 $0x7  }
0xa5: {  	_ =	swait.ge @!p0 [sflag:s0], s1  }
0xa6: {  	s1 =	ssub.s32 @!p0 $0x0, s1;
	[sflag:s0] =	ssyncset.done @!p0 $0x0  }
0xa7: {  	[sflag:s0] =	ssyncadd.s32 @!p0 s1  }
0xa8: {  	[bflag:$0x3] =	sbarrier.arrive $0xFFFF  }
0xa9: {  	_ =	shalt  }

// kernel: kernel.16.cloned.1.call-start
scs
__scs_entry_jumppad:
0x0: {  	(pc) =	sbr.rel $0x88, $3  }
0x1: {  	(tag) =	ssettag $0x0;
	lr =	simm.s32 $0x1  }
0x2: {  	[smem:$0x3F9C] =	sst lr;
	_ =	strace $0xD0000000  }
0x3: {  	_ = 	snop  }
0x4: {  	_ = 	snop  }
0x5: {  	_ = 	snop  }
0x6: {  	_ = 	snop  }
0x7: {  	_ = 	snop  }
__scs_overlays_trampoline_lowered:
0x8: {  	[smem:$0x3FAB] =	sst s0  }
0x9: {  	[smem:$0x3FAC] =	sst s1  }
0xa: {  	[smem:$0x3FAD] =	sst s2  }
0xb: {  	[smem:$0x3FAE] =	sst s3  }
0xc: {  	[smem:$0x3FAF] =	sst s4  }
0xd: {  	[smem:$0x3FB0] =	sst s5  }
0xe: {  	[smem:$0x3FB1] =	sst s6  }
0xf: {  	[smem:$0x3FB2] =	sst s7  }
0x10: {  	[smem:$0x3FB3] =	sst s8  }
0x11: {  	[smem:$0x3FB4] =	sst s9;
	s0 =	simm.s32 @!p0 $0x0  }
0x12: {  	s1 =	sld [smem:$0x3F9A];
	s0 =	simm.s32 @p0 $0x1  }
0x13: {  	[smem:$0x3FB5] =	sst s0;
	s0 =	simm.s32 @!p1 $0x0  }
0x14: {  	s2 =	sld [smem:$0x3F99];
	s0 =	simm.s32 @p1 $0x1  }
0x15: {  	[smem:$0x3FB6] =	sst s0;
	s0 =	simm.s32 @!p2 $0x0  }
0x16: {  	s3 =	sld [smem:$0x3FDB];
	s0 =	simm.s32 @p2 $0x1  }
0x17: {  	s4 =	simm.s32 $0x1BF5;
	[smem:$0x3FB8] =	sst s0  }
0x18: {  	s0 =	sld [smem:$0x3F9B];
	_ =	swait.ge [sflag:s4], $0x0  }
0x19: {  	s7 =	sld [smem:$0x3F9C]  }
0x1a: {  	s8 =	sadd.s32 $0xFFFFE003, lr  }
0x1b: {  	s9 =	sadd.s32 $0xFFFFFEF7, lr;
	s5 =	simm.s32 $0xFFFFFFFF;
	p2 =	slt.u32 s8, $0xFFFFF086  }
0x1c: {  	p1 =	slt.u32 s9, $0xF7A;
	s5 =	simm.s32 @!p2 $0x0  }
0x1d: {  	s5 =	simm.s32 @p1 $0x1;
	p0 =	seq.s32 s7, s2  }
0x1e: {  	s7 =	smul.u32 @!p0 $0xF7A, s2;
	p2 =	seq.s32 @!p0 s5, $0x0  }
0x1f: {  	s9 =	smul.u32 $0xF7A, s1;
	s8 =	simm.s32 @!p0 $0x1BF5;
	p2 =	por !p2, p0  }
0x20: {  	[sflag:s8] =	ssyncset.s32 @!p0 $0xFFFFF086;
	s6 =	sadd.s32 @!p0 s3, s7;
	s7 =	simm.s32 @!p0 $0x108  }
0x21: {  	s3 =	sadd.s32 s3, s9;
	s6 =	sadd.s32 @!p0 $0x88, s6;
	s7 =	simm.s32 @p2 $0x1082  }
0x22: {  	[simem:s7], [sflag:s8] =	dma.local @!p0 [hbm:s6], $0xF7A  }
0x23: {  	s9 =	sor.u32 $0xD0000000, s2;
	s6 =	simm.s32 $0x108;
	_ =	swait.ge @!p0 [sflag:s8], $0x0  }
0x24: {  	s3 =	sadd.s32 $0x88, s3;
	s6 =	simm.s32 @!p1 $0x1082;
	[sflag:s4] =	ssyncset.s32 $0xFFFFF086  }
0x25: {  	[simem:s6], [sflag:s4] =	dma.local [hbm:s3], $0xF7A  }
0x26: {  	[smem:$0x3F9C] =	sst s1;
	(tag) =	ssettag s2;
	_ =	strace s9  }
0x27: {  	s1 =	sld [smem:$0x3FAC]  }
0x28: {  	s2 =	sld [smem:$0x3FAD]  }
0x29: {  	s4 =	sld [smem:$0x3FAF]  }
0x2a: {  	p0 =	seq.s32 s5, $0x0;
	s5 =	sld [smem:$0x3FB0]  }
0x2b: {  	s6 =	sld [smem:$0x3FB1]  }
0x2c: {  	s7 =	sld [smem:$0x3FB2]  }
0x2d: {  	s3 =	simm.s32 $0x108;
	s8 =	sld [smem:$0x3FB3]  }
0x2e: {  	s3 =	simm.s32 @!p0 $0x1082;
	s9 =	sld [smem:$0x3FB4]  }
0x2f: {  	lr =	sadd.s32 s0, s3;
	s0 =	sld [smem:$0x3FAB]  }
0x30: {  	s3 =	sld [smem:$0x3FAE]  }
0x31: {  	[smem:$0x3FB7] =	sst s10  }
0x32: {  	s10 =	sld [smem:$0x3FB5];
	_ =	sdelay $0x3  }
0x33: {  	p0 =	seq.s32 s10, $0x1;
	s10 =	sld [smem:$0x3FB7];
	_ =	sdelay $0x3  }
0x34: {  	[smem:$0x3FB7] =	sst s10  }
0x35: {  	s10 =	sld [smem:$0x3FB6];
	_ =	sdelay $0x3  }
0x36: {  	p1 =	seq.s32 s10, $0x1;
	s10 =	sld [smem:$0x3FB7];
	_ =	sdelay $0x3  }
0x37: {  	[smem:$0x3FB7] =	sst s10  }
0x38: {  	s10 =	sld [smem:$0x3FB8]  }
0x39: {  	_ = 	snop;
	(pc) =	sbr.ind lr, $3  }
0x3a: {  	_ = 	snop  }
0x3b: {  	_ = 	snop  }
0x3c: {  	p2 =	seq.s32 s10, $0x1;
	s10 =	sld [smem:$0x3FB7]  }
0x3d: {  	_ =	shalt  }
0x3e: {  	_ =	shalt  }
0x3f: {  	_ =	shalt  }
0x40: {  	_ =	shalt  }
0x41: {  	_ =	shalt  }
0x42: {  	_ =	shalt  }
0x43: {  	_ =	shalt  }
0x44: {  	_ =	shalt  }
0x45: {  	_ =	shalt  }
0x46: {  	_ =	shalt  }
0x47: {  	_ =	shalt  }
0x48: {  	_ =	shalt  }
0x49: {  	_ =	shalt  }
0x4a: {  	_ =	shalt  }
0x4b: {  	_ =	shalt  }
0x4c: {  	_ =	shalt  }
0x4d: {  	_ =	shalt  }
0x4e: {  	_ =	shalt  }
0x4f: {  	_ =	shalt  }
0x50: {  	_ =	shalt  }
0x51: {  	_ =	shalt  }
0x52: {  	_ =	shalt  }
0x53: {  	_ =	shalt  }
0x54: {  	_ =	shalt  }
0x55: {  	_ =	shalt  }
0x56: {  	_ =	shalt  }
0x57: {  	_ =	shalt  }
0x58: {  	_ =	shalt  }
0x59: {  	_ =	shalt  }
0x5a: {  	_ =	shalt  }
0x5b: {  	_ =	shalt  }
0x5c: {  	_ =	shalt  }
0x5d: {  	_ =	shalt  }
0x5e: {  	_ =	shalt  }
0x5f: {  	_ =	shalt  }
0x60: {  	_ =	shalt  }
0x61: {  	_ =	shalt  }
0x62: {  	_ =	shalt  }
0x63: {  	_ =	shalt  }
0x64: {  	_ =	shalt  }
0x65: {  	_ =	shalt  }
0x66: {  	_ =	shalt  }
0x67: {  	_ =	shalt  }
0x68: {  	_ =	shalt  }
0x69: {  	_ =	shalt  }
0x6a: {  	_ =	shalt  }
0x6b: {  	_ =	shalt  }
0x6c: {  	_ =	shalt  }
0x6d: {  	_ =	shalt  }
0x6e: {  	_ =	shalt  }
0x6f: {  	_ =	shalt  }
0x70: {  	_ =	shalt  }
0x71: {  	_ =	shalt  }
0x72: {  	_ =	shalt  }
0x73: {  	_ =	shalt  }
0x74: {  	_ =	shalt  }
0x75: {  	_ =	shalt  }
0x76: {  	_ =	shalt  }
0x77: {  	_ =	shalt  }
0x78: {  	_ =	shalt  }
0x79: {  	_ =	shalt  }
0x7a: {  	_ =	shalt  }
0x7b: {  	_ =	shalt  }
0x7c: {  	_ =	shalt  }
0x7d: {  	_ =	shalt  }
0x7e: {  	_ =	shalt  }
0x7f: {  	_ =	shalt  }
0x80: {  	_ =	shalt  }
0x81: {  	_ =	shalt  }
0x82: {  	_ =	shalt  }
0x83: {  	_ =	shalt  }
0x84: {  	_ =	shalt  }
0x85: {  	_ =	shalt  }
0x86: {  	_ =	shalt  }
0x87: {  	_ =	shalt  }
.Lfunc_end0:
.L_simem_size_0:
called_computation.2_lowered:
.L_overlay_start_0:
0x88: {  	s2 =	sld [smem:$0x3FD9]  }
0x89: {  	s3 =	sld [smem:$0x3FFE];
	_ =	sdelay $0x1  }
0x8a: {  	s1 =	srdreg.scid  }
0x8b: {  	s0 =	sand.u32 $0x1, s1  }
0x8c: {  	s17 =	sshll.u32 s0, $0xA;
	s2 =	sadd.s32 s3, s2  }
0x8d: {  	s2 =	sadd.s32 s2, s17  }
0x8e: {  	[smem:$0x3FC3] =	sst s2  }
0x8f: {  	_ = 	snop  }
0x90: {  	s2 =	sld [smem:$0x3FD0];
	(tm) =	ssettm $0x1  }
0x91: {  	s18 =	sld [smem:$0x3FFB];
	_ =	sdelay $0x3  }
0x92: {  	_ =	strace s18  }
0x93: {  	s3 =	sld [smem:$0x3FFC];
	_ =	sdelay $0x3  }
0x94: {  	_ =	strace s3  }
0x95: {  	s3 =	sld [smem:$0x3FFD];
	_ =	sdelay $0x3  }
0x96: {  	_ =	strace s3  }
0x97: {  	_ =	strace $0x8FFFFFFF  }
0x98: {  	s19 =	sld [smem:$0x3FDB];
	_ =	sdelay $0x1  }
0x99: {  	s4 =	simm.s32 $_scs_section_size  }
0x9a: {  	s5 =	simm.s32 $_size__tile_overlayer_lowered;
	s6 =	simm.s32 $_tile_overlayer_lowered  }
0x9b: {  	s22 =	simm.s32 $0x1BFF;
	s21 =	sshll.u32 s6, $0x1;
	s3 =	sadd.s32 s4, s19  }
0x9c: {  	s7 =	simm.s32 $0x0;
	s20 =	sshll.u32 s5, $0x1;
	s5 =	sadd.s32 s21, s3  }
0x9d: {  	[timem:s7], [sflag:s22] =	dma.local [hbm:s5], s20  }
0x9e: {  	_ =	swait.ge [sflag:s22], s20  }
0x9f: {  	s4 =	ssub.s32 $0x0, s20;
	[sflag:s22] =	ssyncset.done $0x0  }
0xa0: {  	[sflag:s22] =	ssyncadd.s32 s4;
	_ =	sdelay $0x1  }
0xa1: {  	s23 =	simm.s32 $0x1B8B  }
0xa2: {  	_ =	swait.ge [sflag:s23], $0x1  }
0xa3: {  	[sflag:s23] =	ssyncset.done $0x0  }
0xa4: {  	s25 =	simm.s32 $0x1B8E;
	s24 =	sld [smem:$0x3FFE];
	[sflag:s23] =	ssyncadd.s32 $0xFFFFFFFF  }
0xa5: {  	s26 =	simm.s32 $execute0_lowered;
	[smem:$0x3FD2] =	sst s25  }
0xa6: {  	s5 =	sshll.u32 s26, $0x1;
	_ =	strace $0x8000004C;
	[dreg:$0x1] =	wrdreg $0xFFFFFFFF  }
0xa7: {  	s28 =	simm.s32 $_size_execute0_lowered;
	s3 =	sadd.s32 s3, s5;
	[dreg:$0x0] =	wrdreg $0x0  }
0xa8: {  	s5 =	sshll.u32 s28, $0x1;
	[dreg:$0x2] =	wrdreg s3  }
0xa9: {  	[dreg:$0x3] =	wrdreg s5  }
0xaa: {  	[dreg:$0x4] =	wrdreg $0xC0  }
0xab: {  	_ =	task [dreg:s7], $0x5FFFF  }
0xac: {  	[dreg:$0x1] =	wrdreg $0xFFFFFFFF  }
0xad: {  	[dreg:$0x0] =	wrdreg $0x60  }
0xae: {  	[dreg:$0x2] =	wrdreg s24  }
0xaf: {  	[dreg:$0x3] =	wrdreg s2  }
0xb0: {  	[dreg:$0x4] =	wrdreg $0xCD000  }
0xb1: {  	[dreg:$0x5] =	wrdreg $0x9  }
0xb2: {  	_ =	task.clear_ibuf [dreg:s7], $0x6FFFF;
	_ =	strace $0x9000004C  }
0xb3: {  	s29 =	simm.s32 $0x9;
	_ =	strace $0x8000004E  }
0xb4: {  	_ =	swait.ge [sflag:s29], $0x1  }
0xb5: {  	[sflag:s29] =	ssyncadd.s32 $0xFFFFFFFF  }
0xb6: {  	_ =	strace $0x9000004E  }
0xb7: {  	_ =	sfence  }
0xb8: {  	s30 =	sld [smem:$0x0];
	_ =	sdelay $0x2  }
0xb9: {  	s31 =	sshll.u32 s1, $0xD;
	s1 =	sshrl.u32 s1, $0x2  }
0xba: {  	s3 =	sand.u32 $0x4000, s31;
	s1 =	sadd.s32 s1, s30  }
0xbb: {  	s0 =	sor.u32 s3, s0;
	s1 =	sshll.u32 s1, $0x11  }
0xbc: {  	s0 =	sor.u32 s1, s0  }
0xbd: {  	s0 =	sadd.s32 $0x8F2B, s0  }
0xbe: {  	[sflag:s0] =	ssyncadd.remote.s32 $0x1  }
0xbf: {  	_ =	sfence.sel $0xFFFF  }
0xc0: {  	[dreg:$0x0] =	wrdreg $0xFFFFFFFF;
	(pc) =	sbr.abs _section_cstart, $3  }
0xc1: {  	[dreg:$0x1] =	wrdreg $0xFFFFFFFF  }
0xc2: {  	_ =	task.clear_ibuf [dreg:s7], $0x2FFFF;
	_ =	strace $0x9FFFFFFF  }
0xc3: {  	(tm) =	ssettm $0x7FFFFFFF  }
tec
execute0_lowered:
.L_overlay_start_1:
0x0: {  	(tag) =	ssettag $0x1  }
0x1: {  	s0 =	rddreg [dreg:$0x0]  }
0x2: {  	s1 =	rddreg [dreg:$0x1];
	s3 =	srdreg.scid  }
0x3: {  	s13 =	stileid.u32;
	s2 =	rddreg [dreg:$0x2];
	s14 =	simm.s32 $0x2A80  }
0x4: {  	s16 =	simm.s32 $0x50;
	s17 =	simm.s32 $0x5500;
	s18 =	simm.s32 $0x7D00  }
0x5: {  	s21 =	simm.s32 $0x1;
	s29 =	simm.s32 $0x3;
	s31 =	simm.s32 $0x5  }
0x6: {  	s28 =	simm.s32 $0x5460;
	s30 =	simm.s32 $0x54B0;
	s10 =	smul.u32 $0xA000, s13  }
0x7: {  	s6 =	sand.u32 $0x1, s3;
	s3 =	simm.s32 $0x0;
	s8 =	smul.u32 $0x5500, s13  }
0x8: {  	s4 =	sadd.s32 $0x21800, s0;
	s11 =	sadd.s32 $0x16E00, s0;
	s5 =	sadd.s32 $0x2000, s0  }
0x9: {  	s26 =	sshll.u32 s13, $0x6;
	s7 =	smul.u32 $0xA0000, s6;
	[smem:$0x7FF] =	sst s3  }
0xa: {  	s9 =	smul.u32 $0x1540, s6;
	s6 =	ssub.s32 $0x2, s6;
	s19 =	sor.u32 $0x1C07, s26  }
0xb: {  	s26 =	simm.s32 $0x4;
	_ =	strace $0x8000004D;
	s23 =	sshrl.u32 s6, $0x1  }
0xc: {  	s25 =	sadd.s32 s10, s2;
	s7 =	sadd.s32 s10, s7;
	s8 =	sadd.s32 s9, s8  }
0xd: {  	s12 =	ssub.s32 s6, s23;
	s20 =	sshrl.u32 s25, $0x3;
	s23 =	simm.s32 $0xA500  }
0xe: {  	s25 =	simm.s32 $0x2A30;
	s7 =	sshrl.u32 s7, $0x3;
	s8 =	sshrl.u32 s8, $0x3  }
0xf: {  	s0 =	sadd.s32 s7, s0;
	s24 =	sadd.s32 $0x550, s8;
	s6 =	sadd.s32 s1, s8  }
0x10: {  	s8 =	sadd.s32 s11, s8;
	s7 =	sadd.s32 s1, s24;
	s9 =	sadd.s32 s11, s24  }
0x11: {  	s10 =	sadd.s32 $0x48A00, s0;
	s11 =	smax.u32 s12, $0x1;
	s12 =	simm.s32 $0x7  }
0x12: {  	s24 =	simm.s32 $0x2;
	s0 =	simm.s32 $0x6;
	s1 =	simm.s32 $0x0  }
.LBB2_1:
0x13: {  	[tilespmem:s3], [sflag:$0x7] =	stream.linear.gather [hbm4b:s6+s3], $0x1540, $0x38;
	[tilespmem:$0x16D00] =	vst v63  }
0x14: {  	_ =	swait.ge [sflag:s12], $0x1540  }
0x15: {  	[sflag:s12] =	ssyncset.done $0x0  }
0x16: {  	s13 =	simm.s32 $0x1540;
	[sflag:s12] =	ssyncadd.s32 $0xFFFFEAC0  }
0x17: {  	[tilespmem:s13], [sflag:$0x7] =	stream.linear.gather [hbm4b:s7+s3], $0x1540, $0x38;
	[tilespmem:$0x16D00] =	vst v63  }
0x18: {  	_ =	swait.ge [sflag:s12], $0x1540  }
0x19: {  	[sflag:s12] =	ssyncset.done $0x0  }
0x1a: {  	[sflag:s12] =	ssyncadd.s32 $0xFFFFEAC0  }
0x1b: {  	[tilespmem:s14], [sflag:$0x7] =	stream.linear.gather [hbm4b:s8+s3], $0x1540, $0x38;
	[tilespmem:$0x16D00] =	vst v63  }
0x1c: {  	_ =	swait.ge [sflag:s12], $0x1540  }
0x1d: {  	[sflag:s12] =	ssyncset.done $0x0  }
0x1e: {  	s22 =	simm.s32 $0x3FC0;
	[sflag:s12] =	ssyncadd.s32 $0xFFFFEAC0  }
0x1f: {  	[tilespmem:s22], [sflag:$0x7] =	stream.linear.gather [hbm4b:s9+s3], $0x1540, $0x38;
	[tilespmem:$0x16D00] =	vst v63  }
0x20: {  	_ =	swait.ge [sflag:s12], $0x1540  }
0x21: {  	[sflag:s12] =	ssyncset.done $0x0  }
0x22: {  	[sflag:s12] =	ssyncadd.s32 $0xFFFFEAC0  }
0x23: {  	[tilespmem:s17], [sflag:$0x1] =	stream.indirect.gather [hbm4b:s4+s16], $0x80, s3, s16, $0xb8;
	[tilespmem:$0x16D00] =	vst v63  }
0x24: {  	_ = 	snop  }
0x25: {  	[tilespmem:s18], [sflag:$0x2] =	stream.indirect.gather [hbm4b:s4+s16], $0x80, s16, s16, $0xb8;
	[tilespmem:$0x16D00] =	vst v63  }
0x26: {  	[spmem:s20], [sflag:s19] =	dma.local [hbm:s5], $0x1400  }
0x27: {  	_ =	swait.ge [sflag:s12], $0x1400  }
0x28: {  	[sflag:s12] =	ssyncset.done $0x0  }
0x29: {  	[sflag:s12] =	ssyncadd.s32 $0xFFFFEC00  }
0x2a: {  	[bflag:$0x0] =	sbarrier.arrive $0xFFFF  }
0x2b: {  	_ =	swait.ge [sflag:s21], $0x2800  }
0x2c: {  	[sflag:s21] =	ssyncset.done $0x0  }
0x2d: {  	[sflag:s21] =	ssyncadd.s32 $0xFFFFD800  }
0x2e: {  	[spmem:s2] =	stream.indirect.scatter.add.f32 [tilespmem:s17], [sflag:$0x4], $0x80, s14, s16, $0xb8;
	[tilespmem:$0x16D00] =	vst v63  }
0x2f: {  	s15 =	simm.s32 $0xA0  }
0x30: {  	[tilespmem:s23], [sflag:$0x3] =	stream.indirect.gather [hbm4b:s4+s16], $0x80, s15, s16, $0xb8;
	[tilespmem:$0x16D00] =	vst v63  }
0x31: {  	_ =	swait.ge [sflag:s24], $0x2800  }
0x32: {  	[sflag:s24] =	ssyncset.done $0x0  }
0x33: {  	s22 =	simm.s32 $0x2AD0;
	[sflag:s24] =	ssyncadd.s32 $0xFFFFD800  }
0x34: {  	[spmem:s2] =	stream.indirect.scatter.add.f32 [tilespmem:s18], [sflag:$0x5], $0x80, s22, s16, $0xb8;
	[tilespmem:$0x16D00] =	vst v63  }
0x35: {  	_ =	swait.ge [sflag:s26], $0x2800  }
0x36: {  	[sflag:s26] =	ssyncset.done $0x0  }
0x37: {  	s15 =	simm.s32 $0xF0;
	[sflag:s26] =	ssyncadd.s32 $0xFFFFD800  }
0x38: {  	[tilespmem:s17], [sflag:$0x1] =	stream.indirect.gather [hbm4b:s4+s16], $0x80, s15, s16, $0xb8;
	[tilespmem:$0x16D00] =	vst v63  }
0x39: {  	_ =	swait.ge [sflag:s29], $0x2800  }
0x3a: {  	[sflag:s29] =	ssyncset.done $0x0  }
0x3b: {  	s22 =	simm.s32 $0x2B20;
	[sflag:s29] =	ssyncadd.s32 $0xFFFFD800  }
0x3c: {  	[spmem:s2] =	stream.indirect.scatter.add.f32 [tilespmem:s23], [sflag:$0x6], $0x80, s22, s16, $0xb8;
	[tilespmem:$0x16D00] =	vst v63  }
0x3d: {  	_ =	swait.ge [sflag:s31], $0x2800  }
0x3e: {  	[sflag:s31] =	ssyncset.done $0x0  }
0x3f: {  	s15 =	simm.s32 $0x140;
	[sflag:s31] =	ssyncadd.s32 $0xFFFFD800  }
0x40: {  	[tilespmem:s18], [sflag:$0x2] =	stream.indirect.gather [hbm4b:s4+s16], $0x80, s15, s16, $0xb8;
	[tilespmem:$0x16D00] =	vst v63  }
0x41: {  	_ =	swait.ge [sflag:s21], $0x2800  }
0x42: {  	[sflag:s21] =	ssyncset.done $0x0  }
0x43: {  	s22 =	simm.s32 $0x2B70;
	[sflag:s21] =	ssyncadd.s32 $0xFFFFD800  }
0x44: {  	[spmem:s2] =	stream.indirect.scatter.add.f32 [tilespmem:s17], [sflag:$0x4], $0x80, s22, s16, $0xb8;
	[tilespmem:$0x16D00] =	vst v63  }
0x45: {  	_ =	swait.ge [sflag:s0], $0x2800  }
0x46: {  	[sflag:s0] =	ssyncset.done $0x0  }
0x47: {  	s15 =	simm.s32 $0x190;
	[sflag:s0] =	ssyncadd.s32 $0xFFFFD800  }
0x48: {  	[tilespmem:s23], [sflag:$0x3] =	stream.indirect.gather [hbm4b:s4+s16], $0x80, s15, s16, $0xb8;
	[tilespmem:$0x16D00] =	vst v63  }
0x49: {  	_ =	swait.ge [sflag:s24], $0x2800  }
0x4a: {  	[sflag:s24] =	ssyncset.done $0x0  }
0x4b: {  	s22 =	simm.s32 $0x2BC0;
	[sflag:s24] =	ssyncadd.s32 $0xFFFFD800  }
0x4c: {  	[spmem:s2] =	stream.indirect.scatter.add.f32 [tilespmem:s18], [sflag:$0x5], $0x80, s22, s16, $0xb8;
	[tilespmem:$0x16D00] =	vst v63  }
0x4d: {  	_ =	swait.ge [sflag:s26], $0x2800  }
0x4e: {  	[sflag:s26] =	ssyncset.done $0x0  }
0x4f: {  	s15 =	simm.s32 $0x1E0;
	[sflag:s26] =	ssyncadd.s32 $0xFFFFD800  }
0x50: {  	[tilespmem:s17], [sflag:$0x1] =	stream.indirect.gather [hbm4b:s4+s16], $0x80, s15, s16, $0xb8;
	[tilespmem:$0x16D00] =	vst v63  }
0x51: {  	_ =	swait.ge [sflag:s29], $0x2800  }
0x52: {  	[sflag:s29] =	ssyncset.done $0x0  }
0x53: {  	s22 =	simm.s32 $0x2C10;
	[sflag:s29] =	ssyncadd.s32 $0xFFFFD800  }
0x54: {  	[spmem:s2] =	stream.indirect.scatter.add.f32 [tilespmem:s23], [sflag:$0x6], $0x80, s22, s16, $0xb8;
	[tilespmem:$0x16D00] =	vst v63  }
0x55: {  	_ =	swait.ge [sflag:s31], $0x2800  }
0x56: {  	[sflag:s31] =	ssyncset.done $0x0  }
0x57: {  	s13 =	simm.s32 $0x3C0;
	s15 =	simm.s32 $0x230;
	[sflag:s31] =	ssyncadd.s32 $0xFFFFD800  }
.LBB2_2:
0x58: {  	[tilespmem:s18], [sflag:$0x2] =	stream.indirect.gather [hbm4b:s4+s16], $0x80, s15, s16, $0xb8;
	[tilespmem:$0x16D00] =	vst v63  }
0x59: {  	s15 =	smov.u32 s13  }
0x5a: {  	p0 =	sne.s32 s13, $0x9D80;
	s13 =	sadd.s32 $0x3C0, s13;
	_ =	swait.ge [sflag:s21], $0x2800  }
0x5b: {  	s15 =	sshra.s32 s15, $0x2;
	[sflag:s21] =	ssyncset.done $0x0  }
0x5c: {  	s22 =	sadd.s32 $0x2B70, s15;
	[sflag:s21] =	ssyncadd.s32 $0xFFFFD800  }
0x5d: {  	[spmem:s2] =	stream.indirect.scatter.add.f32 [tilespmem:s17], [sflag:$0x4], $0x80, s22, s16, $0xb8;
	[tilespmem:$0x16D00] =	vst v63  }
0x5e: {  	_ =	swait.ge [sflag:s0], $0x2800  }
0x5f: {  	[sflag:s0] =	ssyncset.done $0x0  }
0x60: {  	s22 =	sadd.s32 $0x190, s15;
	[sflag:s0] =	ssyncadd.s32 $0xFFFFD800  }
0x61: {  	[tilespmem:s23], [sflag:$0x3] =	stream.indirect.gather [hbm4b:s4+s16], $0x80, s22, s16, $0xb8;
	[tilespmem:$0x16D00] =	vst v63  }
0x62: {  	_ =	swait.ge [sflag:s24], $0x2800  }
0x63: {  	[sflag:s24] =	ssyncset.done $0x0  }
0x64: {  	s22 =	sadd.s32 $0x2BC0, s15;
	[sflag:s24] =	ssyncadd.s32 $0xFFFFD800  }
0x65: {  	[spmem:s2] =	stream.indirect.scatter.add.f32 [tilespmem:s18], [sflag:$0x5], $0x80, s22, s16, $0xb8;
	[tilespmem:$0x16D00] =	vst v63  }
0x66: {  	_ =	swait.ge [sflag:s26], $0x2800  }
0x67: {  	[sflag:s26] =	ssyncset.done $0x0  }
0x68: {  	s22 =	sadd.s32 $0x1E0, s15;
	[sflag:s26] =	ssyncadd.s32 $0xFFFFD800  }
0x69: {  	[tilespmem:s17], [sflag:$0x1] =	stream.indirect.gather [hbm4b:s4+s16], $0x80, s22, s16, $0xb8;
	[tilespmem:$0x16D00] =	vst v63  }
0x6a: {  	_ =	swait.ge [sflag:s29], $0x2800  }
0x6b: {  	[sflag:s29] =	ssyncset.done $0x0  }
.Ltmp0:
0x6c: {  	s22 =	sadd.s32 $0x2C10, s15;
	[sflag:s29] =	ssyncadd.s32 $0xFFFFD800;
	(pc) =	sbr.rel @p0 .LBB2_2-.Ltmp0, $4  }
0x6d: {  	[spmem:s2] =	stream.indirect.scatter.add.f32 [tilespmem:s23], [sflag:$0x6], $0x80, s22, s16, $0xb8;
	[tilespmem:$0x16D00] =	vst v63  }
0x6e: {  	_ =	swait.ge [sflag:s31], $0x2800  }
0x6f: {  	[sflag:s31] =	ssyncset.done $0x0  }
0x70: {  	s15 =	sadd.s32 $0x230, s15;
	[sflag:s31] =	ssyncadd.s32 $0xFFFFD800  }
0x71: {  	[tilespmem:s18], [sflag:$0x2] =	stream.indirect.gather [hbm4b:s4+s16], $0x80, s15, s16, $0xb8;
	[tilespmem:$0x16D00] =	vst v63  }
0x72: {  	_ =	swait.ge [sflag:s21], $0x2800  }
0x73: {  	[sflag:s21] =	ssyncset.done $0x0  }
0x74: {  	s13 =	simm.s32 $0x53C0;
	[sflag:s21] =	ssyncadd.s32 $0xFFFFD800  }
0x75: {  	[spmem:s2] =	stream.indirect.scatter.add.f32 [tilespmem:s17], [sflag:$0x4], $0x80, s13, s16, $0xb8;
	[tilespmem:$0x16D00] =	vst v63  }
0x76: {  	_ =	swait.ge [sflag:s0], $0x2800  }
0x77: {  	[sflag:s0] =	ssyncset.done $0x0  }
0x78: {  	s15 =	simm.s32 $0x29E0;
	[sflag:s0] =	ssyncadd.s32 $0xFFFFD800  }
0x79: {  	[tilespmem:s23], [sflag:$0x3] =	stream.indirect.gather [hbm4b:s4+s16], $0x80, s15, s16, $0xb8;
	[tilespmem:$0x16D00] =	vst v63  }
0x7a: {  	_ =	swait.ge [sflag:s24], $0x2800  }
0x7b: {  	[sflag:s24] =	ssyncset.done $0x0  }
0x7c: {  	s22 =	simm.s32 $0x5410;
	[sflag:s24] =	ssyncadd.s32 $0xFFFFD800  }
0x7d: {  	[spmem:s2] =	stream.indirect.scatter.add.f32 [tilespmem:s18], [sflag:$0x5], $0x80, s22, s16, $0xb8;
	[tilespmem:$0x16D00] =	vst v63  }
0x7e: {  	_ =	swait.ge [sflag:s26], $0x2800  }
0x7f: {  	[sflag:s26] =	ssyncset.done $0x0  }
0x80: {  	[sflag:s26] =	ssyncadd.s32 $0xFFFFD800  }
0x81: {  	[tilespmem:s17], [sflag:$0x1] =	stream.indirect.gather [hbm4b:s4+s16], $0x80, s25, s16, $0xb8;
	[tilespmem:$0x16D00] =	vst v63  }
0x82: {  	_ =	swait.ge [sflag:s29], $0x2800  }
0x83: {  	[sflag:s29] =	ssyncset.done $0x0  }
0x84: {  	[sflag:s29] =	ssyncadd.s32 $0xFFFFD800  }
0x85: {  	[spmem:s2] =	stream.indirect.scatter.add.f32 [tilespmem:s23], [sflag:$0x6], $0x80, s28, s16, $0xb8;
	[tilespmem:$0x16D00] =	vst v63  }
0x86: {  	_ =	swait.ge [sflag:s21], $0x2800  }
0x87: {  	[sflag:s21] =	ssyncset.done $0x0  }
0x88: {  	[sflag:s21] =	ssyncadd.s32 $0xFFFFD800  }
0x89: {  	[spmem:s2] =	stream.indirect.scatter.add.f32 [tilespmem:s17], [sflag:$0x4], $0x80, s30, s16, $0xb8;
	[tilespmem:$0x16D00] =	vst v63  }
0x8a: {  	_ =	swait.ge [sflag:s31], $0x2800  }
0x8b: {  	[sflag:s31] =	ssyncset.done $0x0  }
0x8c: {  	[sflag:s31] =	ssyncadd.s32 $0xFFFFD800  }
0x8d: {  	_ =	swait.ge [sflag:s0], $0x2800  }
0x8e: {  	[sflag:s0] =	ssyncset.done $0x0  }
0x8f: {  	[sflag:s0] =	ssyncadd.s32 $0xFFFFD800  }
0x90: {  	_ =	swait.ge [sflag:s26], $0x2800  }
0x91: {  	s1 =	sadd.s32 $0x1, s1;
	[sflag:s26] =	ssyncset.done $0x0  }
0x92: {  	p0 =	sne.s32 s1, s11;
	[sflag:s26] =	ssyncadd.s32 $0xFFFFD800  }
.Ltmp1:
0x93: {  	[bflag:$0x0] =	sbarrier.arrive $0xFFFF;
	(pc) =	sbr.rel @p0 .LBB2_1-.Ltmp1, $4  }
0x94: {  	[hbm:s10], [sflag:s19] =	dma.local [spmem:s20], $0x1400  }
0x95: {  	_ =	swait.ge [sflag:s12], $0x1400  }
0x96: {  	[sflag:s12] =	ssyncset.done $0x0  }
0x97: {  	[sflag:s12] =	ssyncadd.s32 $0xFFFFEC00  }
0x98: {  	_ =	sfence.sel $0x180000  }
0x99: {  	[bflag:$0x0] =	sbarrier.arrive $0xFFFF  }
0x9a: {  	_ =	strace $0x9000004D  }
0x9b: {  	s0 =	stileid.u32;
	[bflag:$0x2] =	sbarrier.arrive $0xFFFF  }
0x9c: {  	p0 =	sne.s32 s0, $0x0;
	s0 =	rddreg [dreg:$0x3]  }
0x9d: {  	s0 =	sadd.s32 @!p0 $0x100000, s0  }
0x9e: {  	[sflag:s0] =	ssyncadd.tile.s32 @!p0 $0x1;
	_ =	shalt  }
.Lfunc_end2:
_tile_overlayer_lowered:
.L_overlay_start_2:
0x9f: {  	(tag) =	ssettag $0x2  }
0xa0: {  	s0 =	rddreg [dreg:$0x0];
	s2 =	stileid.u32  }
0xa1: {  	s1 =	rddreg [dreg:$0x1];
	p0 =	sne.s32 s2, $0x0  }
0xa2: {  	s3 =	rddreg [dreg:$0x2];
	[bflag:$0x3] =	sbarrier.arrive $0xFFFF;
	s2 =	simm.s32 @!p0 $0x1C07  }
0xa3: {  	[timem:s3], [sflag:s2] =	dma.local @!p0 [hbm:s0], s1  }
0xa4: {  	s0 =	simm.s32 @!p0 $0x7  }
0xa5: {  	_ =	swait.ge @!p0 [sflag:s0], s1  }
0xa6: {  	s1 =	ssub.s32 @!p0 $0x0, s1;
	[sflag:s0] =	ssyncset.done @!p0 $0x0  }
0xa7: {  	[sflag:s0] =	ssyncadd.s32 @!p0 s1  }
0xa8: {  	[bflag:$0x3] =	sbarrier.arrive $0xFFFF  }
0xa9: {  	_ =	shalt  }

</sc_bundles>
